<compile_context>
chip_gen: v7x
topology: tpu7x:2x2x1
jax: 0.10.2.dev20260603
libtpu: 0.0.44.dev20260713+nightly
codegen_flags: <defaults>
</compile_context>

<pallas_src>
import functools

import jax
import jax.numpy as jnp
from jax import lax
from jax.experimental import pallas as pl
from jax.experimental.pallas import tpu as pltpu
from jax.experimental.pallas import tpu_sc as plsc

_SOFTMAX_MULT = 0.5
_K = 64
_N = 65536
_L = 16
_G = _K // _L
_NC = 2
_NS = 16
_NW = _NC * _NS
_ROWS_PER_W = _N // _NW
_CHUNK = 256
_NCHUNK = _ROWS_PER_W // _CHUNK


def _splat(v, lane):
    return v.at[jnp.full((_L,), lane, jnp.int32)].get(
        mode="promise_in_bounds")


def _tec_body(x_hbm, pre_hbm, ls_hbm, mm_hbm, out_hbm,
              x_v, pre_v, ls_v, mm_v, buf0, buf1, sem0, sem1):
    wid = lax.axis_index("s") * _NC + lax.axis_index("c")
    row0 = wid * _ROWS_PER_W

    pltpu.sync_copy(x_hbm.at[pl.ds(row0, _ROWS_PER_W)], x_v)
    pltpu.sync_copy(pre_hbm, pre_v)
    pltpu.sync_copy(ls_hbm, ls_v)
    pltpu.sync_copy(mm_hbm, mm_v)

    mm = mm_v[pl.ds(0, _L)][0]
    lane = lax.iota(jnp.int32, _L).astype(jnp.float32)
    coeffs = []
    for g in range(_G):
        pre = pre_v[pl.ds(g * _L, _L)]
        ls = ls_v[pl.ds(g * _L, _L)]
        inv_var = jnp.exp(-2.0 * ls)
        m = mm * (jnp.float32(g * _L) + lane)
        c = -0.5 * inv_var
        b = m * inv_var
        a = _SOFTMAX_MULT * pre - 0.5 * m * m * inv_var - ls
        coeffs.append((a, b, c))

    bufs = (buf0, buf1)
    sems = (sem0, sem1)

    def outer(t, carry):
        for b in range(2):
            base = (t * 2 + b) * _CHUNK
            buf = bufs[b]
            sem = sems[b]

            @pl.when(t >= 1)
            def _drain(buf=buf, sem=sem):
                pltpu.make_async_copy(
                    buf, out_hbm.at[pl.ds(row0, _CHUNK)], sem).wait()

            def body(j, carry2, buf=buf, base=base):
                xs = x_v[pl.ds(base + j * _L, _L)]
                for s in range(_L):
                    xv = _splat(xs, s)
                    es = [jnp.exp((c * xv + b_) * xv + a)
                          for (a, b_, c) in coeffs]
                    sv = (es[0] + es[1]) + (es[2] + es[3])
                    r = jnp.float32(1.0) / _splat(plsc.cumsum(sv), _L - 1)
                    row = j * _L + s
                    for g in range(_G):
                        buf[row, pl.ds(g * _L, _L)] = es[g] * r
                return carry2

            lax.fori_loop(0, _CHUNK // _L, body, jnp.int32(0))
            pltpu.async_copy(
                buf, out_hbm.at[pl.ds(row0 + base, _CHUNK)], sem)
        return carry

    lax.fori_loop(0, _NCHUNK // 2, outer, jnp.int32(0))
    for b in range(2):
        pltpu.make_async_copy(
            bufs[b], out_hbm.at[pl.ds(row0, _CHUNK)], sems[b]).wait()


@functools.partial(
    pl.kernel,
    out_type=jax.ShapeDtypeStruct((_N, _K), jnp.float32),
    mesh=plsc.VectorSubcoreMesh(core_axis_name="c", subcore_axis_name="s"),
    scratch_types=[
        pltpu.VMEM((_ROWS_PER_W,), jnp.float32),
        pltpu.VMEM((_K,), jnp.float32),
        pltpu.VMEM((_K,), jnp.float32),
        pltpu.VMEM((_L,), jnp.float32),
        pltpu.VMEM((_CHUNK, _K), jnp.float32),
        pltpu.VMEM((_CHUNK, _K), jnp.float32),
        pltpu.SemaphoreType.DMA,
        pltpu.SemaphoreType.DMA,
    ],
    compiler_params=pltpu.CompilerParams(needs_layout_passes=False),
)
def _posterior_sc(x_hbm, pre_hbm, ls_hbm, mm_hbm, out_hbm, *rest):
    _tec_body(x_hbm, pre_hbm, ls_hbm, mm_hbm, out_hbm, *rest)


def kernel(x, mixture_probs_pre_softmax, log_stds, mean_multiplier):
    mm16 = jnp.broadcast_to(mean_multiplier.astype(jnp.float32), (_L,))
    return _posterior_sc(x, mixture_probs_pre_softmax, log_stds, mm16)

# --- scband reference (transcript-rebuilt; emitter-appended) ---
"""Pipeline reference for scband-generative-network-31533649887735 (READ-ONLY COPY).

The authoritative reference and input builder live on the scoring server;
editing this copy changes nothing except your own understanding.
"""

import jax, jax.numpy as jnp
import numpy as np

softmax_multiplier = 0.5
NUM_MIXTURES = 64
NUM_SAMPLES = 65536


def normal_log_prob(x, loc, scale):
    return -((x - loc) ** 2) / (2.0 * scale ** 2) - jnp.log(scale) - 0.5 * jnp.log(2.0 * jnp.pi)


def setup_inputs(seed: int = 0):
    key = jax.random.key(seed)
    x = jax.random.normal(key, (NUM_SAMPLES,), dtype=jnp.float32)
    mixture_probs_pre_softmax = jnp.zeros((NUM_MIXTURES,), dtype=jnp.float32)
    log_stds = jnp.zeros((NUM_MIXTURES,), dtype=jnp.float32)
    mean_multiplier = jnp.array([10.0], dtype=jnp.float32)
    return {
        "x": x,
        "mixture_probs_pre_softmax": mixture_probs_pre_softmax,
        "log_stds": log_stds,
        "mean_multiplier": mean_multiplier,
    }


def reference(x, mixture_probs_pre_softmax, log_stds, mean_multiplier):
    num_samples = x.shape[0]
    K = mixture_probs_pre_softmax.shape[0]
    # get_z_params
    z_params = jax.nn.softmax(mixture_probs_pre_softmax * softmax_multiplier, axis=0)
    # get_x_params
    means = mean_multiplier * jnp.arange(K, dtype=x.dtype)
    stds = jnp.exp(log_stds)
    # log_evidence(x)
    log_mix = jnp.log(z_params)
    lp = log_mix[None, :] + normal_log_prob(x[:, None], means[None, :], stds[None, :])
    log_evidence = jax.scipy.special.logsumexp(lp, axis=1)
    # posterior(x): logpdf over expanded (z, x) grid
    z = jnp.arange(K, dtype=jnp.int32)
    z_expanded = jnp.broadcast_to(z[None, :], (num_samples, K)).reshape(-1)
    x_expanded = jnp.broadcast_to(x[:, None], (num_samples, K)).reshape(-1)
    z_logpdf = jnp.take(log_mix, z_expanded, axis=0)
    x_logpdf = normal_log_prob(x_expanded, jnp.take(means, z_expanded, axis=0), jnp.take(stds, z_expanded, axis=0))
    log_joint_expanded = (z_logpdf + x_logpdf).reshape(num_samples, K)
    return jnp.exp(log_joint_expanded - log_evidence[:, None])

if __name__ == "__main__":
    import jax
    _d = setup_inputs()
    print(jax.jit(kernel)(*tuple(_d.values())))

</pallas_src>

<mosaic_0001>
#map = affine_map<(d0, d1) -> (0)>
#map1 = affine_map<(d0, d1) -> (0, 0)>
module attributes {stable_mosaic.version = 14 : i64} {
  func.func @_posterior_sc(%arg0: i32, %arg1: i32, %arg2: memref<65536xf32, #tpu.memory_space<hbm>>, %arg3: memref<64xf32, #tpu.memory_space<hbm>>, %arg4: memref<64xf32, #tpu.memory_space<hbm>>, %arg5: memref<16xf32, #tpu.memory_space<hbm>>, %arg6: memref<65536x64xf32, #tpu.memory_space<hbm>>, %arg7: memref<2048xf32, #tpu.memory_space<vmem>>, %arg8: memref<64xf32, #tpu.memory_space<vmem>>, %arg9: memref<64xf32, #tpu.memory_space<vmem>>, %arg10: memref<16xf32, #tpu.memory_space<vmem>>, %arg11: memref<256x64xf32, #tpu.memory_space<vmem>>, %arg12: memref<256x64xf32, #tpu.memory_space<vmem>>, %arg13: memref<!tpu.dma_semaphore, #tpu.memory_space<semaphore_mem>>, %arg14: memref<!tpu.dma_semaphore, #tpu.memory_space<semaphore_mem>>) attributes {dimension_semantics = [#tpu.dimension_semantics<core_parallel>, #tpu.dimension_semantics<subcore_parallel>], iteration_bounds = array<i64: 2, 16>, scalar_prefetch = 0 : i64, scratch_operands = 8 : i64, tpu.core_type = #tpu.core_type<sc_vector_subcore>, window_params = [{transform_indices = #map}, {transform_indices = #map}, {transform_indices = #map}, {transform_indices = #map}, {transform_indices = #map1}]} {
    %mul3A = arith.constant 2 : i32
    %mul3A_0 = arith.muli %arg1, %mul3A : i32
    %add3A = arith.addi %mul3A_0, %arg0 : i32
    %mul3A_1 = arith.constant 2048 : i32
    %mul3A_2 = arith.muli %add3A, %mul3A_1 : i32
    "tpu.region"() ({
      %run_scoped3A = tpu.sem_alloc : memref<!tpu.dma_semaphore, #tpu.memory_space<semaphore_mem>>
      %dma_start3A = tpu.memref_slice %arg2[%mul3A_2] : memref<65536xf32, #tpu.memory_space<hbm>> -> memref<2048xf32, #tpu.memory_space<hbm>>
      %dma_start3A_122 = tpu.memref_slice %arg2[%mul3A_2] : memref<65536xf32, #tpu.memory_space<hbm>> -> memref<2048xf32, #tpu.memory_space<hbm>>
      tpu.enqueue_dma source(%dma_start3A_122 : memref<2048xf32, #tpu.memory_space<hbm>>) target(%arg7 : memref<2048xf32, #tpu.memory_space<vmem>>) target_semaphore(%run_scoped3A : memref<!tpu.dma_semaphore, #tpu.memory_space<semaphore_mem>>)
      %dma_wait3A_123 = tpu.memref_slice %arg2[%mul3A_2] : memref<65536xf32, #tpu.memory_space<hbm>> -> memref<2048xf32, #tpu.memory_space<hbm>>
      %dma_wait3A_124 = tpu.memref_slice %arg2[%mul3A_2] : memref<65536xf32, #tpu.memory_space<hbm>> -> memref<2048xf32, #tpu.memory_space<hbm>>
      tpu.wait_dma2 semaphore(%run_scoped3A : memref<!tpu.dma_semaphore, #tpu.memory_space<semaphore_mem>>) src(%dma_wait3A_124 : memref<2048xf32, #tpu.memory_space<hbm>>) dst(%arg7 : memref<2048xf32, #tpu.memory_space<vmem>>)
      tpu.yield
    }) : () -> ()
    "tpu.region"() ({
      %run_scoped3A = tpu.sem_alloc : memref<!tpu.dma_semaphore, #tpu.memory_space<semaphore_mem>>
      tpu.enqueue_dma source(%arg3 : memref<64xf32, #tpu.memory_space<hbm>>) target(%arg8 : memref<64xf32, #tpu.memory_space<vmem>>) target_semaphore(%run_scoped3A : memref<!tpu.dma_semaphore, #tpu.memory_space<semaphore_mem>>)
      tpu.wait_dma2 semaphore(%run_scoped3A : memref<!tpu.dma_semaphore, #tpu.memory_space<semaphore_mem>>) src(%arg3 : memref<64xf32, #tpu.memory_space<hbm>>) dst(%arg8 : memref<64xf32, #tpu.memory_space<vmem>>)
      tpu.yield
    }) : () -> ()
    "tpu.region"() ({
      %run_scoped3A = tpu.sem_alloc : memref<!tpu.dma_semaphore, #tpu.memory_space<semaphore_mem>>
      tpu.enqueue_dma source(%arg4 : memref<64xf32, #tpu.memory_space<hbm>>) target(%arg9 : memref<64xf32, #tpu.memory_space<vmem>>) target_semaphore(%run_scoped3A : memref<!tpu.dma_semaphore, #tpu.memory_space<semaphore_mem>>)
      tpu.wait_dma2 semaphore(%run_scoped3A : memref<!tpu.dma_semaphore, #tpu.memory_space<semaphore_mem>>) src(%arg4 : memref<64xf32, #tpu.memory_space<hbm>>) dst(%arg9 : memref<64xf32, #tpu.memory_space<vmem>>)
      tpu.yield
    }) : () -> ()
    "tpu.region"() ({
      %run_scoped3A = tpu.sem_alloc : memref<!tpu.dma_semaphore, #tpu.memory_space<semaphore_mem>>
      tpu.enqueue_dma source(%arg5 : memref<16xf32, #tpu.memory_space<hbm>>) target(%arg10 : memref<16xf32, #tpu.memory_space<vmem>>) target_semaphore(%run_scoped3A : memref<!tpu.dma_semaphore, #tpu.memory_space<semaphore_mem>>)
      tpu.wait_dma2 semaphore(%run_scoped3A : memref<!tpu.dma_semaphore, #tpu.memory_space<semaphore_mem>>) src(%arg5 : memref<16xf32, #tpu.memory_space<hbm>>) dst(%arg10 : memref<16xf32, #tpu.memory_space<vmem>>)
      tpu.yield
    }) : () -> ()
    %get3A = arith.constant 0 : index
    %get3A_3 = tpu.vector_load %arg10[%get3A] {strides = array<i32>} : memref<16xf32, #tpu.memory_space<vmem>>, vector<16xf32>,
    %slice3A = vector.extract_strided_slice %get3A_3 {offsets = [0], sizes = [1], strides = [1]} : vector<16xf32> to vector<1xf32>
    %squeeze3A = vector.extract %slice3A[0] : f32 from vector<1xf32>
    %iota3A = tpu.iota {dimensions = array<i32: 0>} : vector<16xi32>
    %convert_element_type3A = arith.sitofp %iota3A : vector<16xi32> to vector<16xf32>
    %get3A_4 = arith.constant 0 : index
    %get3A_5 = tpu.vector_load %arg8[%get3A_4] {strides = array<i32>} : memref<64xf32, #tpu.memory_space<vmem>>, vector<16xf32>,
    %get3A_6 = arith.constant 0 : index
    %get3A_7 = tpu.vector_load %arg9[%get3A_6] {strides = array<i32>} : memref<64xf32, #tpu.memory_space<vmem>>, vector<16xf32>,
    %mul3A_8 = arith.constant -2.000000e+00 : f32
    %mul3A_9 = vector.broadcast %mul3A_8 : f32 to vector<16xf32>
    %mul3A_10 = arith.mulf %mul3A_9, %get3A_7 : vector<16xf32>
    %exp3A = math.exp %mul3A_10 : vector<16xf32>
    %add3A_11 = arith.constant 0.000000e+00 : f32
    %add3A_12 = vector.broadcast %add3A_11 : f32 to vector<16xf32>
    %add3A_13 = arith.addf %add3A_12, %convert_element_type3A : vector<16xf32>
    %mul3A_14 = vector.broadcast %squeeze3A : f32 to vector<16xf32>
    %mul3A_15 = arith.mulf %mul3A_14, %add3A_13 : vector<16xf32>
    %mul3A_16 = arith.constant -5.000000e-01 : f32
    %mul3A_17 = vector.broadcast %mul3A_16 : f32 to vector<16xf32>
    %mul3A_18 = arith.mulf %mul3A_17, %exp3A : vector<16xf32>
    %mul3A_19 = arith.mulf %mul3A_15, %exp3A : vector<16xf32>
    %mul3A_20 = arith.constant 5.000000e-01 : f32
    %mul3A_21 = vector.broadcast %mul3A_20 : f32 to vector<16xf32>
    %mul3A_22 = arith.mulf %mul3A_21, %get3A_5 : vector<16xf32>
    %mul3A_23 = arith.constant 5.000000e-01 : f32
    %mul3A_24 = vector.broadcast %mul3A_23 : f32 to vector<16xf32>
    %mul3A_25 = arith.mulf %mul3A_24, %mul3A_15 : vector<16xf32>
    %mul3A_26 = arith.mulf %mul3A_25, %mul3A_15 : vector<16xf32>
    %mul3A_27 = arith.mulf %mul3A_26, %exp3A : vector<16xf32>
    %sub3A = arith.subf %mul3A_22, %mul3A_27 : vector<16xf32>
    %sub3A_28 = arith.subf %sub3A, %get3A_7 : vector<16xf32>
    %get3A_29 = arith.constant 16 : index
    %get3A_30 = tpu.vector_load %arg8[%get3A_29] {strides = array<i32>} : memref<64xf32, #tpu.memory_space<vmem>>, vector<16xf32>,
    %get3A_31 = arith.constant 16 : index
    %get3A_32 = tpu.vector_load %arg9[%get3A_31] {strides = array<i32>} : memref<64xf32, #tpu.memory_space<vmem>>, vector<16xf32>,
    %mul3A_33 = arith.constant -2.000000e+00 : f32
    %mul3A_34 = vector.broadcast %mul3A_33 : f32 to vector<16xf32>
    %mul3A_35 = arith.mulf %mul3A_34, %get3A_32 : vector<16xf32>
    %exp3A_36 = math.exp %mul3A_35 : vector<16xf32>
    %add3A_37 = arith.constant 1.600000e+01 : f32
    %add3A_38 = vector.broadcast %add3A_37 : f32 to vector<16xf32>
    %add3A_39 = arith.addf %add3A_38, %convert_element_type3A : vector<16xf32>
    %mul3A_40 = vector.broadcast %squeeze3A : f32 to vector<16xf32>
    %mul3A_41 = arith.mulf %mul3A_40, %add3A_39 : vector<16xf32>
    %mul3A_42 = arith.constant -5.000000e-01 : f32
    %mul3A_43 = vector.broadcast %mul3A_42 : f32 to vector<16xf32>
    %mul3A_44 = arith.mulf %mul3A_43, %exp3A_36 : vector<16xf32>
    %mul3A_45 = arith.mulf %mul3A_41, %exp3A_36 : vector<16xf32>
    %mul3A_46 = arith.constant 5.000000e-01 : f32
    %mul3A_47 = vector.broadcast %mul3A_46 : f32 to vector<16xf32>
    %mul3A_48 = arith.mulf %mul3A_47, %get3A_30 : vector<16xf32>
    %mul3A_49 = arith.constant 5.000000e-01 : f32
    %mul3A_50 = vector.broadcast %mul3A_49 : f32 to vector<16xf32>
    %mul3A_51 = arith.mulf %mul3A_50, %mul3A_41 : vector<16xf32>
    %mul3A_52 = arith.mulf %mul3A_51, %mul3A_41 : vector<16xf32>
    %mul3A_53 = arith.mulf %mul3A_52, %exp3A_36 : vector<16xf32>
    %sub3A_54 = arith.subf %mul3A_48, %mul3A_53 : vector<16xf32>
    %sub3A_55 = arith.subf %sub3A_54, %get3A_32 : vector<16xf32>
    %get3A_56 = arith.constant 32 : index
    %get3A_57 = tpu.vector_load %arg8[%get3A_56] {strides = array<i32>} : memref<64xf32, #tpu.memory_space<vmem>>, vector<16xf32>,
    %get3A_58 = arith.constant 32 : index
    %get3A_59 = tpu.vector_load %arg9[%get3A_58] {strides = array<i32>} : memref<64xf32, #tpu.memory_space<vmem>>, vector<16xf32>,
    %mul3A_60 = arith.constant -2.000000e+00 : f32
    %mul3A_61 = vector.broadcast %mul3A_60 : f32 to vector<16xf32>
    %mul3A_62 = arith.mulf %mul3A_61, %get3A_59 : vector<16xf32>
    %exp3A_63 = math.exp %mul3A_62 : vector<16xf32>
    %add3A_64 = arith.constant 3.200000e+01 : f32
    %add3A_65 = vector.broadcast %add3A_64 : f32 to vector<16xf32>
    %add3A_66 = arith.addf %add3A_65, %convert_element_type3A : vector<16xf32>
    %mul3A_67 = vector.broadcast %squeeze3A : f32 to vector<16xf32>
    %mul3A_68 = arith.mulf %mul3A_67, %add3A_66 : vector<16xf32>
    %mul3A_69 = arith.constant -5.000000e-01 : f32
    %mul3A_70 = vector.broadcast %mul3A_69 : f32 to vector<16xf32>
    %mul3A_71 = arith.mulf %mul3A_70, %exp3A_63 : vector<16xf32>
    %mul3A_72 = arith.mulf %mul3A_68, %exp3A_63 : vector<16xf32>
    %mul3A_73 = arith.constant 5.000000e-01 : f32
    %mul3A_74 = vector.broadcast %mul3A_73 : f32 to vector<16xf32>
    %mul3A_75 = arith.mulf %mul3A_74, %get3A_57 : vector<16xf32>
    %mul3A_76 = arith.constant 5.000000e-01 : f32
    %mul3A_77 = vector.broadcast %mul3A_76 : f32 to vector<16xf32>
    %mul3A_78 = arith.mulf %mul3A_77, %mul3A_68 : vector<16xf32>
    %mul3A_79 = arith.mulf %mul3A_78, %mul3A_68 : vector<16xf32>
    %mul3A_80 = arith.mulf %mul3A_79, %exp3A_63 : vector<16xf32>
    %sub3A_81 = arith.subf %mul3A_75, %mul3A_80 : vector<16xf32>
    %sub3A_82 = arith.subf %sub3A_81, %get3A_59 : vector<16xf32>
    %get3A_83 = arith.constant 48 : index
    %get3A_84 = tpu.vector_load %arg8[%get3A_83] {strides = array<i32>} : memref<64xf32, #tpu.memory_space<vmem>>, vector<16xf32>,
    %get3A_85 = arith.constant 48 : index
    %get3A_86 = tpu.vector_load %arg9[%get3A_85] {strides = array<i32>} : memref<64xf32, #tpu.memory_space<vmem>>, vector<16xf32>,
    %mul3A_87 = arith.constant -2.000000e+00 : f32
    %mul3A_88 = vector.broadcast %mul3A_87 : f32 to vector<16xf32>
    %mul3A_89 = arith.mulf %mul3A_88, %get3A_86 : vector<16xf32>
    %exp3A_90 = math.exp %mul3A_89 : vector<16xf32>
    %add3A_91 = arith.constant 4.800000e+01 : f32
    %add3A_92 = vector.broadcast %add3A_91 : f32 to vector<16xf32>
    %add3A_93 = arith.addf %add3A_92, %convert_element_type3A : vector<16xf32>
    %mul3A_94 = vector.broadcast %squeeze3A : f32 to vector<16xf32>
    %mul3A_95 = arith.mulf %mul3A_94, %add3A_93 : vector<16xf32>
    %mul3A_96 = arith.constant -5.000000e-01 : f32
    %mul3A_97 = vector.broadcast %mul3A_96 : f32 to vector<16xf32>
    %mul3A_98 = arith.mulf %mul3A_97, %exp3A_90 : vector<16xf32>
    %mul3A_99 = arith.mulf %mul3A_95, %exp3A_90 : vector<16xf32>
    %mul3A_100 = arith.constant 5.000000e-01 : f32
    %mul3A_101 = vector.broadcast %mul3A_100 : f32 to vector<16xf32>
    %mul3A_102 = arith.mulf %mul3A_101, %get3A_84 : vector<16xf32>
    %mul3A_103 = arith.constant 5.000000e-01 : f32
    %mul3A_104 = vector.broadcast %mul3A_103 : f32 to vector<16xf32>
    %mul3A_105 = arith.mulf %mul3A_104, %mul3A_95 : vector<16xf32>
    %mul3A_106 = arith.mulf %mul3A_105, %mul3A_95 : vector<16xf32>
    %mul3A_107 = arith.mulf %mul3A_106, %exp3A_90 : vector<16xf32>
    %sub3A_108 = arith.subf %mul3A_102, %mul3A_107 : vector<16xf32>
    %sub3A_109 = arith.subf %sub3A_108, %get3A_86 : vector<16xf32>
    %scan3A = arith.constant 0 : i32
    %scan3A_110 = arith.constant 0 : i32
    %scan3A_111 = arith.constant 4 : i32
    %scan3A_112 = arith.addi %scan3A_110, %scan3A_111 : i32
    %scan3A_113 = arith.constant 1 : i32
    scf.for %scan3A_122 = %scan3A_110 to %scan3A_112 step %scan3A_113  : i32 {
      %mul3A_123 = arith.constant 2 : i32
      %mul3A_124 = arith.muli %scan3A_122, %mul3A_123 : i32
      %add3A_125 = arith.constant 0 : i32
      %add3A_126 = arith.addi %mul3A_124, %add3A_125 : i32
      %mul3A_127 = arith.constant 256 : i32
      %mul3A_128 = arith.muli %add3A_126, %mul3A_127 : i32
      %ge3A = arith.constant 1 : i32
      %ge3A_129 = arith.cmpi sge, %scan3A_122, %ge3A : i32
      %convert_element_type3A_130 = arith.extui %ge3A_129 : i1 to i32
      %cond3A = arith.constant 0 : i32
      %cond3A_131 = arith.cmpi ne, %convert_element_type3A_130, %cond3A : i32
      scf.if %cond3A_131 {
        %dma_wait3A_164 = arith.constant 0 : i32
        %dma_wait3A_165 = tpu.memref_slice %arg6[%mul3A_2, %dma_wait3A_164] : memref<65536x64xf32, #tpu.memory_space<hbm>> -> memref<256x64xf32, #tpu.memory_space<hbm>>
        %dma_wait3A_166 = arith.constant 0 : i32
        %dma_wait3A_167 = tpu.memref_slice %arg6[%mul3A_2, %dma_wait3A_166] : memref<65536x64xf32, #tpu.memory_space<hbm>> -> memref<256x64xf32, #tpu.memory_space<hbm>>
        tpu.wait_dma2 semaphore(%arg13 : memref<!tpu.dma_semaphore, #tpu.memory_space<semaphore_mem>>) src(%arg11 : memref<256x64xf32, #tpu.memory_space<vmem>>) dst(%dma_wait3A_167 : memref<256x64xf32, #tpu.memory_space<hbm>>)
      } else {
      }
      %scan3A_132 = arith.constant 0 : i32
      %scan3A_133 = arith.constant 0 : i32
      %scan3A_134 = arith.constant 16 : i32
      %scan3A_135 = arith.addi %scan3A_133, %scan3A_134 : i32
      %scan3A_136 = arith.constant 1 : i32
      scf.for %scan3A_164 = %scan3A_133 to %scan3A_135 step %scan3A_136  : i32 {
        %mul3A_165 = arith.constant 16 : i32
        %mul3A_166 = arith.muli %scan3A_164, %mul3A_165 : i32
        %add3A_167 = arith.addi %mul3A_128, %mul3A_166 : i32
        %get3A_168 = arith.index_cast %add3A_167 : i32 to index
        %get3A_169 = tpu.vector_load %arg7[%get3A_168] {strides = array<i32>} : memref<2048xf32, #tpu.memory_space<vmem>>, vector<16xf32>,
        %broadcast_in_dim3A = arith.constant 0 : i32
        %broadcast_in_dim3A_170 = vector.broadcast %broadcast_in_dim3A : i32 to vector<16xi32>
        %lt3A = arith.constant 0 : i32
        %lt3A_171 = vector.broadcast %lt3A : i32 to vector<16xi32>
        %lt3A_172 = arith.cmpi slt, %broadcast_in_dim3A_170, %lt3A_171 : vector<16xi32>
        %add3A_173 = arith.constant 16 : i32
        %add3A_174 = vector.broadcast %add3A_173 : i32 to vector<16xi32>
        %add3A_175 = arith.addi %broadcast_in_dim3A_170, %add3A_174 : vector<16xi32>
        %select_n3A = arith.select %lt3A_172, %add3A_175, %broadcast_in_dim3A_170 : vector<16xi1>, vector<16xi32>
        %broadcast_in_dim3A_176 = vector.shape_cast %select_n3A : vector<16xi32> to vector<16x1xi32>
        %gather3A = vector.shape_cast %broadcast_in_dim3A_176 : vector<16x1xi32> to vector<16xi32>
        %gather3A_177 = tpu.dynamic_gather %get3A_169[%gather3A] in [0] : vector<16xf32>, vector<16xi32> -> vector<16xf32>
        %mul3A_178 = arith.mulf %mul3A_18, %gather3A_177 : vector<16xf32>
        %add3A_179 = arith.addf %mul3A_178, %mul3A_19 : vector<16xf32>
        %mul3A_180 = arith.mulf %add3A_179, %gather3A_177 : vector<16xf32>
        %add3A_181 = arith.addf %mul3A_180, %sub3A_28 : vector<16xf32>
        %exp3A_182 = math.exp %add3A_181 : vector<16xf32>
        %mul3A_183 = arith.mulf %mul3A_44, %gather3A_177 : vector<16xf32>
        %add3A_184 = arith.addf %mul3A_183, %mul3A_45 : vector<16xf32>
        %mul3A_185 = arith.mulf %add3A_184, %gather3A_177 : vector<16xf32>
        %add3A_186 = arith.addf %mul3A_185, %sub3A_55 : vector<16xf32>
        %exp3A_187 = math.exp %add3A_186 : vector<16xf32>
        %mul3A_188 = arith.mulf %mul3A_71, %gather3A_177 : vector<16xf32>
        %add3A_189 = arith.addf %mul3A_188, %mul3A_72 : vector<16xf32>
        %mul3A_190 = arith.mulf %add3A_189, %gather3A_177 : vector<16xf32>
        %add3A_191 = arith.addf %mul3A_190, %sub3A_82 : vector<16xf32>
        %exp3A_192 = math.exp %add3A_191 : vector<16xf32>
        %mul3A_193 = arith.mulf %mul3A_98, %gather3A_177 : vector<16xf32>
        %add3A_194 = arith.addf %mul3A_193, %mul3A_99 : vector<16xf32>
        %mul3A_195 = arith.mulf %add3A_194, %gather3A_177 : vector<16xf32>
        %add3A_196 = arith.addf %mul3A_195, %sub3A_109 : vector<16xf32>
        %exp3A_197 = math.exp %add3A_196 : vector<16xf32>
        %add3A_198 = arith.addf %exp3A_182, %exp3A_187 : vector<16xf32>
        %add3A_199 = arith.addf %exp3A_192, %exp3A_197 : vector<16xf32>
        %add3A_200 = arith.addf %add3A_198, %add3A_199 : vector<16xf32>
        %broadcast_in_dim3A_201 = arith.constant true
        %broadcast_in_dim3A_202 = vector.broadcast %broadcast_in_dim3A_201 : i1 to vector<16xi1>
        %masked_cumsum3A = tpu.scan <sum>, %add3A_200 masked %broadcast_in_dim3A_202 : vector<16xf32>, vector<16xi1> -> vector<16xf32>
        %broadcast_in_dim3A_203 = arith.constant 15 : i32
        %broadcast_in_dim3A_204 = vector.broadcast %broadcast_in_dim3A_203 : i32 to vector<16xi32>
        %lt3A_205 = arith.constant 0 : i32
        %lt3A_206 = vector.broadcast %lt3A_205 : i32 to vector<16xi32>
        %lt3A_207 = arith.cmpi slt, %broadcast_in_dim3A_204, %lt3A_206 : vector<16xi32>
        %add3A_208 = arith.constant 16 : i32
        %add3A_209 = vector.broadcast %add3A_208 : i32 to vector<16xi32>
        %add3A_210 = arith.addi %broadcast_in_dim3A_204, %add3A_209 : vector<16xi32>
        %select_n3A_211 = arith.select %lt3A_207, %add3A_210, %broadcast_in_dim3A_204 : vector<16xi1>, vector<16xi32>
        %broadcast_in_dim3A_212 = vector.shape_cast %select_n3A_211 : vector<16xi32> to vector<16x1xi32>
        %gather3A_213 = vector.shape_cast %broadcast_in_dim3A_212 : vector<16x1xi32> to vector<16xi32>
        %gather3A_214 = tpu.dynamic_gather %masked_cumsum3A[%gather3A_213] in [0] : vector<16xf32>, vector<16xi32> -> vector<16xf32>
        %div3A = arith.constant 1.000000e+00 : f32
        %div3A_215 = vector.broadcast %div3A : f32 to vector<16xf32>
        %div3A_216 = arith.divf %div3A_215, %gather3A_214 : vector<16xf32>
        %mul3A_217 = arith.constant 16 : i32
        %mul3A_218 = arith.muli %scan3A_164, %mul3A_217 : i32
        %add3A_219 = arith.constant 0 : i32
        %add3A_220 = arith.addi %mul3A_218, %add3A_219 : i32
        %mul3A_221 = arith.mulf %exp3A_182, %div3A_216 : vector<16xf32>
        %swap3A = arith.index_cast %add3A_220 : i32 to index
        %swap3A_222 = arith.constant 0 : index
        %swap3A_223 = tpu.vector_load %arg11[%swap3A, %swap3A_222] {strides = array<i32>} : memref<256x64xf32, #tpu.memory_space<vmem>>, vector<16xf32>,
        tpu.vector_store %arg11[%swap3A, %swap3A_222], %mul3A_221 {strides = array<i32>} : memref<256x64xf32, #tpu.memory_space<vmem>>, vector<16xf32>,
        %mul3A_224 = arith.mulf %exp3A_187, %div3A_216 : vector<16xf32>
        %swap3A_225 = arith.index_cast %add3A_220 : i32 to index
        %swap3A_226 = arith.constant 16 : index
        %swap3A_227 = tpu.vector_load %arg11[%swap3A_225, %swap3A_226] {strides = array<i32>} : memref<256x64xf32, #tpu.memory_space<vmem>>, vector<16xf32>,
        tpu.vector_store %arg11[%swap3A_225, %swap3A_226], %mul3A_224 {strides = array<i32>} : memref<256x64xf32, #tpu.memory_space<vmem>>, vector<16xf32>,
        %mul3A_228 = arith.mulf %exp3A_192, %div3A_216 : vector<16xf32>
        %swap3A_229 = arith.index_cast %add3A_220 : i32 to index
        %swap3A_230 = arith.constant 32 : index
        %swap3A_231 = tpu.vector_load %arg11[%swap3A_229, %swap3A_230] {strides = array<i32>} : memref<256x64xf32, #tpu.memory_space<vmem>>, vector<16xf32>,
        tpu.vector_store %arg11[%swap3A_229, %swap3A_230], %mul3A_228 {strides = array<i32>} : memref<256x64xf32, #tpu.memory_space<vmem>>, vector<16xf32>,
        %mul3A_232 = arith.mulf %exp3A_197, %div3A_216 : vector<16xf32>
        %swap3A_233 = arith.index_cast %add3A_220 : i32 to index
        %swap3A_234 = arith.constant 48 : index
        %swap3A_235 = tpu.vector_load %arg11[%swap3A_233, %swap3A_234] {strides = array<i32>} : memref<256x64xf32, #tpu.memory_space<vmem>>, vector<16xf32>,
        tpu.vector_store %arg11[%swap3A_233, %swap3A_234], %mul3A_232 {strides = array<i32>} : memref<256x64xf32, #tpu.memory_space<vmem>>, vector<16xf32>,
        %broadcast_in_dim3A_236 = arith.constant 1 : i32
        %broadcast_in_dim3A_237 = vector.broadcast %broadcast_in_dim3A_236 : i32 to vector<16xi32>
        %lt3A_238 = arith.constant 0 : i32
        %lt3A_239 = vector.broadcast %lt3A_238 : i32 to vector<16xi32>
        %lt3A_240 = arith.cmpi slt, %broadcast_in_dim3A_237, %lt3A_239 : vector<16xi32>
        %add3A_241 = arith.constant 16 : i32
        %add3A_242 = vector.broadcast %add3A_241 : i32 to vector<16xi32>
        %add3A_243 = arith.addi %broadcast_in_dim3A_237, %add3A_242 : vector<16xi32>
        %select_n3A_244 = arith.select %lt3A_240, %add3A_243, %broadcast_in_dim3A_237 : vector<16xi1>, vector<16xi32>
        %broadcast_in_dim3A_245 = vector.shape_cast %select_n3A_244 : vector<16xi32> to vector<16x1xi32>
        %gather3A_246 = vector.shape_cast %broadcast_in_dim3A_245 : vector<16x1xi32> to vector<16xi32>
        %gather3A_247 = tpu.dynamic_gather %get3A_169[%gather3A_246] in [0] : vector<16xf32>, vector<16xi32> -> vector<16xf32>
        %mul3A_248 = arith.mulf %mul3A_18, %gather3A_247 : vector<16xf32>
        %add3A_249 = arith.addf %mul3A_248, %mul3A_19 : vector<16xf32>
        %mul3A_250 = arith.mulf %add3A_249, %gather3A_247 : vector<16xf32>
        %add3A_251 = arith.addf %mul3A_250, %sub3A_28 : vector<16xf32>
        %exp3A_252 = math.exp %add3A_251 : vector<16xf32>
        %mul3A_253 = arith.mulf %mul3A_44, %gather3A_247 : vector<16xf32>
        %add3A_254 = arith.addf %mul3A_253, %mul3A_45 : vector<16xf32>
        %mul3A_255 = arith.mulf %add3A_254, %gather3A_247 : vector<16xf32>
        %add3A_256 = arith.addf %mul3A_255, %sub3A_55 : vector<16xf32>
        %exp3A_257 = math.exp %add3A_256 : vector<16xf32>
        %mul3A_258 = arith.mulf %mul3A_71, %gather3A_247 : vector<16xf32>
        %add3A_259 = arith.addf %mul3A_258, %mul3A_72 : vector<16xf32>
        %mul3A_260 = arith.mulf %add3A_259, %gather3A_247 : vector<16xf32>
        %add3A_261 = arith.addf %mul3A_260, %sub3A_82 : vector<16xf32>
        %exp3A_262 = math.exp %add3A_261 : vector<16xf32>
        %mul3A_263 = arith.mulf %mul3A_98, %gather3A_247 : vector<16xf32>
        %add3A_264 = arith.addf %mul3A_263, %mul3A_99 : vector<16xf32>
        %mul3A_265 = arith.mulf %add3A_264, %gather3A_247 : vector<16xf32>
        %add3A_266 = arith.addf %mul3A_265, %sub3A_109 : vector<16xf32>
        %exp3A_267 = math.exp %add3A_266 : vector<16xf32>
        %add3A_268 = arith.addf %exp3A_252, %exp3A_257 : vector<16xf32>
        %add3A_269 = arith.addf %exp3A_262, %exp3A_267 : vector<16xf32>
        %add3A_270 = arith.addf %add3A_268, %add3A_269 : vector<16xf32>
        %broadcast_in_dim3A_271 = arith.constant true
        %broadcast_in_dim3A_272 = vector.broadcast %broadcast_in_dim3A_271 : i1 to vector<16xi1>
        %masked_cumsum3A_273 = tpu.scan <sum>, %add3A_270 masked %broadcast_in_dim3A_272 : vector<16xf32>, vector<16xi1> -> vector<16xf32>
        %broadcast_in_dim3A_274 = arith.constant 15 : i32
        %broadcast_in_dim3A_275 = vector.broadcast %broadcast_in_dim3A_274 : i32 to vector<16xi32>
        %lt3A_276 = arith.constant 0 : i32
        %lt3A_277 = vector.broadcast %lt3A_276 : i32 to vector<16xi32>
        %lt3A_278 = arith.cmpi slt, %broadcast_in_dim3A_275, %lt3A_277 : vector<16xi32>
        %add3A_279 = arith.constant 16 : i32
        %add3A_280 = vector.broadcast %add3A_279 : i32 to vector<16xi32>
        %add3A_281 = arith.addi %broadcast_in_dim3A_275, %add3A_280 : vector<16xi32>
        %select_n3A_282 = arith.select %lt3A_278, %add3A_281, %broadcast_in_dim3A_275 : vector<16xi1>, vector<16xi32>
        %broadcast_in_dim3A_283 = vector.shape_cast %select_n3A_282 : vector<16xi32> to vector<16x1xi32>
        %gather3A_284 = vector.shape_cast %broadcast_in_dim3A_283 : vector<16x1xi32> to vector<16xi32>
        %gather3A_285 = tpu.dynamic_gather %masked_cumsum3A_273[%gather3A_284] in [0] : vector<16xf32>, vector<16xi32> -> vector<16xf32>
        %div3A_286 = arith.constant 1.000000e+00 : f32
        %div3A_287 = vector.broadcast %div3A_286 : f32 to vector<16xf32>
        %div3A_288 = arith.divf %div3A_287, %gather3A_285 : vector<16xf32>
        %mul3A_289 = arith.constant 16 : i32
        %mul3A_290 = arith.muli %scan3A_164, %mul3A_289 : i32
        %add3A_291 = arith.constant 1 : i32
        %add3A_292 = arith.addi %mul3A_290, %add3A_291 : i32
        %mul3A_293 = arith.mulf %exp3A_252, %div3A_288 : vector<16xf32>
        %swap3A_294 = arith.index_cast %add3A_292 : i32 to index
        %swap3A_295 = arith.constant 0 : index
        %swap3A_296 = tpu.vector_load %arg11[%swap3A_294, %swap3A_295] {strides = array<i32>} : memref<256x64xf32, #tpu.memory_space<vmem>>, vector<16xf32>,
        tpu.vector_store %arg11[%swap3A_294, %swap3A_295], %mul3A_293 {strides = array<i32>} : memref<256x64xf32, #tpu.memory_space<vmem>>, vector<16xf32>,
        %mul3A_297 = arith.mulf %exp3A_257, %div3A_288 : vector<16xf32>
        %swap3A_298 = arith.index_cast %add3A_292 : i32 to index
        %swap3A_299 = arith.constant 16 : index
        %swap3A_300 = tpu.vector_load %arg11[%swap3A_298, %swap3A_299] {strides = array<i32>} : memref<256x64xf32, #tpu.memory_space<vmem>>, vector<16xf32>,
        tpu.vector_store %arg11[%swap3A_298, %swap3A_299], %mul3A_297 {strides = array<i32>} : memref<256x64xf32, #tpu.memory_space<vmem>>, vector<16xf32>,
        %mul3A_301 = arith.mulf %exp3A_262, %div3A_288 : vector<16xf32>
        %swap3A_302 = arith.index_cast %add3A_292 : i32 to index
        %swap3A_303 = arith.constant 32 : index
        %swap3A_304 = tpu.vector_load %arg11[%swap3A_302, %swap3A_303] {strides = array<i32>} : memref<256x64xf32, #tpu.memory_space<vmem>>, vector<16xf32>,
        tpu.vector_store %arg11[%swap3A_302, %swap3A_303], %mul3A_301 {strides = array<i32>} : memref<256x64xf32, #tpu.memory_space<vmem>>, vector<16xf32>,
        %mul3A_305 = arith.mulf %exp3A_267, %div3A_288 : vector<16xf32>
        %swap3A_306 = arith.index_cast %add3A_292 : i32 to index
        %swap3A_307 = arith.constant 48 : index
        %swap3A_308 = tpu.vector_load %arg11[%swap3A_306, %swap3A_307] {strides = array<i32>} : memref<256x64xf32, #tpu.memory_space<vmem>>, vector<16xf32>,
        tpu.vector_store %arg11[%swap3A_306, %swap3A_307], %mul3A_305 {strides = array<i32>} : memref<256x64xf32, #tpu.memory_space<vmem>>, vector<16xf32>,
        %broadcast_in_dim3A_309 = arith.constant 2 : i32
        %broadcast_in_dim3A_310 = vector.broadcast %broadcast_in_dim3A_309 : i32 to vector<16xi32>
        %lt3A_311 = arith.constant 0 : i32
        %lt3A_312 = vector.broadcast %lt3A_311 : i32 to vector<16xi32>
        %lt3A_313 = arith.cmpi slt, %broadcast_in_dim3A_310, %lt3A_312 : vector<16xi32>
        %add3A_314 = arith.constant 16 : i32
        %add3A_315 = vector.broadcast %add3A_314 : i32 to vector<16xi32>
        %add3A_316 = arith.addi %broadcast_in_dim3A_310, %add3A_315 : vector<16xi32>
        %select_n3A_317 = arith.select %lt3A_313, %add3A_316, %broadcast_in_dim3A_310 : vector<16xi1>, vector<16xi32>
        %broadcast_in_dim3A_318 = vector.shape_cast %select_n3A_317 : vector<16xi32> to vector<16x1xi32>
        %gather3A_319 = vector.shape_cast %broadcast_in_dim3A_318 : vector<16x1xi32> to vector<16xi32>
        %gather3A_320 = tpu.dynamic_gather %get3A_169[%gather3A_319] in [0] : vector<16xf32>, vector<16xi32> -> vector<16xf32>
        %mul3A_321 = arith.mulf %mul3A_18, %gather3A_320 : vector<16xf32>
        %add3A_322 = arith.addf %mul3A_321, %mul3A_19 : vector<16xf32>
        %mul3A_323 = arith.mulf %add3A_322, %gather3A_320 : vector<16xf32>
        %add3A_324 = arith.addf %mul3A_323, %sub3A_28 : vector<16xf32>
        %exp3A_325 = math.exp %add3A_324 : vector<16xf32>
        %mul3A_326 = arith.mulf %mul3A_44, %gather3A_320 : vector<16xf32>
        %add3A_327 = arith.addf %mul3A_326, %mul3A_45 : vector<16xf32>
        %mul3A_328 = arith.mulf %add3A_327, %gather3A_320 : vector<16xf32>
        %add3A_329 = arith.addf %mul3A_328, %sub3A_55 : vector<16xf32>
        %exp3A_330 = math.exp %add3A_329 : vector<16xf32>
        %mul3A_331 = arith.mulf %mul3A_71, %gather3A_320 : vector<16xf32>
        %add3A_332 = arith.addf %mul3A_331, %mul3A_72 : vector<16xf32>
        %mul3A_333 = arith.mulf %add3A_332, %gather3A_320 : vector<16xf32>
        %add3A_334 = arith.addf %mul3A_333, %sub3A_82 : vector<16xf32>
        %exp3A_335 = math.exp %add3A_334 : vector<16xf32>
        %mul3A_336 = arith.mulf %mul3A_98, %gather3A_320 : vector<16xf32>
        %add3A_337 = arith.addf %mul3A_336, %mul3A_99 : vector<16xf32>
        %mul3A_338 = arith.mulf %add3A_337, %gather3A_320 : vector<16xf32>
        %add3A_339 = arith.addf %mul3A_338, %sub3A_109 : vector<16xf32>
        %exp3A_340 = math.exp %add3A_339 : vector<16xf32>
        %add3A_341 = arith.addf %exp3A_325, %exp3A_330 : vector<16xf32>
        %add3A_342 = arith.addf %exp3A_335, %exp3A_340 : vector<16xf32>
        %add3A_343 = arith.addf %add3A_341, %add3A_342 : vector<16xf32>
        %broadcast_in_dim3A_344 = arith.constant true
        %broadcast_in_dim3A_345 = vector.broadcast %broadcast_in_dim3A_344 : i1 to vector<16xi1>
        %masked_cumsum3A_346 = tpu.scan <sum>, %add3A_343 masked %broadcast_in_dim3A_345 : vector<16xf32>, vector<16xi1> -> vector<16xf32>
        %broadcast_in_dim3A_347 = arith.constant 15 : i32
        %broadcast_in_dim3A_348 = vector.broadcast %broadcast_in_dim3A_347 : i32 to vector<16xi32>
        %lt3A_349 = arith.constant 0 : i32
        %lt3A_350 = vector.broadcast %lt3A_349 : i32 to vector<16xi32>
        %lt3A_351 = arith.cmpi slt, %broadcast_in_dim3A_348, %lt3A_350 : vector<16xi32>
        %add3A_352 = arith.constant 16 : i32
        %add3A_353 = vector.broadcast %add3A_352 : i32 to vector<16xi32>
        %add3A_354 = arith.addi %broadcast_in_dim3A_348, %add3A_353 : vector<16xi32>
        %select_n3A_355 = arith.select %lt3A_351, %add3A_354, %broadcast_in_dim3A_348 : vector<16xi1>, vector<16xi32>
        %broadcast_in_dim3A_356 = vector.shape_cast %select_n3A_355 : vector<16xi32> to vector<16x1xi32>
        %gather3A_357 = vector.shape_cast %broadcast_in_dim3A_356 : vector<16x1xi32> to vector<16xi32>
        %gather3A_358 = tpu.dynamic_gather %masked_cumsum3A_346[%gather3A_357] in [0] : vector<16xf32>, vector<16xi32> -> vector<16xf32>
        %div3A_359 = arith.constant 1.000000e+00 : f32
        %div3A_360 = vector.broadcast %div3A_359 : f32 to vector<16xf32>
        %div3A_361 = arith.divf %div3A_360, %gather3A_358 : vector<16xf32>
        %mul3A_362 = arith.constant 16 : i32
        %mul3A_363 = arith.muli %scan3A_164, %mul3A_362 : i32
        %add3A_364 = arith.constant 2 : i32
        %add3A_365 = arith.addi %mul3A_363, %add3A_364 : i32
        %mul3A_366 = arith.mulf %exp3A_325, %div3A_361 : vector<16xf32>
        %swap3A_367 = arith.index_cast %add3A_365 : i32 to index
        %swap3A_368 = arith.constant 0 : index
        %swap3A_369 = tpu.vector_load %arg11[%swap3A_367, %swap3A_368] {strides = array<i32>} : memref<256x64xf32, #tpu.memory_space<vmem>>, vector<16xf32>,
        tpu.vector_store %arg11[%swap3A_367, %swap3A_368], %mul3A_366 {strides = array<i32>} : memref<256x64xf32, #tpu.memory_space<vmem>>, vector<16xf32>,
        %mul3A_370 = arith.mulf %exp3A_330, %div3A_361 : vector<16xf32>
        %swap3A_371 = arith.index_cast %add3A_365 : i32 to index
        %swap3A_372 = arith.constant 16 : index
        %swap3A_373 = tpu.vector_load %arg11[%swap3A_371, %swap3A_372] {strides = array<i32>} : memref<256x64xf32, #tpu.memory_space<vmem>>, vector<16xf32>,
        tpu.vector_store %arg11[%swap3A_371, %swap3A_372], %mul3A_370 {strides = array<i32>} : memref<256x64xf32, #tpu.memory_space<vmem>>, vector<16xf32>,
        %mul3A_374 = arith.mulf %exp3A_335, %div3A_361 : vector<16xf32>
        %swap3A_375 = arith.index_cast %add3A_365 : i32 to index
        %swap3A_376 = arith.constant 32 : index
        %swap3A_377 = tpu.vector_load %arg11[%swap3A_375, %swap3A_376] {strides = array<i32>} : memref<256x64xf32, #tpu.memory_space<vmem>>, vector<16xf32>,
        tpu.vector_store %arg11[%swap3A_375, %swap3A_376], %mul3A_374 {strides = array<i32>} : memref<256x64xf32, #tpu.memory_space<vmem>>, vector<16xf32>,
        %mul3A_378 = arith.mulf %exp3A_340, %div3A_361 : vector<16xf32>
        %swap3A_379 = arith.index_cast %add3A_365 : i32 to index
        %swap3A_380 = arith.constant 48 : index
        %swap3A_381 = tpu.vector_load %arg11[%swap3A_379, %swap3A_380] {strides = array<i32>} : memref<256x64xf32, #tpu.memory_space<vmem>>, vector<16xf32>,
        tpu.vector_store %arg11[%swap3A_379, %swap3A_380], %mul3A_378 {strides = array<i32>} : memref<256x64xf32, #tpu.memory_space<vmem>>, vector<16xf32>,
        %broadcast_in_dim3A_382 = arith.constant 3 : i32
        %broadcast_in_dim3A_383 = vector.broadcast %broadcast_in_dim3A_382 : i32 to vector<16xi32>
        %lt3A_384 = arith.constant 0 : i32
        %lt3A_385 = vector.broadcast %lt3A_384 : i32 to vector<16xi32>
        %lt3A_386 = arith.cmpi slt, %broadcast_in_dim3A_383, %lt3A_385 : vector<16xi32>
        %add3A_387 = arith.constant 16 : i32
        %add3A_388 = vector.broadcast %add3A_387 : i32 to vector<16xi32>
        %add3A_389 = arith.addi %broadcast_in_dim3A_383, %add3A_388 : vector<16xi32>
        %select_n3A_390 = arith.select %lt3A_386, %add3A_389, %broadcast_in_dim3A_383 : vector<16xi1>, vector<16xi32>
        %broadcast_in_dim3A_391 = vector.shape_cast %select_n3A_390 : vector<16xi32> to vector<16x1xi32>
        %gather3A_392 = vector.shape_cast %broadcast_in_dim3A_391 : vector<16x1xi32> to vector<16xi32>
        %gather3A_393 = tpu.dynamic_gather %get3A_169[%gather3A_392] in [0] : vector<16xf32>, vector<16xi32> -> vector<16xf32>
        %mul3A_394 = arith.mulf %mul3A_18, %gather3A_393 : vector<16xf32>
        %add3A_395 = arith.addf %mul3A_394, %mul3A_19 : vector<16xf32>
        %mul3A_396 = arith.mulf %add3A_395, %gather3A_393 : vector<16xf32>
        %add3A_397 = arith.addf %mul3A_396, %sub3A_28 : vector<16xf32>
        %exp3A_398 = math.exp %add3A_397 : vector<16xf32>
        %mul3A_399 = arith.mulf %mul3A_44, %gather3A_393 : vector<16xf32>
        %add3A_400 = arith.addf %mul3A_399, %mul3A_45 : vector<16xf32>
        %mul3A_401 = arith.mulf %add3A_400, %gather3A_393 : vector<16xf32>
        %add3A_402 = arith.addf %mul3A_401, %sub3A_55 : vector<16xf32>
        %exp3A_403 = math.exp %add3A_402 : vector<16xf32>
        %mul3A_404 = arith.mulf %mul3A_71, %gather3A_393 : vector<16xf32>
        %add3A_405 = arith.addf %mul3A_404, %mul3A_72 : vector<16xf32>
        %mul3A_406 = arith.mulf %add3A_405, %gather3A_393 : vector<16xf32>
        %add3A_407 = arith.addf %mul3A_406, %sub3A_82 : vector<16xf32>
        %exp3A_408 = math.exp %add3A_407 : vector<16xf32>
        %mul3A_409 = arith.mulf %mul3A_98, %gather3A_393 : vector<16xf32>
        %add3A_410 = arith.addf %mul3A_409, %mul3A_99 : vector<16xf32>
        %mul3A_411 = arith.mulf %add3A_410, %gather3A_393 : vector<16xf32>
        %add3A_412 = arith.addf %mul3A_411, %sub3A_109 : vector<16xf32>
        %exp3A_413 = math.exp %add3A_412 : vector<16xf32>
        %add3A_414 = arith.addf %exp3A_398, %exp3A_403 : vector<16xf32>
        %add3A_415 = arith.addf %exp3A_408, %exp3A_413 : vector<16xf32>
        %add3A_416 = arith.addf %add3A_414, %add3A_415 : vector<16xf32>
        %broadcast_in_dim3A_417 = arith.constant true
        %broadcast_in_dim3A_418 = vector.broadcast %broadcast_in_dim3A_417 : i1 to vector<16xi1>
        %masked_cumsum3A_419 = tpu.scan <sum>, %add3A_416 masked %broadcast_in_dim3A_418 : vector<16xf32>, vector<16xi1> -> vector<16xf32>
        %broadcast_in_dim3A_420 = arith.constant 15 : i32
        %broadcast_in_dim3A_421 = vector.broadcast %broadcast_in_dim3A_420 : i32 to vector<16xi32>
        %lt3A_422 = arith.constant 0 : i32
        %lt3A_423 = vector.broadcast %lt3A_422 : i32 to vector<16xi32>
        %lt3A_424 = arith.cmpi slt, %broadcast_in_dim3A_421, %lt3A_423 : vector<16xi32>
        %add3A_425 = arith.constant 16 : i32
        %add3A_426 = vector.broadcast %add3A_425 : i32 to vector<16xi32>
        %add3A_427 = arith.addi %broadcast_in_dim3A_421, %add3A_426 : vector<16xi32>
        %select_n3A_428 = arith.select %lt3A_424, %add3A_427, %broadcast_in_dim3A_421 : vector<16xi1>, vector<16xi32>
        %broadcast_in_dim3A_429 = vector.shape_cast %select_n3A_428 : vector<16xi32> to vector<16x1xi32>
        %gather3A_430 = vector.shape_cast %broadcast_in_dim3A_429 : vector<16x1xi32> to vector<16xi32>
        %gather3A_431 = tpu.dynamic_gather %masked_cumsum3A_419[%gather3A_430] in [0] : vector<16xf32>, vector<16xi32> -> vector<16xf32>
        %div3A_432 = arith.constant 1.000000e+00 : f32
        %div3A_433 = vector.broadcast %div3A_432 : f32 to vector<16xf32>
        %div3A_434 = arith.divf %div3A_433, %gather3A_431 : vector<16xf32>
        %mul3A_435 = arith.constant 16 : i32
        %mul3A_436 = arith.muli %scan3A_164, %mul3A_435 : i32
        %add3A_437 = arith.constant 3 : i32
        %add3A_438 = arith.addi %mul3A_436, %add3A_437 : i32
        %mul3A_439 = arith.mulf %exp3A_398, %div3A_434 : vector<16xf32>
        %swap3A_440 = arith.index_cast %add3A_438 : i32 to index
        %swap3A_441 = arith.constant 0 : index
        %swap3A_442 = tpu.vector_load %arg11[%swap3A_440, %swap3A_441] {strides = array<i32>} : memref<256x64xf32, #tpu.memory_space<vmem>>, vector<16xf32>,
        tpu.vector_store %arg11[%swap3A_440, %swap3A_441], %mul3A_439 {strides = array<i32>} : memref<256x64xf32, #tpu.memory_space<vmem>>, vector<16xf32>,
        %mul3A_443 = arith.mulf %exp3A_403, %div3A_434 : vector<16xf32>
        %swap3A_444 = arith.index_cast %add3A_438 : i32 to index
        %swap3A_445 = arith.constant 16 : index
        %swap3A_446 = tpu.vector_load %arg11[%swap3A_444, %swap3A_445] {strides = array<i32>} : memref<256x64xf32, #tpu.memory_space<vmem>>, vector<16xf32>,
        tpu.vector_store %arg11[%swap3A_444, %swap3A_445], %mul3A_443 {strides = array<i32>} : memref<256x64xf32, #tpu.memory_space<vmem>>, vector<16xf32>,
        %mul3A_447 = arith.mulf %exp3A_408, %div3A_434 : vector<16xf32>
        %swap3A_448 = arith.index_cast %add3A_438 : i32 to index
        %swap3A_449 = arith.constant 32 : index
        %swap3A_450 = tpu.vector_load %arg11[%swap3A_448, %swap3A_449] {strides = array<i32>} : memref<256x64xf32, #tpu.memory_space<vmem>>, vector<16xf32>,
        tpu.vector_store %arg11[%swap3A_448, %swap3A_449], %mul3A_447 {strides = array<i32>} : memref<256x64xf32, #tpu.memory_space<vmem>>, vector<16xf32>,
        %mul3A_451 = arith.mulf %exp3A_413, %div3A_434 : vector<16xf32>
        %swap3A_452 = arith.index_cast %add3A_438 : i32 to index
        %swap3A_453 = arith.constant 48 : index
        %swap3A_454 = tpu.vector_load %arg11[%swap3A_452, %swap3A_453] {strides = array<i32>} : memref<256x64xf32, #tpu.memory_space<vmem>>, vector<16xf32>,
        tpu.vector_store %arg11[%swap3A_452, %swap3A_453], %mul3A_451 {strides = array<i32>} : memref<256x64xf32, #tpu.memory_space<vmem>>, vector<16xf32>,
        %broadcast_in_dim3A_455 = arith.constant 4 : i32
        %broadcast_in_dim3A_456 = vector.broadcast %broadcast_in_dim3A_455 : i32 to vector<16xi32>
        %lt3A_457 = arith.constant 0 : i32
        %lt3A_458 = vector.broadcast %lt3A_457 : i32 to vector<16xi32>
        %lt3A_459 = arith.cmpi slt, %broadcast_in_dim3A_456, %lt3A_458 : vector<16xi32>
        %add3A_460 = arith.constant 16 : i32
        %add3A_461 = vector.broadcast %add3A_460 : i32 to vector<16xi32>
        %add3A_462 = arith.addi %broadcast_in_dim3A_456, %add3A_461 : vector<16xi32>
        %select_n3A_463 = arith.select %lt3A_459, %add3A_462, %broadcast_in_dim3A_456 : vector<16xi1>, vector<16xi32>
        %broadcast_in_dim3A_464 = vector.shape_cast %select_n3A_463 : vector<16xi32> to vector<16x1xi32>
        %gather3A_465 = vector.shape_cast %broadcast_in_dim3A_464 : vector<16x1xi32> to vector<16xi32>
        %gather3A_466 = tpu.dynamic_gather %get3A_169[%gather3A_465] in [0] : vector<16xf32>, vector<16xi32> -> vector<16xf32>
        %mul3A_467 = arith.mulf %mul3A_18, %gather3A_466 : vector<16xf32>
        %add3A_468 = arith.addf %mul3A_467, %mul3A_19 : vector<16xf32>
        %mul3A_469 = arith.mulf %add3A_468, %gather3A_466 : vector<16xf32>
        %add3A_470 = arith.addf %mul3A_469, %sub3A_28 : vector<16xf32>
        %exp3A_471 = math.exp %add3A_470 : vector<16xf32>
        %mul3A_472 = arith.mulf %mul3A_44, %gather3A_466 : vector<16xf32>
        %add3A_473 = arith.addf %mul3A_472, %mul3A_45 : vector<16xf32>
        %mul3A_474 = arith.mulf %add3A_473, %gather3A_466 : vector<16xf32>
        %add3A_475 = arith.addf %mul3A_474, %sub3A_55 : vector<16xf32>
        %exp3A_476 = math.exp %add3A_475 : vector<16xf32>
        %mul3A_477 = arith.mulf %mul3A_71, %gather3A_466 : vector<16xf32>
        %add3A_478 = arith.addf %mul3A_477, %mul3A_72 : vector<16xf32>
        %mul3A_479 = arith.mulf %add3A_478, %gather3A_466 : vector<16xf32>
        %add3A_480 = arith.addf %mul3A_479, %sub3A_82 : vector<16xf32>
        %exp3A_481 = math.exp %add3A_480 : vector<16xf32>
        %mul3A_482 = arith.mulf %mul3A_98, %gather3A_466 : vector<16xf32>
        %add3A_483 = arith.addf %mul3A_482, %mul3A_99 : vector<16xf32>
        %mul3A_484 = arith.mulf %add3A_483, %gather3A_466 : vector<16xf32>
        %add3A_485 = arith.addf %mul3A_484, %sub3A_109 : vector<16xf32>
        %exp3A_486 = math.exp %add3A_485 : vector<16xf32>
        %add3A_487 = arith.addf %exp3A_471, %exp3A_476 : vector<16xf32>
        %add3A_488 = arith.addf %exp3A_481, %exp3A_486 : vector<16xf32>
        %add3A_489 = arith.addf %add3A_487, %add3A_488 : vector<16xf32>
        %broadcast_in_dim3A_490 = arith.constant true
        %broadcast_in_dim3A_491 = vector.broadcast %broadcast_in_dim3A_490 : i1 to vector<16xi1>
        %masked_cumsum3A_492 = tpu.scan <sum>, %add3A_489 masked %broadcast_in_dim3A_491 : vector<16xf32>, vector<16xi1> -> vector<16xf32>
        %broadcast_in_dim3A_493 = arith.constant 15 : i32
        %broadcast_in_dim3A_494 = vector.broadcast %broadcast_in_dim3A_493 : i32 to vector<16xi32>
        %lt3A_495 = arith.constant 0 : i32
        %lt3A_496 = vector.broadcast %lt3A_495 : i32 to vector<16xi32>
        %lt3A_497 = arith.cmpi slt, %broadcast_in_dim3A_494, %lt3A_496 : vector<16xi32>
        %add3A_498 = arith.constant 16 : i32
        %add3A_499 = vector.broadcast %add3A_498 : i32 to vector<16xi32>
        %add3A_500 = arith.addi %broadcast_in_dim3A_494, %add3A_499 : vector<16xi32>
        %select_n3A_501 = arith.select %lt3A_497, %add3A_500, %broadcast_in_dim3A_494 : vector<16xi1>, vector<16xi32>
        %broadcast_in_dim3A_502 = vector.shape_cast %select_n3A_501 : vector<16xi32> to vector<16x1xi32>
        %gather3A_503 = vector.shape_cast %broadcast_in_dim3A_502 : vector<16x1xi32> to vector<16xi32>
        %gather3A_504 = tpu.dynamic_gather %masked_cumsum3A_492[%gather3A_503] in [0] : vector<16xf32>, vector<16xi32> -> vector<16xf32>
        %div3A_505 = arith.constant 1.000000e+00 : f32
        %div3A_506 = vector.broadcast %div3A_505 : f32 to vector<16xf32>
        %div3A_507 = arith.divf %div3A_506, %gather3A_504 : vector<16xf32>
        %mul3A_508 = arith.constant 16 : i32
        %mul3A_509 = arith.muli %scan3A_164, %mul3A_508 : i32
        %add3A_510 = arith.constant 4 : i32
        %add3A_511 = arith.addi %mul3A_509, %add3A_510 : i32
        %mul3A_512 = arith.mulf %exp3A_471, %div3A_507 : vector<16xf32>
        %swap3A_513 = arith.index_cast %add3A_511 : i32 to index
        %swap3A_514 = arith.constant 0 : index
        %swap3A_515 = tpu.vector_load %arg11[%swap3A_513, %swap3A_514] {strides = array<i32>} : memref<256x64xf32, #tpu.memory_space<vmem>>, vector<16xf32>,
        tpu.vector_store %arg11[%swap3A_513, %swap3A_514], %mul3A_512 {strides = array<i32>} : memref<256x64xf32, #tpu.memory_space<vmem>>, vector<16xf32>,
        %mul3A_516 = arith.mulf %exp3A_476, %div3A_507 : vector<16xf32>
        %swap3A_517 = arith.index_cast %add3A_511 : i32 to index
        %swap3A_518 = arith.constant 16 : index
        %swap3A_519 = tpu.vector_load %arg11[%swap3A_517, %swap3A_518] {strides = array<i32>} : memref<256x64xf32, #tpu.memory_space<vmem>>, vector<16xf32>,
        tpu.vector_store %arg11[%swap3A_517, %swap3A_518], %mul3A_516 {strides = array<i32>} : memref<256x64xf32, #tpu.memory_space<vmem>>, vector<16xf32>,
        %mul3A_520 = arith.mulf %exp3A_481, %div3A_507 : vector<16xf32>
        %swap3A_521 = arith.index_cast %add3A_511 : i32 to index
        %swap3A_522 = arith.constant 32 : index
        %swap3A_523 = tpu.vector_load %arg11[%swap3A_521, %swap3A_522] {strides = array<i32>} : memref<256x64xf32, #tpu.memory_space<vmem>>, vector<16xf32>,
        tpu.vector_store %arg11[%swap3A_521, %swap3A_522], %mul3A_520 {strides = array<i32>} : memref<256x64xf32, #tpu.memory_space<vmem>>, vector<16xf32>,
        %mul3A_524 = arith.mulf %exp3A_486, %div3A_507 : vector<16xf32>
        %swap3A_525 = arith.index_cast %add3A_511 : i32 to index
        %swap3A_526 = arith.constant 48 : index
        %swap3A_527 = tpu.vector_load %arg11[%swap3A_525, %swap3A_526] {strides = array<i32>} : memref<256x64xf32, #tpu.memory_space<vmem>>, vector<16xf32>,
        tpu.vector_store %arg11[%swap3A_525, %swap3A_526], %mul3A_524 {strides = array<i32>} : memref<256x64xf32, #tpu.memory_space<vmem>>, vector<16xf32>,
        %broadcast_in_dim3A_528 = arith.constant 5 : i32
        %broadcast_in_dim3A_529 = vector.broadcast %broadcast_in_dim3A_528 : i32 to vector<16xi32>
        %lt3A_530 = arith.constant 0 : i32
        %lt3A_531 = vector.broadcast %lt3A_530 : i32 to vector<16xi32>
        %lt3A_532 = arith.cmpi slt, %broadcast_in_dim3A_529, %lt3A_531 : vector<16xi32>
        %add3A_533 = arith.constant 16 : i32
        %add3A_534 = vector.broadcast %add3A_533 : i32 to vector<16xi32>
        %add3A_535 = arith.addi %broadcast_in_dim3A_529, %add3A_534 : vector<16xi32>
        %select_n3A_536 = arith.select %lt3A_532, %add3A_535, %broadcast_in_dim3A_529 : vector<16xi1>, vector<16xi32>
        %broadcast_in_dim3A_537 = vector.shape_cast %select_n3A_536 : vector<16xi32> to vector<16x1xi32>
        %gather3A_538 = vector.shape_cast %broadcast_in_dim3A_537 : vector<16x1xi32> to vector<16xi32>
        %gather3A_539 = tpu.dynamic_gather %get3A_169[%gather3A_538] in [0] : vector<16xf32>, vector<16xi32> -> vector<16xf32>
        %mul3A_540 = arith.mulf %mul3A_18, %gather3A_539 : vector<16xf32>
        %add3A_541 = arith.addf %mul3A_540, %mul3A_19 : vector<16xf32>
        %mul3A_542 = arith.mulf %add3A_541, %gather3A_539 : vector<16xf32>
        %add3A_543 = arith.addf %mul3A_542, %sub3A_28 : vector<16xf32>
        %exp3A_544 = math.exp %add3A_543 : vector<16xf32>
        %mul3A_545 = arith.mulf %mul3A_44, %gather3A_539 : vector<16xf32>
        %add3A_546 = arith.addf %mul3A_545, %mul3A_45 : vector<16xf32>
        %mul3A_547 = arith.mulf %add3A_546, %gather3A_539 : vector<16xf32>
        %add3A_548 = arith.addf %mul3A_547, %sub3A_55 : vector<16xf32>
        %exp3A_549 = math.exp %add3A_548 : vector<16xf32>
        %mul3A_550 = arith.mulf %mul3A_71, %gather3A_539 : vector<16xf32>
        %add3A_551 = arith.addf %mul3A_550, %mul3A_72 : vector<16xf32>
        %mul3A_552 = arith.mulf %add3A_551, %gather3A_539 : vector<16xf32>
        %add3A_553 = arith.addf %mul3A_552, %sub3A_82 : vector<16xf32>
        %exp3A_554 = math.exp %add3A_553 : vector<16xf32>
        %mul3A_555 = arith.mulf %mul3A_98, %gather3A_539 : vector<16xf32>
        %add3A_556 = arith.addf %mul3A_555, %mul3A_99 : vector<16xf32>
        %mul3A_557 = arith.mulf %add3A_556, %gather3A_539 : vector<16xf32>
        %add3A_558 = arith.addf %mul3A_557, %sub3A_109 : vector<16xf32>
        %exp3A_559 = math.exp %add3A_558 : vector<16xf32>
        %add3A_560 = arith.addf %exp3A_544, %exp3A_549 : vector<16xf32>
        %add3A_561 = arith.addf %exp3A_554, %exp3A_559 : vector<16xf32>
        %add3A_562 = arith.addf %add3A_560, %add3A_561 : vector<16xf32>
        %broadcast_in_dim3A_563 = arith.constant true
        %broadcast_in_dim3A_564 = vector.broadcast %broadcast_in_dim3A_563 : i1 to vector<16xi1>
        %masked_cumsum3A_565 = tpu.scan <sum>, %add3A_562 masked %broadcast_in_dim3A_564 : vector<16xf32>, vector<16xi1> -> vector<16xf32>
        %broadcast_in_dim3A_566 = arith.constant 15 : i32
        %broadcast_in_dim3A_567 = vector.broadcast %broadcast_in_dim3A_566 : i32 to vector<16xi32>
        %lt3A_568 = arith.constant 0 : i32
        %lt3A_569 = vector.broadcast %lt3A_568 : i32 to vector<16xi32>
        %lt3A_570 = arith.cmpi slt, %broadcast_in_dim3A_567, %lt3A_569 : vector<16xi32>
        %add3A_571 = arith.constant 16 : i32
        %add3A_572 = vector.broadcast %add3A_571 : i32 to vector<16xi32>
        %add3A_573 = arith.addi %broadcast_in_dim3A_567, %add3A_572 : vector<16xi32>
        %select_n3A_574 = arith.select %lt3A_570, %add3A_573, %broadcast_in_dim3A_567 : vector<16xi1>, vector<16xi32>
        %broadcast_in_dim3A_575 = vector.shape_cast %select_n3A_574 : vector<16xi32> to vector<16x1xi32>
        %gather3A_576 = vector.shape_cast %broadcast_in_dim3A_575 : vector<16x1xi32> to vector<16xi32>
        %gather3A_577 = tpu.dynamic_gather %masked_cumsum3A_565[%gather3A_576] in [0] : vector<16xf32>, vector<16xi32> -> vector<16xf32>
        %div3A_578 = arith.constant 1.000000e+00 : f32
        %div3A_579 = vector.broadcast %div3A_578 : f32 to vector<16xf32>
        %div3A_580 = arith.divf %div3A_579, %gather3A_577 : vector<16xf32>
        %mul3A_581 = arith.constant 16 : i32
        %mul3A_582 = arith.muli %scan3A_164, %mul3A_581 : i32
        %add3A_583 = arith.constant 5 : i32
        %add3A_584 = arith.addi %mul3A_582, %add3A_583 : i32
        %mul3A_585 = arith.mulf %exp3A_544, %div3A_580 : vector<16xf32>
        %swap3A_586 = arith.index_cast %add3A_584 : i32 to index
        %swap3A_587 = arith.constant 0 : index
        %swap3A_588 = tpu.vector_load %arg11[%swap3A_586, %swap3A_587] {strides = array<i32>} : memref<256x64xf32, #tpu.memory_space<vmem>>, vector<16xf32>,
        tpu.vector_store %arg11[%swap3A_586, %swap3A_587], %mul3A_585 {strides = array<i32>} : memref<256x64xf32, #tpu.memory_space<vmem>>, vector<16xf32>,
        %mul3A_589 = arith.mulf %exp3A_549, %div3A_580 : vector<16xf32>
        %swap3A_590 = arith.index_cast %add3A_584 : i32 to index
        %swap3A_591 = arith.constant 16 : index
        %swap3A_592 = tpu.vector_load %arg11[%swap3A_590, %swap3A_591] {strides = array<i32>} : memref<256x64xf32, #tpu.memory_space<vmem>>, vector<16xf32>,
        tpu.vector_store %arg11[%swap3A_590, %swap3A_591], %mul3A_589 {strides = array<i32>} : memref<256x64xf32, #tpu.memory_space<vmem>>, vector<16xf32>,
        %mul3A_593 = arith.mulf %exp3A_554, %div3A_580 : vector<16xf32>
        %swap3A_594 = arith.index_cast %add3A_584 : i32 to index
        %swap3A_595 = arith.constant 32 : index
        %swap3A_596 = tpu.vector_load %arg11[%swap3A_594, %swap3A_595] {strides = array<i32>} : memref<256x64xf32, #tpu.memory_space<vmem>>, vector<16xf32>,
        tpu.vector_store %arg11[%swap3A_594, %swap3A_595], %mul3A_593 {strides = array<i32>} : memref<256x64xf32, #tpu.memory_space<vmem>>, vector<16xf32>,
        %mul3A_597 = arith.mulf %exp3A_559, %div3A_580 : vector<16xf32>
        %swap3A_598 = arith.index_cast %add3A_584 : i32 to index
        %swap3A_599 = arith.constant 48 : index
        %swap3A_600 = tpu.vector_load %arg11[%swap3A_598, %swap3A_599] {strides = array<i32>} : memref<256x64xf32, #tpu.memory_space<vmem>>, vector<16xf32>,
        tpu.vector_store %arg11[%swap3A_598, %swap3A_599], %mul3A_597 {strides = array<i32>} : memref<256x64xf32, #tpu.memory_space<vmem>>, vector<16xf32>,
        %broadcast_in_dim3A_601 = arith.constant 6 : i32
        %broadcast_in_dim3A_602 = vector.broadcast %broadcast_in_dim3A_601 : i32 to vector<16xi32>
        %lt3A_603 = arith.constant 0 : i32
        %lt3A_604 = vector.broadcast %lt3A_603 : i32 to vector<16xi32>
        %lt3A_605 = arith.cmpi slt, %broadcast_in_dim3A_602, %lt3A_604 : vector<16xi32>
        %add3A_606 = arith.constant 16 : i32
        %add3A_607 = vector.broadcast %add3A_606 : i32 to vector<16xi32>
        %add3A_608 = arith.addi %broadcast_in_dim3A_602, %add3A_607 : vector<16xi32>
        %select_n3A_609 = arith.select %lt3A_605, %add3A_608, %broadcast_in_dim3A_602 : vector<16xi1>, vector<16xi32>
        %broadcast_in_dim3A_610 = vector.shape_cast %select_n3A_609 : vector<16xi32> to vector<16x1xi32>
        %gather3A_611 = vector.shape_cast %broadcast_in_dim3A_610 : vector<16x1xi32> to vector<16xi32>
        %gather3A_612 = tpu.dynamic_gather %get3A_169[%gather3A_611] in [0] : vector<16xf32>, vector<16xi32> -> vector<16xf32>
        %mul3A_613 = arith.mulf %mul3A_18, %gather3A_612 : vector<16xf32>
        %add3A_614 = arith.addf %mul3A_613, %mul3A_19 : vector<16xf32>
        %mul3A_615 = arith.mulf %add3A_614, %gather3A_612 : vector<16xf32>
        %add3A_616 = arith.addf %mul3A_615, %sub3A_28 : vector<16xf32>
        %exp3A_617 = math.exp %add3A_616 : vector<16xf32>
        %mul3A_618 = arith.mulf %mul3A_44, %gather3A_612 : vector<16xf32>
        %add3A_619 = arith.addf %mul3A_618, %mul3A_45 : vector<16xf32>
        %mul3A_620 = arith.mulf %add3A_619, %gather3A_612 : vector<16xf32>
        %add3A_621 = arith.addf %mul3A_620, %sub3A_55 : vector<16xf32>
        %exp3A_622 = math.exp %add3A_621 : vector<16xf32>
        %mul3A_623 = arith.mulf %mul3A_71, %gather3A_612 : vector<16xf32>
        %add3A_624 = arith.addf %mul3A_623, %mul3A_72 : vector<16xf32>
        %mul3A_625 = arith.mulf %add3A_624, %gather3A_612 : vector<16xf32>
        %add3A_626 = arith.addf %mul3A_625, %sub3A_82 : vector<16xf32>
        %exp3A_627 = math.exp %add3A_626 : vector<16xf32>
        %mul3A_628 = arith.mulf %mul3A_98, %gather3A_612 : vector<16xf32>
        %add3A_629 = arith.addf %mul3A_628, %mul3A_99 : vector<16xf32>
        %mul3A_630 = arith.mulf %add3A_629, %gather3A_612 : vector<16xf32>
        %add3A_631 = arith.addf %mul3A_630, %sub3A_109 : vector<16xf32>
        %exp3A_632 = math.exp %add3A_631 : vector<16xf32>
        %add3A_633 = arith.addf %exp3A_617, %exp3A_622 : vector<16xf32>
        %add3A_634 = arith.addf %exp3A_627, %exp3A_632 : vector<16xf32>
        %add3A_635 = arith.addf %add3A_633, %add3A_634 : vector<16xf32>
        %broadcast_in_dim3A_636 = arith.constant true
        %broadcast_in_dim3A_637 = vector.broadcast %broadcast_in_dim3A_636 : i1 to vector<16xi1>
        %masked_cumsum3A_638 = tpu.scan <sum>, %add3A_635 masked %broadcast_in_dim3A_637 : vector<16xf32>, vector<16xi1> -> vector<16xf32>
        %broadcast_in_dim3A_639 = arith.constant 15 : i32
        %broadcast_in_dim3A_640 = vector.broadcast %broadcast_in_dim3A_639 : i32 to vector<16xi32>
        %lt3A_641 = arith.constant 0 : i32
        %lt3A_642 = vector.broadcast %lt3A_641 : i32 to vector<16xi32>
        %lt3A_643 = arith.cmpi slt, %broadcast_in_dim3A_640, %lt3A_642 : vector<16xi32>
        %add3A_644 = arith.constant 16 : i32
        %add3A_645 = vector.broadcast %add3A_644 : i32 to vector<16xi32>
        %add3A_646 = arith.addi %broadcast_in_dim3A_640, %add3A_645 : vector<16xi32>
        %select_n3A_647 = arith.select %lt3A_643, %add3A_646, %broadcast_in_dim3A_640 : vector<16xi1>, vector<16xi32>
        %broadcast_in_dim3A_648 = vector.shape_cast %select_n3A_647 : vector<16xi32> to vector<16x1xi32>
        %gather3A_649 = vector.shape_cast %broadcast_in_dim3A_648 : vector<16x1xi32> to vector<16xi32>
        %gather3A_650 = tpu.dynamic_gather %masked_cumsum3A_638[%gather3A_649] in [0] : vector<16xf32>, vector<16xi32> -> vector<16xf32>
        %div3A_651 = arith.constant 1.000000e+00 : f32
        %div3A_652 = vector.broadcast %div3A_651 : f32 to vector<16xf32>
        %div3A_653 = arith.divf %div3A_652, %gather3A_650 : vector<16xf32>
        %mul3A_654 = arith.constant 16 : i32
        %mul3A_655 = arith.muli %scan3A_164, %mul3A_654 : i32
        %add3A_656 = arith.constant 6 : i32
        %add3A_657 = arith.addi %mul3A_655, %add3A_656 : i32
        %mul3A_658 = arith.mulf %exp3A_617, %div3A_653 : vector<16xf32>
        %swap3A_659 = arith.index_cast %add3A_657 : i32 to index
        %swap3A_660 = arith.constant 0 : index
        %swap3A_661 = tpu.vector_load %arg11[%swap3A_659, %swap3A_660] {strides = array<i32>} : memref<256x64xf32, #tpu.memory_space<vmem>>, vector<16xf32>,
        tpu.vector_store %arg11[%swap3A_659, %swap3A_660], %mul3A_658 {strides = array<i32>} : memref<256x64xf32, #tpu.memory_space<vmem>>, vector<16xf32>,
        %mul3A_662 = arith.mulf %exp3A_622, %div3A_653 : vector<16xf32>
        %swap3A_663 = arith.index_cast %add3A_657 : i32 to index
        %swap3A_664 = arith.constant 16 : index
        %swap3A_665 = tpu.vector_load %arg11[%swap3A_663, %swap3A_664] {strides = array<i32>} : memref<256x64xf32, #tpu.memory_space<vmem>>, vector<16xf32>,
        tpu.vector_store %arg11[%swap3A_663, %swap3A_664], %mul3A_662 {strides = array<i32>} : memref<256x64xf32, #tpu.memory_space<vmem>>, vector<16xf32>,
        %mul3A_666 = arith.mulf %exp3A_627, %div3A_653 : vector<16xf32>
        %swap3A_667 = arith.index_cast %add3A_657 : i32 to index
        %swap3A_668 = arith.constant 32 : index
        %swap3A_669 = tpu.vector_load %arg11[%swap3A_667, %swap3A_668] {strides = array<i32>} : memref<256x64xf32, #tpu.memory_space<vmem>>, vector<16xf32>,
        tpu.vector_store %arg11[%swap3A_667, %swap3A_668], %mul3A_666 {strides = array<i32>} : memref<256x64xf32, #tpu.memory_space<vmem>>, vector<16xf32>,
        %mul3A_670 = arith.mulf %exp3A_632, %div3A_653 : vector<16xf32>
        %swap3A_671 = arith.index_cast %add3A_657 : i32 to index
        %swap3A_672 = arith.constant 48 : index
        %swap3A_673 = tpu.vector_load %arg11[%swap3A_671, %swap3A_672] {strides = array<i32>} : memref<256x64xf32, #tpu.memory_space<vmem>>, vector<16xf32>,
        tpu.vector_store %arg11[%swap3A_671, %swap3A_672], %mul3A_670 {strides = array<i32>} : memref<256x64xf32, #tpu.memory_space<vmem>>, vector<16xf32>,
        %broadcast_in_dim3A_674 = arith.constant 7 : i32
        %broadcast_in_dim3A_675 = vector.broadcast %broadcast_in_dim3A_674 : i32 to vector<16xi32>
        %lt3A_676 = arith.constant 0 : i32
        %lt3A_677 = vector.broadcast %lt3A_676 : i32 to vector<16xi32>
        %lt3A_678 = arith.cmpi slt, %broadcast_in_dim3A_675, %lt3A_677 : vector<16xi32>
        %add3A_679 = arith.constant 16 : i32
        %add3A_680 = vector.broadcast %add3A_679 : i32 to vector<16xi32>
        %add3A_681 = arith.addi %broadcast_in_dim3A_675, %add3A_680 : vector<16xi32>
        %select_n3A_682 = arith.select %lt3A_678, %add3A_681, %broadcast_in_dim3A_675 : vector<16xi1>, vector<16xi32>
        %broadcast_in_dim3A_683 = vector.shape_cast %select_n3A_682 : vector<16xi32> to vector<16x1xi32>
        %gather3A_684 = vector.shape_cast %broadcast_in_dim3A_683 : vector<16x1xi32> to vector<16xi32>
        %gather3A_685 = tpu.dynamic_gather %get3A_169[%gather3A_684] in [0] : vector<16xf32>, vector<16xi32> -> vector<16xf32>
        %mul3A_686 = arith.mulf %mul3A_18, %gather3A_685 : vector<16xf32>
        %add3A_687 = arith.addf %mul3A_686, %mul3A_19 : vector<16xf32>
        %mul3A_688 = arith.mulf %add3A_687, %gather3A_685 : vector<16xf32>
        %add3A_689 = arith.addf %mul3A_688, %sub3A_28 : vector<16xf32>
        %exp3A_690 = math.exp %add3A_689 : vector<16xf32>
        %mul3A_691 = arith.mulf %mul3A_44, %gather3A_685 : vector<16xf32>
        %add3A_692 = arith.addf %mul3A_691, %mul3A_45 : vector<16xf32>
        %mul3A_693 = arith.mulf %add3A_692, %gather3A_685 : vector<16xf32>
        %add3A_694 = arith.addf %mul3A_693, %sub3A_55 : vector<16xf32>
        %exp3A_695 = math.exp %add3A_694 : vector<16xf32>
        %mul3A_696 = arith.mulf %mul3A_71, %gather3A_685 : vector<16xf32>
        %add3A_697 = arith.addf %mul3A_696, %mul3A_72 : vector<16xf32>
        %mul3A_698 = arith.mulf %add3A_697, %gather3A_685 : vector<16xf32>
        %add3A_699 = arith.addf %mul3A_698, %sub3A_82 : vector<16xf32>
        %exp3A_700 = math.exp %add3A_699 : vector<16xf32>
        %mul3A_701 = arith.mulf %mul3A_98, %gather3A_685 : vector<16xf32>
        %add3A_702 = arith.addf %mul3A_701, %mul3A_99 : vector<16xf32>
        %mul3A_703 = arith.mulf %add3A_702, %gather3A_685 : vector<16xf32>
        %add3A_704 = arith.addf %mul3A_703, %sub3A_109 : vector<16xf32>
        %exp3A_705 = math.exp %add3A_704 : vector<16xf32>
        %add3A_706 = arith.addf %exp3A_690, %exp3A_695 : vector<16xf32>
        %add3A_707 = arith.addf %exp3A_700, %exp3A_705 : vector<16xf32>
        %add3A_708 = arith.addf %add3A_706, %add3A_707 : vector<16xf32>
        %broadcast_in_dim3A_709 = arith.constant true
        %broadcast_in_dim3A_710 = vector.broadcast %broadcast_in_dim3A_709 : i1 to vector<16xi1>
        %masked_cumsum3A_711 = tpu.scan <sum>, %add3A_708 masked %broadcast_in_dim3A_710 : vector<16xf32>, vector<16xi1> -> vector<16xf32>
        %broadcast_in_dim3A_712 = arith.constant 15 : i32
        %broadcast_in_dim3A_713 = vector.broadcast %broadcast_in_dim3A_712 : i32 to vector<16xi32>
        %lt3A_714 = arith.constant 0 : i32
        %lt3A_715 = vector.broadcast %lt3A_714 : i32 to vector<16xi32>
        %lt3A_716 = arith.cmpi slt, %broadcast_in_dim3A_713, %lt3A_715 : vector<16xi32>
        %add3A_717 = arith.constant 16 : i32
        %add3A_718 = vector.broadcast %add3A_717 : i32 to vector<16xi32>
        %add3A_719 = arith.addi %broadcast_in_dim3A_713, %add3A_718 : vector<16xi32>
        %select_n3A_720 = arith.select %lt3A_716, %add3A_719, %broadcast_in_dim3A_713 : vector<16xi1>, vector<16xi32>
        %broadcast_in_dim3A_721 = vector.shape_cast %select_n3A_720 : vector<16xi32> to vector<16x1xi32>
        %gather3A_722 = vector.shape_cast %broadcast_in_dim3A_721 : vector<16x1xi32> to vector<16xi32>
        %gather3A_723 = tpu.dynamic_gather %masked_cumsum3A_711[%gather3A_722] in [0] : vector<16xf32>, vector<16xi32> -> vector<16xf32>
        %div3A_724 = arith.constant 1.000000e+00 : f32
        %div3A_725 = vector.broadcast %div3A_724 : f32 to vector<16xf32>
        %div3A_726 = arith.divf %div3A_725, %gather3A_723 : vector<16xf32>
        %mul3A_727 = arith.constant 16 : i32
        %mul3A_728 = arith.muli %scan3A_164, %mul3A_727 : i32
        %add3A_729 = arith.constant 7 : i32
        %add3A_730 = arith.addi %mul3A_728, %add3A_729 : i32
        %mul3A_731 = arith.mulf %exp3A_690, %div3A_726 : vector<16xf32>
        %swap3A_732 = arith.index_cast %add3A_730 : i32 to index
        %swap3A_733 = arith.constant 0 : index
        %swap3A_734 = tpu.vector_load %arg11[%swap3A_732, %swap3A_733] {strides = array<i32>} : memref<256x64xf32, #tpu.memory_space<vmem>>, vector<16xf32>,
        tpu.vector_store %arg11[%swap3A_732, %swap3A_733], %mul3A_731 {strides = array<i32>} : memref<256x64xf32, #tpu.memory_space<vmem>>, vector<16xf32>,
        %mul3A_735 = arith.mulf %exp3A_695, %div3A_726 : vector<16xf32>
        %swap3A_736 = arith.index_cast %add3A_730 : i32 to index
        %swap3A_737 = arith.constant 16 : index
        %swap3A_738 = tpu.vector_load %arg11[%swap3A_736, %swap3A_737] {strides = array<i32>} : memref<256x64xf32, #tpu.memory_space<vmem>>, vector<16xf32>,
        tpu.vector_store %arg11[%swap3A_736, %swap3A_737], %mul3A_735 {strides = array<i32>} : memref<256x64xf32, #tpu.memory_space<vmem>>, vector<16xf32>,
        %mul3A_739 = arith.mulf %exp3A_700, %div3A_726 : vector<16xf32>
        %swap3A_740 = arith.index_cast %add3A_730 : i32 to index
        %swap3A_741 = arith.constant 32 : index
        %swap3A_742 = tpu.vector_load %arg11[%swap3A_740, %swap3A_741] {strides = array<i32>} : memref<256x64xf32, #tpu.memory_space<vmem>>, vector<16xf32>,
        tpu.vector_store %arg11[%swap3A_740, %swap3A_741], %mul3A_739 {strides = array<i32>} : memref<256x64xf32, #tpu.memory_space<vmem>>, vector<16xf32>,
        %mul3A_743 = arith.mulf %exp3A_705, %div3A_726 : vector<16xf32>
        %swap3A_744 = arith.index_cast %add3A_730 : i32 to index
        %swap3A_745 = arith.constant 48 : index
        %swap3A_746 = tpu.vector_load %arg11[%swap3A_744, %swap3A_745] {strides = array<i32>} : memref<256x64xf32, #tpu.memory_space<vmem>>, vector<16xf32>,
        tpu.vector_store %arg11[%swap3A_744, %swap3A_745], %mul3A_743 {strides = array<i32>} : memref<256x64xf32, #tpu.memory_space<vmem>>, vector<16xf32>,
        %broadcast_in_dim3A_747 = arith.constant 8 : i32
        %broadcast_in_dim3A_748 = vector.broadcast %broadcast_in_dim3A_747 : i32 to vector<16xi32>
        %lt3A_749 = arith.constant 0 : i32
        %lt3A_750 = vector.broadcast %lt3A_749 : i32 to vector<16xi32>
        %lt3A_751 = arith.cmpi slt, %broadcast_in_dim3A_748, %lt3A_750 : vector<16xi32>
        %add3A_752 = arith.constant 16 : i32
        %add3A_753 = vector.broadcast %add3A_752 : i32 to vector<16xi32>
        %add3A_754 = arith.addi %broadcast_in_dim3A_748, %add3A_753 : vector<16xi32>
        %select_n3A_755 = arith.select %lt3A_751, %add3A_754, %broadcast_in_dim3A_748 : vector<16xi1>, vector<16xi32>
        %broadcast_in_dim3A_756 = vector.shape_cast %select_n3A_755 : vector<16xi32> to vector<16x1xi32>
        %gather3A_757 = vector.shape_cast %broadcast_in_dim3A_756 : vector<16x1xi32> to vector<16xi32>
        %gather3A_758 = tpu.dynamic_gather %get3A_169[%gather3A_757] in [0] : vector<16xf32>, vector<16xi32> -> vector<16xf32>
        %mul3A_759 = arith.mulf %mul3A_18, %gather3A_758 : vector<16xf32>
        %add3A_760 = arith.addf %mul3A_759, %mul3A_19 : vector<16xf32>
        %mul3A_761 = arith.mulf %add3A_760, %gather3A_758 : vector<16xf32>
        %add3A_762 = arith.addf %mul3A_761, %sub3A_28 : vector<16xf32>
        %exp3A_763 = math.exp %add3A_762 : vector<16xf32>
        %mul3A_764 = arith.mulf %mul3A_44, %gather3A_758 : vector<16xf32>
        %add3A_765 = arith.addf %mul3A_764, %mul3A_45 : vector<16xf32>
        %mul3A_766 = arith.mulf %add3A_765, %gather3A_758 : vector<16xf32>
        %add3A_767 = arith.addf %mul3A_766, %sub3A_55 : vector<16xf32>
        %exp3A_768 = math.exp %add3A_767 : vector<16xf32>
        %mul3A_769 = arith.mulf %mul3A_71, %gather3A_758 : vector<16xf32>
        %add3A_770 = arith.addf %mul3A_769, %mul3A_72 : vector<16xf32>
        %mul3A_771 = arith.mulf %add3A_770, %gather3A_758 : vector<16xf32>
        %add3A_772 = arith.addf %mul3A_771, %sub3A_82 : vector<16xf32>
        %exp3A_773 = math.exp %add3A_772 : vector<16xf32>
        %mul3A_774 = arith.mulf %mul3A_98, %gather3A_758 : vector<16xf32>
        %add3A_775 = arith.addf %mul3A_774, %mul3A_99 : vector<16xf32>
        %mul3A_776 = arith.mulf %add3A_775, %gather3A_758 : vector<16xf32>
        %add3A_777 = arith.addf %mul3A_776, %sub3A_109 : vector<16xf32>
        %exp3A_778 = math.exp %add3A_777 : vector<16xf32>
        %add3A_779 = arith.addf %exp3A_763, %exp3A_768 : vector<16xf32>
        %add3A_780 = arith.addf %exp3A_773, %exp3A_778 : vector<16xf32>
        %add3A_781 = arith.addf %add3A_779, %add3A_780 : vector<16xf32>
        %broadcast_in_dim3A_782 = arith.constant true
        %broadcast_in_dim3A_783 = vector.broadcast %broadcast_in_dim3A_782 : i1 to vector<16xi1>
        %masked_cumsum3A_784 = tpu.scan <sum>, %add3A_781 masked %broadcast_in_dim3A_783 : vector<16xf32>, vector<16xi1> -> vector<16xf32>
        %broadcast_in_dim3A_785 = arith.constant 15 : i32
        %broadcast_in_dim3A_786 = vector.broadcast %broadcast_in_dim3A_785 : i32 to vector<16xi32>
        %lt3A_787 = arith.constant 0 : i32
        %lt3A_788 = vector.broadcast %lt3A_787 : i32 to vector<16xi32>
        %lt3A_789 = arith.cmpi slt, %broadcast_in_dim3A_786, %lt3A_788 : vector<16xi32>
        %add3A_790 = arith.constant 16 : i32
        %add3A_791 = vector.broadcast %add3A_790 : i32 to vector<16xi32>
        %add3A_792 = arith.addi %broadcast_in_dim3A_786, %add3A_791 : vector<16xi32>
        %select_n3A_793 = arith.select %lt3A_789, %add3A_792, %broadcast_in_dim3A_786 : vector<16xi1>, vector<16xi32>
        %broadcast_in_dim3A_794 = vector.shape_cast %select_n3A_793 : vector<16xi32> to vector<16x1xi32>
        %gather3A_795 = vector.shape_cast %broadcast_in_dim3A_794 : vector<16x1xi32> to vector<16xi32>
        %gather3A_796 = tpu.dynamic_gather %masked_cumsum3A_784[%gather3A_795] in [0] : vector<16xf32>, vector<16xi32> -> vector<16xf32>
        %div3A_797 = arith.constant 1.000000e+00 : f32
        %div3A_798 = vector.broadcast %div3A_797 : f32 to vector<16xf32>
        %div3A_799 = arith.divf %div3A_798, %gather3A_796 : vector<16xf32>
        %mul3A_800 = arith.constant 16 : i32
        %mul3A_801 = arith.muli %scan3A_164, %mul3A_800 : i32
        %add3A_802 = arith.constant 8 : i32
        %add3A_803 = arith.addi %mul3A_801, %add3A_802 : i32
        %mul3A_804 = arith.mulf %exp3A_763, %div3A_799 : vector<16xf32>
        %swap3A_805 = arith.index_cast %add3A_803 : i32 to index
        %swap3A_806 = arith.constant 0 : index
        %swap3A_807 = tpu.vector_load %arg11[%swap3A_805, %swap3A_806] {strides = array<i32>} : memref<256x64xf32, #tpu.memory_space<vmem>>, vector<16xf32>,
        tpu.vector_store %arg11[%swap3A_805, %swap3A_806], %mul3A_804 {strides = array<i32>} : memref<256x64xf32, #tpu.memory_space<vmem>>, vector<16xf32>,
        %mul3A_808 = arith.mulf %exp3A_768, %div3A_799 : vector<16xf32>
        %swap3A_809 = arith.index_cast %add3A_803 : i32 to index
        %swap3A_810 = arith.constant 16 : index
        %swap3A_811 = tpu.vector_load %arg11[%swap3A_809, %swap3A_810] {strides = array<i32>} : memref<256x64xf32, #tpu.memory_space<vmem>>, vector<16xf32>,
        tpu.vector_store %arg11[%swap3A_809, %swap3A_810], %mul3A_808 {strides = array<i32>} : memref<256x64xf32, #tpu.memory_space<vmem>>, vector<16xf32>,
        %mul3A_812 = arith.mulf %exp3A_773, %div3A_799 : vector<16xf32>
        %swap3A_813 = arith.index_cast %add3A_803 : i32 to index
        %swap3A_814 = arith.constant 32 : index
        %swap3A_815 = tpu.vector_load %arg11[%swap3A_813, %swap3A_814] {strides = array<i32>} : memref<256x64xf32, #tpu.memory_space<vmem>>, vector<16xf32>,
        tpu.vector_store %arg11[%swap3A_813, %swap3A_814], %mul3A_812 {strides = array<i32>} : memref<256x64xf32, #tpu.memory_space<vmem>>, vector<16xf32>,
        %mul3A_816 = arith.mulf %exp3A_778, %div3A_799 : vector<16xf32>
        %swap3A_817 = arith.index_cast %add3A_803 : i32 to index
        %swap3A_818 = arith.constant 48 : index
        %swap3A_819 = tpu.vector_load %arg11[%swap3A_817, %swap3A_818] {strides = array<i32>} : memref<256x64xf32, #tpu.memory_space<vmem>>, vector<16xf32>,
        tpu.vector_store %arg11[%swap3A_817, %swap3A_818], %mul3A_816 {strides = array<i32>} : memref<256x64xf32, #tpu.memory_space<vmem>>, vector<16xf32>,
        %broadcast_in_dim3A_820 = arith.constant 9 : i32
        %broadcast_in_dim3A_821 = vector.broadcast %broadcast_in_dim3A_820 : i32 to vector<16xi32>
        %lt3A_822 = arith.constant 0 : i32
        %lt3A_823 = vector.broadcast %lt3A_822 : i32 to vector<16xi32>
        %lt3A_824 = arith.cmpi slt, %broadcast_in_dim3A_821, %lt3A_823 : vector<16xi32>
        %add3A_825 = arith.constant 16 : i32
        %add3A_826 = vector.broadcast %add3A_825 : i32 to vector<16xi32>
        %add3A_827 = arith.addi %broadcast_in_dim3A_821, %add3A_826 : vector<16xi32>
        %select_n3A_828 = arith.select %lt3A_824, %add3A_827, %broadcast_in_dim3A_821 : vector<16xi1>, vector<16xi32>
        %broadcast_in_dim3A_829 = vector.shape_cast %select_n3A_828 : vector<16xi32> to vector<16x1xi32>
        %gather3A_830 = vector.shape_cast %broadcast_in_dim3A_829 : vector<16x1xi32> to vector<16xi32>
        %gather3A_831 = tpu.dynamic_gather %get3A_169[%gather3A_830] in [0] : vector<16xf32>, vector<16xi32> -> vector<16xf32>
        %mul3A_832 = arith.mulf %mul3A_18, %gather3A_831 : vector<16xf32>
        %add3A_833 = arith.addf %mul3A_832, %mul3A_19 : vector<16xf32>
        %mul3A_834 = arith.mulf %add3A_833, %gather3A_831 : vector<16xf32>
        %add3A_835 = arith.addf %mul3A_834, %sub3A_28 : vector<16xf32>
        %exp3A_836 = math.exp %add3A_835 : vector<16xf32>
        %mul3A_837 = arith.mulf %mul3A_44, %gather3A_831 : vector<16xf32>
        %add3A_838 = arith.addf %mul3A_837, %mul3A_45 : vector<16xf32>
        %mul3A_839 = arith.mulf %add3A_838, %gather3A_831 : vector<16xf32>
        %add3A_840 = arith.addf %mul3A_839, %sub3A_55 : vector<16xf32>
        %exp3A_841 = math.exp %add3A_840 : vector<16xf32>
        %mul3A_842 = arith.mulf %mul3A_71, %gather3A_831 : vector<16xf32>
        %add3A_843 = arith.addf %mul3A_842, %mul3A_72 : vector<16xf32>
        %mul3A_844 = arith.mulf %add3A_843, %gather3A_831 : vector<16xf32>
        %add3A_845 = arith.addf %mul3A_844, %sub3A_82 : vector<16xf32>
        %exp3A_846 = math.exp %add3A_845 : vector<16xf32>
        %mul3A_847 = arith.mulf %mul3A_98, %gather3A_831 : vector<16xf32>
        %add3A_848 = arith.addf %mul3A_847, %mul3A_99 : vector<16xf32>
        %mul3A_849 = arith.mulf %add3A_848, %gather3A_831 : vector<16xf32>
        %add3A_850 = arith.addf %mul3A_849, %sub3A_109 : vector<16xf32>
        %exp3A_851 = math.exp %add3A_850 : vector<16xf32>
        %add3A_852 = arith.addf %exp3A_836, %exp3A_841 : vector<16xf32>
        %add3A_853 = arith.addf %exp3A_846, %exp3A_851 : vector<16xf32>
        %add3A_854 = arith.addf %add3A_852, %add3A_853 : vector<16xf32>
        %broadcast_in_dim3A_855 = arith.constant true
        %broadcast_in_dim3A_856 = vector.broadcast %broadcast_in_dim3A_855 : i1 to vector<16xi1>
        %masked_cumsum3A_857 = tpu.scan <sum>, %add3A_854 masked %broadcast_in_dim3A_856 : vector<16xf32>, vector<16xi1> -> vector<16xf32>
        %broadcast_in_dim3A_858 = arith.constant 15 : i32
        %broadcast_in_dim3A_859 = vector.broadcast %broadcast_in_dim3A_858 : i32 to vector<16xi32>
        %lt3A_860 = arith.constant 0 : i32
        %lt3A_861 = vector.broadcast %lt3A_860 : i32 to vector<16xi32>
        %lt3A_862 = arith.cmpi slt, %broadcast_in_dim3A_859, %lt3A_861 : vector<16xi32>
        %add3A_863 = arith.constant 16 : i32
        %add3A_864 = vector.broadcast %add3A_863 : i32 to vector<16xi32>
        %add3A_865 = arith.addi %broadcast_in_dim3A_859, %add3A_864 : vector<16xi32>
        %select_n3A_866 = arith.select %lt3A_862, %add3A_865, %broadcast_in_dim3A_859 : vector<16xi1>, vector<16xi32>
        %broadcast_in_dim3A_867 = vector.shape_cast %select_n3A_866 : vector<16xi32> to vector<16x1xi32>
        %gather3A_868 = vector.shape_cast %broadcast_in_dim3A_867 : vector<16x1xi32> to vector<16xi32>
        %gather3A_869 = tpu.dynamic_gather %masked_cumsum3A_857[%gather3A_868] in [0] : vector<16xf32>, vector<16xi32> -> vector<16xf32>
        %div3A_870 = arith.constant 1.000000e+00 : f32
        %div3A_871 = vector.broadcast %div3A_870 : f32 to vector<16xf32>
        %div3A_872 = arith.divf %div3A_871, %gather3A_869 : vector<16xf32>
        %mul3A_873 = arith.constant 16 : i32
        %mul3A_874 = arith.muli %scan3A_164, %mul3A_873 : i32
        %add3A_875 = arith.constant 9 : i32
        %add3A_876 = arith.addi %mul3A_874, %add3A_875 : i32
        %mul3A_877 = arith.mulf %exp3A_836, %div3A_872 : vector<16xf32>
        %swap3A_878 = arith.index_cast %add3A_876 : i32 to index
        %swap3A_879 = arith.constant 0 : index
        %swap3A_880 = tpu.vector_load %arg11[%swap3A_878, %swap3A_879] {strides = array<i32>} : memref<256x64xf32, #tpu.memory_space<vmem>>, vector<16xf32>,
        tpu.vector_store %arg11[%swap3A_878, %swap3A_879], %mul3A_877 {strides = array<i32>} : memref<256x64xf32, #tpu.memory_space<vmem>>, vector<16xf32>,
        %mul3A_881 = arith.mulf %exp3A_841, %div3A_872 : vector<16xf32>
        %swap3A_882 = arith.index_cast %add3A_876 : i32 to index
        %swap3A_883 = arith.constant 16 : index
        %swap3A_884 = tpu.vector_load %arg11[%swap3A_882, %swap3A_883] {strides = array<i32>} : memref<256x64xf32, #tpu.memory_space<vmem>>, vector<16xf32>,
        tpu.vector_store %arg11[%swap3A_882, %swap3A_883], %mul3A_881 {strides = array<i32>} : memref<256x64xf32, #tpu.memory_space<vmem>>, vector<16xf32>,
        %mul3A_885 = arith.mulf %exp3A_846, %div3A_872 : vector<16xf32>
        %swap3A_886 = arith.index_cast %add3A_876 : i32 to index
        %swap3A_887 = arith.constant 32 : index
        %swap3A_888 = tpu.vector_load %arg11[%swap3A_886, %swap3A_887] {strides = array<i32>} : memref<256x64xf32, #tpu.memory_space<vmem>>, vector<16xf32>,
        tpu.vector_store %arg11[%swap3A_886, %swap3A_887], %mul3A_885 {strides = array<i32>} : memref<256x64xf32, #tpu.memory_space<vmem>>, vector<16xf32>,
        %mul3A_889 = arith.mulf %exp3A_851, %div3A_872 : vector<16xf32>
        %swap3A_890 = arith.index_cast %add3A_876 : i32 to index
        %swap3A_891 = arith.constant 48 : index
        %swap3A_892 = tpu.vector_load %arg11[%swap3A_890, %swap3A_891] {strides = array<i32>} : memref<256x64xf32, #tpu.memory_space<vmem>>, vector<16xf32>,
        tpu.vector_store %arg11[%swap3A_890, %swap3A_891], %mul3A_889 {strides = array<i32>} : memref<256x64xf32, #tpu.memory_space<vmem>>, vector<16xf32>,
        %broadcast_in_dim3A_893 = arith.constant 10 : i32
        %broadcast_in_dim3A_894 = vector.broadcast %broadcast_in_dim3A_893 : i32 to vector<16xi32>
        %lt3A_895 = arith.constant 0 : i32
        %lt3A_896 = vector.broadcast %lt3A_895 : i32 to vector<16xi32>
        %lt3A_897 = arith.cmpi slt, %broadcast_in_dim3A_894, %lt3A_896 : vector<16xi32>
        %add3A_898 = arith.constant 16 : i32
        %add3A_899 = vector.broadcast %add3A_898 : i32 to vector<16xi32>
        %add3A_900 = arith.addi %broadcast_in_dim3A_894, %add3A_899 : vector<16xi32>
        %select_n3A_901 = arith.select %lt3A_897, %add3A_900, %broadcast_in_dim3A_894 : vector<16xi1>, vector<16xi32>
        %broadcast_in_dim3A_902 = vector.shape_cast %select_n3A_901 : vector<16xi32> to vector<16x1xi32>
        %gather3A_903 = vector.shape_cast %broadcast_in_dim3A_902 : vector<16x1xi32> to vector<16xi32>
        %gather3A_904 = tpu.dynamic_gather %get3A_169[%gather3A_903] in [0] : vector<16xf32>, vector<16xi32> -> vector<16xf32>
        %mul3A_905 = arith.mulf %mul3A_18, %gather3A_904 : vector<16xf32>
        %add3A_906 = arith.addf %mul3A_905, %mul3A_19 : vector<16xf32>
        %mul3A_907 = arith.mulf %add3A_906, %gather3A_904 : vector<16xf32>
        %add3A_908 = arith.addf %mul3A_907, %sub3A_28 : vector<16xf32>
        %exp3A_909 = math.exp %add3A_908 : vector<16xf32>
        %mul3A_910 = arith.mulf %mul3A_44, %gather3A_904 : vector<16xf32>
        %add3A_911 = arith.addf %mul3A_910, %mul3A_45 : vector<16xf32>
        %mul3A_912 = arith.mulf %add3A_911, %gather3A_904 : vector<16xf32>
        %add3A_913 = arith.addf %mul3A_912, %sub3A_55 : vector<16xf32>
        %exp3A_914 = math.exp %add3A_913 : vector<16xf32>
        %mul3A_915 = arith.mulf %mul3A_71, %gather3A_904 : vector<16xf32>
        %add3A_916 = arith.addf %mul3A_915, %mul3A_72 : vector<16xf32>
        %mul3A_917 = arith.mulf %add3A_916, %gather3A_904 : vector<16xf32>
        %add3A_918 = arith.addf %mul3A_917, %sub3A_82 : vector<16xf32>
        %exp3A_919 = math.exp %add3A_918 : vector<16xf32>
        %mul3A_920 = arith.mulf %mul3A_98, %gather3A_904 : vector<16xf32>
        %add3A_921 = arith.addf %mul3A_920, %mul3A_99 : vector<16xf32>
        %mul3A_922 = arith.mulf %add3A_921, %gather3A_904 : vector<16xf32>
        %add3A_923 = arith.addf %mul3A_922, %sub3A_109 : vector<16xf32>
        %exp3A_924 = math.exp %add3A_923 : vector<16xf32>
        %add3A_925 = arith.addf %exp3A_909, %exp3A_914 : vector<16xf32>
        %add3A_926 = arith.addf %exp3A_919, %exp3A_924 : vector<16xf32>
        %add3A_927 = arith.addf %add3A_925, %add3A_926 : vector<16xf32>
        %broadcast_in_dim3A_928 = arith.constant true
        %broadcast_in_dim3A_929 = vector.broadcast %broadcast_in_dim3A_928 : i1 to vector<16xi1>
        %masked_cumsum3A_930 = tpu.scan <sum>, %add3A_927 masked %broadcast_in_dim3A_929 : vector<16xf32>, vector<16xi1> -> vector<16xf32>
        %broadcast_in_dim3A_931 = arith.constant 15 : i32
        %broadcast_in_dim3A_932 = vector.broadcast %broadcast_in_dim3A_931 : i32 to vector<16xi32>
        %lt3A_933 = arith.constant 0 : i32
        %lt3A_934 = vector.broadcast %lt3A_933 : i32 to vector<16xi32>
        %lt3A_935 = arith.cmpi slt, %broadcast_in_dim3A_932, %lt3A_934 : vector<16xi32>
        %add3A_936 = arith.constant 16 : i32
        %add3A_937 = vector.broadcast %add3A_936 : i32 to vector<16xi32>
        %add3A_938 = arith.addi %broadcast_in_dim3A_932, %add3A_937 : vector<16xi32>
        %select_n3A_939 = arith.select %lt3A_935, %add3A_938, %broadcast_in_dim3A_932 : vector<16xi1>, vector<16xi32>
        %broadcast_in_dim3A_940 = vector.shape_cast %select_n3A_939 : vector<16xi32> to vector<16x1xi32>
        %gather3A_941 = vector.shape_cast %broadcast_in_dim3A_940 : vector<16x1xi32> to vector<16xi32>
        %gather3A_942 = tpu.dynamic_gather %masked_cumsum3A_930[%gather3A_941] in [0] : vector<16xf32>, vector<16xi32> -> vector<16xf32>
        %div3A_943 = arith.constant 1.000000e+00 : f32
        %div3A_944 = vector.broadcast %div3A_943 : f32 to vector<16xf32>
        %div3A_945 = arith.divf %div3A_944, %gather3A_942 : vector<16xf32>
        %mul3A_946 = arith.constant 16 : i32
        %mul3A_947 = arith.muli %scan3A_164, %mul3A_946 : i32
        %add3A_948 = arith.constant 10 : i32
        %add3A_949 = arith.addi %mul3A_947, %add3A_948 : i32
        %mul3A_950 = arith.mulf %exp3A_909, %div3A_945 : vector<16xf32>
        %swap3A_951 = arith.index_cast %add3A_949 : i32 to index
        %swap3A_952 = arith.constant 0 : index
        %swap3A_953 = tpu.vector_load %arg11[%swap3A_951, %swap3A_952] {strides = array<i32>} : memref<256x64xf32, #tpu.memory_space<vmem>>, vector<16xf32>,
        tpu.vector_store %arg11[%swap3A_951, %swap3A_952], %mul3A_950 {strides = array<i32>} : memref<256x64xf32, #tpu.memory_space<vmem>>, vector<16xf32>,
        %mul3A_954 = arith.mulf %exp3A_914, %div3A_945 : vector<16xf32>
        %swap3A_955 = arith.index_cast %add3A_949 : i32 to index
        %swap3A_956 = arith.constant 16 : index
        %swap3A_957 = tpu.vector_load %arg11[%swap3A_955, %swap3A_956] {strides = array<i32>} : memref<256x64xf32, #tpu.memory_space<vmem>>, vector<16xf32>,
        tpu.vector_store %arg11[%swap3A_955, %swap3A_956], %mul3A_954 {strides = array<i32>} : memref<256x64xf32, #tpu.memory_space<vmem>>, vector<16xf32>,
        %mul3A_958 = arith.mulf %exp3A_919, %div3A_945 : vector<16xf32>
        %swap3A_959 = arith.index_cast %add3A_949 : i32 to index
        %swap3A_960 = arith.constant 32 : index
        %swap3A_961 = tpu.vector_load %arg11[%swap3A_959, %swap3A_960] {strides = array<i32>} : memref<256x64xf32, #tpu.memory_space<vmem>>, vector<16xf32>,
        tpu.vector_store %arg11[%swap3A_959, %swap3A_960], %mul3A_958 {strides = array<i32>} : memref<256x64xf32, #tpu.memory_space<vmem>>, vector<16xf32>,
        %mul3A_962 = arith.mulf %exp3A_924, %div3A_945 : vector<16xf32>
        %swap3A_963 = arith.index_cast %add3A_949 : i32 to index
        %swap3A_964 = arith.constant 48 : index
        %swap3A_965 = tpu.vector_load %arg11[%swap3A_963, %swap3A_964] {strides = array<i32>} : memref<256x64xf32, #tpu.memory_space<vmem>>, vector<16xf32>,
        tpu.vector_store %arg11[%swap3A_963, %swap3A_964], %mul3A_962 {strides = array<i32>} : memref<256x64xf32, #tpu.memory_space<vmem>>, vector<16xf32>,
        %broadcast_in_dim3A_966 = arith.constant 11 : i32
        %broadcast_in_dim3A_967 = vector.broadcast %broadcast_in_dim3A_966 : i32 to vector<16xi32>
        %lt3A_968 = arith.constant 0 : i32
        %lt3A_969 = vector.broadcast %lt3A_968 : i32 to vector<16xi32>
        %lt3A_970 = arith.cmpi slt, %broadcast_in_dim3A_967, %lt3A_969 : vector<16xi32>
        %add3A_971 = arith.constant 16 : i32
        %add3A_972 = vector.broadcast %add3A_971 : i32 to vector<16xi32>
        %add3A_973 = arith.addi %broadcast_in_dim3A_967, %add3A_972 : vector<16xi32>
        %select_n3A_974 = arith.select %lt3A_970, %add3A_973, %broadcast_in_dim3A_967 : vector<16xi1>, vector<16xi32>
        %broadcast_in_dim3A_975 = vector.shape_cast %select_n3A_974 : vector<16xi32> to vector<16x1xi32>
        %gather3A_976 = vector.shape_cast %broadcast_in_dim3A_975 : vector<16x1xi32> to vector<16xi32>
        %gather3A_977 = tpu.dynamic_gather %get3A_169[%gather3A_976] in [0] : vector<16xf32>, vector<16xi32> -> vector<16xf32>
        %mul3A_978 = arith.mulf %mul3A_18, %gather3A_977 : vector<16xf32>
        %add3A_979 = arith.addf %mul3A_978, %mul3A_19 : vector<16xf32>
        %mul3A_980 = arith.mulf %add3A_979, %gather3A_977 : vector<16xf32>
        %add3A_981 = arith.addf %mul3A_980, %sub3A_28 : vector<16xf32>
        %exp3A_982 = math.exp %add3A_981 : vector<16xf32>
        %mul3A_983 = arith.mulf %mul3A_44, %gather3A_977 : vector<16xf32>
        %add3A_984 = arith.addf %mul3A_983, %mul3A_45 : vector<16xf32>
        %mul3A_985 = arith.mulf %add3A_984, %gather3A_977 : vector<16xf32>
        %add3A_986 = arith.addf %mul3A_985, %sub3A_55 : vector<16xf32>
        %exp3A_987 = math.exp %add3A_986 : vector<16xf32>
        %mul3A_988 = arith.mulf %mul3A_71, %gather3A_977 : vector<16xf32>
        %add3A_989 = arith.addf %mul3A_988, %mul3A_72 : vector<16xf32>
        %mul3A_990 = arith.mulf %add3A_989, %gather3A_977 : vector<16xf32>
        %add3A_991 = arith.addf %mul3A_990, %sub3A_82 : vector<16xf32>
        %exp3A_992 = math.exp %add3A_991 : vector<16xf32>
        %mul3A_993 = arith.mulf %mul3A_98, %gather3A_977 : vector<16xf32>
        %add3A_994 = arith.addf %mul3A_993, %mul3A_99 : vector<16xf32>
        %mul3A_995 = arith.mulf %add3A_994, %gather3A_977 : vector<16xf32>
        %add3A_996 = arith.addf %mul3A_995, %sub3A_109 : vector<16xf32>
        %exp3A_997 = math.exp %add3A_996 : vector<16xf32>
        %add3A_998 = arith.addf %exp3A_982, %exp3A_987 : vector<16xf32>
        %add3A_999 = arith.addf %exp3A_992, %exp3A_997 : vector<16xf32>
        %add3A_1000 = arith.addf %add3A_998, %add3A_999 : vector<16xf32>
        %broadcast_in_dim3A_1001 = arith.constant true
        %broadcast_in_dim3A_1002 = vector.broadcast %broadcast_in_dim3A_1001 : i1 to vector<16xi1>
        %masked_cumsum3A_1003 = tpu.scan <sum>, %add3A_1000 masked %broadcast_in_dim3A_1002 : vector<16xf32>, vector<16xi1> -> vector<16xf32>
        %broadcast_in_dim3A_1004 = arith.constant 15 : i32
        %broadcast_in_dim3A_1005 = vector.broadcast %broadcast_in_dim3A_1004 : i32 to vector<16xi32>
        %lt3A_1006 = arith.constant 0 : i32
        %lt3A_1007 = vector.broadcast %lt3A_1006 : i32 to vector<16xi32>
        %lt3A_1008 = arith.cmpi slt, %broadcast_in_dim3A_1005, %lt3A_1007 : vector<16xi32>
        %add3A_1009 = arith.constant 16 : i32
        %add3A_1010 = vector.broadcast %add3A_1009 : i32 to vector<16xi32>
        %add3A_1011 = arith.addi %broadcast_in_dim3A_1005, %add3A_1010 : vector<16xi32>
        %select_n3A_1012 = arith.select %lt3A_1008, %add3A_1011, %broadcast_in_dim3A_1005 : vector<16xi1>, vector<16xi32>
        %broadcast_in_dim3A_1013 = vector.shape_cast %select_n3A_1012 : vector<16xi32> to vector<16x1xi32>
        %gather3A_1014 = vector.shape_cast %broadcast_in_dim3A_1013 : vector<16x1xi32> to vector<16xi32>
        %gather3A_1015 = tpu.dynamic_gather %masked_cumsum3A_1003[%gather3A_1014] in [0] : vector<16xf32>, vector<16xi32> -> vector<16xf32>
        %div3A_1016 = arith.constant 1.000000e+00 : f32
        %div3A_1017 = vector.broadcast %div3A_1016 : f32 to vector<16xf32>
        %div3A_1018 = arith.divf %div3A_1017, %gather3A_1015 : vector<16xf32>
        %mul3A_1019 = arith.constant 16 : i32
        %mul3A_1020 = arith.muli %scan3A_164, %mul3A_1019 : i32
        %add3A_1021 = arith.constant 11 : i32
        %add3A_1022 = arith.addi %mul3A_1020, %add3A_1021 : i32
        %mul3A_1023 = arith.mulf %exp3A_982, %div3A_1018 : vector<16xf32>
        %swap3A_1024 = arith.index_cast %add3A_1022 : i32 to index
        %swap3A_1025 = arith.constant 0 : index
        %swap3A_1026 = tpu.vector_load %arg11[%swap3A_1024, %swap3A_1025] {strides = array<i32>} : memref<256x64xf32, #tpu.memory_space<vmem>>, vector<16xf32>,
        tpu.vector_store %arg11[%swap3A_1024, %swap3A_1025], %mul3A_1023 {strides = array<i32>} : memref<256x64xf32, #tpu.memory_space<vmem>>, vector<16xf32>,
        %mul3A_1027 = arith.mulf %exp3A_987, %div3A_1018 : vector<16xf32>
        %swap3A_1028 = arith.index_cast %add3A_1022 : i32 to index
        %swap3A_1029 = arith.constant 16 : index
        %swap3A_1030 = tpu.vector_load %arg11[%swap3A_1028, %swap3A_1029] {strides = array<i32>} : memref<256x64xf32, #tpu.memory_space<vmem>>, vector<16xf32>,
        tpu.vector_store %arg11[%swap3A_1028, %swap3A_1029], %mul3A_1027 {strides = array<i32>} : memref<256x64xf32, #tpu.memory_space<vmem>>, vector<16xf32>,
        %mul3A_1031 = arith.mulf %exp3A_992, %div3A_1018 : vector<16xf32>
        %swap3A_1032 = arith.index_cast %add3A_1022 : i32 to index
        %swap3A_1033 = arith.constant 32 : index
        %swap3A_1034 = tpu.vector_load %arg11[%swap3A_1032, %swap3A_1033] {strides = array<i32>} : memref<256x64xf32, #tpu.memory_space<vmem>>, vector<16xf32>,
        tpu.vector_store %arg11[%swap3A_1032, %swap3A_1033], %mul3A_1031 {strides = array<i32>} : memref<256x64xf32, #tpu.memory_space<vmem>>, vector<16xf32>,
        %mul3A_1035 = arith.mulf %exp3A_997, %div3A_1018 : vector<16xf32>
        %swap3A_1036 = arith.index_cast %add3A_1022 : i32 to index
        %swap3A_1037 = arith.constant 48 : index
        %swap3A_1038 = tpu.vector_load %arg11[%swap3A_1036, %swap3A_1037] {strides = array<i32>} : memref<256x64xf32, #tpu.memory_space<vmem>>, vector<16xf32>,
        tpu.vector_store %arg11[%swap3A_1036, %swap3A_1037], %mul3A_1035 {strides = array<i32>} : memref<256x64xf32, #tpu.memory_space<vmem>>, vector<16xf32>,
        %broadcast_in_dim3A_1039 = arith.constant 12 : i32
        %broadcast_in_dim3A_1040 = vector.broadcast %broadcast_in_dim3A_1039 : i32 to vector<16xi32>
        %lt3A_1041 = arith.constant 0 : i32
        %lt3A_1042 = vector.broadcast %lt3A_1041 : i32 to vector<16xi32>
        %lt3A_1043 = arith.cmpi slt, %broadcast_in_dim3A_1040, %lt3A_1042 : vector<16xi32>
        %add3A_1044 = arith.constant 16 : i32
        %add3A_1045 = vector.broadcast %add3A_1044 : i32 to vector<16xi32>
        %add3A_1046 = arith.addi %broadcast_in_dim3A_1040, %add3A_1045 : vector<16xi32>
        %select_n3A_1047 = arith.select %lt3A_1043, %add3A_1046, %broadcast_in_dim3A_1040 : vector<16xi1>, vector<16xi32>
        %broadcast_in_dim3A_1048 = vector.shape_cast %select_n3A_1047 : vector<16xi32> to vector<16x1xi32>
        %gather3A_1049 = vector.shape_cast %broadcast_in_dim3A_1048 : vector<16x1xi32> to vector<16xi32>
        %gather3A_1050 = tpu.dynamic_gather %get3A_169[%gather3A_1049] in [0] : vector<16xf32>, vector<16xi32> -> vector<16xf32>
        %mul3A_1051 = arith.mulf %mul3A_18, %gather3A_1050 : vector<16xf32>
        %add3A_1052 = arith.addf %mul3A_1051, %mul3A_19 : vector<16xf32>
        %mul3A_1053 = arith.mulf %add3A_1052, %gather3A_1050 : vector<16xf32>
        %add3A_1054 = arith.addf %mul3A_1053, %sub3A_28 : vector<16xf32>
        %exp3A_1055 = math.exp %add3A_1054 : vector<16xf32>
        %mul3A_1056 = arith.mulf %mul3A_44, %gather3A_1050 : vector<16xf32>
        %add3A_1057 = arith.addf %mul3A_1056, %mul3A_45 : vector<16xf32>
        %mul3A_1058 = arith.mulf %add3A_1057, %gather3A_1050 : vector<16xf32>
        %add3A_1059 = arith.addf %mul3A_1058, %sub3A_55 : vector<16xf32>
        %exp3A_1060 = math.exp %add3A_1059 : vector<16xf32>
        %mul3A_1061 = arith.mulf %mul3A_71, %gather3A_1050 : vector<16xf32>
        %add3A_1062 = arith.addf %mul3A_1061, %mul3A_72 : vector<16xf32>
        %mul3A_1063 = arith.mulf %add3A_1062, %gather3A_1050 : vector<16xf32>
        %add3A_1064 = arith.addf %mul3A_1063, %sub3A_82 : vector<16xf32>
        %exp3A_1065 = math.exp %add3A_1064 : vector<16xf32>
        %mul3A_1066 = arith.mulf %mul3A_98, %gather3A_1050 : vector<16xf32>
        %add3A_1067 = arith.addf %mul3A_1066, %mul3A_99 : vector<16xf32>
        %mul3A_1068 = arith.mulf %add3A_1067, %gather3A_1050 : vector<16xf32>
        %add3A_1069 = arith.addf %mul3A_1068, %sub3A_109 : vector<16xf32>
        %exp3A_1070 = math.exp %add3A_1069 : vector<16xf32>
        %add3A_1071 = arith.addf %exp3A_1055, %exp3A_1060 : vector<16xf32>
        %add3A_1072 = arith.addf %exp3A_1065, %exp3A_1070 : vector<16xf32>
        %add3A_1073 = arith.addf %add3A_1071, %add3A_1072 : vector<16xf32>
        %broadcast_in_dim3A_1074 = arith.constant true
        %broadcast_in_dim3A_1075 = vector.broadcast %broadcast_in_dim3A_1074 : i1 to vector<16xi1>
        %masked_cumsum3A_1076 = tpu.scan <sum>, %add3A_1073 masked %broadcast_in_dim3A_1075 : vector<16xf32>, vector<16xi1> -> vector<16xf32>
        %broadcast_in_dim3A_1077 = arith.constant 15 : i32
        %broadcast_in_dim3A_1078 = vector.broadcast %broadcast_in_dim3A_1077 : i32 to vector<16xi32>
        %lt3A_1079 = arith.constant 0 : i32
        %lt3A_1080 = vector.broadcast %lt3A_1079 : i32 to vector<16xi32>
        %lt3A_1081 = arith.cmpi slt, %broadcast_in_dim3A_1078, %lt3A_1080 : vector<16xi32>
        %add3A_1082 = arith.constant 16 : i32
        %add3A_1083 = vector.broadcast %add3A_1082 : i32 to vector<16xi32>
        %add3A_1084 = arith.addi %broadcast_in_dim3A_1078, %add3A_1083 : vector<16xi32>
        %select_n3A_1085 = arith.select %lt3A_1081, %add3A_1084, %broadcast_in_dim3A_1078 : vector<16xi1>, vector<16xi32>
        %broadcast_in_dim3A_1086 = vector.shape_cast %select_n3A_1085 : vector<16xi32> to vector<16x1xi32>
        %gather3A_1087 = vector.shape_cast %broadcast_in_dim3A_1086 : vector<16x1xi32> to vector<16xi32>
        %gather3A_1088 = tpu.dynamic_gather %masked_cumsum3A_1076[%gather3A_1087] in [0] : vector<16xf32>, vector<16xi32> -> vector<16xf32>
        %div3A_1089 = arith.constant 1.000000e+00 : f32
        %div3A_1090 = vector.broadcast %div3A_1089 : f32 to vector<16xf32>
        %div3A_1091 = arith.divf %div3A_1090, %gather3A_1088 : vector<16xf32>
        %mul3A_1092 = arith.constant 16 : i32
        %mul3A_1093 = arith.muli %scan3A_164, %mul3A_1092 : i32
        %add3A_1094 = arith.constant 12 : i32
        %add3A_1095 = arith.addi %mul3A_1093, %add3A_1094 : i32
        %mul3A_1096 = arith.mulf %exp3A_1055, %div3A_1091 : vector<16xf32>
        %swap3A_1097 = arith.index_cast %add3A_1095 : i32 to index
        %swap3A_1098 = arith.constant 0 : index
        %swap3A_1099 = tpu.vector_load %arg11[%swap3A_1097, %swap3A_1098] {strides = array<i32>} : memref<256x64xf32, #tpu.memory_space<vmem>>, vector<16xf32>,
        tpu.vector_store %arg11[%swap3A_1097, %swap3A_1098], %mul3A_1096 {strides = array<i32>} : memref<256x64xf32, #tpu.memory_space<vmem>>, vector<16xf32>,
        %mul3A_1100 = arith.mulf %exp3A_1060, %div3A_1091 : vector<16xf32>
        %swap3A_1101 = arith.index_cast %add3A_1095 : i32 to index
        %swap3A_1102 = arith.constant 16 : index
        %swap3A_1103 = tpu.vector_load %arg11[%swap3A_1101, %swap3A_1102] {strides = array<i32>} : memref<256x64xf32, #tpu.memory_space<vmem>>, vector<16xf32>,
        tpu.vector_store %arg11[%swap3A_1101, %swap3A_1102], %mul3A_1100 {strides = array<i32>} : memref<256x64xf32, #tpu.memory_space<vmem>>, vector<16xf32>,
        %mul3A_1104 = arith.mulf %exp3A_1065, %div3A_1091 : vector<16xf32>
        %swap3A_1105 = arith.index_cast %add3A_1095 : i32 to index
        %swap3A_1106 = arith.constant 32 : index
        %swap3A_1107 = tpu.vector_load %arg11[%swap3A_1105, %swap3A_1106] {strides = array<i32>} : memref<256x64xf32, #tpu.memory_space<vmem>>, vector<16xf32>,
        tpu.vector_store %arg11[%swap3A_1105, %swap3A_1106], %mul3A_1104 {strides = array<i32>} : memref<256x64xf32, #tpu.memory_space<vmem>>, vector<16xf32>,
        %mul3A_1108 = arith.mulf %exp3A_1070, %div3A_1091 : vector<16xf32>
        %swap3A_1109 = arith.index_cast %add3A_1095 : i32 to index
        %swap3A_1110 = arith.constant 48 : index
        %swap3A_1111 = tpu.vector_load %arg11[%swap3A_1109, %swap3A_1110] {strides = array<i32>} : memref<256x64xf32, #tpu.memory_space<vmem>>, vector<16xf32>,
        tpu.vector_store %arg11[%swap3A_1109, %swap3A_1110], %mul3A_1108 {strides = array<i32>} : memref<256x64xf32, #tpu.memory_space<vmem>>, vector<16xf32>,
        %broadcast_in_dim3A_1112 = arith.constant 13 : i32
        %broadcast_in_dim3A_1113 = vector.broadcast %broadcast_in_dim3A_1112 : i32 to vector<16xi32>
        %lt3A_1114 = arith.constant 0 : i32
        %lt3A_1115 = vector.broadcast %lt3A_1114 : i32 to vector<16xi32>
        %lt3A_1116 = arith.cmpi slt, %broadcast_in_dim3A_1113, %lt3A_1115 : vector<16xi32>
        %add3A_1117 = arith.constant 16 : i32
        %add3A_1118 = vector.broadcast %add3A_1117 : i32 to vector<16xi32>
        %add3A_1119 = arith.addi %broadcast_in_dim3A_1113, %add3A_1118 : vector<16xi32>
        %select_n3A_1120 = arith.select %lt3A_1116, %add3A_1119, %broadcast_in_dim3A_1113 : vector<16xi1>, vector<16xi32>
        %broadcast_in_dim3A_1121 = vector.shape_cast %select_n3A_1120 : vector<16xi32> to vector<16x1xi32>
        %gather3A_1122 = vector.shape_cast %broadcast_in_dim3A_1121 : vector<16x1xi32> to vector<16xi32>
        %gather3A_1123 = tpu.dynamic_gather %get3A_169[%gather3A_1122] in [0] : vector<16xf32>, vector<16xi32> -> vector<16xf32>
        %mul3A_1124 = arith.mulf %mul3A_18, %gather3A_1123 : vector<16xf32>
        %add3A_1125 = arith.addf %mul3A_1124, %mul3A_19 : vector<16xf32>
        %mul3A_1126 = arith.mulf %add3A_1125, %gather3A_1123 : vector<16xf32>
        %add3A_1127 = arith.addf %mul3A_1126, %sub3A_28 : vector<16xf32>
        %exp3A_1128 = math.exp %add3A_1127 : vector<16xf32>
        %mul3A_1129 = arith.mulf %mul3A_44, %gather3A_1123 : vector<16xf32>
        %add3A_1130 = arith.addf %mul3A_1129, %mul3A_45 : vector<16xf32>
        %mul3A_1131 = arith.mulf %add3A_1130, %gather3A_1123 : vector<16xf32>
        %add3A_1132 = arith.addf %mul3A_1131, %sub3A_55 : vector<16xf32>
        %exp3A_1133 = math.exp %add3A_1132 : vector<16xf32>
        %mul3A_1134 = arith.mulf %mul3A_71, %gather3A_1123 : vector<16xf32>
        %add3A_1135 = arith.addf %mul3A_1134, %mul3A_72 : vector<16xf32>
        %mul3A_1136 = arith.mulf %add3A_1135, %gather3A_1123 : vector<16xf32>
        %add3A_1137 = arith.addf %mul3A_1136, %sub3A_82 : vector<16xf32>
        %exp3A_1138 = math.exp %add3A_1137 : vector<16xf32>
        %mul3A_1139 = arith.mulf %mul3A_98, %gather3A_1123 : vector<16xf32>
        %add3A_1140 = arith.addf %mul3A_1139, %mul3A_99 : vector<16xf32>
        %mul3A_1141 = arith.mulf %add3A_1140, %gather3A_1123 : vector<16xf32>
        %add3A_1142 = arith.addf %mul3A_1141, %sub3A_109 : vector<16xf32>
        %exp3A_1143 = math.exp %add3A_1142 : vector<16xf32>
        %add3A_1144 = arith.addf %exp3A_1128, %exp3A_1133 : vector<16xf32>
        %add3A_1145 = arith.addf %exp3A_1138, %exp3A_1143 : vector<16xf32>
        %add3A_1146 = arith.addf %add3A_1144, %add3A_1145 : vector<16xf32>
        %broadcast_in_dim3A_1147 = arith.constant true
        %broadcast_in_dim3A_1148 = vector.broadcast %broadcast_in_dim3A_1147 : i1 to vector<16xi1>
        %masked_cumsum3A_1149 = tpu.scan <sum>, %add3A_1146 masked %broadcast_in_dim3A_1148 : vector<16xf32>, vector<16xi1> -> vector<16xf32>
        %broadcast_in_dim3A_1150 = arith.constant 15 : i32
        %broadcast_in_dim3A_1151 = vector.broadcast %broadcast_in_dim3A_1150 : i32 to vector<16xi32>
        %lt3A_1152 = arith.constant 0 : i32
        %lt3A_1153 = vector.broadcast %lt3A_1152 : i32 to vector<16xi32>
        %lt3A_1154 = arith.cmpi slt, %broadcast_in_dim3A_1151, %lt3A_1153 : vector<16xi32>
        %add3A_1155 = arith.constant 16 : i32
        %add3A_1156 = vector.broadcast %add3A_1155 : i32 to vector<16xi32>
        %add3A_1157 = arith.addi %broadcast_in_dim3A_1151, %add3A_1156 : vector<16xi32>
        %select_n3A_1158 = arith.select %lt3A_1154, %add3A_1157, %broadcast_in_dim3A_1151 : vector<16xi1>, vector<16xi32>
        %broadcast_in_dim3A_1159 = vector.shape_cast %select_n3A_1158 : vector<16xi32> to vector<16x1xi32>
        %gather3A_1160 = vector.shape_cast %broadcast_in_dim3A_1159 : vector<16x1xi32> to vector<16xi32>
        %gather3A_1161 = tpu.dynamic_gather %masked_cumsum3A_1149[%gather3A_1160] in [0] : vector<16xf32>, vector<16xi32> -> vector<16xf32>
        %div3A_1162 = arith.constant 1.000000e+00 : f32
        %div3A_1163 = vector.broadcast %div3A_1162 : f32 to vector<16xf32>
        %div3A_1164 = arith.divf %div3A_1163, %gather3A_1161 : vector<16xf32>
        %mul3A_1165 = arith.constant 16 : i32
        %mul3A_1166 = arith.muli %scan3A_164, %mul3A_1165 : i32
        %add3A_1167 = arith.constant 13 : i32
        %add3A_1168 = arith.addi %mul3A_1166, %add3A_1167 : i32
        %mul3A_1169 = arith.mulf %exp3A_1128, %div3A_1164 : vector<16xf32>
        %swap3A_1170 = arith.index_cast %add3A_1168 : i32 to index
        %swap3A_1171 = arith.constant 0 : index
        %swap3A_1172 = tpu.vector_load %arg11[%swap3A_1170, %swap3A_1171] {strides = array<i32>} : memref<256x64xf32, #tpu.memory_space<vmem>>, vector<16xf32>,
        tpu.vector_store %arg11[%swap3A_1170, %swap3A_1171], %mul3A_1169 {strides = array<i32>} : memref<256x64xf32, #tpu.memory_space<vmem>>, vector<16xf32>,
        %mul3A_1173 = arith.mulf %exp3A_1133, %div3A_1164 : vector<16xf32>
        %swap3A_1174 = arith.index_cast %add3A_1168 : i32 to index
        %swap3A_1175 = arith.constant 16 : index
        %swap3A_1176 = tpu.vector_load %arg11[%swap3A_1174, %swap3A_1175] {strides = array<i32>} : memref<256x64xf32, #tpu.memory_space<vmem>>, vector<16xf32>,
        tpu.vector_store %arg11[%swap3A_1174, %swap3A_1175], %mul3A_1173 {strides = array<i32>} : memref<256x64xf32, #tpu.memory_space<vmem>>, vector<16xf32>,
        %mul3A_1177 = arith.mulf %exp3A_1138, %div3A_1164 : vector<16xf32>
        %swap3A_1178 = arith.index_cast %add3A_1168 : i32 to index
        %swap3A_1179 = arith.constant 32 : index
        %swap3A_1180 = tpu.vector_load %arg11[%swap3A_1178, %swap3A_1179] {strides = array<i32>} : memref<256x64xf32, #tpu.memory_space<vmem>>, vector<16xf32>,
        tpu.vector_store %arg11[%swap3A_1178, %swap3A_1179], %mul3A_1177 {strides = array<i32>} : memref<256x64xf32, #tpu.memory_space<vmem>>, vector<16xf32>,
        %mul3A_1181 = arith.mulf %exp3A_1143, %div3A_1164 : vector<16xf32>
        %swap3A_1182 = arith.index_cast %add3A_1168 : i32 to index
        %swap3A_1183 = arith.constant 48 : index
        %swap3A_1184 = tpu.vector_load %arg11[%swap3A_1182, %swap3A_1183] {strides = array<i32>} : memref<256x64xf32, #tpu.memory_space<vmem>>, vector<16xf32>,
        tpu.vector_store %arg11[%swap3A_1182, %swap3A_1183], %mul3A_1181 {strides = array<i32>} : memref<256x64xf32, #tpu.memory_space<vmem>>, vector<16xf32>,
        %broadcast_in_dim3A_1185 = arith.constant 14 : i32
        %broadcast_in_dim3A_1186 = vector.broadcast %broadcast_in_dim3A_1185 : i32 to vector<16xi32>
        %lt3A_1187 = arith.constant 0 : i32
        %lt3A_1188 = vector.broadcast %lt3A_1187 : i32 to vector<16xi32>
        %lt3A_1189 = arith.cmpi slt, %broadcast_in_dim3A_1186, %lt3A_1188 : vector<16xi32>
        %add3A_1190 = arith.constant 16 : i32
        %add3A_1191 = vector.broadcast %add3A_1190 : i32 to vector<16xi32>
        %add3A_1192 = arith.addi %broadcast_in_dim3A_1186, %add3A_1191 : vector<16xi32>
        %select_n3A_1193 = arith.select %lt3A_1189, %add3A_1192, %broadcast_in_dim3A_1186 : vector<16xi1>, vector<16xi32>
        %broadcast_in_dim3A_1194 = vector.shape_cast %select_n3A_1193 : vector<16xi32> to vector<16x1xi32>
        %gather3A_1195 = vector.shape_cast %broadcast_in_dim3A_1194 : vector<16x1xi32> to vector<16xi32>
        %gather3A_1196 = tpu.dynamic_gather %get3A_169[%gather3A_1195] in [0] : vector<16xf32>, vector<16xi32> -> vector<16xf32>
        %mul3A_1197 = arith.mulf %mul3A_18, %gather3A_1196 : vector<16xf32>
        %add3A_1198 = arith.addf %mul3A_1197, %mul3A_19 : vector<16xf32>
        %mul3A_1199 = arith.mulf %add3A_1198, %gather3A_1196 : vector<16xf32>
        %add3A_1200 = arith.addf %mul3A_1199, %sub3A_28 : vector<16xf32>
        %exp3A_1201 = math.exp %add3A_1200 : vector<16xf32>
        %mul3A_1202 = arith.mulf %mul3A_44, %gather3A_1196 : vector<16xf32>
        %add3A_1203 = arith.addf %mul3A_1202, %mul3A_45 : vector<16xf32>
        %mul3A_1204 = arith.mulf %add3A_1203, %gather3A_1196 : vector<16xf32>
        %add3A_1205 = arith.addf %mul3A_1204, %sub3A_55 : vector<16xf32>
        %exp3A_1206 = math.exp %add3A_1205 : vector<16xf32>
        %mul3A_1207 = arith.mulf %mul3A_71, %gather3A_1196 : vector<16xf32>
        %add3A_1208 = arith.addf %mul3A_1207, %mul3A_72 : vector<16xf32>
        %mul3A_1209 = arith.mulf %add3A_1208, %gather3A_1196 : vector<16xf32>
        %add3A_1210 = arith.addf %mul3A_1209, %sub3A_82 : vector<16xf32>
        %exp3A_1211 = math.exp %add3A_1210 : vector<16xf32>
        %mul3A_1212 = arith.mulf %mul3A_98, %gather3A_1196 : vector<16xf32>
        %add3A_1213 = arith.addf %mul3A_1212, %mul3A_99 : vector<16xf32>
        %mul3A_1214 = arith.mulf %add3A_1213, %gather3A_1196 : vector<16xf32>
        %add3A_1215 = arith.addf %mul3A_1214, %sub3A_109 : vector<16xf32>
        %exp3A_1216 = math.exp %add3A_1215 : vector<16xf32>
        %add3A_1217 = arith.addf %exp3A_1201, %exp3A_1206 : vector<16xf32>
        %add3A_1218 = arith.addf %exp3A_1211, %exp3A_1216 : vector<16xf32>
        %add3A_1219 = arith.addf %add3A_1217, %add3A_1218 : vector<16xf32>
        %broadcast_in_dim3A_1220 = arith.constant true
        %broadcast_in_dim3A_1221 = vector.broadcast %broadcast_in_dim3A_1220 : i1 to vector<16xi1>
        %masked_cumsum3A_1222 = tpu.scan <sum>, %add3A_1219 masked %broadcast_in_dim3A_1221 : vector<16xf32>, vector<16xi1> -> vector<16xf32>
        %broadcast_in_dim3A_1223 = arith.constant 15 : i32
        %broadcast_in_dim3A_1224 = vector.broadcast %broadcast_in_dim3A_1223 : i32 to vector<16xi32>
        %lt3A_1225 = arith.constant 0 : i32
        %lt3A_1226 = vector.broadcast %lt3A_1225 : i32 to vector<16xi32>
        %lt3A_1227 = arith.cmpi slt, %broadcast_in_dim3A_1224, %lt3A_1226 : vector<16xi32>
        %add3A_1228 = arith.constant 16 : i32
        %add3A_1229 = vector.broadcast %add3A_1228 : i32 to vector<16xi32>
        %add3A_1230 = arith.addi %broadcast_in_dim3A_1224, %add3A_1229 : vector<16xi32>
        %select_n3A_1231 = arith.select %lt3A_1227, %add3A_1230, %broadcast_in_dim3A_1224 : vector<16xi1>, vector<16xi32>
        %broadcast_in_dim3A_1232 = vector.shape_cast %select_n3A_1231 : vector<16xi32> to vector<16x1xi32>
        %gather3A_1233 = vector.shape_cast %broadcast_in_dim3A_1232 : vector<16x1xi32> to vector<16xi32>
        %gather3A_1234 = tpu.dynamic_gather %masked_cumsum3A_1222[%gather3A_1233] in [0] : vector<16xf32>, vector<16xi32> -> vector<16xf32>
        %div3A_1235 = arith.constant 1.000000e+00 : f32
        %div3A_1236 = vector.broadcast %div3A_1235 : f32 to vector<16xf32>
        %div3A_1237 = arith.divf %div3A_1236, %gather3A_1234 : vector<16xf32>
        %mul3A_1238 = arith.constant 16 : i32
        %mul3A_1239 = arith.muli %scan3A_164, %mul3A_1238 : i32
        %add3A_1240 = arith.constant 14 : i32
        %add3A_1241 = arith.addi %mul3A_1239, %add3A_1240 : i32
        %mul3A_1242 = arith.mulf %exp3A_1201, %div3A_1237 : vector<16xf32>
        %swap3A_1243 = arith.index_cast %add3A_1241 : i32 to index
        %swap3A_1244 = arith.constant 0 : index
        %swap3A_1245 = tpu.vector_load %arg11[%swap3A_1243, %swap3A_1244] {strides = array<i32>} : memref<256x64xf32, #tpu.memory_space<vmem>>, vector<16xf32>,
        tpu.vector_store %arg11[%swap3A_1243, %swap3A_1244], %mul3A_1242 {strides = array<i32>} : memref<256x64xf32, #tpu.memory_space<vmem>>, vector<16xf32>,
        %mul3A_1246 = arith.mulf %exp3A_1206, %div3A_1237 : vector<16xf32>
        %swap3A_1247 = arith.index_cast %add3A_1241 : i32 to index
        %swap3A_1248 = arith.constant 16 : index
        %swap3A_1249 = tpu.vector_load %arg11[%swap3A_1247, %swap3A_1248] {strides = array<i32>} : memref<256x64xf32, #tpu.memory_space<vmem>>, vector<16xf32>,
        tpu.vector_store %arg11[%swap3A_1247, %swap3A_1248], %mul3A_1246 {strides = array<i32>} : memref<256x64xf32, #tpu.memory_space<vmem>>, vector<16xf32>,
        %mul3A_1250 = arith.mulf %exp3A_1211, %div3A_1237 : vector<16xf32>
        %swap3A_1251 = arith.index_cast %add3A_1241 : i32 to index
        %swap3A_1252 = arith.constant 32 : index
        %swap3A_1253 = tpu.vector_load %arg11[%swap3A_1251, %swap3A_1252] {strides = array<i32>} : memref<256x64xf32, #tpu.memory_space<vmem>>, vector<16xf32>,
        tpu.vector_store %arg11[%swap3A_1251, %swap3A_1252], %mul3A_1250 {strides = array<i32>} : memref<256x64xf32, #tpu.memory_space<vmem>>, vector<16xf32>,
        %mul3A_1254 = arith.mulf %exp3A_1216, %div3A_1237 : vector<16xf32>
        %swap3A_1255 = arith.index_cast %add3A_1241 : i32 to index
        %swap3A_1256 = arith.constant 48 : index
        %swap3A_1257 = tpu.vector_load %arg11[%swap3A_1255, %swap3A_1256] {strides = array<i32>} : memref<256x64xf32, #tpu.memory_space<vmem>>, vector<16xf32>,
        tpu.vector_store %arg11[%swap3A_1255, %swap3A_1256], %mul3A_1254 {strides = array<i32>} : memref<256x64xf32, #tpu.memory_space<vmem>>, vector<16xf32>,
        %broadcast_in_dim3A_1258 = arith.constant 15 : i32
        %broadcast_in_dim3A_1259 = vector.broadcast %broadcast_in_dim3A_1258 : i32 to vector<16xi32>
        %lt3A_1260 = arith.constant 0 : i32
        %lt3A_1261 = vector.broadcast %lt3A_1260 : i32 to vector<16xi32>
        %lt3A_1262 = arith.cmpi slt, %broadcast_in_dim3A_1259, %lt3A_1261 : vector<16xi32>
        %add3A_1263 = arith.constant 16 : i32
        %add3A_1264 = vector.broadcast %add3A_1263 : i32 to vector<16xi32>
        %add3A_1265 = arith.addi %broadcast_in_dim3A_1259, %add3A_1264 : vector<16xi32>
        %select_n3A_1266 = arith.select %lt3A_1262, %add3A_1265, %broadcast_in_dim3A_1259 : vector<16xi1>, vector<16xi32>
        %broadcast_in_dim3A_1267 = vector.shape_cast %select_n3A_1266 : vector<16xi32> to vector<16x1xi32>
        %gather3A_1268 = vector.shape_cast %broadcast_in_dim3A_1267 : vector<16x1xi32> to vector<16xi32>
        %gather3A_1269 = tpu.dynamic_gather %get3A_169[%gather3A_1268] in [0] : vector<16xf32>, vector<16xi32> -> vector<16xf32>
        %mul3A_1270 = arith.mulf %mul3A_18, %gather3A_1269 : vector<16xf32>
        %add3A_1271 = arith.addf %mul3A_1270, %mul3A_19 : vector<16xf32>
        %mul3A_1272 = arith.mulf %add3A_1271, %gather3A_1269 : vector<16xf32>
        %add3A_1273 = arith.addf %mul3A_1272, %sub3A_28 : vector<16xf32>
        %exp3A_1274 = math.exp %add3A_1273 : vector<16xf32>
        %mul3A_1275 = arith.mulf %mul3A_44, %gather3A_1269 : vector<16xf32>
        %add3A_1276 = arith.addf %mul3A_1275, %mul3A_45 : vector<16xf32>
        %mul3A_1277 = arith.mulf %add3A_1276, %gather3A_1269 : vector<16xf32>
        %add3A_1278 = arith.addf %mul3A_1277, %sub3A_55 : vector<16xf32>
        %exp3A_1279 = math.exp %add3A_1278 : vector<16xf32>
        %mul3A_1280 = arith.mulf %mul3A_71, %gather3A_1269 : vector<16xf32>
        %add3A_1281 = arith.addf %mul3A_1280, %mul3A_72 : vector<16xf32>
        %mul3A_1282 = arith.mulf %add3A_1281, %gather3A_1269 : vector<16xf32>
        %add3A_1283 = arith.addf %mul3A_1282, %sub3A_82 : vector<16xf32>
        %exp3A_1284 = math.exp %add3A_1283 : vector<16xf32>
        %mul3A_1285 = arith.mulf %mul3A_98, %gather3A_1269 : vector<16xf32>
        %add3A_1286 = arith.addf %mul3A_1285, %mul3A_99 : vector<16xf32>
        %mul3A_1287 = arith.mulf %add3A_1286, %gather3A_1269 : vector<16xf32>
        %add3A_1288 = arith.addf %mul3A_1287, %sub3A_109 : vector<16xf32>
        %exp3A_1289 = math.exp %add3A_1288 : vector<16xf32>
        %add3A_1290 = arith.addf %exp3A_1274, %exp3A_1279 : vector<16xf32>
        %add3A_1291 = arith.addf %exp3A_1284, %exp3A_1289 : vector<16xf32>
        %add3A_1292 = arith.addf %add3A_1290, %add3A_1291 : vector<16xf32>
        %broadcast_in_dim3A_1293 = arith.constant true
        %broadcast_in_dim3A_1294 = vector.broadcast %broadcast_in_dim3A_1293 : i1 to vector<16xi1>
        %masked_cumsum3A_1295 = tpu.scan <sum>, %add3A_1292 masked %broadcast_in_dim3A_1294 : vector<16xf32>, vector<16xi1> -> vector<16xf32>
        %broadcast_in_dim3A_1296 = arith.constant 15 : i32
        %broadcast_in_dim3A_1297 = vector.broadcast %broadcast_in_dim3A_1296 : i32 to vector<16xi32>
        %lt3A_1298 = arith.constant 0 : i32
        %lt3A_1299 = vector.broadcast %lt3A_1298 : i32 to vector<16xi32>
        %lt3A_1300 = arith.cmpi slt, %broadcast_in_dim3A_1297, %lt3A_1299 : vector<16xi32>
        %add3A_1301 = arith.constant 16 : i32
        %add3A_1302 = vector.broadcast %add3A_1301 : i32 to vector<16xi32>
        %add3A_1303 = arith.addi %broadcast_in_dim3A_1297, %add3A_1302 : vector<16xi32>
        %select_n3A_1304 = arith.select %lt3A_1300, %add3A_1303, %broadcast_in_dim3A_1297 : vector<16xi1>, vector<16xi32>
        %broadcast_in_dim3A_1305 = vector.shape_cast %select_n3A_1304 : vector<16xi32> to vector<16x1xi32>
        %gather3A_1306 = vector.shape_cast %broadcast_in_dim3A_1305 : vector<16x1xi32> to vector<16xi32>
        %gather3A_1307 = tpu.dynamic_gather %masked_cumsum3A_1295[%gather3A_1306] in [0] : vector<16xf32>, vector<16xi32> -> vector<16xf32>
        %div3A_1308 = arith.constant 1.000000e+00 : f32
        %div3A_1309 = vector.broadcast %div3A_1308 : f32 to vector<16xf32>
        %div3A_1310 = arith.divf %div3A_1309, %gather3A_1307 : vector<16xf32>
        %mul3A_1311 = arith.constant 16 : i32
        %mul3A_1312 = arith.muli %scan3A_164, %mul3A_1311 : i32
        %add3A_1313 = arith.constant 15 : i32
        %add3A_1314 = arith.addi %mul3A_1312, %add3A_1313 : i32
        %mul3A_1315 = arith.mulf %exp3A_1274, %div3A_1310 : vector<16xf32>
        %swap3A_1316 = arith.index_cast %add3A_1314 : i32 to index
        %swap3A_1317 = arith.constant 0 : index
        %swap3A_1318 = tpu.vector_load %arg11[%swap3A_1316, %swap3A_1317] {strides = array<i32>} : memref<256x64xf32, #tpu.memory_space<vmem>>, vector<16xf32>,
        tpu.vector_store %arg11[%swap3A_1316, %swap3A_1317], %mul3A_1315 {strides = array<i32>} : memref<256x64xf32, #tpu.memory_space<vmem>>, vector<16xf32>,
        %mul3A_1319 = arith.mulf %exp3A_1279, %div3A_1310 : vector<16xf32>
        %swap3A_1320 = arith.index_cast %add3A_1314 : i32 to index
        %swap3A_1321 = arith.constant 16 : index
        %swap3A_1322 = tpu.vector_load %arg11[%swap3A_1320, %swap3A_1321] {strides = array<i32>} : memref<256x64xf32, #tpu.memory_space<vmem>>, vector<16xf32>,
        tpu.vector_store %arg11[%swap3A_1320, %swap3A_1321], %mul3A_1319 {strides = array<i32>} : memref<256x64xf32, #tpu.memory_space<vmem>>, vector<16xf32>,
        %mul3A_1323 = arith.mulf %exp3A_1284, %div3A_1310 : vector<16xf32>
        %swap3A_1324 = arith.index_cast %add3A_1314 : i32 to index
        %swap3A_1325 = arith.constant 32 : index
        %swap3A_1326 = tpu.vector_load %arg11[%swap3A_1324, %swap3A_1325] {strides = array<i32>} : memref<256x64xf32, #tpu.memory_space<vmem>>, vector<16xf32>,
        tpu.vector_store %arg11[%swap3A_1324, %swap3A_1325], %mul3A_1323 {strides = array<i32>} : memref<256x64xf32, #tpu.memory_space<vmem>>, vector<16xf32>,
        %mul3A_1327 = arith.mulf %exp3A_1289, %div3A_1310 : vector<16xf32>
        %swap3A_1328 = arith.index_cast %add3A_1314 : i32 to index
        %swap3A_1329 = arith.constant 48 : index
        %swap3A_1330 = tpu.vector_load %arg11[%swap3A_1328, %swap3A_1329] {strides = array<i32>} : memref<256x64xf32, #tpu.memory_space<vmem>>, vector<16xf32>,
        tpu.vector_store %arg11[%swap3A_1328, %swap3A_1329], %mul3A_1327 {strides = array<i32>} : memref<256x64xf32, #tpu.memory_space<vmem>>, vector<16xf32>,
      }
      %scan3A_137 = arith.constant 16 : i32
      %add3A_138 = arith.addi %mul3A_2, %mul3A_128 : i32
      %dma_start3A = arith.constant 0 : i32
      %dma_start3A_139 = tpu.memref_slice %arg6[%add3A_138, %dma_start3A] : memref<65536x64xf32, #tpu.memory_space<hbm>> -> memref<256x64xf32, #tpu.memory_space<hbm>>
      %dma_start3A_140 = arith.constant 0 : i32
      %dma_start3A_141 = tpu.memref_slice %arg6[%add3A_138, %dma_start3A_140] : memref<65536x64xf32, #tpu.memory_space<hbm>> -> memref<256x64xf32, #tpu.memory_space<hbm>>
      tpu.enqueue_dma source(%arg11 : memref<256x64xf32, #tpu.memory_space<vmem>>) target(%dma_start3A_141 : memref<256x64xf32, #tpu.memory_space<hbm>>) target_semaphore(%arg13 : memref<!tpu.dma_semaphore, #tpu.memory_space<semaphore_mem>>)
      %mul3A_142 = arith.constant 2 : i32
      %mul3A_143 = arith.muli %scan3A_122, %mul3A_142 : i32
      %add3A_144 = arith.constant 1 : i32
      %add3A_145 = arith.addi %mul3A_143, %add3A_144 : i32
      %mul3A_146 = arith.constant 256 : i32
      %mul3A_147 = arith.muli %add3A_145, %mul3A_146 : i32
      %ge3A_148 = arith.constant 1 : i32
      %ge3A_149 = arith.cmpi sge, %scan3A_122, %ge3A_148 : i32
      %convert_element_type3A_150 = arith.extui %ge3A_149 : i1 to i32
      %cond3A_151 = arith.constant 0 : i32
      %cond3A_152 = arith.cmpi ne, %convert_element_type3A_150, %cond3A_151 : i32
      scf.if %cond3A_152 {
        %dma_wait3A_164 = arith.constant 0 : i32
        %dma_wait3A_165 = tpu.memref_slice %arg6[%mul3A_2, %dma_wait3A_164] : memref<65536x64xf32, #tpu.memory_space<hbm>> -> memref<256x64xf32, #tpu.memory_space<hbm>>
        %dma_wait3A_166 = arith.constant 0 : i32
        %dma_wait3A_167 = tpu.memref_slice %arg6[%mul3A_2, %dma_wait3A_166] : memref<65536x64xf32, #tpu.memory_space<hbm>> -> memref<256x64xf32, #tpu.memory_space<hbm>>
        tpu.wait_dma2 semaphore(%arg14 : memref<!tpu.dma_semaphore, #tpu.memory_space<semaphore_mem>>) src(%arg12 : memref<256x64xf32, #tpu.memory_space<vmem>>) dst(%dma_wait3A_167 : memref<256x64xf32, #tpu.memory_space<hbm>>)
      } else {
      }
      %scan3A_153 = arith.constant 0 : i32
      %scan3A_154 = arith.constant 0 : i32
      %scan3A_155 = arith.constant 16 : i32
      %scan3A_156 = arith.addi %scan3A_154, %scan3A_155 : i32
      %scan3A_157 = arith.constant 1 : i32
      scf.for %scan3A_164 = %scan3A_154 to %scan3A_156 step %scan3A_157  : i32 {
        %mul3A_165 = arith.constant 16 : i32
        %mul3A_166 = arith.muli %scan3A_164, %mul3A_165 : i32
        %add3A_167 = arith.addi %mul3A_147, %mul3A_166 : i32
        %get3A_168 = arith.index_cast %add3A_167 : i32 to index
        %get3A_169 = tpu.vector_load %arg7[%get3A_168] {strides = array<i32>} : memref<2048xf32, #tpu.memory_space<vmem>>, vector<16xf32>,
        %broadcast_in_dim3A = arith.constant 0 : i32
        %broadcast_in_dim3A_170 = vector.broadcast %broadcast_in_dim3A : i32 to vector<16xi32>
        %lt3A = arith.constant 0 : i32
        %lt3A_171 = vector.broadcast %lt3A : i32 to vector<16xi32>
        %lt3A_172 = arith.cmpi slt, %broadcast_in_dim3A_170, %lt3A_171 : vector<16xi32>
        %add3A_173 = arith.constant 16 : i32
        %add3A_174 = vector.broadcast %add3A_173 : i32 to vector<16xi32>
        %add3A_175 = arith.addi %broadcast_in_dim3A_170, %add3A_174 : vector<16xi32>
        %select_n3A = arith.select %lt3A_172, %add3A_175, %broadcast_in_dim3A_170 : vector<16xi1>, vector<16xi32>
        %broadcast_in_dim3A_176 = vector.shape_cast %select_n3A : vector<16xi32> to vector<16x1xi32>
        %gather3A = vector.shape_cast %broadcast_in_dim3A_176 : vector<16x1xi32> to vector<16xi32>
        %gather3A_177 = tpu.dynamic_gather %get3A_169[%gather3A] in [0] : vector<16xf32>, vector<16xi32> -> vector<16xf32>
        %mul3A_178 = arith.mulf %mul3A_18, %gather3A_177 : vector<16xf32>
        %add3A_179 = arith.addf %mul3A_178, %mul3A_19 : vector<16xf32>
        %mul3A_180 = arith.mulf %add3A_179, %gather3A_177 : vector<16xf32>
        %add3A_181 = arith.addf %mul3A_180, %sub3A_28 : vector<16xf32>
        %exp3A_182 = math.exp %add3A_181 : vector<16xf32>
        %mul3A_183 = arith.mulf %mul3A_44, %gather3A_177 : vector<16xf32>
        %add3A_184 = arith.addf %mul3A_183, %mul3A_45 : vector<16xf32>
        %mul3A_185 = arith.mulf %add3A_184, %gather3A_177 : vector<16xf32>
        %add3A_186 = arith.addf %mul3A_185, %sub3A_55 : vector<16xf32>
        %exp3A_187 = math.exp %add3A_186 : vector<16xf32>
        %mul3A_188 = arith.mulf %mul3A_71, %gather3A_177 : vector<16xf32>
        %add3A_189 = arith.addf %mul3A_188, %mul3A_72 : vector<16xf32>
        %mul3A_190 = arith.mulf %add3A_189, %gather3A_177 : vector<16xf32>
        %add3A_191 = arith.addf %mul3A_190, %sub3A_82 : vector<16xf32>
        %exp3A_192 = math.exp %add3A_191 : vector<16xf32>
        %mul3A_193 = arith.mulf %mul3A_98, %gather3A_177 : vector<16xf32>
        %add3A_194 = arith.addf %mul3A_193, %mul3A_99 : vector<16xf32>
        %mul3A_195 = arith.mulf %add3A_194, %gather3A_177 : vector<16xf32>
        %add3A_196 = arith.addf %mul3A_195, %sub3A_109 : vector<16xf32>
        %exp3A_197 = math.exp %add3A_196 : vector<16xf32>
        %add3A_198 = arith.addf %exp3A_182, %exp3A_187 : vector<16xf32>
        %add3A_199 = arith.addf %exp3A_192, %exp3A_197 : vector<16xf32>
        %add3A_200 = arith.addf %add3A_198, %add3A_199 : vector<16xf32>
        %broadcast_in_dim3A_201 = arith.constant true
        %broadcast_in_dim3A_202 = vector.broadcast %broadcast_in_dim3A_201 : i1 to vector<16xi1>
        %masked_cumsum3A = tpu.scan <sum>, %add3A_200 masked %broadcast_in_dim3A_202 : vector<16xf32>, vector<16xi1> -> vector<16xf32>
        %broadcast_in_dim3A_203 = arith.constant 15 : i32
        %broadcast_in_dim3A_204 = vector.broadcast %broadcast_in_dim3A_203 : i32 to vector<16xi32>
        %lt3A_205 = arith.constant 0 : i32
        %lt3A_206 = vector.broadcast %lt3A_205 : i32 to vector<16xi32>
        %lt3A_207 = arith.cmpi slt, %broadcast_in_dim3A_204, %lt3A_206 : vector<16xi32>
        %add3A_208 = arith.constant 16 : i32
        %add3A_209 = vector.broadcast %add3A_208 : i32 to vector<16xi32>
        %add3A_210 = arith.addi %broadcast_in_dim3A_204, %add3A_209 : vector<16xi32>
        %select_n3A_211 = arith.select %lt3A_207, %add3A_210, %broadcast_in_dim3A_204 : vector<16xi1>, vector<16xi32>
        %broadcast_in_dim3A_212 = vector.shape_cast %select_n3A_211 : vector<16xi32> to vector<16x1xi32>
        %gather3A_213 = vector.shape_cast %broadcast_in_dim3A_212 : vector<16x1xi32> to vector<16xi32>
        %gather3A_214 = tpu.dynamic_gather %masked_cumsum3A[%gather3A_213] in [0] : vector<16xf32>, vector<16xi32> -> vector<16xf32>
        %div3A = arith.constant 1.000000e+00 : f32
        %div3A_215 = vector.broadcast %div3A : f32 to vector<16xf32>
        %div3A_216 = arith.divf %div3A_215, %gather3A_214 : vector<16xf32>
        %mul3A_217 = arith.constant 16 : i32
        %mul3A_218 = arith.muli %scan3A_164, %mul3A_217 : i32
        %add3A_219 = arith.constant 0 : i32
        %add3A_220 = arith.addi %mul3A_218, %add3A_219 : i32
        %mul3A_221 = arith.mulf %exp3A_182, %div3A_216 : vector<16xf32>
        %swap3A = arith.index_cast %add3A_220 : i32 to index
        %swap3A_222 = arith.constant 0 : index
        %swap3A_223 = tpu.vector_load %arg12[%swap3A, %swap3A_222] {strides = array<i32>} : memref<256x64xf32, #tpu.memory_space<vmem>>, vector<16xf32>,
        tpu.vector_store %arg12[%swap3A, %swap3A_222], %mul3A_221 {strides = array<i32>} : memref<256x64xf32, #tpu.memory_space<vmem>>, vector<16xf32>,
        %mul3A_224 = arith.mulf %exp3A_187, %div3A_216 : vector<16xf32>
        %swap3A_225 = arith.index_cast %add3A_220 : i32 to index
        %swap3A_226 = arith.constant 16 : index
        %swap3A_227 = tpu.vector_load %arg12[%swap3A_225, %swap3A_226] {strides = array<i32>} : memref<256x64xf32, #tpu.memory_space<vmem>>, vector<16xf32>,
        tpu.vector_store %arg12[%swap3A_225, %swap3A_226], %mul3A_224 {strides = array<i32>} : memref<256x64xf32, #tpu.memory_space<vmem>>, vector<16xf32>,
        %mul3A_228 = arith.mulf %exp3A_192, %div3A_216 : vector<16xf32>
        %swap3A_229 = arith.index_cast %add3A_220 : i32 to index
        %swap3A_230 = arith.constant 32 : index
        %swap3A_231 = tpu.vector_load %arg12[%swap3A_229, %swap3A_230] {strides = array<i32>} : memref<256x64xf32, #tpu.memory_space<vmem>>, vector<16xf32>,
        tpu.vector_store %arg12[%swap3A_229, %swap3A_230], %mul3A_228 {strides = array<i32>} : memref<256x64xf32, #tpu.memory_space<vmem>>, vector<16xf32>,
        %mul3A_232 = arith.mulf %exp3A_197, %div3A_216 : vector<16xf32>
        %swap3A_233 = arith.index_cast %add3A_220 : i32 to index
        %swap3A_234 = arith.constant 48 : index
        %swap3A_235 = tpu.vector_load %arg12[%swap3A_233, %swap3A_234] {strides = array<i32>} : memref<256x64xf32, #tpu.memory_space<vmem>>, vector<16xf32>,
        tpu.vector_store %arg12[%swap3A_233, %swap3A_234], %mul3A_232 {strides = array<i32>} : memref<256x64xf32, #tpu.memory_space<vmem>>, vector<16xf32>,
        %broadcast_in_dim3A_236 = arith.constant 1 : i32
        %broadcast_in_dim3A_237 = vector.broadcast %broadcast_in_dim3A_236 : i32 to vector<16xi32>
        %lt3A_238 = arith.constant 0 : i32
        %lt3A_239 = vector.broadcast %lt3A_238 : i32 to vector<16xi32>
        %lt3A_240 = arith.cmpi slt, %broadcast_in_dim3A_237, %lt3A_239 : vector<16xi32>
        %add3A_241 = arith.constant 16 : i32
        %add3A_242 = vector.broadcast %add3A_241 : i32 to vector<16xi32>
        %add3A_243 = arith.addi %broadcast_in_dim3A_237, %add3A_242 : vector<16xi32>
        %select_n3A_244 = arith.select %lt3A_240, %add3A_243, %broadcast_in_dim3A_237 : vector<16xi1>, vector<16xi32>
        %broadcast_in_dim3A_245 = vector.shape_cast %select_n3A_244 : vector<16xi32> to vector<16x1xi32>
        %gather3A_246 = vector.shape_cast %broadcast_in_dim3A_245 : vector<16x1xi32> to vector<16xi32>
        %gather3A_247 = tpu.dynamic_gather %get3A_169[%gather3A_246] in [0] : vector<16xf32>, vector<16xi32> -> vector<16xf32>
        %mul3A_248 = arith.mulf %mul3A_18, %gather3A_247 : vector<16xf32>
        %add3A_249 = arith.addf %mul3A_248, %mul3A_19 : vector<16xf32>
        %mul3A_250 = arith.mulf %add3A_249, %gather3A_247 : vector<16xf32>
        %add3A_251 = arith.addf %mul3A_250, %sub3A_28 : vector<16xf32>
        %exp3A_252 = math.exp %add3A_251 : vector<16xf32>
        %mul3A_253 = arith.mulf %mul3A_44, %gather3A_247 : vector<16xf32>
        %add3A_254 = arith.addf %mul3A_253, %mul3A_45 : vector<16xf32>
        %mul3A_255 = arith.mulf %add3A_254, %gather3A_247 : vector<16xf32>
        %add3A_256 = arith.addf %mul3A_255, %sub3A_55 : vector<16xf32>
        %exp3A_257 = math.exp %add3A_256 : vector<16xf32>
        %mul3A_258 = arith.mulf %mul3A_71, %gather3A_247 : vector<16xf32>
        %add3A_259 = arith.addf %mul3A_258, %mul3A_72 : vector<16xf32>
        %mul3A_260 = arith.mulf %add3A_259, %gather3A_247 : vector<16xf32>
        %add3A_261 = arith.addf %mul3A_260, %sub3A_82 : vector<16xf32>
        %exp3A_262 = math.exp %add3A_261 : vector<16xf32>
        %mul3A_263 = arith.mulf %mul3A_98, %gather3A_247 : vector<16xf32>
        %add3A_264 = arith.addf %mul3A_263, %mul3A_99 : vector<16xf32>
        %mul3A_265 = arith.mulf %add3A_264, %gather3A_247 : vector<16xf32>
        %add3A_266 = arith.addf %mul3A_265, %sub3A_109 : vector<16xf32>
        %exp3A_267 = math.exp %add3A_266 : vector<16xf32>
        %add3A_268 = arith.addf %exp3A_252, %exp3A_257 : vector<16xf32>
        %add3A_269 = arith.addf %exp3A_262, %exp3A_267 : vector<16xf32>
        %add3A_270 = arith.addf %add3A_268, %add3A_269 : vector<16xf32>
        %broadcast_in_dim3A_271 = arith.constant true
        %broadcast_in_dim3A_272 = vector.broadcast %broadcast_in_dim3A_271 : i1 to vector<16xi1>
        %masked_cumsum3A_273 = tpu.scan <sum>, %add3A_270 masked %broadcast_in_dim3A_272 : vector<16xf32>, vector<16xi1> -> vector<16xf32>
        %broadcast_in_dim3A_274 = arith.constant 15 : i32
        %broadcast_in_dim3A_275 = vector.broadcast %broadcast_in_dim3A_274 : i32 to vector<16xi32>
        %lt3A_276 = arith.constant 0 : i32
        %lt3A_277 = vector.broadcast %lt3A_276 : i32 to vector<16xi32>
        %lt3A_278 = arith.cmpi slt, %broadcast_in_dim3A_275, %lt3A_277 : vector<16xi32>
        %add3A_279 = arith.constant 16 : i32
        %add3A_280 = vector.broadcast %add3A_279 : i32 to vector<16xi32>
        %add3A_281 = arith.addi %broadcast_in_dim3A_275, %add3A_280 : vector<16xi32>
        %select_n3A_282 = arith.select %lt3A_278, %add3A_281, %broadcast_in_dim3A_275 : vector<16xi1>, vector<16xi32>
        %broadcast_in_dim3A_283 = vector.shape_cast %select_n3A_282 : vector<16xi32> to vector<16x1xi32>
        %gather3A_284 = vector.shape_cast %broadcast_in_dim3A_283 : vector<16x1xi32> to vector<16xi32>
        %gather3A_285 = tpu.dynamic_gather %masked_cumsum3A_273[%gather3A_284] in [0] : vector<16xf32>, vector<16xi32> -> vector<16xf32>
        %div3A_286 = arith.constant 1.000000e+00 : f32
        %div3A_287 = vector.broadcast %div3A_286 : f32 to vector<16xf32>
        %div3A_288 = arith.divf %div3A_287, %gather3A_285 : vector<16xf32>
        %mul3A_289 = arith.constant 16 : i32
        %mul3A_290 = arith.muli %scan3A_164, %mul3A_289 : i32
        %add3A_291 = arith.constant 1 : i32
        %add3A_292 = arith.addi %mul3A_290, %add3A_291 : i32
        %mul3A_293 = arith.mulf %exp3A_252, %div3A_288 : vector<16xf32>
        %swap3A_294 = arith.index_cast %add3A_292 : i32 to index
        %swap3A_295 = arith.constant 0 : index
        %swap3A_296 = tpu.vector_load %arg12[%swap3A_294, %swap3A_295] {strides = array<i32>} : memref<256x64xf32, #tpu.memory_space<vmem>>, vector<16xf32>,
        tpu.vector_store %arg12[%swap3A_294, %swap3A_295], %mul3A_293 {strides = array<i32>} : memref<256x64xf32, #tpu.memory_space<vmem>>, vector<16xf32>,
        %mul3A_297 = arith.mulf %exp3A_257, %div3A_288 : vector<16xf32>
        %swap3A_298 = arith.index_cast %add3A_292 : i32 to index
        %swap3A_299 = arith.constant 16 : index
        %swap3A_300 = tpu.vector_load %arg12[%swap3A_298, %swap3A_299] {strides = array<i32>} : memref<256x64xf32, #tpu.memory_space<vmem>>, vector<16xf32>,
        tpu.vector_store %arg12[%swap3A_298, %swap3A_299], %mul3A_297 {strides = array<i32>} : memref<256x64xf32, #tpu.memory_space<vmem>>, vector<16xf32>,
        %mul3A_301 = arith.mulf %exp3A_262, %div3A_288 : vector<16xf32>
        %swap3A_302 = arith.index_cast %add3A_292 : i32 to index
        %swap3A_303 = arith.constant 32 : index
        %swap3A_304 = tpu.vector_load %arg12[%swap3A_302, %swap3A_303] {strides = array<i32>} : memref<256x64xf32, #tpu.memory_space<vmem>>, vector<16xf32>,
        tpu.vector_store %arg12[%swap3A_302, %swap3A_303], %mul3A_301 {strides = array<i32>} : memref<256x64xf32, #tpu.memory_space<vmem>>, vector<16xf32>,
        %mul3A_305 = arith.mulf %exp3A_267, %div3A_288 : vector<16xf32>
        %swap3A_306 = arith.index_cast %add3A_292 : i32 to index
        %swap3A_307 = arith.constant 48 : index
        %swap3A_308 = tpu.vector_load %arg12[%swap3A_306, %swap3A_307] {strides = array<i32>} : memref<256x64xf32, #tpu.memory_space<vmem>>, vector<16xf32>,
        tpu.vector_store %arg12[%swap3A_306, %swap3A_307], %mul3A_305 {strides = array<i32>} : memref<256x64xf32, #tpu.memory_space<vmem>>, vector<16xf32>,
        %broadcast_in_dim3A_309 = arith.constant 2 : i32
        %broadcast_in_dim3A_310 = vector.broadcast %broadcast_in_dim3A_309 : i32 to vector<16xi32>
        %lt3A_311 = arith.constant 0 : i32
        %lt3A_312 = vector.broadcast %lt3A_311 : i32 to vector<16xi32>
        %lt3A_313 = arith.cmpi slt, %broadcast_in_dim3A_310, %lt3A_312 : vector<16xi32>
        %add3A_314 = arith.constant 16 : i32
        %add3A_315 = vector.broadcast %add3A_314 : i32 to vector<16xi32>
        %add3A_316 = arith.addi %broadcast_in_dim3A_310, %add3A_315 : vector<16xi32>
        %select_n3A_317 = arith.select %lt3A_313, %add3A_316, %broadcast_in_dim3A_310 : vector<16xi1>, vector<16xi32>
        %broadcast_in_dim3A_318 = vector.shape_cast %select_n3A_317 : vector<16xi32> to vector<16x1xi32>
        %gather3A_319 = vector.shape_cast %broadcast_in_dim3A_318 : vector<16x1xi32> to vector<16xi32>
        %gather3A_320 = tpu.dynamic_gather %get3A_169[%gather3A_319] in [0] : vector<16xf32>, vector<16xi32> -> vector<16xf32>
        %mul3A_321 = arith.mulf %mul3A_18, %gather3A_320 : vector<16xf32>
        %add3A_322 = arith.addf %mul3A_321, %mul3A_19 : vector<16xf32>
        %mul3A_323 = arith.mulf %add3A_322, %gather3A_320 : vector<16xf32>
        %add3A_324 = arith.addf %mul3A_323, %sub3A_28 : vector<16xf32>
        %exp3A_325 = math.exp %add3A_324 : vector<16xf32>
        %mul3A_326 = arith.mulf %mul3A_44, %gather3A_320 : vector<16xf32>
        %add3A_327 = arith.addf %mul3A_326, %mul3A_45 : vector<16xf32>
        %mul3A_328 = arith.mulf %add3A_327, %gather3A_320 : vector<16xf32>
        %add3A_329 = arith.addf %mul3A_328, %sub3A_55 : vector<16xf32>
        %exp3A_330 = math.exp %add3A_329 : vector<16xf32>
        %mul3A_331 = arith.mulf %mul3A_71, %gather3A_320 : vector<16xf32>
        %add3A_332 = arith.addf %mul3A_331, %mul3A_72 : vector<16xf32>
        %mul3A_333 = arith.mulf %add3A_332, %gather3A_320 : vector<16xf32>
        %add3A_334 = arith.addf %mul3A_333, %sub3A_82 : vector<16xf32>
        %exp3A_335 = math.exp %add3A_334 : vector<16xf32>
        %mul3A_336 = arith.mulf %mul3A_98, %gather3A_320 : vector<16xf32>
        %add3A_337 = arith.addf %mul3A_336, %mul3A_99 : vector<16xf32>
        %mul3A_338 = arith.mulf %add3A_337, %gather3A_320 : vector<16xf32>
        %add3A_339 = arith.addf %mul3A_338, %sub3A_109 : vector<16xf32>
        %exp3A_340 = math.exp %add3A_339 : vector<16xf32>
        %add3A_341 = arith.addf %exp3A_325, %exp3A_330 : vector<16xf32>
        %add3A_342 = arith.addf %exp3A_335, %exp3A_340 : vector<16xf32>
        %add3A_343 = arith.addf %add3A_341, %add3A_342 : vector<16xf32>
        %broadcast_in_dim3A_344 = arith.constant true
        %broadcast_in_dim3A_345 = vector.broadcast %broadcast_in_dim3A_344 : i1 to vector<16xi1>
        %masked_cumsum3A_346 = tpu.scan <sum>, %add3A_343 masked %broadcast_in_dim3A_345 : vector<16xf32>, vector<16xi1> -> vector<16xf32>
        %broadcast_in_dim3A_347 = arith.constant 15 : i32
        %broadcast_in_dim3A_348 = vector.broadcast %broadcast_in_dim3A_347 : i32 to vector<16xi32>
        %lt3A_349 = arith.constant 0 : i32
        %lt3A_350 = vector.broadcast %lt3A_349 : i32 to vector<16xi32>
        %lt3A_351 = arith.cmpi slt, %broadcast_in_dim3A_348, %lt3A_350 : vector<16xi32>
        %add3A_352 = arith.constant 16 : i32
        %add3A_353 = vector.broadcast %add3A_352 : i32 to vector<16xi32>
        %add3A_354 = arith.addi %broadcast_in_dim3A_348, %add3A_353 : vector<16xi32>
        %select_n3A_355 = arith.select %lt3A_351, %add3A_354, %broadcast_in_dim3A_348 : vector<16xi1>, vector<16xi32>
        %broadcast_in_dim3A_356 = vector.shape_cast %select_n3A_355 : vector<16xi32> to vector<16x1xi32>
        %gather3A_357 = vector.shape_cast %broadcast_in_dim3A_356 : vector<16x1xi32> to vector<16xi32>
        %gather3A_358 = tpu.dynamic_gather %masked_cumsum3A_346[%gather3A_357] in [0] : vector<16xf32>, vector<16xi32> -> vector<16xf32>
        %div3A_359 = arith.constant 1.000000e+00 : f32
        %div3A_360 = vector.broadcast %div3A_359 : f32 to vector<16xf32>
        %div3A_361 = arith.divf %div3A_360, %gather3A_358 : vector<16xf32>
        %mul3A_362 = arith.constant 16 : i32
        %mul3A_363 = arith.muli %scan3A_164, %mul3A_362 : i32
        %add3A_364 = arith.constant 2 : i32
        %add3A_365 = arith.addi %mul3A_363, %add3A_364 : i32
        %mul3A_366 = arith.mulf %exp3A_325, %div3A_361 : vector<16xf32>
        %swap3A_367 = arith.index_cast %add3A_365 : i32 to index
        %swap3A_368 = arith.constant 0 : index
        %swap3A_369 = tpu.vector_load %arg12[%swap3A_367, %swap3A_368] {strides = array<i32>} : memref<256x64xf32, #tpu.memory_space<vmem>>, vector<16xf32>,
        tpu.vector_store %arg12[%swap3A_367, %swap3A_368], %mul3A_366 {strides = array<i32>} : memref<256x64xf32, #tpu.memory_space<vmem>>, vector<16xf32>,
        %mul3A_370 = arith.mulf %exp3A_330, %div3A_361 : vector<16xf32>
        %swap3A_371 = arith.index_cast %add3A_365 : i32 to index
        %swap3A_372 = arith.constant 16 : index
        %swap3A_373 = tpu.vector_load %arg12[%swap3A_371, %swap3A_372] {strides = array<i32>} : memref<256x64xf32, #tpu.memory_space<vmem>>, vector<16xf32>,
        tpu.vector_store %arg12[%swap3A_371, %swap3A_372], %mul3A_370 {strides = array<i32>} : memref<256x64xf32, #tpu.memory_space<vmem>>, vector<16xf32>,
        %mul3A_374 = arith.mulf %exp3A_335, %div3A_361 : vector<16xf32>
        %swap3A_375 = arith.index_cast %add3A_365 : i32 to index
        %swap3A_376 = arith.constant 32 : index
        %swap3A_377 = tpu.vector_load %arg12[%swap3A_375, %swap3A_376] {strides = array<i32>} : memref<256x64xf32, #tpu.memory_space<vmem>>, vector<16xf32>,
        tpu.vector_store %arg12[%swap3A_375, %swap3A_376], %mul3A_374 {strides = array<i32>} : memref<256x64xf32, #tpu.memory_space<vmem>>, vector<16xf32>,
        %mul3A_378 = arith.mulf %exp3A_340, %div3A_361 : vector<16xf32>
        %swap3A_379 = arith.index_cast %add3A_365 : i32 to index
        %swap3A_380 = arith.constant 48 : index
        %swap3A_381 = tpu.vector_load %arg12[%swap3A_379, %swap3A_380] {strides = array<i32>} : memref<256x64xf32, #tpu.memory_space<vmem>>, vector<16xf32>,
        tpu.vector_store %arg12[%swap3A_379, %swap3A_380], %mul3A_378 {strides = array<i32>} : memref<256x64xf32, #tpu.memory_space<vmem>>, vector<16xf32>,
        %broadcast_in_dim3A_382 = arith.constant 3 : i32
        %broadcast_in_dim3A_383 = vector.broadcast %broadcast_in_dim3A_382 : i32 to vector<16xi32>
        %lt3A_384 = arith.constant 0 : i32
        %lt3A_385 = vector.broadcast %lt3A_384 : i32 to vector<16xi32>
        %lt3A_386 = arith.cmpi slt, %broadcast_in_dim3A_383, %lt3A_385 : vector<16xi32>
        %add3A_387 = arith.constant 16 : i32
        %add3A_388 = vector.broadcast %add3A_387 : i32 to vector<16xi32>
        %add3A_389 = arith.addi %broadcast_in_dim3A_383, %add3A_388 : vector<16xi32>
        %select_n3A_390 = arith.select %lt3A_386, %add3A_389, %broadcast_in_dim3A_383 : vector<16xi1>, vector<16xi32>
        %broadcast_in_dim3A_391 = vector.shape_cast %select_n3A_390 : vector<16xi32> to vector<16x1xi32>
        %gather3A_392 = vector.shape_cast %broadcast_in_dim3A_391 : vector<16x1xi32> to vector<16xi32>
        %gather3A_393 = tpu.dynamic_gather %get3A_169[%gather3A_392] in [0] : vector<16xf32>, vector<16xi32> -> vector<16xf32>
        %mul3A_394 = arith.mulf %mul3A_18, %gather3A_393 : vector<16xf32>
        %add3A_395 = arith.addf %mul3A_394, %mul3A_19 : vector<16xf32>
        %mul3A_396 = arith.mulf %add3A_395, %gather3A_393 : vector<16xf32>
        %add3A_397 = arith.addf %mul3A_396, %sub3A_28 : vector<16xf32>
        %exp3A_398 = math.exp %add3A_397 : vector<16xf32>
        %mul3A_399 = arith.mulf %mul3A_44, %gather3A_393 : vector<16xf32>
        %add3A_400 = arith.addf %mul3A_399, %mul3A_45 : vector<16xf32>
        %mul3A_401 = arith.mulf %add3A_400, %gather3A_393 : vector<16xf32>
        %add3A_402 = arith.addf %mul3A_401, %sub3A_55 : vector<16xf32>
        %exp3A_403 = math.exp %add3A_402 : vector<16xf32>
        %mul3A_404 = arith.mulf %mul3A_71, %gather3A_393 : vector<16xf32>
        %add3A_405 = arith.addf %mul3A_404, %mul3A_72 : vector<16xf32>
        %mul3A_406 = arith.mulf %add3A_405, %gather3A_393 : vector<16xf32>
        %add3A_407 = arith.addf %mul3A_406, %sub3A_82 : vector<16xf32>
        %exp3A_408 = math.exp %add3A_407 : vector<16xf32>
        %mul3A_409 = arith.mulf %mul3A_98, %gather3A_393 : vector<16xf32>
        %add3A_410 = arith.addf %mul3A_409, %mul3A_99 : vector<16xf32>
        %mul3A_411 = arith.mulf %add3A_410, %gather3A_393 : vector<16xf32>
        %add3A_412 = arith.addf %mul3A_411, %sub3A_109 : vector<16xf32>
        %exp3A_413 = math.exp %add3A_412 : vector<16xf32>
        %add3A_414 = arith.addf %exp3A_398, %exp3A_403 : vector<16xf32>
        %add3A_415 = arith.addf %exp3A_408, %exp3A_413 : vector<16xf32>
        %add3A_416 = arith.addf %add3A_414, %add3A_415 : vector<16xf32>
        %broadcast_in_dim3A_417 = arith.constant true
        %broadcast_in_dim3A_418 = vector.broadcast %broadcast_in_dim3A_417 : i1 to vector<16xi1>
        %masked_cumsum3A_419 = tpu.scan <sum>, %add3A_416 masked %broadcast_in_dim3A_418 : vector<16xf32>, vector<16xi1> -> vector<16xf32>
        %broadcast_in_dim3A_420 = arith.constant 15 : i32
        %broadcast_in_dim3A_421 = vector.broadcast %broadcast_in_dim3A_420 : i32 to vector<16xi32>
        %lt3A_422 = arith.constant 0 : i32
        %lt3A_423 = vector.broadcast %lt3A_422 : i32 to vector<16xi32>
        %lt3A_424 = arith.cmpi slt, %broadcast_in_dim3A_421, %lt3A_423 : vector<16xi32>
        %add3A_425 = arith.constant 16 : i32
        %add3A_426 = vector.broadcast %add3A_425 : i32 to vector<16xi32>
        %add3A_427 = arith.addi %broadcast_in_dim3A_421, %add3A_426 : vector<16xi32>
        %select_n3A_428 = arith.select %lt3A_424, %add3A_427, %broadcast_in_dim3A_421 : vector<16xi1>, vector<16xi32>
        %broadcast_in_dim3A_429 = vector.shape_cast %select_n3A_428 : vector<16xi32> to vector<16x1xi32>
        %gather3A_430 = vector.shape_cast %broadcast_in_dim3A_429 : vector<16x1xi32> to vector<16xi32>
        %gather3A_431 = tpu.dynamic_gather %masked_cumsum3A_419[%gather3A_430] in [0] : vector<16xf32>, vector<16xi32> -> vector<16xf32>
        %div3A_432 = arith.constant 1.000000e+00 : f32
        %div3A_433 = vector.broadcast %div3A_432 : f32 to vector<16xf32>
        %div3A_434 = arith.divf %div3A_433, %gather3A_431 : vector<16xf32>
        %mul3A_435 = arith.constant 16 : i32
        %mul3A_436 = arith.muli %scan3A_164, %mul3A_435 : i32
        %add3A_437 = arith.constant 3 : i32
        %add3A_438 = arith.addi %mul3A_436, %add3A_437 : i32
        %mul3A_439 = arith.mulf %exp3A_398, %div3A_434 : vector<16xf32>
        %swap3A_440 = arith.index_cast %add3A_438 : i32 to index
        %swap3A_441 = arith.constant 0 : index
        %swap3A_442 = tpu.vector_load %arg12[%swap3A_440, %swap3A_441] {strides = array<i32>} : memref<256x64xf32, #tpu.memory_space<vmem>>, vector<16xf32>,
        tpu.vector_store %arg12[%swap3A_440, %swap3A_441], %mul3A_439 {strides = array<i32>} : memref<256x64xf32, #tpu.memory_space<vmem>>, vector<16xf32>,
        %mul3A_443 = arith.mulf %exp3A_403, %div3A_434 : vector<16xf32>
        %swap3A_444 = arith.index_cast %add3A_438 : i32 to index
        %swap3A_445 = arith.constant 16 : index
        %swap3A_446 = tpu.vector_load %arg12[%swap3A_444, %swap3A_445] {strides = array<i32>} : memref<256x64xf32, #tpu.memory_space<vmem>>, vector<16xf32>,
        tpu.vector_store %arg12[%swap3A_444, %swap3A_445], %mul3A_443 {strides = array<i32>} : memref<256x64xf32, #tpu.memory_space<vmem>>, vector<16xf32>,
        %mul3A_447 = arith.mulf %exp3A_408, %div3A_434 : vector<16xf32>
        %swap3A_448 = arith.index_cast %add3A_438 : i32 to index
        %swap3A_449 = arith.constant 32 : index
        %swap3A_450 = tpu.vector_load %arg12[%swap3A_448, %swap3A_449] {strides = array<i32>} : memref<256x64xf32, #tpu.memory_space<vmem>>, vector<16xf32>,
        tpu.vector_store %arg12[%swap3A_448, %swap3A_449], %mul3A_447 {strides = array<i32>} : memref<256x64xf32, #tpu.memory_space<vmem>>, vector<16xf32>,
        %mul3A_451 = arith.mulf %exp3A_413, %div3A_434 : vector<16xf32>
        %swap3A_452 = arith.index_cast %add3A_438 : i32 to index
        %swap3A_453 = arith.constant 48 : index
        %swap3A_454 = tpu.vector_load %arg12[%swap3A_452, %swap3A_453] {strides = array<i32>} : memref<256x64xf32, #tpu.memory_space<vmem>>, vector<16xf32>,
        tpu.vector_store %arg12[%swap3A_452, %swap3A_453], %mul3A_451 {strides = array<i32>} : memref<256x64xf32, #tpu.memory_space<vmem>>, vector<16xf32>,
        %broadcast_in_dim3A_455 = arith.constant 4 : i32
        %broadcast_in_dim3A_456 = vector.broadcast %broadcast_in_dim3A_455 : i32 to vector<16xi32>
        %lt3A_457 = arith.constant 0 : i32
        %lt3A_458 = vector.broadcast %lt3A_457 : i32 to vector<16xi32>
        %lt3A_459 = arith.cmpi slt, %broadcast_in_dim3A_456, %lt3A_458 : vector<16xi32>
        %add3A_460 = arith.constant 16 : i32
        %add3A_461 = vector.broadcast %add3A_460 : i32 to vector<16xi32>
        %add3A_462 = arith.addi %broadcast_in_dim3A_456, %add3A_461 : vector<16xi32>
        %select_n3A_463 = arith.select %lt3A_459, %add3A_462, %broadcast_in_dim3A_456 : vector<16xi1>, vector<16xi32>
        %broadcast_in_dim3A_464 = vector.shape_cast %select_n3A_463 : vector<16xi32> to vector<16x1xi32>
        %gather3A_465 = vector.shape_cast %broadcast_in_dim3A_464 : vector<16x1xi32> to vector<16xi32>
        %gather3A_466 = tpu.dynamic_gather %get3A_169[%gather3A_465] in [0] : vector<16xf32>, vector<16xi32> -> vector<16xf32>
        %mul3A_467 = arith.mulf %mul3A_18, %gather3A_466 : vector<16xf32>
        %add3A_468 = arith.addf %mul3A_467, %mul3A_19 : vector<16xf32>
        %mul3A_469 = arith.mulf %add3A_468, %gather3A_466 : vector<16xf32>
        %add3A_470 = arith.addf %mul3A_469, %sub3A_28 : vector<16xf32>
        %exp3A_471 = math.exp %add3A_470 : vector<16xf32>
        %mul3A_472 = arith.mulf %mul3A_44, %gather3A_466 : vector<16xf32>
        %add3A_473 = arith.addf %mul3A_472, %mul3A_45 : vector<16xf32>
        %mul3A_474 = arith.mulf %add3A_473, %gather3A_466 : vector<16xf32>
        %add3A_475 = arith.addf %mul3A_474, %sub3A_55 : vector<16xf32>
        %exp3A_476 = math.exp %add3A_475 : vector<16xf32>
        %mul3A_477 = arith.mulf %mul3A_71, %gather3A_466 : vector<16xf32>
        %add3A_478 = arith.addf %mul3A_477, %mul3A_72 : vector<16xf32>
        %mul3A_479 = arith.mulf %add3A_478, %gather3A_466 : vector<16xf32>
        %add3A_480 = arith.addf %mul3A_479, %sub3A_82 : vector<16xf32>
        %exp3A_481 = math.exp %add3A_480 : vector<16xf32>
        %mul3A_482 = arith.mulf %mul3A_98, %gather3A_466 : vector<16xf32>
        %add3A_483 = arith.addf %mul3A_482, %mul3A_99 : vector<16xf32>
        %mul3A_484 = arith.mulf %add3A_483, %gather3A_466 : vector<16xf32>
        %add3A_485 = arith.addf %mul3A_484, %sub3A_109 : vector<16xf32>
        %exp3A_486 = math.exp %add3A_485 : vector<16xf32>
        %add3A_487 = arith.addf %exp3A_471, %exp3A_476 : vector<16xf32>
        %add3A_488 = arith.addf %exp3A_481, %exp3A_486 : vector<16xf32>
        %add3A_489 = arith.addf %add3A_487, %add3A_488 : vector<16xf32>
        %broadcast_in_dim3A_490 = arith.constant true
        %broadcast_in_dim3A_491 = vector.broadcast %broadcast_in_dim3A_490 : i1 to vector<16xi1>
        %masked_cumsum3A_492 = tpu.scan <sum>, %add3A_489 masked %broadcast_in_dim3A_491 : vector<16xf32>, vector<16xi1> -> vector<16xf32>
        %broadcast_in_dim3A_493 = arith.constant 15 : i32
        %broadcast_in_dim3A_494 = vector.broadcast %broadcast_in_dim3A_493 : i32 to vector<16xi32>
        %lt3A_495 = arith.constant 0 : i32
        %lt3A_496 = vector.broadcast %lt3A_495 : i32 to vector<16xi32>
        %lt3A_497 = arith.cmpi slt, %broadcast_in_dim3A_494, %lt3A_496 : vector<16xi32>
        %add3A_498 = arith.constant 16 : i32
        %add3A_499 = vector.broadcast %add3A_498 : i32 to vector<16xi32>
        %add3A_500 = arith.addi %broadcast_in_dim3A_494, %add3A_499 : vector<16xi32>
        %select_n3A_501 = arith.select %lt3A_497, %add3A_500, %broadcast_in_dim3A_494 : vector<16xi1>, vector<16xi32>
        %broadcast_in_dim3A_502 = vector.shape_cast %select_n3A_501 : vector<16xi32> to vector<16x1xi32>
        %gather3A_503 = vector.shape_cast %broadcast_in_dim3A_502 : vector<16x1xi32> to vector<16xi32>
        %gather3A_504 = tpu.dynamic_gather %masked_cumsum3A_492[%gather3A_503] in [0] : vector<16xf32>, vector<16xi32> -> vector<16xf32>
        %div3A_505 = arith.constant 1.000000e+00 : f32
        %div3A_506 = vector.broadcast %div3A_505 : f32 to vector<16xf32>
        %div3A_507 = arith.divf %div3A_506, %gather3A_504 : vector<16xf32>
        %mul3A_508 = arith.constant 16 : i32
        %mul3A_509 = arith.muli %scan3A_164, %mul3A_508 : i32
        %add3A_510 = arith.constant 4 : i32
        %add3A_511 = arith.addi %mul3A_509, %add3A_510 : i32
        %mul3A_512 = arith.mulf %exp3A_471, %div3A_507 : vector<16xf32>
        %swap3A_513 = arith.index_cast %add3A_511 : i32 to index
        %swap3A_514 = arith.constant 0 : index
        %swap3A_515 = tpu.vector_load %arg12[%swap3A_513, %swap3A_514] {strides = array<i32>} : memref<256x64xf32, #tpu.memory_space<vmem>>, vector<16xf32>,
        tpu.vector_store %arg12[%swap3A_513, %swap3A_514], %mul3A_512 {strides = array<i32>} : memref<256x64xf32, #tpu.memory_space<vmem>>, vector<16xf32>,
        %mul3A_516 = arith.mulf %exp3A_476, %div3A_507 : vector<16xf32>
        %swap3A_517 = arith.index_cast %add3A_511 : i32 to index
        %swap3A_518 = arith.constant 16 : index
        %swap3A_519 = tpu.vector_load %arg12[%swap3A_517, %swap3A_518] {strides = array<i32>} : memref<256x64xf32, #tpu.memory_space<vmem>>, vector<16xf32>,
        tpu.vector_store %arg12[%swap3A_517, %swap3A_518], %mul3A_516 {strides = array<i32>} : memref<256x64xf32, #tpu.memory_space<vmem>>, vector<16xf32>,
        %mul3A_520 = arith.mulf %exp3A_481, %div3A_507 : vector<16xf32>
        %swap3A_521 = arith.index_cast %add3A_511 : i32 to index
        %swap3A_522 = arith.constant 32 : index
        %swap3A_523 = tpu.vector_load %arg12[%swap3A_521, %swap3A_522] {strides = array<i32>} : memref<256x64xf32, #tpu.memory_space<vmem>>, vector<16xf32>,
        tpu.vector_store %arg12[%swap3A_521, %swap3A_522], %mul3A_520 {strides = array<i32>} : memref<256x64xf32, #tpu.memory_space<vmem>>, vector<16xf32>,
        %mul3A_524 = arith.mulf %exp3A_486, %div3A_507 : vector<16xf32>
        %swap3A_525 = arith.index_cast %add3A_511 : i32 to index
        %swap3A_526 = arith.constant 48 : index
        %swap3A_527 = tpu.vector_load %arg12[%swap3A_525, %swap3A_526] {strides = array<i32>} : memref<256x64xf32, #tpu.memory_space<vmem>>, vector<16xf32>,
        tpu.vector_store %arg12[%swap3A_525, %swap3A_526], %mul3A_524 {strides = array<i32>} : memref<256x64xf32, #tpu.memory_space<vmem>>, vector<16xf32>,
        %broadcast_in_dim3A_528 = arith.constant 5 : i32
        %broadcast_in_dim3A_529 = vector.broadcast %broadcast_in_dim3A_528 : i32 to vector<16xi32>
        %lt3A_530 = arith.constant 0 : i32
        %lt3A_531 = vector.broadcast %lt3A_530 : i32 to vector<16xi32>
        %lt3A_532 = arith.cmpi slt, %broadcast_in_dim3A_529, %lt3A_531 : vector<16xi32>
        %add3A_533 = arith.constant 16 : i32
        %add3A_534 = vector.broadcast %add3A_533 : i32 to vector<16xi32>
        %add3A_535 = arith.addi %broadcast_in_dim3A_529, %add3A_534 : vector<16xi32>
        %select_n3A_536 = arith.select %lt3A_532, %add3A_535, %broadcast_in_dim3A_529 : vector<16xi1>, vector<16xi32>
        %broadcast_in_dim3A_537 = vector.shape_cast %select_n3A_536 : vector<16xi32> to vector<16x1xi32>
        %gather3A_538 = vector.shape_cast %broadcast_in_dim3A_537 : vector<16x1xi32> to vector<16xi32>
        %gather3A_539 = tpu.dynamic_gather %get3A_169[%gather3A_538] in [0] : vector<16xf32>, vector<16xi32> -> vector<16xf32>
        %mul3A_540 = arith.mulf %mul3A_18, %gather3A_539 : vector<16xf32>
        %add3A_541 = arith.addf %mul3A_540, %mul3A_19 : vector<16xf32>
        %mul3A_542 = arith.mulf %add3A_541, %gather3A_539 : vector<16xf32>
        %add3A_543 = arith.addf %mul3A_542, %sub3A_28 : vector<16xf32>
        %exp3A_544 = math.exp %add3A_543 : vector<16xf32>
        %mul3A_545 = arith.mulf %mul3A_44, %gather3A_539 : vector<16xf32>
        %add3A_546 = arith.addf %mul3A_545, %mul3A_45 : vector<16xf32>
        %mul3A_547 = arith.mulf %add3A_546, %gather3A_539 : vector<16xf32>
        %add3A_548 = arith.addf %mul3A_547, %sub3A_55 : vector<16xf32>
        %exp3A_549 = math.exp %add3A_548 : vector<16xf32>
        %mul3A_550 = arith.mulf %mul3A_71, %gather3A_539 : vector<16xf32>
        %add3A_551 = arith.addf %mul3A_550, %mul3A_72 : vector<16xf32>
        %mul3A_552 = arith.mulf %add3A_551, %gather3A_539 : vector<16xf32>
        %add3A_553 = arith.addf %mul3A_552, %sub3A_82 : vector<16xf32>
        %exp3A_554 = math.exp %add3A_553 : vector<16xf32>
        %mul3A_555 = arith.mulf %mul3A_98, %gather3A_539 : vector<16xf32>
        %add3A_556 = arith.addf %mul3A_555, %mul3A_99 : vector<16xf32>
        %mul3A_557 = arith.mulf %add3A_556, %gather3A_539 : vector<16xf32>
        %add3A_558 = arith.addf %mul3A_557, %sub3A_109 : vector<16xf32>
        %exp3A_559 = math.exp %add3A_558 : vector<16xf32>
        %add3A_560 = arith.addf %exp3A_544, %exp3A_549 : vector<16xf32>
        %add3A_561 = arith.addf %exp3A_554, %exp3A_559 : vector<16xf32>
        %add3A_562 = arith.addf %add3A_560, %add3A_561 : vector<16xf32>
        %broadcast_in_dim3A_563 = arith.constant true
        %broadcast_in_dim3A_564 = vector.broadcast %broadcast_in_dim3A_563 : i1 to vector<16xi1>
        %masked_cumsum3A_565 = tpu.scan <sum>, %add3A_562 masked %broadcast_in_dim3A_564 : vector<16xf32>, vector<16xi1> -> vector<16xf32>
        %broadcast_in_dim3A_566 = arith.constant 15 : i32
        %broadcast_in_dim3A_567 = vector.broadcast %broadcast_in_dim3A_566 : i32 to vector<16xi32>
        %lt3A_568 = arith.constant 0 : i32
        %lt3A_569 = vector.broadcast %lt3A_568 : i32 to vector<16xi32>
        %lt3A_570 = arith.cmpi slt, %broadcast_in_dim3A_567, %lt3A_569 : vector<16xi32>
        %add3A_571 = arith.constant 16 : i32
        %add3A_572 = vector.broadcast %add3A_571 : i32 to vector<16xi32>
        %add3A_573 = arith.addi %broadcast_in_dim3A_567, %add3A_572 : vector<16xi32>
        %select_n3A_574 = arith.select %lt3A_570, %add3A_573, %broadcast_in_dim3A_567 : vector<16xi1>, vector<16xi32>
        %broadcast_in_dim3A_575 = vector.shape_cast %select_n3A_574 : vector<16xi32> to vector<16x1xi32>
        %gather3A_576 = vector.shape_cast %broadcast_in_dim3A_575 : vector<16x1xi32> to vector<16xi32>
        %gather3A_577 = tpu.dynamic_gather %masked_cumsum3A_565[%gather3A_576] in [0] : vector<16xf32>, vector<16xi32> -> vector<16xf32>
        %div3A_578 = arith.constant 1.000000e+00 : f32
        %div3A_579 = vector.broadcast %div3A_578 : f32 to vector<16xf32>
        %div3A_580 = arith.divf %div3A_579, %gather3A_577 : vector<16xf32>
        %mul3A_581 = arith.constant 16 : i32
        %mul3A_582 = arith.muli %scan3A_164, %mul3A_581 : i32
        %add3A_583 = arith.constant 5 : i32
        %add3A_584 = arith.addi %mul3A_582, %add3A_583 : i32
        %mul3A_585 = arith.mulf %exp3A_544, %div3A_580 : vector<16xf32>
        %swap3A_586 = arith.index_cast %add3A_584 : i32 to index
        %swap3A_587 = arith.constant 0 : index
        %swap3A_588 = tpu.vector_load %arg12[%swap3A_586, %swap3A_587] {strides = array<i32>} : memref<256x64xf32, #tpu.memory_space<vmem>>, vector<16xf32>,
        tpu.vector_store %arg12[%swap3A_586, %swap3A_587], %mul3A_585 {strides = array<i32>} : memref<256x64xf32, #tpu.memory_space<vmem>>, vector<16xf32>,
        %mul3A_589 = arith.mulf %exp3A_549, %div3A_580 : vector<16xf32>
        %swap3A_590 = arith.index_cast %add3A_584 : i32 to index
        %swap3A_591 = arith.constant 16 : index
        %swap3A_592 = tpu.vector_load %arg12[%swap3A_590, %swap3A_591] {strides = array<i32>} : memref<256x64xf32, #tpu.memory_space<vmem>>, vector<16xf32>,
        tpu.vector_store %arg12[%swap3A_590, %swap3A_591], %mul3A_589 {strides = array<i32>} : memref<256x64xf32, #tpu.memory_space<vmem>>, vector<16xf32>,
        %mul3A_593 = arith.mulf %exp3A_554, %div3A_580 : vector<16xf32>
        %swap3A_594 = arith.index_cast %add3A_584 : i32 to index
        %swap3A_595 = arith.constant 32 : index
        %swap3A_596 = tpu.vector_load %arg12[%swap3A_594, %swap3A_595] {strides = array<i32>} : memref<256x64xf32, #tpu.memory_space<vmem>>, vector<16xf32>,
        tpu.vector_store %arg12[%swap3A_594, %swap3A_595], %mul3A_593 {strides = array<i32>} : memref<256x64xf32, #tpu.memory_space<vmem>>, vector<16xf32>,
        %mul3A_597 = arith.mulf %exp3A_559, %div3A_580 : vector<16xf32>
        %swap3A_598 = arith.index_cast %add3A_584 : i32 to index
        %swap3A_599 = arith.constant 48 : index
        %swap3A_600 = tpu.vector_load %arg12[%swap3A_598, %swap3A_599] {strides = array<i32>} : memref<256x64xf32, #tpu.memory_space<vmem>>, vector<16xf32>,
        tpu.vector_store %arg12[%swap3A_598, %swap3A_599], %mul3A_597 {strides = array<i32>} : memref<256x64xf32, #tpu.memory_space<vmem>>, vector<16xf32>,
        %broadcast_in_dim3A_601 = arith.constant 6 : i32
        %broadcast_in_dim3A_602 = vector.broadcast %broadcast_in_dim3A_601 : i32 to vector<16xi32>
        %lt3A_603 = arith.constant 0 : i32
        %lt3A_604 = vector.broadcast %lt3A_603 : i32 to vector<16xi32>
        %lt3A_605 = arith.cmpi slt, %broadcast_in_dim3A_602, %lt3A_604 : vector<16xi32>
        %add3A_606 = arith.constant 16 : i32
        %add3A_607 = vector.broadcast %add3A_606 : i32 to vector<16xi32>
        %add3A_608 = arith.addi %broadcast_in_dim3A_602, %add3A_607 : vector<16xi32>
        %select_n3A_609 = arith.select %lt3A_605, %add3A_608, %broadcast_in_dim3A_602 : vector<16xi1>, vector<16xi32>
        %broadcast_in_dim3A_610 = vector.shape_cast %select_n3A_609 : vector<16xi32> to vector<16x1xi32>
        %gather3A_611 = vector.shape_cast %broadcast_in_dim3A_610 : vector<16x1xi32> to vector<16xi32>
        %gather3A_612 = tpu.dynamic_gather %get3A_169[%gather3A_611] in [0] : vector<16xf32>, vector<16xi32> -> vector<16xf32>
        %mul3A_613 = arith.mulf %mul3A_18, %gather3A_612 : vector<16xf32>
        %add3A_614 = arith.addf %mul3A_613, %mul3A_19 : vector<16xf32>
        %mul3A_615 = arith.mulf %add3A_614, %gather3A_612 : vector<16xf32>
        %add3A_616 = arith.addf %mul3A_615, %sub3A_28 : vector<16xf32>
        %exp3A_617 = math.exp %add3A_616 : vector<16xf32>
        %mul3A_618 = arith.mulf %mul3A_44, %gather3A_612 : vector<16xf32>
        %add3A_619 = arith.addf %mul3A_618, %mul3A_45 : vector<16xf32>
        %mul3A_620 = arith.mulf %add3A_619, %gather3A_612 : vector<16xf32>
        %add3A_621 = arith.addf %mul3A_620, %sub3A_55 : vector<16xf32>
        %exp3A_622 = math.exp %add3A_621 : vector<16xf32>
        %mul3A_623 = arith.mulf %mul3A_71, %gather3A_612 : vector<16xf32>
        %add3A_624 = arith.addf %mul3A_623, %mul3A_72 : vector<16xf32>
        %mul3A_625 = arith.mulf %add3A_624, %gather3A_612 : vector<16xf32>
        %add3A_626 = arith.addf %mul3A_625, %sub3A_82 : vector<16xf32>
        %exp3A_627 = math.exp %add3A_626 : vector<16xf32>
        %mul3A_628 = arith.mulf %mul3A_98, %gather3A_612 : vector<16xf32>
        %add3A_629 = arith.addf %mul3A_628, %mul3A_99 : vector<16xf32>
        %mul3A_630 = arith.mulf %add3A_629, %gather3A_612 : vector<16xf32>
        %add3A_631 = arith.addf %mul3A_630, %sub3A_109 : vector<16xf32>
        %exp3A_632 = math.exp %add3A_631 : vector<16xf32>
        %add3A_633 = arith.addf %exp3A_617, %exp3A_622 : vector<16xf32>
        %add3A_634 = arith.addf %exp3A_627, %exp3A_632 : vector<16xf32>
        %add3A_635 = arith.addf %add3A_633, %add3A_634 : vector<16xf32>
        %broadcast_in_dim3A_636 = arith.constant true
        %broadcast_in_dim3A_637 = vector.broadcast %broadcast_in_dim3A_636 : i1 to vector<16xi1>
        %masked_cumsum3A_638 = tpu.scan <sum>, %add3A_635 masked %broadcast_in_dim3A_637 : vector<16xf32>, vector<16xi1> -> vector<16xf32>
        %broadcast_in_dim3A_639 = arith.constant 15 : i32
        %broadcast_in_dim3A_640 = vector.broadcast %broadcast_in_dim3A_639 : i32 to vector<16xi32>
        %lt3A_641 = arith.constant 0 : i32
        %lt3A_642 = vector.broadcast %lt3A_641 : i32 to vector<16xi32>
        %lt3A_643 = arith.cmpi slt, %broadcast_in_dim3A_640, %lt3A_642 : vector<16xi32>
        %add3A_644 = arith.constant 16 : i32
        %add3A_645 = vector.broadcast %add3A_644 : i32 to vector<16xi32>
        %add3A_646 = arith.addi %broadcast_in_dim3A_640, %add3A_645 : vector<16xi32>
        %select_n3A_647 = arith.select %lt3A_643, %add3A_646, %broadcast_in_dim3A_640 : vector<16xi1>, vector<16xi32>
        %broadcast_in_dim3A_648 = vector.shape_cast %select_n3A_647 : vector<16xi32> to vector<16x1xi32>
        %gather3A_649 = vector.shape_cast %broadcast_in_dim3A_648 : vector<16x1xi32> to vector<16xi32>
        %gather3A_650 = tpu.dynamic_gather %masked_cumsum3A_638[%gather3A_649] in [0] : vector<16xf32>, vector<16xi32> -> vector<16xf32>
        %div3A_651 = arith.constant 1.000000e+00 : f32
        %div3A_652 = vector.broadcast %div3A_651 : f32 to vector<16xf32>
        %div3A_653 = arith.divf %div3A_652, %gather3A_650 : vector<16xf32>
        %mul3A_654 = arith.constant 16 : i32
        %mul3A_655 = arith.muli %scan3A_164, %mul3A_654 : i32
        %add3A_656 = arith.constant 6 : i32
        %add3A_657 = arith.addi %mul3A_655, %add3A_656 : i32
        %mul3A_658 = arith.mulf %exp3A_617, %div3A_653 : vector<16xf32>
        %swap3A_659 = arith.index_cast %add3A_657 : i32 to index
        %swap3A_660 = arith.constant 0 : index
        %swap3A_661 = tpu.vector_load %arg12[%swap3A_659, %swap3A_660] {strides = array<i32>} : memref<256x64xf32, #tpu.memory_space<vmem>>, vector<16xf32>,
        tpu.vector_store %arg12[%swap3A_659, %swap3A_660], %mul3A_658 {strides = array<i32>} : memref<256x64xf32, #tpu.memory_space<vmem>>, vector<16xf32>,
        %mul3A_662 = arith.mulf %exp3A_622, %div3A_653 : vector<16xf32>
        %swap3A_663 = arith.index_cast %add3A_657 : i32 to index
        %swap3A_664 = arith.constant 16 : index
        %swap3A_665 = tpu.vector_load %arg12[%swap3A_663, %swap3A_664] {strides = array<i32>} : memref<256x64xf32, #tpu.memory_space<vmem>>, vector<16xf32>,
        tpu.vector_store %arg12[%swap3A_663, %swap3A_664], %mul3A_662 {strides = array<i32>} : memref<256x64xf32, #tpu.memory_space<vmem>>, vector<16xf32>,
        %mul3A_666 = arith.mulf %exp3A_627, %div3A_653 : vector<16xf32>
        %swap3A_667 = arith.index_cast %add3A_657 : i32 to index
        %swap3A_668 = arith.constant 32 : index
        %swap3A_669 = tpu.vector_load %arg12[%swap3A_667, %swap3A_668] {strides = array<i32>} : memref<256x64xf32, #tpu.memory_space<vmem>>, vector<16xf32>,
        tpu.vector_store %arg12[%swap3A_667, %swap3A_668], %mul3A_666 {strides = array<i32>} : memref<256x64xf32, #tpu.memory_space<vmem>>, vector<16xf32>,
        %mul3A_670 = arith.mulf %exp3A_632, %div3A_653 : vector<16xf32>
        %swap3A_671 = arith.index_cast %add3A_657 : i32 to index
        %swap3A_672 = arith.constant 48 : index
        %swap3A_673 = tpu.vector_load %arg12[%swap3A_671, %swap3A_672] {strides = array<i32>} : memref<256x64xf32, #tpu.memory_space<vmem>>, vector<16xf32>,
        tpu.vector_store %arg12[%swap3A_671, %swap3A_672], %mul3A_670 {strides = array<i32>} : memref<256x64xf32, #tpu.memory_space<vmem>>, vector<16xf32>,
        %broadcast_in_dim3A_674 = arith.constant 7 : i32
        %broadcast_in_dim3A_675 = vector.broadcast %broadcast_in_dim3A_674 : i32 to vector<16xi32>
        %lt3A_676 = arith.constant 0 : i32
        %lt3A_677 = vector.broadcast %lt3A_676 : i32 to vector<16xi32>
        %lt3A_678 = arith.cmpi slt, %broadcast_in_dim3A_675, %lt3A_677 : vector<16xi32>
        %add3A_679 = arith.constant 16 : i32
        %add3A_680 = vector.broadcast %add3A_679 : i32 to vector<16xi32>
        %add3A_681 = arith.addi %broadcast_in_dim3A_675, %add3A_680 : vector<16xi32>
        %select_n3A_682 = arith.select %lt3A_678, %add3A_681, %broadcast_in_dim3A_675 : vector<16xi1>, vector<16xi32>
        %broadcast_in_dim3A_683 = vector.shape_cast %select_n3A_682 : vector<16xi32> to vector<16x1xi32>
        %gather3A_684 = vector.shape_cast %broadcast_in_dim3A_683 : vector<16x1xi32> to vector<16xi32>
        %gather3A_685 = tpu.dynamic_gather %get3A_169[%gather3A_684] in [0] : vector<16xf32>, vector<16xi32> -> vector<16xf32>
        %mul3A_686 = arith.mulf %mul3A_18, %gather3A_685 : vector<16xf32>
        %add3A_687 = arith.addf %mul3A_686, %mul3A_19 : vector<16xf32>
        %mul3A_688 = arith.mulf %add3A_687, %gather3A_685 : vector<16xf32>
        %add3A_689 = arith.addf %mul3A_688, %sub3A_28 : vector<16xf32>
        %exp3A_690 = math.exp %add3A_689 : vector<16xf32>
        %mul3A_691 = arith.mulf %mul3A_44, %gather3A_685 : vector<16xf32>
        %add3A_692 = arith.addf %mul3A_691, %mul3A_45 : vector<16xf32>
        %mul3A_693 = arith.mulf %add3A_692, %gather3A_685 : vector<16xf32>
        %add3A_694 = arith.addf %mul3A_693, %sub3A_55 : vector<16xf32>
        %exp3A_695 = math.exp %add3A_694 : vector<16xf32>
        %mul3A_696 = arith.mulf %mul3A_71, %gather3A_685 : vector<16xf32>
        %add3A_697 = arith.addf %mul3A_696, %mul3A_72 : vector<16xf32>
        %mul3A_698 = arith.mulf %add3A_697, %gather3A_685 : vector<16xf32>
        %add3A_699 = arith.addf %mul3A_698, %sub3A_82 : vector<16xf32>
        %exp3A_700 = math.exp %add3A_699 : vector<16xf32>
        %mul3A_701 = arith.mulf %mul3A_98, %gather3A_685 : vector<16xf32>
        %add3A_702 = arith.addf %mul3A_701, %mul3A_99 : vector<16xf32>
        %mul3A_703 = arith.mulf %add3A_702, %gather3A_685 : vector<16xf32>
        %add3A_704 = arith.addf %mul3A_703, %sub3A_109 : vector<16xf32>
        %exp3A_705 = math.exp %add3A_704 : vector<16xf32>
        %add3A_706 = arith.addf %exp3A_690, %exp3A_695 : vector<16xf32>
        %add3A_707 = arith.addf %exp3A_700, %exp3A_705 : vector<16xf32>
        %add3A_708 = arith.addf %add3A_706, %add3A_707 : vector<16xf32>
        %broadcast_in_dim3A_709 = arith.constant true
        %broadcast_in_dim3A_710 = vector.broadcast %broadcast_in_dim3A_709 : i1 to vector<16xi1>
        %masked_cumsum3A_711 = tpu.scan <sum>, %add3A_708 masked %broadcast_in_dim3A_710 : vector<16xf32>, vector<16xi1> -> vector<16xf32>
        %broadcast_in_dim3A_712 = arith.constant 15 : i32
        %broadcast_in_dim3A_713 = vector.broadcast %broadcast_in_dim3A_712 : i32 to vector<16xi32>
        %lt3A_714 = arith.constant 0 : i32
        %lt3A_715 = vector.broadcast %lt3A_714 : i32 to vector<16xi32>
        %lt3A_716 = arith.cmpi slt, %broadcast_in_dim3A_713, %lt3A_715 : vector<16xi32>
        %add3A_717 = arith.constant 16 : i32
        %add3A_718 = vector.broadcast %add3A_717 : i32 to vector<16xi32>
        %add3A_719 = arith.addi %broadcast_in_dim3A_713, %add3A_718 : vector<16xi32>
        %select_n3A_720 = arith.select %lt3A_716, %add3A_719, %broadcast_in_dim3A_713 : vector<16xi1>, vector<16xi32>
        %broadcast_in_dim3A_721 = vector.shape_cast %select_n3A_720 : vector<16xi32> to vector<16x1xi32>
        %gather3A_722 = vector.shape_cast %broadcast_in_dim3A_721 : vector<16x1xi32> to vector<16xi32>
        %gather3A_723 = tpu.dynamic_gather %masked_cumsum3A_711[%gather3A_722] in [0] : vector<16xf32>, vector<16xi32> -> vector<16xf32>
        %div3A_724 = arith.constant 1.000000e+00 : f32
        %div3A_725 = vector.broadcast %div3A_724 : f32 to vector<16xf32>
        %div3A_726 = arith.divf %div3A_725, %gather3A_723 : vector<16xf32>
        %mul3A_727 = arith.constant 16 : i32
        %mul3A_728 = arith.muli %scan3A_164, %mul3A_727 : i32
        %add3A_729 = arith.constant 7 : i32
        %add3A_730 = arith.addi %mul3A_728, %add3A_729 : i32
        %mul3A_731 = arith.mulf %exp3A_690, %div3A_726 : vector<16xf32>
        %swap3A_732 = arith.index_cast %add3A_730 : i32 to index
        %swap3A_733 = arith.constant 0 : index
        %swap3A_734 = tpu.vector_load %arg12[%swap3A_732, %swap3A_733] {strides = array<i32>} : memref<256x64xf32, #tpu.memory_space<vmem>>, vector<16xf32>,
        tpu.vector_store %arg12[%swap3A_732, %swap3A_733], %mul3A_731 {strides = array<i32>} : memref<256x64xf32, #tpu.memory_space<vmem>>, vector<16xf32>,
        %mul3A_735 = arith.mulf %exp3A_695, %div3A_726 : vector<16xf32>
        %swap3A_736 = arith.index_cast %add3A_730 : i32 to index
        %swap3A_737 = arith.constant 16 : index
        %swap3A_738 = tpu.vector_load %arg12[%swap3A_736, %swap3A_737] {strides = array<i32>} : memref<256x64xf32, #tpu.memory_space<vmem>>, vector<16xf32>,
        tpu.vector_store %arg12[%swap3A_736, %swap3A_737], %mul3A_735 {strides = array<i32>} : memref<256x64xf32, #tpu.memory_space<vmem>>, vector<16xf32>,
        %mul3A_739 = arith.mulf %exp3A_700, %div3A_726 : vector<16xf32>
        %swap3A_740 = arith.index_cast %add3A_730 : i32 to index
        %swap3A_741 = arith.constant 32 : index
        %swap3A_742 = tpu.vector_load %arg12[%swap3A_740, %swap3A_741] {strides = array<i32>} : memref<256x64xf32, #tpu.memory_space<vmem>>, vector<16xf32>,
        tpu.vector_store %arg12[%swap3A_740, %swap3A_741], %mul3A_739 {strides = array<i32>} : memref<256x64xf32, #tpu.memory_space<vmem>>, vector<16xf32>,
        %mul3A_743 = arith.mulf %exp3A_705, %div3A_726 : vector<16xf32>
        %swap3A_744 = arith.index_cast %add3A_730 : i32 to index
        %swap3A_745 = arith.constant 48 : index
        %swap3A_746 = tpu.vector_load %arg12[%swap3A_744, %swap3A_745] {strides = array<i32>} : memref<256x64xf32, #tpu.memory_space<vmem>>, vector<16xf32>,
        tpu.vector_store %arg12[%swap3A_744, %swap3A_745], %mul3A_743 {strides = array<i32>} : memref<256x64xf32, #tpu.memory_space<vmem>>, vector<16xf32>,
        %broadcast_in_dim3A_747 = arith.constant 8 : i32
        %broadcast_in_dim3A_748 = vector.broadcast %broadcast_in_dim3A_747 : i32 to vector<16xi32>
        %lt3A_749 = arith.constant 0 : i32
        %lt3A_750 = vector.broadcast %lt3A_749 : i32 to vector<16xi32>
        %lt3A_751 = arith.cmpi slt, %broadcast_in_dim3A_748, %lt3A_750 : vector<16xi32>
        %add3A_752 = arith.constant 16 : i32
        %add3A_753 = vector.broadcast %add3A_752 : i32 to vector<16xi32>
        %add3A_754 = arith.addi %broadcast_in_dim3A_748, %add3A_753 : vector<16xi32>
        %select_n3A_755 = arith.select %lt3A_751, %add3A_754, %broadcast_in_dim3A_748 : vector<16xi1>, vector<16xi32>
        %broadcast_in_dim3A_756 = vector.shape_cast %select_n3A_755 : vector<16xi32> to vector<16x1xi32>
        %gather3A_757 = vector.shape_cast %broadcast_in_dim3A_756 : vector<16x1xi32> to vector<16xi32>
        %gather3A_758 = tpu.dynamic_gather %get3A_169[%gather3A_757] in [0] : vector<16xf32>, vector<16xi32> -> vector<16xf32>
        %mul3A_759 = arith.mulf %mul3A_18, %gather3A_758 : vector<16xf32>
        %add3A_760 = arith.addf %mul3A_759, %mul3A_19 : vector<16xf32>
        %mul3A_761 = arith.mulf %add3A_760, %gather3A_758 : vector<16xf32>
        %add3A_762 = arith.addf %mul3A_761, %sub3A_28 : vector<16xf32>
        %exp3A_763 = math.exp %add3A_762 : vector<16xf32>
        %mul3A_764 = arith.mulf %mul3A_44, %gather3A_758 : vector<16xf32>
        %add3A_765 = arith.addf %mul3A_764, %mul3A_45 : vector<16xf32>
        %mul3A_766 = arith.mulf %add3A_765, %gather3A_758 : vector<16xf32>
        %add3A_767 = arith.addf %mul3A_766, %sub3A_55 : vector<16xf32>
        %exp3A_768 = math.exp %add3A_767 : vector<16xf32>
        %mul3A_769 = arith.mulf %mul3A_71, %gather3A_758 : vector<16xf32>
        %add3A_770 = arith.addf %mul3A_769, %mul3A_72 : vector<16xf32>
        %mul3A_771 = arith.mulf %add3A_770, %gather3A_758 : vector<16xf32>
        %add3A_772 = arith.addf %mul3A_771, %sub3A_82 : vector<16xf32>
        %exp3A_773 = math.exp %add3A_772 : vector<16xf32>
        %mul3A_774 = arith.mulf %mul3A_98, %gather3A_758 : vector<16xf32>
        %add3A_775 = arith.addf %mul3A_774, %mul3A_99 : vector<16xf32>
        %mul3A_776 = arith.mulf %add3A_775, %gather3A_758 : vector<16xf32>
        %add3A_777 = arith.addf %mul3A_776, %sub3A_109 : vector<16xf32>
        %exp3A_778 = math.exp %add3A_777 : vector<16xf32>
        %add3A_779 = arith.addf %exp3A_763, %exp3A_768 : vector<16xf32>
        %add3A_780 = arith.addf %exp3A_773, %exp3A_778 : vector<16xf32>
        %add3A_781 = arith.addf %add3A_779, %add3A_780 : vector<16xf32>
        %broadcast_in_dim3A_782 = arith.constant true
        %broadcast_in_dim3A_783 = vector.broadcast %broadcast_in_dim3A_782 : i1 to vector<16xi1>
        %masked_cumsum3A_784 = tpu.scan <sum>, %add3A_781 masked %broadcast_in_dim3A_783 : vector<16xf32>, vector<16xi1> -> vector<16xf32>
        %broadcast_in_dim3A_785 = arith.constant 15 : i32
        %broadcast_in_dim3A_786 = vector.broadcast %broadcast_in_dim3A_785 : i32 to vector<16xi32>
        %lt3A_787 = arith.constant 0 : i32
        %lt3A_788 = vector.broadcast %lt3A_787 : i32 to vector<16xi32>
        %lt3A_789 = arith.cmpi slt, %broadcast_in_dim3A_786, %lt3A_788 : vector<16xi32>
        %add3A_790 = arith.constant 16 : i32
        %add3A_791 = vector.broadcast %add3A_790 : i32 to vector<16xi32>
        %add3A_792 = arith.addi %broadcast_in_dim3A_786, %add3A_791 : vector<16xi32>
        %select_n3A_793 = arith.select %lt3A_789, %add3A_792, %broadcast_in_dim3A_786 : vector<16xi1>, vector<16xi32>
        %broadcast_in_dim3A_794 = vector.shape_cast %select_n3A_793 : vector<16xi32> to vector<16x1xi32>
        %gather3A_795 = vector.shape_cast %broadcast_in_dim3A_794 : vector<16x1xi32> to vector<16xi32>
        %gather3A_796 = tpu.dynamic_gather %masked_cumsum3A_784[%gather3A_795] in [0] : vector<16xf32>, vector<16xi32> -> vector<16xf32>
        %div3A_797 = arith.constant 1.000000e+00 : f32
        %div3A_798 = vector.broadcast %div3A_797 : f32 to vector<16xf32>
        %div3A_799 = arith.divf %div3A_798, %gather3A_796 : vector<16xf32>
        %mul3A_800 = arith.constant 16 : i32
        %mul3A_801 = arith.muli %scan3A_164, %mul3A_800 : i32
        %add3A_802 = arith.constant 8 : i32
        %add3A_803 = arith.addi %mul3A_801, %add3A_802 : i32
        %mul3A_804 = arith.mulf %exp3A_763, %div3A_799 : vector<16xf32>
        %swap3A_805 = arith.index_cast %add3A_803 : i32 to index
        %swap3A_806 = arith.constant 0 : index
        %swap3A_807 = tpu.vector_load %arg12[%swap3A_805, %swap3A_806] {strides = array<i32>} : memref<256x64xf32, #tpu.memory_space<vmem>>, vector<16xf32>,
        tpu.vector_store %arg12[%swap3A_805, %swap3A_806], %mul3A_804 {strides = array<i32>} : memref<256x64xf32, #tpu.memory_space<vmem>>, vector<16xf32>,
        %mul3A_808 = arith.mulf %exp3A_768, %div3A_799 : vector<16xf32>
        %swap3A_809 = arith.index_cast %add3A_803 : i32 to index
        %swap3A_810 = arith.constant 16 : index
        %swap3A_811 = tpu.vector_load %arg12[%swap3A_809, %swap3A_810] {strides = array<i32>} : memref<256x64xf32, #tpu.memory_space<vmem>>, vector<16xf32>,
        tpu.vector_store %arg12[%swap3A_809, %swap3A_810], %mul3A_808 {strides = array<i32>} : memref<256x64xf32, #tpu.memory_space<vmem>>, vector<16xf32>,
        %mul3A_812 = arith.mulf %exp3A_773, %div3A_799 : vector<16xf32>
        %swap3A_813 = arith.index_cast %add3A_803 : i32 to index
        %swap3A_814 = arith.constant 32 : index
        %swap3A_815 = tpu.vector_load %arg12[%swap3A_813, %swap3A_814] {strides = array<i32>} : memref<256x64xf32, #tpu.memory_space<vmem>>, vector<16xf32>,
        tpu.vector_store %arg12[%swap3A_813, %swap3A_814], %mul3A_812 {strides = array<i32>} : memref<256x64xf32, #tpu.memory_space<vmem>>, vector<16xf32>,
        %mul3A_816 = arith.mulf %exp3A_778, %div3A_799 : vector<16xf32>
        %swap3A_817 = arith.index_cast %add3A_803 : i32 to index
        %swap3A_818 = arith.constant 48 : index
        %swap3A_819 = tpu.vector_load %arg12[%swap3A_817, %swap3A_818] {strides = array<i32>} : memref<256x64xf32, #tpu.memory_space<vmem>>, vector<16xf32>,
        tpu.vector_store %arg12[%swap3A_817, %swap3A_818], %mul3A_816 {strides = array<i32>} : memref<256x64xf32, #tpu.memory_space<vmem>>, vector<16xf32>,
        %broadcast_in_dim3A_820 = arith.constant 9 : i32
        %broadcast_in_dim3A_821 = vector.broadcast %broadcast_in_dim3A_820 : i32 to vector<16xi32>
        %lt3A_822 = arith.constant 0 : i32
        %lt3A_823 = vector.broadcast %lt3A_822 : i32 to vector<16xi32>
        %lt3A_824 = arith.cmpi slt, %broadcast_in_dim3A_821, %lt3A_823 : vector<16xi32>
        %add3A_825 = arith.constant 16 : i32
        %add3A_826 = vector.broadcast %add3A_825 : i32 to vector<16xi32>
        %add3A_827 = arith.addi %broadcast_in_dim3A_821, %add3A_826 : vector<16xi32>
        %select_n3A_828 = arith.select %lt3A_824, %add3A_827, %broadcast_in_dim3A_821 : vector<16xi1>, vector<16xi32>
        %broadcast_in_dim3A_829 = vector.shape_cast %select_n3A_828 : vector<16xi32> to vector<16x1xi32>
        %gather3A_830 = vector.shape_cast %broadcast_in_dim3A_829 : vector<16x1xi32> to vector<16xi32>
        %gather3A_831 = tpu.dynamic_gather %get3A_169[%gather3A_830] in [0] : vector<16xf32>, vector<16xi32> -> vector<16xf32>
        %mul3A_832 = arith.mulf %mul3A_18, %gather3A_831 : vector<16xf32>
        %add3A_833 = arith.addf %mul3A_832, %mul3A_19 : vector<16xf32>
        %mul3A_834 = arith.mulf %add3A_833, %gather3A_831 : vector<16xf32>
        %add3A_835 = arith.addf %mul3A_834, %sub3A_28 : vector<16xf32>
        %exp3A_836 = math.exp %add3A_835 : vector<16xf32>
        %mul3A_837 = arith.mulf %mul3A_44, %gather3A_831 : vector<16xf32>
        %add3A_838 = arith.addf %mul3A_837, %mul3A_45 : vector<16xf32>
        %mul3A_839 = arith.mulf %add3A_838, %gather3A_831 : vector<16xf32>
        %add3A_840 = arith.addf %mul3A_839, %sub3A_55 : vector<16xf32>
        %exp3A_841 = math.exp %add3A_840 : vector<16xf32>
        %mul3A_842 = arith.mulf %mul3A_71, %gather3A_831 : vector<16xf32>
        %add3A_843 = arith.addf %mul3A_842, %mul3A_72 : vector<16xf32>
        %mul3A_844 = arith.mulf %add3A_843, %gather3A_831 : vector<16xf32>
        %add3A_845 = arith.addf %mul3A_844, %sub3A_82 : vector<16xf32>
        %exp3A_846 = math.exp %add3A_845 : vector<16xf32>
        %mul3A_847 = arith.mulf %mul3A_98, %gather3A_831 : vector<16xf32>
        %add3A_848 = arith.addf %mul3A_847, %mul3A_99 : vector<16xf32>
        %mul3A_849 = arith.mulf %add3A_848, %gather3A_831 : vector<16xf32>
        %add3A_850 = arith.addf %mul3A_849, %sub3A_109 : vector<16xf32>
        %exp3A_851 = math.exp %add3A_850 : vector<16xf32>
        %add3A_852 = arith.addf %exp3A_836, %exp3A_841 : vector<16xf32>
        %add3A_853 = arith.addf %exp3A_846, %exp3A_851 : vector<16xf32>
        %add3A_854 = arith.addf %add3A_852, %add3A_853 : vector<16xf32>
        %broadcast_in_dim3A_855 = arith.constant true
        %broadcast_in_dim3A_856 = vector.broadcast %broadcast_in_dim3A_855 : i1 to vector<16xi1>
        %masked_cumsum3A_857 = tpu.scan <sum>, %add3A_854 masked %broadcast_in_dim3A_856 : vector<16xf32>, vector<16xi1> -> vector<16xf32>
        %broadcast_in_dim3A_858 = arith.constant 15 : i32
        %broadcast_in_dim3A_859 = vector.broadcast %broadcast_in_dim3A_858 : i32 to vector<16xi32>
        %lt3A_860 = arith.constant 0 : i32
        %lt3A_861 = vector.broadcast %lt3A_860 : i32 to vector<16xi32>
        %lt3A_862 = arith.cmpi slt, %broadcast_in_dim3A_859, %lt3A_861 : vector<16xi32>
        %add3A_863 = arith.constant 16 : i32
        %add3A_864 = vector.broadcast %add3A_863 : i32 to vector<16xi32>
        %add3A_865 = arith.addi %broadcast_in_dim3A_859, %add3A_864 : vector<16xi32>
        %select_n3A_866 = arith.select %lt3A_862, %add3A_865, %broadcast_in_dim3A_859 : vector<16xi1>, vector<16xi32>
        %broadcast_in_dim3A_867 = vector.shape_cast %select_n3A_866 : vector<16xi32> to vector<16x1xi32>
        %gather3A_868 = vector.shape_cast %broadcast_in_dim3A_867 : vector<16x1xi32> to vector<16xi32>
        %gather3A_869 = tpu.dynamic_gather %masked_cumsum3A_857[%gather3A_868] in [0] : vector<16xf32>, vector<16xi32> -> vector<16xf32>
        %div3A_870 = arith.constant 1.000000e+00 : f32
        %div3A_871 = vector.broadcast %div3A_870 : f32 to vector<16xf32>
        %div3A_872 = arith.divf %div3A_871, %gather3A_869 : vector<16xf32>
        %mul3A_873 = arith.constant 16 : i32
        %mul3A_874 = arith.muli %scan3A_164, %mul3A_873 : i32
        %add3A_875 = arith.constant 9 : i32
        %add3A_876 = arith.addi %mul3A_874, %add3A_875 : i32
        %mul3A_877 = arith.mulf %exp3A_836, %div3A_872 : vector<16xf32>
        %swap3A_878 = arith.index_cast %add3A_876 : i32 to index
        %swap3A_879 = arith.constant 0 : index
        %swap3A_880 = tpu.vector_load %arg12[%swap3A_878, %swap3A_879] {strides = array<i32>} : memref<256x64xf32, #tpu.memory_space<vmem>>, vector<16xf32>,
        tpu.vector_store %arg12[%swap3A_878, %swap3A_879], %mul3A_877 {strides = array<i32>} : memref<256x64xf32, #tpu.memory_space<vmem>>, vector<16xf32>,
        %mul3A_881 = arith.mulf %exp3A_841, %div3A_872 : vector<16xf32>
        %swap3A_882 = arith.index_cast %add3A_876 : i32 to index
        %swap3A_883 = arith.constant 16 : index
        %swap3A_884 = tpu.vector_load %arg12[%swap3A_882, %swap3A_883] {strides = array<i32>} : memref<256x64xf32, #tpu.memory_space<vmem>>, vector<16xf32>,
        tpu.vector_store %arg12[%swap3A_882, %swap3A_883], %mul3A_881 {strides = array<i32>} : memref<256x64xf32, #tpu.memory_space<vmem>>, vector<16xf32>,
        %mul3A_885 = arith.mulf %exp3A_846, %div3A_872 : vector<16xf32>
        %swap3A_886 = arith.index_cast %add3A_876 : i32 to index
        %swap3A_887 = arith.constant 32 : index
        %swap3A_888 = tpu.vector_load %arg12[%swap3A_886, %swap3A_887] {strides = array<i32>} : memref<256x64xf32, #tpu.memory_space<vmem>>, vector<16xf32>,
        tpu.vector_store %arg12[%swap3A_886, %swap3A_887], %mul3A_885 {strides = array<i32>} : memref<256x64xf32, #tpu.memory_space<vmem>>, vector<16xf32>,
        %mul3A_889 = arith.mulf %exp3A_851, %div3A_872 : vector<16xf32>
        %swap3A_890 = arith.index_cast %add3A_876 : i32 to index
        %swap3A_891 = arith.constant 48 : index
        %swap3A_892 = tpu.vector_load %arg12[%swap3A_890, %swap3A_891] {strides = array<i32>} : memref<256x64xf32, #tpu.memory_space<vmem>>, vector<16xf32>,
        tpu.vector_store %arg12[%swap3A_890, %swap3A_891], %mul3A_889 {strides = array<i32>} : memref<256x64xf32, #tpu.memory_space<vmem>>, vector<16xf32>,
        %broadcast_in_dim3A_893 = arith.constant 10 : i32
        %broadcast_in_dim3A_894 = vector.broadcast %broadcast_in_dim3A_893 : i32 to vector<16xi32>
        %lt3A_895 = arith.constant 0 : i32
        %lt3A_896 = vector.broadcast %lt3A_895 : i32 to vector<16xi32>
        %lt3A_897 = arith.cmpi slt, %broadcast_in_dim3A_894, %lt3A_896 : vector<16xi32>
        %add3A_898 = arith.constant 16 : i32
        %add3A_899 = vector.broadcast %add3A_898 : i32 to vector<16xi32>
        %add3A_900 = arith.addi %broadcast_in_dim3A_894, %add3A_899 : vector<16xi32>
        %select_n3A_901 = arith.select %lt3A_897, %add3A_900, %broadcast_in_dim3A_894 : vector<16xi1>, vector<16xi32>
        %broadcast_in_dim3A_902 = vector.shape_cast %select_n3A_901 : vector<16xi32> to vector<16x1xi32>
        %gather3A_903 = vector.shape_cast %broadcast_in_dim3A_902 : vector<16x1xi32> to vector<16xi32>
        %gather3A_904 = tpu.dynamic_gather %get3A_169[%gather3A_903] in [0] : vector<16xf32>, vector<16xi32> -> vector<16xf32>
        %mul3A_905 = arith.mulf %mul3A_18, %gather3A_904 : vector<16xf32>
        %add3A_906 = arith.addf %mul3A_905, %mul3A_19 : vector<16xf32>
        %mul3A_907 = arith.mulf %add3A_906, %gather3A_904 : vector<16xf32>
        %add3A_908 = arith.addf %mul3A_907, %sub3A_28 : vector<16xf32>
        %exp3A_909 = math.exp %add3A_908 : vector<16xf32>
        %mul3A_910 = arith.mulf %mul3A_44, %gather3A_904 : vector<16xf32>
        %add3A_911 = arith.addf %mul3A_910, %mul3A_45 : vector<16xf32>
        %mul3A_912 = arith.mulf %add3A_911, %gather3A_904 : vector<16xf32>
        %add3A_913 = arith.addf %mul3A_912, %sub3A_55 : vector<16xf32>
        %exp3A_914 = math.exp %add3A_913 : vector<16xf32>
        %mul3A_915 = arith.mulf %mul3A_71, %gather3A_904 : vector<16xf32>
        %add3A_916 = arith.addf %mul3A_915, %mul3A_72 : vector<16xf32>
        %mul3A_917 = arith.mulf %add3A_916, %gather3A_904 : vector<16xf32>
        %add3A_918 = arith.addf %mul3A_917, %sub3A_82 : vector<16xf32>
        %exp3A_919 = math.exp %add3A_918 : vector<16xf32>
        %mul3A_920 = arith.mulf %mul3A_98, %gather3A_904 : vector<16xf32>
        %add3A_921 = arith.addf %mul3A_920, %mul3A_99 : vector<16xf32>
        %mul3A_922 = arith.mulf %add3A_921, %gather3A_904 : vector<16xf32>
        %add3A_923 = arith.addf %mul3A_922, %sub3A_109 : vector<16xf32>
        %exp3A_924 = math.exp %add3A_923 : vector<16xf32>
        %add3A_925 = arith.addf %exp3A_909, %exp3A_914 : vector<16xf32>
        %add3A_926 = arith.addf %exp3A_919, %exp3A_924 : vector<16xf32>
        %add3A_927 = arith.addf %add3A_925, %add3A_926 : vector<16xf32>
        %broadcast_in_dim3A_928 = arith.constant true
        %broadcast_in_dim3A_929 = vector.broadcast %broadcast_in_dim3A_928 : i1 to vector<16xi1>
        %masked_cumsum3A_930 = tpu.scan <sum>, %add3A_927 masked %broadcast_in_dim3A_929 : vector<16xf32>, vector<16xi1> -> vector<16xf32>
        %broadcast_in_dim3A_931 = arith.constant 15 : i32
        %broadcast_in_dim3A_932 = vector.broadcast %broadcast_in_dim3A_931 : i32 to vector<16xi32>
        %lt3A_933 = arith.constant 0 : i32
        %lt3A_934 = vector.broadcast %lt3A_933 : i32 to vector<16xi32>
        %lt3A_935 = arith.cmpi slt, %broadcast_in_dim3A_932, %lt3A_934 : vector<16xi32>
        %add3A_936 = arith.constant 16 : i32
        %add3A_937 = vector.broadcast %add3A_936 : i32 to vector<16xi32>
        %add3A_938 = arith.addi %broadcast_in_dim3A_932, %add3A_937 : vector<16xi32>
        %select_n3A_939 = arith.select %lt3A_935, %add3A_938, %broadcast_in_dim3A_932 : vector<16xi1>, vector<16xi32>
        %broadcast_in_dim3A_940 = vector.shape_cast %select_n3A_939 : vector<16xi32> to vector<16x1xi32>
        %gather3A_941 = vector.shape_cast %broadcast_in_dim3A_940 : vector<16x1xi32> to vector<16xi32>
        %gather3A_942 = tpu.dynamic_gather %masked_cumsum3A_930[%gather3A_941] in [0] : vector<16xf32>, vector<16xi32> -> vector<16xf32>
        %div3A_943 = arith.constant 1.000000e+00 : f32
        %div3A_944 = vector.broadcast %div3A_943 : f32 to vector<16xf32>
        %div3A_945 = arith.divf %div3A_944, %gather3A_942 : vector<16xf32>
        %mul3A_946 = arith.constant 16 : i32
        %mul3A_947 = arith.muli %scan3A_164, %mul3A_946 : i32
        %add3A_948 = arith.constant 10 : i32
        %add3A_949 = arith.addi %mul3A_947, %add3A_948 : i32
        %mul3A_950 = arith.mulf %exp3A_909, %div3A_945 : vector<16xf32>
        %swap3A_951 = arith.index_cast %add3A_949 : i32 to index
        %swap3A_952 = arith.constant 0 : index
        %swap3A_953 = tpu.vector_load %arg12[%swap3A_951, %swap3A_952] {strides = array<i32>} : memref<256x64xf32, #tpu.memory_space<vmem>>, vector<16xf32>,
        tpu.vector_store %arg12[%swap3A_951, %swap3A_952], %mul3A_950 {strides = array<i32>} : memref<256x64xf32, #tpu.memory_space<vmem>>, vector<16xf32>,
        %mul3A_954 = arith.mulf %exp3A_914, %div3A_945 : vector<16xf32>
        %swap3A_955 = arith.index_cast %add3A_949 : i32 to index
        %swap3A_956 = arith.constant 16 : index
        %swap3A_957 = tpu.vector_load %arg12[%swap3A_955, %swap3A_956] {strides = array<i32>} : memref<256x64xf32, #tpu.memory_space<vmem>>, vector<16xf32>,
        tpu.vector_store %arg12[%swap3A_955, %swap3A_956], %mul3A_954 {strides = array<i32>} : memref<256x64xf32, #tpu.memory_space<vmem>>, vector<16xf32>,
        %mul3A_958 = arith.mulf %exp3A_919, %div3A_945 : vector<16xf32>
        %swap3A_959 = arith.index_cast %add3A_949 : i32 to index
        %swap3A_960 = arith.constant 32 : index
        %swap3A_961 = tpu.vector_load %arg12[%swap3A_959, %swap3A_960] {strides = array<i32>} : memref<256x64xf32, #tpu.memory_space<vmem>>, vector<16xf32>,
        tpu.vector_store %arg12[%swap3A_959, %swap3A_960], %mul3A_958 {strides = array<i32>} : memref<256x64xf32, #tpu.memory_space<vmem>>, vector<16xf32>,
        %mul3A_962 = arith.mulf %exp3A_924, %div3A_945 : vector<16xf32>
        %swap3A_963 = arith.index_cast %add3A_949 : i32 to index
        %swap3A_964 = arith.constant 48 : index
        %swap3A_965 = tpu.vector_load %arg12[%swap3A_963, %swap3A_964] {strides = array<i32>} : memref<256x64xf32, #tpu.memory_space<vmem>>, vector<16xf32>,
        tpu.vector_store %arg12[%swap3A_963, %swap3A_964], %mul3A_962 {strides = array<i32>} : memref<256x64xf32, #tpu.memory_space<vmem>>, vector<16xf32>,
        %broadcast_in_dim3A_966 = arith.constant 11 : i32
        %broadcast_in_dim3A_967 = vector.broadcast %broadcast_in_dim3A_966 : i32 to vector<16xi32>
        %lt3A_968 = arith.constant 0 : i32
        %lt3A_969 = vector.broadcast %lt3A_968 : i32 to vector<16xi32>
        %lt3A_970 = arith.cmpi slt, %broadcast_in_dim3A_967, %lt3A_969 : vector<16xi32>
        %add3A_971 = arith.constant 16 : i32
        %add3A_972 = vector.broadcast %add3A_971 : i32 to vector<16xi32>
        %add3A_973 = arith.addi %broadcast_in_dim3A_967, %add3A_972 : vector<16xi32>
        %select_n3A_974 = arith.select %lt3A_970, %add3A_973, %broadcast_in_dim3A_967 : vector<16xi1>, vector<16xi32>
        %broadcast_in_dim3A_975 = vector.shape_cast %select_n3A_974 : vector<16xi32> to vector<16x1xi32>
        %gather3A_976 = vector.shape_cast %broadcast_in_dim3A_975 : vector<16x1xi32> to vector<16xi32>
        %gather3A_977 = tpu.dynamic_gather %get3A_169[%gather3A_976] in [0] : vector<16xf32>, vector<16xi32> -> vector<16xf32>
        %mul3A_978 = arith.mulf %mul3A_18, %gather3A_977 : vector<16xf32>
        %add3A_979 = arith.addf %mul3A_978, %mul3A_19 : vector<16xf32>
        %mul3A_980 = arith.mulf %add3A_979, %gather3A_977 : vector<16xf32>
        %add3A_981 = arith.addf %mul3A_980, %sub3A_28 : vector<16xf32>
        %exp3A_982 = math.exp %add3A_981 : vector<16xf32>
        %mul3A_983 = arith.mulf %mul3A_44, %gather3A_977 : vector<16xf32>
        %add3A_984 = arith.addf %mul3A_983, %mul3A_45 : vector<16xf32>
        %mul3A_985 = arith.mulf %add3A_984, %gather3A_977 : vector<16xf32>
        %add3A_986 = arith.addf %mul3A_985, %sub3A_55 : vector<16xf32>
        %exp3A_987 = math.exp %add3A_986 : vector<16xf32>
        %mul3A_988 = arith.mulf %mul3A_71, %gather3A_977 : vector<16xf32>
        %add3A_989 = arith.addf %mul3A_988, %mul3A_72 : vector<16xf32>
        %mul3A_990 = arith.mulf %add3A_989, %gather3A_977 : vector<16xf32>
        %add3A_991 = arith.addf %mul3A_990, %sub3A_82 : vector<16xf32>
        %exp3A_992 = math.exp %add3A_991 : vector<16xf32>
        %mul3A_993 = arith.mulf %mul3A_98, %gather3A_977 : vector<16xf32>
        %add3A_994 = arith.addf %mul3A_993, %mul3A_99 : vector<16xf32>
        %mul3A_995 = arith.mulf %add3A_994, %gather3A_977 : vector<16xf32>
        %add3A_996 = arith.addf %mul3A_995, %sub3A_109 : vector<16xf32>
        %exp3A_997 = math.exp %add3A_996 : vector<16xf32>
        %add3A_998 = arith.addf %exp3A_982, %exp3A_987 : vector<16xf32>
        %add3A_999 = arith.addf %exp3A_992, %exp3A_997 : vector<16xf32>
        %add3A_1000 = arith.addf %add3A_998, %add3A_999 : vector<16xf32>
        %broadcast_in_dim3A_1001 = arith.constant true
        %broadcast_in_dim3A_1002 = vector.broadcast %broadcast_in_dim3A_1001 : i1 to vector<16xi1>
        %masked_cumsum3A_1003 = tpu.scan <sum>, %add3A_1000 masked %broadcast_in_dim3A_1002 : vector<16xf32>, vector<16xi1> -> vector<16xf32>
        %broadcast_in_dim3A_1004 = arith.constant 15 : i32
        %broadcast_in_dim3A_1005 = vector.broadcast %broadcast_in_dim3A_1004 : i32 to vector<16xi32>
        %lt3A_1006 = arith.constant 0 : i32
        %lt3A_1007 = vector.broadcast %lt3A_1006 : i32 to vector<16xi32>
        %lt3A_1008 = arith.cmpi slt, %broadcast_in_dim3A_1005, %lt3A_1007 : vector<16xi32>
        %add3A_1009 = arith.constant 16 : i32
        %add3A_1010 = vector.broadcast %add3A_1009 : i32 to vector<16xi32>
        %add3A_1011 = arith.addi %broadcast_in_dim3A_1005, %add3A_1010 : vector<16xi32>
        %select_n3A_1012 = arith.select %lt3A_1008, %add3A_1011, %broadcast_in_dim3A_1005 : vector<16xi1>, vector<16xi32>
        %broadcast_in_dim3A_1013 = vector.shape_cast %select_n3A_1012 : vector<16xi32> to vector<16x1xi32>
        %gather3A_1014 = vector.shape_cast %broadcast_in_dim3A_1013 : vector<16x1xi32> to vector<16xi32>
        %gather3A_1015 = tpu.dynamic_gather %masked_cumsum3A_1003[%gather3A_1014] in [0] : vector<16xf32>, vector<16xi32> -> vector<16xf32>
        %div3A_1016 = arith.constant 1.000000e+00 : f32
        %div3A_1017 = vector.broadcast %div3A_1016 : f32 to vector<16xf32>
        %div3A_1018 = arith.divf %div3A_1017, %gather3A_1015 : vector<16xf32>
        %mul3A_1019 = arith.constant 16 : i32
        %mul3A_1020 = arith.muli %scan3A_164, %mul3A_1019 : i32
        %add3A_1021 = arith.constant 11 : i32
        %add3A_1022 = arith.addi %mul3A_1020, %add3A_1021 : i32
        %mul3A_1023 = arith.mulf %exp3A_982, %div3A_1018 : vector<16xf32>
        %swap3A_1024 = arith.index_cast %add3A_1022 : i32 to index
        %swap3A_1025 = arith.constant 0 : index
        %swap3A_1026 = tpu.vector_load %arg12[%swap3A_1024, %swap3A_1025] {strides = array<i32>} : memref<256x64xf32, #tpu.memory_space<vmem>>, vector<16xf32>,
        tpu.vector_store %arg12[%swap3A_1024, %swap3A_1025], %mul3A_1023 {strides = array<i32>} : memref<256x64xf32, #tpu.memory_space<vmem>>, vector<16xf32>,
        %mul3A_1027 = arith.mulf %exp3A_987, %div3A_1018 : vector<16xf32>
        %swap3A_1028 = arith.index_cast %add3A_1022 : i32 to index
        %swap3A_1029 = arith.constant 16 : index
        %swap3A_1030 = tpu.vector_load %arg12[%swap3A_1028, %swap3A_1029] {strides = array<i32>} : memref<256x64xf32, #tpu.memory_space<vmem>>, vector<16xf32>,
        tpu.vector_store %arg12[%swap3A_1028, %swap3A_1029], %mul3A_1027 {strides = array<i32>} : memref<256x64xf32, #tpu.memory_space<vmem>>, vector<16xf32>,
        %mul3A_1031 = arith.mulf %exp3A_992, %div3A_1018 : vector<16xf32>
        %swap3A_1032 = arith.index_cast %add3A_1022 : i32 to index
        %swap3A_1033 = arith.constant 32 : index
        %swap3A_1034 = tpu.vector_load %arg12[%swap3A_1032, %swap3A_1033] {strides = array<i32>} : memref<256x64xf32, #tpu.memory_space<vmem>>, vector<16xf32>,
        tpu.vector_store %arg12[%swap3A_1032, %swap3A_1033], %mul3A_1031 {strides = array<i32>} : memref<256x64xf32, #tpu.memory_space<vmem>>, vector<16xf32>,
        %mul3A_1035 = arith.mulf %exp3A_997, %div3A_1018 : vector<16xf32>
        %swap3A_1036 = arith.index_cast %add3A_1022 : i32 to index
        %swap3A_1037 = arith.constant 48 : index
        %swap3A_1038 = tpu.vector_load %arg12[%swap3A_1036, %swap3A_1037] {strides = array<i32>} : memref<256x64xf32, #tpu.memory_space<vmem>>, vector<16xf32>,
        tpu.vector_store %arg12[%swap3A_1036, %swap3A_1037], %mul3A_1035 {strides = array<i32>} : memref<256x64xf32, #tpu.memory_space<vmem>>, vector<16xf32>,
        %broadcast_in_dim3A_1039 = arith.constant 12 : i32
        %broadcast_in_dim3A_1040 = vector.broadcast %broadcast_in_dim3A_1039 : i32 to vector<16xi32>
        %lt3A_1041 = arith.constant 0 : i32
        %lt3A_1042 = vector.broadcast %lt3A_1041 : i32 to vector<16xi32>
        %lt3A_1043 = arith.cmpi slt, %broadcast_in_dim3A_1040, %lt3A_1042 : vector<16xi32>
        %add3A_1044 = arith.constant 16 : i32
        %add3A_1045 = vector.broadcast %add3A_1044 : i32 to vector<16xi32>
        %add3A_1046 = arith.addi %broadcast_in_dim3A_1040, %add3A_1045 : vector<16xi32>
        %select_n3A_1047 = arith.select %lt3A_1043, %add3A_1046, %broadcast_in_dim3A_1040 : vector<16xi1>, vector<16xi32>
        %broadcast_in_dim3A_1048 = vector.shape_cast %select_n3A_1047 : vector<16xi32> to vector<16x1xi32>
        %gather3A_1049 = vector.shape_cast %broadcast_in_dim3A_1048 : vector<16x1xi32> to vector<16xi32>
        %gather3A_1050 = tpu.dynamic_gather %get3A_169[%gather3A_1049] in [0] : vector<16xf32>, vector<16xi32> -> vector<16xf32>
        %mul3A_1051 = arith.mulf %mul3A_18, %gather3A_1050 : vector<16xf32>
        %add3A_1052 = arith.addf %mul3A_1051, %mul3A_19 : vector<16xf32>
        %mul3A_1053 = arith.mulf %add3A_1052, %gather3A_1050 : vector<16xf32>
        %add3A_1054 = arith.addf %mul3A_1053, %sub3A_28 : vector<16xf32>
        %exp3A_1055 = math.exp %add3A_1054 : vector<16xf32>
        %mul3A_1056 = arith.mulf %mul3A_44, %gather3A_1050 : vector<16xf32>
        %add3A_1057 = arith.addf %mul3A_1056, %mul3A_45 : vector<16xf32>
        %mul3A_1058 = arith.mulf %add3A_1057, %gather3A_1050 : vector<16xf32>
        %add3A_1059 = arith.addf %mul3A_1058, %sub3A_55 : vector<16xf32>
        %exp3A_1060 = math.exp %add3A_1059 : vector<16xf32>
        %mul3A_1061 = arith.mulf %mul3A_71, %gather3A_1050 : vector<16xf32>
        %add3A_1062 = arith.addf %mul3A_1061, %mul3A_72 : vector<16xf32>
        %mul3A_1063 = arith.mulf %add3A_1062, %gather3A_1050 : vector<16xf32>
        %add3A_1064 = arith.addf %mul3A_1063, %sub3A_82 : vector<16xf32>
        %exp3A_1065 = math.exp %add3A_1064 : vector<16xf32>
        %mul3A_1066 = arith.mulf %mul3A_98, %gather3A_1050 : vector<16xf32>
        %add3A_1067 = arith.addf %mul3A_1066, %mul3A_99 : vector<16xf32>
        %mul3A_1068 = arith.mulf %add3A_1067, %gather3A_1050 : vector<16xf32>
        %add3A_1069 = arith.addf %mul3A_1068, %sub3A_109 : vector<16xf32>
        %exp3A_1070 = math.exp %add3A_1069 : vector<16xf32>
        %add3A_1071 = arith.addf %exp3A_1055, %exp3A_1060 : vector<16xf32>
        %add3A_1072 = arith.addf %exp3A_1065, %exp3A_1070 : vector<16xf32>
        %add3A_1073 = arith.addf %add3A_1071, %add3A_1072 : vector<16xf32>
        %broadcast_in_dim3A_1074 = arith.constant true
        %broadcast_in_dim3A_1075 = vector.broadcast %broadcast_in_dim3A_1074 : i1 to vector<16xi1>
        %masked_cumsum3A_1076 = tpu.scan <sum>, %add3A_1073 masked %broadcast_in_dim3A_1075 : vector<16xf32>, vector<16xi1> -> vector<16xf32>
        %broadcast_in_dim3A_1077 = arith.constant 15 : i32
        %broadcast_in_dim3A_1078 = vector.broadcast %broadcast_in_dim3A_1077 : i32 to vector<16xi32>
        %lt3A_1079 = arith.constant 0 : i32
        %lt3A_1080 = vector.broadcast %lt3A_1079 : i32 to vector<16xi32>
        %lt3A_1081 = arith.cmpi slt, %broadcast_in_dim3A_1078, %lt3A_1080 : vector<16xi32>
        %add3A_1082 = arith.constant 16 : i32
        %add3A_1083 = vector.broadcast %add3A_1082 : i32 to vector<16xi32>
        %add3A_1084 = arith.addi %broadcast_in_dim3A_1078, %add3A_1083 : vector<16xi32>
        %select_n3A_1085 = arith.select %lt3A_1081, %add3A_1084, %broadcast_in_dim3A_1078 : vector<16xi1>, vector<16xi32>
        %broadcast_in_dim3A_1086 = vector.shape_cast %select_n3A_1085 : vector<16xi32> to vector<16x1xi32>
        %gather3A_1087 = vector.shape_cast %broadcast_in_dim3A_1086 : vector<16x1xi32> to vector<16xi32>
        %gather3A_1088 = tpu.dynamic_gather %masked_cumsum3A_1076[%gather3A_1087] in [0] : vector<16xf32>, vector<16xi32> -> vector<16xf32>
        %div3A_1089 = arith.constant 1.000000e+00 : f32
        %div3A_1090 = vector.broadcast %div3A_1089 : f32 to vector<16xf32>
        %div3A_1091 = arith.divf %div3A_1090, %gather3A_1088 : vector<16xf32>
        %mul3A_1092 = arith.constant 16 : i32
        %mul3A_1093 = arith.muli %scan3A_164, %mul3A_1092 : i32
        %add3A_1094 = arith.constant 12 : i32
        %add3A_1095 = arith.addi %mul3A_1093, %add3A_1094 : i32
        %mul3A_1096 = arith.mulf %exp3A_1055, %div3A_1091 : vector<16xf32>
        %swap3A_1097 = arith.index_cast %add3A_1095 : i32 to index
        %swap3A_1098 = arith.constant 0 : index
        %swap3A_1099 = tpu.vector_load %arg12[%swap3A_1097, %swap3A_1098] {strides = array<i32>} : memref<256x64xf32, #tpu.memory_space<vmem>>, vector<16xf32>,
        tpu.vector_store %arg12[%swap3A_1097, %swap3A_1098], %mul3A_1096 {strides = array<i32>} : memref<256x64xf32, #tpu.memory_space<vmem>>, vector<16xf32>,
        %mul3A_1100 = arith.mulf %exp3A_1060, %div3A_1091 : vector<16xf32>
        %swap3A_1101 = arith.index_cast %add3A_1095 : i32 to index
        %swap3A_1102 = arith.constant 16 : index
        %swap3A_1103 = tpu.vector_load %arg12[%swap3A_1101, %swap3A_1102] {strides = array<i32>} : memref<256x64xf32, #tpu.memory_space<vmem>>, vector<16xf32>,
        tpu.vector_store %arg12[%swap3A_1101, %swap3A_1102], %mul3A_1100 {strides = array<i32>} : memref<256x64xf32, #tpu.memory_space<vmem>>, vector<16xf32>,
        %mul3A_1104 = arith.mulf %exp3A_1065, %div3A_1091 : vector<16xf32>
        %swap3A_1105 = arith.index_cast %add3A_1095 : i32 to index
        %swap3A_1106 = arith.constant 32 : index
        %swap3A_1107 = tpu.vector_load %arg12[%swap3A_1105, %swap3A_1106] {strides = array<i32>} : memref<256x64xf32, #tpu.memory_space<vmem>>, vector<16xf32>,
        tpu.vector_store %arg12[%swap3A_1105, %swap3A_1106], %mul3A_1104 {strides = array<i32>} : memref<256x64xf32, #tpu.memory_space<vmem>>, vector<16xf32>,
        %mul3A_1108 = arith.mulf %exp3A_1070, %div3A_1091 : vector<16xf32>
        %swap3A_1109 = arith.index_cast %add3A_1095 : i32 to index
        %swap3A_1110 = arith.constant 48 : index
        %swap3A_1111 = tpu.vector_load %arg12[%swap3A_1109, %swap3A_1110] {strides = array<i32>} : memref<256x64xf32, #tpu.memory_space<vmem>>, vector<16xf32>,
        tpu.vector_store %arg12[%swap3A_1109, %swap3A_1110], %mul3A_1108 {strides = array<i32>} : memref<256x64xf32, #tpu.memory_space<vmem>>, vector<16xf32>,
        %broadcast_in_dim3A_1112 = arith.constant 13 : i32
        %broadcast_in_dim3A_1113 = vector.broadcast %broadcast_in_dim3A_1112 : i32 to vector<16xi32>
        %lt3A_1114 = arith.constant 0 : i32
        %lt3A_1115 = vector.broadcast %lt3A_1114 : i32 to vector<16xi32>
        %lt3A_1116 = arith.cmpi slt, %broadcast_in_dim3A_1113, %lt3A_1115 : vector<16xi32>
        %add3A_1117 = arith.constant 16 : i32
        %add3A_1118 = vector.broadcast %add3A_1117 : i32 to vector<16xi32>
        %add3A_1119 = arith.addi %broadcast_in_dim3A_1113, %add3A_1118 : vector<16xi32>
        %select_n3A_1120 = arith.select %lt3A_1116, %add3A_1119, %broadcast_in_dim3A_1113 : vector<16xi1>, vector<16xi32>
        %broadcast_in_dim3A_1121 = vector.shape_cast %select_n3A_1120 : vector<16xi32> to vector<16x1xi32>
        %gather3A_1122 = vector.shape_cast %broadcast_in_dim3A_1121 : vector<16x1xi32> to vector<16xi32>
        %gather3A_1123 = tpu.dynamic_gather %get3A_169[%gather3A_1122] in [0] : vector<16xf32>, vector<16xi32> -> vector<16xf32>
        %mul3A_1124 = arith.mulf %mul3A_18, %gather3A_1123 : vector<16xf32>
        %add3A_1125 = arith.addf %mul3A_1124, %mul3A_19 : vector<16xf32>
        %mul3A_1126 = arith.mulf %add3A_1125, %gather3A_1123 : vector<16xf32>
        %add3A_1127 = arith.addf %mul3A_1126, %sub3A_28 : vector<16xf32>
        %exp3A_1128 = math.exp %add3A_1127 : vector<16xf32>
        %mul3A_1129 = arith.mulf %mul3A_44, %gather3A_1123 : vector<16xf32>
        %add3A_1130 = arith.addf %mul3A_1129, %mul3A_45 : vector<16xf32>
        %mul3A_1131 = arith.mulf %add3A_1130, %gather3A_1123 : vector<16xf32>
        %add3A_1132 = arith.addf %mul3A_1131, %sub3A_55 : vector<16xf32>
        %exp3A_1133 = math.exp %add3A_1132 : vector<16xf32>
        %mul3A_1134 = arith.mulf %mul3A_71, %gather3A_1123 : vector<16xf32>
        %add3A_1135 = arith.addf %mul3A_1134, %mul3A_72 : vector<16xf32>
        %mul3A_1136 = arith.mulf %add3A_1135, %gather3A_1123 : vector<16xf32>
        %add3A_1137 = arith.addf %mul3A_1136, %sub3A_82 : vector<16xf32>
        %exp3A_1138 = math.exp %add3A_1137 : vector<16xf32>
        %mul3A_1139 = arith.mulf %mul3A_98, %gather3A_1123 : vector<16xf32>
        %add3A_1140 = arith.addf %mul3A_1139, %mul3A_99 : vector<16xf32>
        %mul3A_1141 = arith.mulf %add3A_1140, %gather3A_1123 : vector<16xf32>
        %add3A_1142 = arith.addf %mul3A_1141, %sub3A_109 : vector<16xf32>
        %exp3A_1143 = math.exp %add3A_1142 : vector<16xf32>
        %add3A_1144 = arith.addf %exp3A_1128, %exp3A_1133 : vector<16xf32>
        %add3A_1145 = arith.addf %exp3A_1138, %exp3A_1143 : vector<16xf32>
        %add3A_1146 = arith.addf %add3A_1144, %add3A_1145 : vector<16xf32>
        %broadcast_in_dim3A_1147 = arith.constant true
        %broadcast_in_dim3A_1148 = vector.broadcast %broadcast_in_dim3A_1147 : i1 to vector<16xi1>
        %masked_cumsum3A_1149 = tpu.scan <sum>, %add3A_1146 masked %broadcast_in_dim3A_1148 : vector<16xf32>, vector<16xi1> -> vector<16xf32>
        %broadcast_in_dim3A_1150 = arith.constant 15 : i32
        %broadcast_in_dim3A_1151 = vector.broadcast %broadcast_in_dim3A_1150 : i32 to vector<16xi32>
        %lt3A_1152 = arith.constant 0 : i32
        %lt3A_1153 = vector.broadcast %lt3A_1152 : i32 to vector<16xi32>
        %lt3A_1154 = arith.cmpi slt, %broadcast_in_dim3A_1151, %lt3A_1153 : vector<16xi32>
        %add3A_1155 = arith.constant 16 : i32
        %add3A_1156 = vector.broadcast %add3A_1155 : i32 to vector<16xi32>
        %add3A_1157 = arith.addi %broadcast_in_dim3A_1151, %add3A_1156 : vector<16xi32>
        %select_n3A_1158 = arith.select %lt3A_1154, %add3A_1157, %broadcast_in_dim3A_1151 : vector<16xi1>, vector<16xi32>
        %broadcast_in_dim3A_1159 = vector.shape_cast %select_n3A_1158 : vector<16xi32> to vector<16x1xi32>
        %gather3A_1160 = vector.shape_cast %broadcast_in_dim3A_1159 : vector<16x1xi32> to vector<16xi32>
        %gather3A_1161 = tpu.dynamic_gather %masked_cumsum3A_1149[%gather3A_1160] in [0] : vector<16xf32>, vector<16xi32> -> vector<16xf32>
        %div3A_1162 = arith.constant 1.000000e+00 : f32
        %div3A_1163 = vector.broadcast %div3A_1162 : f32 to vector<16xf32>
        %div3A_1164 = arith.divf %div3A_1163, %gather3A_1161 : vector<16xf32>
        %mul3A_1165 = arith.constant 16 : i32
        %mul3A_1166 = arith.muli %scan3A_164, %mul3A_1165 : i32
        %add3A_1167 = arith.constant 13 : i32
        %add3A_1168 = arith.addi %mul3A_1166, %add3A_1167 : i32
        %mul3A_1169 = arith.mulf %exp3A_1128, %div3A_1164 : vector<16xf32>
        %swap3A_1170 = arith.index_cast %add3A_1168 : i32 to index
        %swap3A_1171 = arith.constant 0 : index
        %swap3A_1172 = tpu.vector_load %arg12[%swap3A_1170, %swap3A_1171] {strides = array<i32>} : memref<256x64xf32, #tpu.memory_space<vmem>>, vector<16xf32>,
        tpu.vector_store %arg12[%swap3A_1170, %swap3A_1171], %mul3A_1169 {strides = array<i32>} : memref<256x64xf32, #tpu.memory_space<vmem>>, vector<16xf32>,
        %mul3A_1173 = arith.mulf %exp3A_1133, %div3A_1164 : vector<16xf32>
        %swap3A_1174 = arith.index_cast %add3A_1168 : i32 to index
        %swap3A_1175 = arith.constant 16 : index
        %swap3A_1176 = tpu.vector_load %arg12[%swap3A_1174, %swap3A_1175] {strides = array<i32>} : memref<256x64xf32, #tpu.memory_space<vmem>>, vector<16xf32>,
        tpu.vector_store %arg12[%swap3A_1174, %swap3A_1175], %mul3A_1173 {strides = array<i32>} : memref<256x64xf32, #tpu.memory_space<vmem>>, vector<16xf32>,
        %mul3A_1177 = arith.mulf %exp3A_1138, %div3A_1164 : vector<16xf32>
        %swap3A_1178 = arith.index_cast %add3A_1168 : i32 to index
        %swap3A_1179 = arith.constant 32 : index
        %swap3A_1180 = tpu.vector_load %arg12[%swap3A_1178, %swap3A_1179] {strides = array<i32>} : memref<256x64xf32, #tpu.memory_space<vmem>>, vector<16xf32>,
        tpu.vector_store %arg12[%swap3A_1178, %swap3A_1179], %mul3A_1177 {strides = array<i32>} : memref<256x64xf32, #tpu.memory_space<vmem>>, vector<16xf32>,
        %mul3A_1181 = arith.mulf %exp3A_1143, %div3A_1164 : vector<16xf32>
        %swap3A_1182 = arith.index_cast %add3A_1168 : i32 to index
        %swap3A_1183 = arith.constant 48 : index
        %swap3A_1184 = tpu.vector_load %arg12[%swap3A_1182, %swap3A_1183] {strides = array<i32>} : memref<256x64xf32, #tpu.memory_space<vmem>>, vector<16xf32>,
        tpu.vector_store %arg12[%swap3A_1182, %swap3A_1183], %mul3A_1181 {strides = array<i32>} : memref<256x64xf32, #tpu.memory_space<vmem>>, vector<16xf32>,
        %broadcast_in_dim3A_1185 = arith.constant 14 : i32
        %broadcast_in_dim3A_1186 = vector.broadcast %broadcast_in_dim3A_1185 : i32 to vector<16xi32>
        %lt3A_1187 = arith.constant 0 : i32
        %lt3A_1188 = vector.broadcast %lt3A_1187 : i32 to vector<16xi32>
        %lt3A_1189 = arith.cmpi slt, %broadcast_in_dim3A_1186, %lt3A_1188 : vector<16xi32>
        %add3A_1190 = arith.constant 16 : i32
        %add3A_1191 = vector.broadcast %add3A_1190 : i32 to vector<16xi32>
        %add3A_1192 = arith.addi %broadcast_in_dim3A_1186, %add3A_1191 : vector<16xi32>
        %select_n3A_1193 = arith.select %lt3A_1189, %add3A_1192, %broadcast_in_dim3A_1186 : vector<16xi1>, vector<16xi32>
        %broadcast_in_dim3A_1194 = vector.shape_cast %select_n3A_1193 : vector<16xi32> to vector<16x1xi32>
        %gather3A_1195 = vector.shape_cast %broadcast_in_dim3A_1194 : vector<16x1xi32> to vector<16xi32>
        %gather3A_1196 = tpu.dynamic_gather %get3A_169[%gather3A_1195] in [0] : vector<16xf32>, vector<16xi32> -> vector<16xf32>
        %mul3A_1197 = arith.mulf %mul3A_18, %gather3A_1196 : vector<16xf32>
        %add3A_1198 = arith.addf %mul3A_1197, %mul3A_19 : vector<16xf32>
        %mul3A_1199 = arith.mulf %add3A_1198, %gather3A_1196 : vector<16xf32>
        %add3A_1200 = arith.addf %mul3A_1199, %sub3A_28 : vector<16xf32>
        %exp3A_1201 = math.exp %add3A_1200 : vector<16xf32>
        %mul3A_1202 = arith.mulf %mul3A_44, %gather3A_1196 : vector<16xf32>
        %add3A_1203 = arith.addf %mul3A_1202, %mul3A_45 : vector<16xf32>
        %mul3A_1204 = arith.mulf %add3A_1203, %gather3A_1196 : vector<16xf32>
        %add3A_1205 = arith.addf %mul3A_1204, %sub3A_55 : vector<16xf32>
        %exp3A_1206 = math.exp %add3A_1205 : vector<16xf32>
        %mul3A_1207 = arith.mulf %mul3A_71, %gather3A_1196 : vector<16xf32>
        %add3A_1208 = arith.addf %mul3A_1207, %mul3A_72 : vector<16xf32>
        %mul3A_1209 = arith.mulf %add3A_1208, %gather3A_1196 : vector<16xf32>
        %add3A_1210 = arith.addf %mul3A_1209, %sub3A_82 : vector<16xf32>
        %exp3A_1211 = math.exp %add3A_1210 : vector<16xf32>
        %mul3A_1212 = arith.mulf %mul3A_98, %gather3A_1196 : vector<16xf32>
        %add3A_1213 = arith.addf %mul3A_1212, %mul3A_99 : vector<16xf32>
        %mul3A_1214 = arith.mulf %add3A_1213, %gather3A_1196 : vector<16xf32>
        %add3A_1215 = arith.addf %mul3A_1214, %sub3A_109 : vector<16xf32>
        %exp3A_1216 = math.exp %add3A_1215 : vector<16xf32>
        %add3A_1217 = arith.addf %exp3A_1201, %exp3A_1206 : vector<16xf32>
        %add3A_1218 = arith.addf %exp3A_1211, %exp3A_1216 : vector<16xf32>
        %add3A_1219 = arith.addf %add3A_1217, %add3A_1218 : vector<16xf32>
        %broadcast_in_dim3A_1220 = arith.constant true
        %broadcast_in_dim3A_1221 = vector.broadcast %broadcast_in_dim3A_1220 : i1 to vector<16xi1>
        %masked_cumsum3A_1222 = tpu.scan <sum>, %add3A_1219 masked %broadcast_in_dim3A_1221 : vector<16xf32>, vector<16xi1> -> vector<16xf32>
        %broadcast_in_dim3A_1223 = arith.constant 15 : i32
        %broadcast_in_dim3A_1224 = vector.broadcast %broadcast_in_dim3A_1223 : i32 to vector<16xi32>
        %lt3A_1225 = arith.constant 0 : i32
        %lt3A_1226 = vector.broadcast %lt3A_1225 : i32 to vector<16xi32>
        %lt3A_1227 = arith.cmpi slt, %broadcast_in_dim3A_1224, %lt3A_1226 : vector<16xi32>
        %add3A_1228 = arith.constant 16 : i32
        %add3A_1229 = vector.broadcast %add3A_1228 : i32 to vector<16xi32>
        %add3A_1230 = arith.addi %broadcast_in_dim3A_1224, %add3A_1229 : vector<16xi32>
        %select_n3A_1231 = arith.select %lt3A_1227, %add3A_1230, %broadcast_in_dim3A_1224 : vector<16xi1>, vector<16xi32>
        %broadcast_in_dim3A_1232 = vector.shape_cast %select_n3A_1231 : vector<16xi32> to vector<16x1xi32>
        %gather3A_1233 = vector.shape_cast %broadcast_in_dim3A_1232 : vector<16x1xi32> to vector<16xi32>
        %gather3A_1234 = tpu.dynamic_gather %masked_cumsum3A_1222[%gather3A_1233] in [0] : vector<16xf32>, vector<16xi32> -> vector<16xf32>
        %div3A_1235 = arith.constant 1.000000e+00 : f32
        %div3A_1236 = vector.broadcast %div3A_1235 : f32 to vector<16xf32>
        %div3A_1237 = arith.divf %div3A_1236, %gather3A_1234 : vector<16xf32>
        %mul3A_1238 = arith.constant 16 : i32
        %mul3A_1239 = arith.muli %scan3A_164, %mul3A_1238 : i32
        %add3A_1240 = arith.constant 14 : i32
        %add3A_1241 = arith.addi %mul3A_1239, %add3A_1240 : i32
        %mul3A_1242 = arith.mulf %exp3A_1201, %div3A_1237 : vector<16xf32>
        %swap3A_1243 = arith.index_cast %add3A_1241 : i32 to index
        %swap3A_1244 = arith.constant 0 : index
        %swap3A_1245 = tpu.vector_load %arg12[%swap3A_1243, %swap3A_1244] {strides = array<i32>} : memref<256x64xf32, #tpu.memory_space<vmem>>, vector<16xf32>,
        tpu.vector_store %arg12[%swap3A_1243, %swap3A_1244], %mul3A_1242 {strides = array<i32>} : memref<256x64xf32, #tpu.memory_space<vmem>>, vector<16xf32>,
        %mul3A_1246 = arith.mulf %exp3A_1206, %div3A_1237 : vector<16xf32>
        %swap3A_1247 = arith.index_cast %add3A_1241 : i32 to index
        %swap3A_1248 = arith.constant 16 : index
        %swap3A_1249 = tpu.vector_load %arg12[%swap3A_1247, %swap3A_1248] {strides = array<i32>} : memref<256x64xf32, #tpu.memory_space<vmem>>, vector<16xf32>,
        tpu.vector_store %arg12[%swap3A_1247, %swap3A_1248], %mul3A_1246 {strides = array<i32>} : memref<256x64xf32, #tpu.memory_space<vmem>>, vector<16xf32>,
        %mul3A_1250 = arith.mulf %exp3A_1211, %div3A_1237 : vector<16xf32>
        %swap3A_1251 = arith.index_cast %add3A_1241 : i32 to index
        %swap3A_1252 = arith.constant 32 : index
        %swap3A_1253 = tpu.vector_load %arg12[%swap3A_1251, %swap3A_1252] {strides = array<i32>} : memref<256x64xf32, #tpu.memory_space<vmem>>, vector<16xf32>,
        tpu.vector_store %arg12[%swap3A_1251, %swap3A_1252], %mul3A_1250 {strides = array<i32>} : memref<256x64xf32, #tpu.memory_space<vmem>>, vector<16xf32>,
        %mul3A_1254 = arith.mulf %exp3A_1216, %div3A_1237 : vector<16xf32>
        %swap3A_1255 = arith.index_cast %add3A_1241 : i32 to index
        %swap3A_1256 = arith.constant 48 : index
        %swap3A_1257 = tpu.vector_load %arg12[%swap3A_1255, %swap3A_1256] {strides = array<i32>} : memref<256x64xf32, #tpu.memory_space<vmem>>, vector<16xf32>,
        tpu.vector_store %arg12[%swap3A_1255, %swap3A_1256], %mul3A_1254 {strides = array<i32>} : memref<256x64xf32, #tpu.memory_space<vmem>>, vector<16xf32>,
        %broadcast_in_dim3A_1258 = arith.constant 15 : i32
        %broadcast_in_dim3A_1259 = vector.broadcast %broadcast_in_dim3A_1258 : i32 to vector<16xi32>
        %lt3A_1260 = arith.constant 0 : i32
        %lt3A_1261 = vector.broadcast %lt3A_1260 : i32 to vector<16xi32>
        %lt3A_1262 = arith.cmpi slt, %broadcast_in_dim3A_1259, %lt3A_1261 : vector<16xi32>
        %add3A_1263 = arith.constant 16 : i32
        %add3A_1264 = vector.broadcast %add3A_1263 : i32 to vector<16xi32>
        %add3A_1265 = arith.addi %broadcast_in_dim3A_1259, %add3A_1264 : vector<16xi32>
        %select_n3A_1266 = arith.select %lt3A_1262, %add3A_1265, %broadcast_in_dim3A_1259 : vector<16xi1>, vector<16xi32>
        %broadcast_in_dim3A_1267 = vector.shape_cast %select_n3A_1266 : vector<16xi32> to vector<16x1xi32>
        %gather3A_1268 = vector.shape_cast %broadcast_in_dim3A_1267 : vector<16x1xi32> to vector<16xi32>
        %gather3A_1269 = tpu.dynamic_gather %get3A_169[%gather3A_1268] in [0] : vector<16xf32>, vector<16xi32> -> vector<16xf32>
        %mul3A_1270 = arith.mulf %mul3A_18, %gather3A_1269 : vector<16xf32>
        %add3A_1271 = arith.addf %mul3A_1270, %mul3A_19 : vector<16xf32>
        %mul3A_1272 = arith.mulf %add3A_1271, %gather3A_1269 : vector<16xf32>
        %add3A_1273 = arith.addf %mul3A_1272, %sub3A_28 : vector<16xf32>
        %exp3A_1274 = math.exp %add3A_1273 : vector<16xf32>
        %mul3A_1275 = arith.mulf %mul3A_44, %gather3A_1269 : vector<16xf32>
        %add3A_1276 = arith.addf %mul3A_1275, %mul3A_45 : vector<16xf32>
        %mul3A_1277 = arith.mulf %add3A_1276, %gather3A_1269 : vector<16xf32>
        %add3A_1278 = arith.addf %mul3A_1277, %sub3A_55 : vector<16xf32>
        %exp3A_1279 = math.exp %add3A_1278 : vector<16xf32>
        %mul3A_1280 = arith.mulf %mul3A_71, %gather3A_1269 : vector<16xf32>
        %add3A_1281 = arith.addf %mul3A_1280, %mul3A_72 : vector<16xf32>
        %mul3A_1282 = arith.mulf %add3A_1281, %gather3A_1269 : vector<16xf32>
        %add3A_1283 = arith.addf %mul3A_1282, %sub3A_82 : vector<16xf32>
        %exp3A_1284 = math.exp %add3A_1283 : vector<16xf32>
        %mul3A_1285 = arith.mulf %mul3A_98, %gather3A_1269 : vector<16xf32>
        %add3A_1286 = arith.addf %mul3A_1285, %mul3A_99 : vector<16xf32>
        %mul3A_1287 = arith.mulf %add3A_1286, %gather3A_1269 : vector<16xf32>
        %add3A_1288 = arith.addf %mul3A_1287, %sub3A_109 : vector<16xf32>
        %exp3A_1289 = math.exp %add3A_1288 : vector<16xf32>
        %add3A_1290 = arith.addf %exp3A_1274, %exp3A_1279 : vector<16xf32>
        %add3A_1291 = arith.addf %exp3A_1284, %exp3A_1289 : vector<16xf32>
        %add3A_1292 = arith.addf %add3A_1290, %add3A_1291 : vector<16xf32>
        %broadcast_in_dim3A_1293 = arith.constant true
        %broadcast_in_dim3A_1294 = vector.broadcast %broadcast_in_dim3A_1293 : i1 to vector<16xi1>
        %masked_cumsum3A_1295 = tpu.scan <sum>, %add3A_1292 masked %broadcast_in_dim3A_1294 : vector<16xf32>, vector<16xi1> -> vector<16xf32>
        %broadcast_in_dim3A_1296 = arith.constant 15 : i32
        %broadcast_in_dim3A_1297 = vector.broadcast %broadcast_in_dim3A_1296 : i32 to vector<16xi32>
        %lt3A_1298 = arith.constant 0 : i32
        %lt3A_1299 = vector.broadcast %lt3A_1298 : i32 to vector<16xi32>
        %lt3A_1300 = arith.cmpi slt, %broadcast_in_dim3A_1297, %lt3A_1299 : vector<16xi32>
        %add3A_1301 = arith.constant 16 : i32
        %add3A_1302 = vector.broadcast %add3A_1301 : i32 to vector<16xi32>
        %add3A_1303 = arith.addi %broadcast_in_dim3A_1297, %add3A_1302 : vector<16xi32>
        %select_n3A_1304 = arith.select %lt3A_1300, %add3A_1303, %broadcast_in_dim3A_1297 : vector<16xi1>, vector<16xi32>
        %broadcast_in_dim3A_1305 = vector.shape_cast %select_n3A_1304 : vector<16xi32> to vector<16x1xi32>
        %gather3A_1306 = vector.shape_cast %broadcast_in_dim3A_1305 : vector<16x1xi32> to vector<16xi32>
        %gather3A_1307 = tpu.dynamic_gather %masked_cumsum3A_1295[%gather3A_1306] in [0] : vector<16xf32>, vector<16xi32> -> vector<16xf32>
        %div3A_1308 = arith.constant 1.000000e+00 : f32
        %div3A_1309 = vector.broadcast %div3A_1308 : f32 to vector<16xf32>
        %div3A_1310 = arith.divf %div3A_1309, %gather3A_1307 : vector<16xf32>
        %mul3A_1311 = arith.constant 16 : i32
        %mul3A_1312 = arith.muli %scan3A_164, %mul3A_1311 : i32
        %add3A_1313 = arith.constant 15 : i32
        %add3A_1314 = arith.addi %mul3A_1312, %add3A_1313 : i32
        %mul3A_1315 = arith.mulf %exp3A_1274, %div3A_1310 : vector<16xf32>
        %swap3A_1316 = arith.index_cast %add3A_1314 : i32 to index
        %swap3A_1317 = arith.constant 0 : index
        %swap3A_1318 = tpu.vector_load %arg12[%swap3A_1316, %swap3A_1317] {strides = array<i32>} : memref<256x64xf32, #tpu.memory_space<vmem>>, vector<16xf32>,
        tpu.vector_store %arg12[%swap3A_1316, %swap3A_1317], %mul3A_1315 {strides = array<i32>} : memref<256x64xf32, #tpu.memory_space<vmem>>, vector<16xf32>,
        %mul3A_1319 = arith.mulf %exp3A_1279, %div3A_1310 : vector<16xf32>
        %swap3A_1320 = arith.index_cast %add3A_1314 : i32 to index
        %swap3A_1321 = arith.constant 16 : index
        %swap3A_1322 = tpu.vector_load %arg12[%swap3A_1320, %swap3A_1321] {strides = array<i32>} : memref<256x64xf32, #tpu.memory_space<vmem>>, vector<16xf32>,
        tpu.vector_store %arg12[%swap3A_1320, %swap3A_1321], %mul3A_1319 {strides = array<i32>} : memref<256x64xf32, #tpu.memory_space<vmem>>, vector<16xf32>,
        %mul3A_1323 = arith.mulf %exp3A_1284, %div3A_1310 : vector<16xf32>
        %swap3A_1324 = arith.index_cast %add3A_1314 : i32 to index
        %swap3A_1325 = arith.constant 32 : index
        %swap3A_1326 = tpu.vector_load %arg12[%swap3A_1324, %swap3A_1325] {strides = array<i32>} : memref<256x64xf32, #tpu.memory_space<vmem>>, vector<16xf32>,
        tpu.vector_store %arg12[%swap3A_1324, %swap3A_1325], %mul3A_1323 {strides = array<i32>} : memref<256x64xf32, #tpu.memory_space<vmem>>, vector<16xf32>,
        %mul3A_1327 = arith.mulf %exp3A_1289, %div3A_1310 : vector<16xf32>
        %swap3A_1328 = arith.index_cast %add3A_1314 : i32 to index
        %swap3A_1329 = arith.constant 48 : index
        %swap3A_1330 = tpu.vector_load %arg12[%swap3A_1328, %swap3A_1329] {strides = array<i32>} : memref<256x64xf32, #tpu.memory_space<vmem>>, vector<16xf32>,
        tpu.vector_store %arg12[%swap3A_1328, %swap3A_1329], %mul3A_1327 {strides = array<i32>} : memref<256x64xf32, #tpu.memory_space<vmem>>, vector<16xf32>,
      }
      %scan3A_158 = arith.constant 16 : i32
      %add3A_159 = arith.addi %mul3A_2, %mul3A_147 : i32
      %dma_start3A_160 = arith.constant 0 : i32
      %dma_start3A_161 = tpu.memref_slice %arg6[%add3A_159, %dma_start3A_160] : memref<65536x64xf32, #tpu.memory_space<hbm>> -> memref<256x64xf32, #tpu.memory_space<hbm>>
      %dma_start3A_162 = arith.constant 0 : i32
      %dma_start3A_163 = tpu.memref_slice %arg6[%add3A_159, %dma_start3A_162] : memref<65536x64xf32, #tpu.memory_space<hbm>> -> memref<256x64xf32, #tpu.memory_space<hbm>>
      tpu.enqueue_dma source(%arg12 : memref<256x64xf32, #tpu.memory_space<vmem>>) target(%dma_start3A_163 : memref<256x64xf32, #tpu.memory_space<hbm>>) target_semaphore(%arg14 : memref<!tpu.dma_semaphore, #tpu.memory_space<semaphore_mem>>)
    }
    %scan3A_114 = arith.constant 4 : i32
    %dma_wait3A = arith.constant 0 : i32
    %dma_wait3A_115 = tpu.memref_slice %arg6[%mul3A_2, %dma_wait3A] : memref<65536x64xf32, #tpu.memory_space<hbm>> -> memref<256x64xf32, #tpu.memory_space<hbm>>
    %dma_wait3A_116 = arith.constant 0 : i32
    %dma_wait3A_117 = tpu.memref_slice %arg6[%mul3A_2, %dma_wait3A_116] : memref<65536x64xf32, #tpu.memory_space<hbm>> -> memref<256x64xf32, #tpu.memory_space<hbm>>
    tpu.wait_dma2 semaphore(%arg13 : memref<!tpu.dma_semaphore, #tpu.memory_space<semaphore_mem>>) src(%arg11 : memref<256x64xf32, #tpu.memory_space<vmem>>) dst(%dma_wait3A_117 : memref<256x64xf32, #tpu.memory_space<hbm>>)
    %dma_wait3A_118 = arith.constant 0 : i32
    %dma_wait3A_119 = tpu.memref_slice %arg6[%mul3A_2, %dma_wait3A_118] : memref<65536x64xf32, #tpu.memory_space<hbm>> -> memref<256x64xf32, #tpu.memory_space<hbm>>
    %dma_wait3A_120 = arith.constant 0 : i32
    %dma_wait3A_121 = tpu.memref_slice %arg6[%mul3A_2, %dma_wait3A_120] : memref<65536x64xf32, #tpu.memory_space<hbm>> -> memref<256x64xf32, #tpu.memory_space<hbm>>
    tpu.wait_dma2 semaphore(%arg14 : memref<!tpu.dma_semaphore, #tpu.memory_space<semaphore_mem>>) src(%arg12 : memref<256x64xf32, #tpu.memory_space<vmem>>) dst(%dma_wait3A_121 : memref<256x64xf32, #tpu.memory_space<hbm>>)
    return
  }
}

</mosaic_0001>

<sc_bundles>
// kernel: kernel.3.cloned.1.call-start
scs
__scs_entry_jumppad:
0x0: {  	(pc) =	sbr.rel $0x88, $3  }
0x1: {  	(tag) =	ssettag $0x0;
	lr =	simm.s32 $0x1  }
0x2: {  	[smem:$0x3F9D] =	sst lr;
	_ =	strace $0xD0000000  }
0x3: {  	_ = 	snop  }
0x4: {  	_ = 	snop  }
0x5: {  	_ = 	snop  }
0x6: {  	_ = 	snop  }
0x7: {  	_ = 	snop  }
__scs_overlays_trampoline_lowered:
0x8: {  	[smem:$0x3FAC] =	sst s0  }
0x9: {  	[smem:$0x3FAD] =	sst s1  }
0xa: {  	[smem:$0x3FAE] =	sst s2  }
0xb: {  	[smem:$0x3FAF] =	sst s3  }
0xc: {  	[smem:$0x3FB0] =	sst s4  }
0xd: {  	[smem:$0x3FB1] =	sst s5  }
0xe: {  	[smem:$0x3FB2] =	sst s6  }
0xf: {  	[smem:$0x3FB3] =	sst s7  }
0x10: {  	[smem:$0x3FB4] =	sst s8  }
0x11: {  	[smem:$0x3FB5] =	sst s9;
	s0 =	simm.s32 @!p0 $0x0  }
0x12: {  	s1 =	sld [smem:$0x3F9B];
	s0 =	simm.s32 @p0 $0x1  }
0x13: {  	[smem:$0x3FB6] =	sst s0;
	s0 =	simm.s32 @!p1 $0x0  }
0x14: {  	s2 =	sld [smem:$0x3F9A];
	s0 =	simm.s32 @p1 $0x1  }
0x15: {  	[smem:$0x3FB7] =	sst s0;
	s0 =	simm.s32 @!p2 $0x0  }
0x16: {  	s3 =	sld [smem:$0x3FDB];
	s0 =	simm.s32 @p2 $0x1  }
0x17: {  	s4 =	simm.s32 $0x1BF5;
	[smem:$0x3FB9] =	sst s0  }
0x18: {  	s0 =	sld [smem:$0x3F9C];
	_ =	swait.ge [sflag:s4], $0x0  }
0x19: {  	s7 =	sld [smem:$0x3F9D]  }
0x1a: {  	s8 =	sadd.s32 $0xFFFFE003, lr  }
0x1b: {  	s9 =	sadd.s32 $0xFFFFFEF7, lr;
	s5 =	simm.s32 $0xFFFFFFFF;
	p2 =	slt.u32 s8, $0xFFFFF086  }
0x1c: {  	p1 =	slt.u32 s9, $0xF7A;
	s5 =	simm.s32 @!p2 $0x0  }
0x1d: {  	s5 =	simm.s32 @p1 $0x1;
	p0 =	seq.s32 s7, s2  }
0x1e: {  	s7 =	smul.u32 @!p0 $0xF7A, s2;
	p2 =	seq.s32 @!p0 s5, $0x0  }
0x1f: {  	s9 =	smul.u32 $0xF7A, s1;
	s8 =	simm.s32 @!p0 $0x1BF5;
	p2 =	por !p2, p0  }
0x20: {  	[sflag:s8] =	ssyncset.s32 @!p0 $0xFFFFF086;
	s6 =	sadd.s32 @!p0 s3, s7;
	s7 =	simm.s32 @!p0 $0x108  }
0x21: {  	s3 =	sadd.s32 s3, s9;
	s6 =	sadd.s32 @!p0 $0x88, s6;
	s7 =	simm.s32 @p2 $0x1082  }
0x22: {  	[simem:s7], [sflag:s8] =	dma.local @!p0 [hbm:s6], $0xF7A  }
0x23: {  	s9 =	sor.u32 $0xD0000000, s2;
	s6 =	simm.s32 $0x108;
	_ =	swait.ge @!p0 [sflag:s8], $0x0  }
0x24: {  	s3 =	sadd.s32 $0x88, s3;
	s6 =	simm.s32 @!p1 $0x1082;
	[sflag:s4] =	ssyncset.s32 $0xFFFFF086  }
0x25: {  	[simem:s6], [sflag:s4] =	dma.local [hbm:s3], $0xF7A  }
0x26: {  	[smem:$0x3F9D] =	sst s1;
	(tag) =	ssettag s2;
	_ =	strace s9  }
0x27: {  	s1 =	sld [smem:$0x3FAD]  }
0x28: {  	s2 =	sld [smem:$0x3FAE]  }
0x29: {  	s4 =	sld [smem:$0x3FB0]  }
0x2a: {  	p0 =	seq.s32 s5, $0x0;
	s5 =	sld [smem:$0x3FB1]  }
0x2b: {  	s6 =	sld [smem:$0x3FB2]  }
0x2c: {  	s7 =	sld [smem:$0x3FB3]  }
0x2d: {  	s3 =	simm.s32 $0x108;
	s8 =	sld [smem:$0x3FB4]  }
0x2e: {  	s3 =	simm.s32 @!p0 $0x1082;
	s9 =	sld [smem:$0x3FB5]  }
0x2f: {  	lr =	sadd.s32 s0, s3;
	s0 =	sld [smem:$0x3FAC]  }
0x30: {  	s3 =	sld [smem:$0x3FAF]  }
0x31: {  	[smem:$0x3FB8] =	sst s10  }
0x32: {  	s10 =	sld [smem:$0x3FB6];
	_ =	sdelay $0x3  }
0x33: {  	p0 =	seq.s32 s10, $0x1;
	s10 =	sld [smem:$0x3FB8];
	_ =	sdelay $0x3  }
0x34: {  	[smem:$0x3FB8] =	sst s10  }
0x35: {  	s10 =	sld [smem:$0x3FB7];
	_ =	sdelay $0x3  }
0x36: {  	p1 =	seq.s32 s10, $0x1;
	s10 =	sld [smem:$0x3FB8];
	_ =	sdelay $0x3  }
0x37: {  	[smem:$0x3FB8] =	sst s10  }
0x38: {  	s10 =	sld [smem:$0x3FB9]  }
0x39: {  	_ = 	snop;
	(pc) =	sbr.ind lr, $3  }
0x3a: {  	_ = 	snop  }
0x3b: {  	_ = 	snop  }
0x3c: {  	p2 =	seq.s32 s10, $0x1;
	s10 =	sld [smem:$0x3FB8]  }
0x3d: {  	_ =	shalt  }
0x3e: {  	_ =	shalt  }
0x3f: {  	_ =	shalt  }
0x40: {  	_ =	shalt  }
0x41: {  	_ =	shalt  }
0x42: {  	_ =	shalt  }
0x43: {  	_ =	shalt  }
0x44: {  	_ =	shalt  }
0x45: {  	_ =	shalt  }
0x46: {  	_ =	shalt  }
0x47: {  	_ =	shalt  }
0x48: {  	_ =	shalt  }
0x49: {  	_ =	shalt  }
0x4a: {  	_ =	shalt  }
0x4b: {  	_ =	shalt  }
0x4c: {  	_ =	shalt  }
0x4d: {  	_ =	shalt  }
0x4e: {  	_ =	shalt  }
0x4f: {  	_ =	shalt  }
0x50: {  	_ =	shalt  }
0x51: {  	_ =	shalt  }
0x52: {  	_ =	shalt  }
0x53: {  	_ =	shalt  }
0x54: {  	_ =	shalt  }
0x55: {  	_ =	shalt  }
0x56: {  	_ =	shalt  }
0x57: {  	_ =	shalt  }
0x58: {  	_ =	shalt  }
0x59: {  	_ =	shalt  }
0x5a: {  	_ =	shalt  }
0x5b: {  	_ =	shalt  }
0x5c: {  	_ =	shalt  }
0x5d: {  	_ =	shalt  }
0x5e: {  	_ =	shalt  }
0x5f: {  	_ =	shalt  }
0x60: {  	_ =	shalt  }
0x61: {  	_ =	shalt  }
0x62: {  	_ =	shalt  }
0x63: {  	_ =	shalt  }
0x64: {  	_ =	shalt  }
0x65: {  	_ =	shalt  }
0x66: {  	_ =	shalt  }
0x67: {  	_ =	shalt  }
0x68: {  	_ =	shalt  }
0x69: {  	_ =	shalt  }
0x6a: {  	_ =	shalt  }
0x6b: {  	_ =	shalt  }
0x6c: {  	_ =	shalt  }
0x6d: {  	_ =	shalt  }
0x6e: {  	_ =	shalt  }
0x6f: {  	_ =	shalt  }
0x70: {  	_ =	shalt  }
0x71: {  	_ =	shalt  }
0x72: {  	_ =	shalt  }
0x73: {  	_ =	shalt  }
0x74: {  	_ =	shalt  }
0x75: {  	_ =	shalt  }
0x76: {  	_ =	shalt  }
0x77: {  	_ =	shalt  }
0x78: {  	_ =	shalt  }
0x79: {  	_ =	shalt  }
0x7a: {  	_ =	shalt  }
0x7b: {  	_ =	shalt  }
0x7c: {  	_ =	shalt  }
0x7d: {  	_ =	shalt  }
0x7e: {  	_ =	shalt  }
0x7f: {  	_ =	shalt  }
0x80: {  	_ =	shalt  }
0x81: {  	_ =	shalt  }
0x82: {  	_ =	shalt  }
0x83: {  	_ =	shalt  }
0x84: {  	_ =	shalt  }
0x85: {  	_ =	shalt  }
0x86: {  	_ =	shalt  }
0x87: {  	_ =	shalt  }
.Lfunc_end0:
.L_simem_size_0:
called_computation_lowered:
.L_overlay_start_0:
0x88: {  	s2 =	sld [smem:$0x3FD9]  }
0x89: {  	s3 =	sld [smem:$0x3FFE];
	_ =	sdelay $0x1  }
0x8a: {  	s1 =	srdreg.scid  }
0x8b: {  	s0 =	sand.u32 $0x1, s1  }
0x8c: {  	s17 =	sshll.u32 s0, $0xA;
	s2 =	sadd.s32 s3, s2  }
0x8d: {  	s2 =	sadd.s32 s2, s17  }
0x8e: {  	[smem:$0x3FC4] =	sst s2  }
0x8f: {  	_ = 	snop  }
0x90: {  	s2 =	sld [smem:$0x3FC9]  }
0x91: {  	s18 =	sld [smem:$0x3FC8]  }
0x92: {  	s4 =	sld [smem:$0x3FC7];
	(tm) =	ssettm $0x1  }
0x93: {  	s5 =	sld [smem:$0x3FFB];
	_ =	sdelay $0x3  }
0x94: {  	_ =	strace s5  }
0x95: {  	s5 =	sld [smem:$0x3FFC];
	_ =	sdelay $0x3  }
0x96: {  	_ =	strace s5  }
0x97: {  	s5 =	sld [smem:$0x3FFD];
	_ =	sdelay $0x3  }
0x98: {  	_ =	strace s5  }
0x99: {  	_ =	strace $0x8FFFFFFF  }
0x9a: {  	s19 =	sld [smem:$0x3FDB];
	_ =	sdelay $0x1  }
0x9b: {  	s6 =	simm.s32 $_scs_section_size  }
0x9c: {  	s7 =	simm.s32 $_size__tile_overlayer_lowered;
	s8 =	simm.s32 $_tile_overlayer_lowered  }
0x9d: {  	s22 =	simm.s32 $0x1BFF;
	s21 =	sshll.u32 s8, $0x1;
	s5 =	sadd.s32 s6, s19  }
0x9e: {  	s9 =	simm.s32 $0x0;
	s20 =	sshll.u32 s7, $0x1;
	s7 =	sadd.s32 s21, s5  }
0x9f: {  	[timem:s9], [sflag:s22] =	dma.local [hbm:s7], s20  }
0xa0: {  	_ =	swait.ge [sflag:s22], s20  }
0xa1: {  	s6 =	ssub.s32 $0x0, s20;
	[sflag:s22] =	ssyncset.done $0x0  }
0xa2: {  	[sflag:s22] =	ssyncadd.s32 s6;
	_ =	sdelay $0x1  }
0xa3: {  	s23 =	simm.s32 $0x1B8B  }
0xa4: {  	_ =	swait.ge [sflag:s23], $0x1  }
0xa5: {  	[sflag:s23] =	ssyncset.done $0x0  }
0xa6: {  	s25 =	simm.s32 $0x1B8E;
	s24 =	sld [smem:$0x3FFE];
	[sflag:s23] =	ssyncadd.s32 $0xFFFFFFFF  }
0xa7: {  	s26 =	simm.s32 $execute0_lowered;
	[smem:$0x3FD2] =	sst s25  }
0xa8: {  	s7 =	sshll.u32 s26, $0x1;
	_ =	strace $0x80000046;
	[dreg:$0x1] =	wrdreg $0xFFFFFFFF  }
0xa9: {  	s28 =	simm.s32 $_size_execute0_lowered;
	s5 =	sadd.s32 s5, s7;
	[dreg:$0x0] =	wrdreg $0x0  }
0xaa: {  	s7 =	sshll.u32 s28, $0x1;
	[dreg:$0x2] =	wrdreg s5  }
0xab: {  	[dreg:$0x3] =	wrdreg s7  }
0xac: {  	[dreg:$0x4] =	wrdreg $0xC0  }
0xad: {  	_ =	task [dreg:s9], $0x5FFFF  }
0xae: {  	[dreg:$0x1] =	wrdreg $0xFFFFFFFF  }
0xaf: {  	[dreg:$0x0] =	wrdreg $0x60  }
0xb0: {  	[dreg:$0x2] =	wrdreg s2  }
0xb1: {  	[dreg:$0x3] =	wrdreg s18  }
0xb2: {  	[dreg:$0x4] =	wrdreg s4  }
0xb3: {  	[dreg:$0x5] =	wrdreg s24  }
0xb4: {  	[dreg:$0x6] =	wrdreg $0x9  }
0xb5: {  	_ =	task.clear_ibuf [dreg:s9], $0x7FFFF;
	_ =	strace $0x90000046  }
0xb6: {  	s29 =	simm.s32 $0x9;
	_ =	strace $0x80000048  }
0xb7: {  	_ =	swait.ge [sflag:s29], $0x1  }
0xb8: {  	[sflag:s29] =	ssyncadd.s32 $0xFFFFFFFF  }
0xb9: {  	_ =	strace $0x90000048  }
0xba: {  	_ =	sfence  }
0xbb: {  	s30 =	sld [smem:$0x0];
	_ =	sdelay $0x2  }
0xbc: {  	s31 =	sshll.u32 s1, $0xD;
	s1 =	sshrl.u32 s1, $0x2  }
0xbd: {  	s3 =	sand.u32 $0x4000, s31;
	s1 =	sadd.s32 s1, s30  }
0xbe: {  	s0 =	sor.u32 s3, s0;
	s1 =	sshll.u32 s1, $0x11  }
0xbf: {  	s0 =	sor.u32 s1, s0  }
0xc0: {  	s0 =	sadd.s32 $0x8F2B, s0  }
0xc1: {  	[sflag:s0] =	ssyncadd.remote.s32 $0x1  }
0xc2: {  	_ =	sfence.sel $0xFFFF  }
0xc3: {  	[dreg:$0x0] =	wrdreg $0xFFFFFFFF;
	(pc) =	sbr.abs _section_cstart, $3  }
0xc4: {  	[dreg:$0x1] =	wrdreg $0xFFFFFFFF  }
0xc5: {  	_ =	task.clear_ibuf [dreg:s9], $0x2FFFF;
	_ =	strace $0x9FFFFFFF  }
0xc6: {  	(tm) =	ssettm $0x7FFFFFFF  }
0xc7: {  	_ =	shalt  }
tec
execute0_lowered:
.L_overlay_start_1:
0x0: {  	(tag) =	ssettag $0x1  }
0x1: {  	v0 =	vimm.f32 $1.500000000e+01;
	vm14 =	vcmask $0x300  }
0x2: {  	vm13 =	vcmask $0x704;
	v0 =	vsel vm14, $0x0, v0  }
0x3: {  	vm12 =	vcmask $0xB08;
	v0 =	vsel vm13, $0x3F800000, v0  }
0x4: {  	vm11 =	vcmask $0xF0C;
	v0 =	vsel vm12, $0x40000000, v0  }
0x5: {  	vm10 =	vcmask $0x1310;
	v0 =	vsel vm11, $0x40400000, v0  }
0x6: {  	vm9 =	vcmask $0x1714;
	v0 =	vsel vm10, $0x40800000, v0  }
0x7: {  	vm8 =	vcmask $0x1B18;
	v0 =	vsel vm9, $0x40A00000, v0  }
0x8: {  	vm7 =	vcmask $0x1F1C;
	vm6 =	vcmask $0x2320;
	v0 =	vsel vm8, $0x40C00000, v0  }
0x9: {  	vm5 =	vcmask $0x2724;
	vm4 =	vcmask $0x2B28;
	v0 =	vsel vm7, $0x40E00000, v0  }
0xa: {  	vm3 =	vcmask $0x2F2C;
	vm2 =	vcmask $0x3330;
	v0 =	vsel vm6, $0x41000000, v0  }
0xb: {  	vm1 =	vcmask $0x3734;
	vm0 =	vcmask $0x3B38;
	v0 =	vsel vm5, $0x41100000, v0  }
0xc: {  	v60 =	vimm.f32 $3.100000000e+01;
	v1 =	vimm.f32 $4.700000000e+01;
	v0 =	vsel vm4, $0x41200000, v0  }
0xd: {  	v2 =	vimm.f32 $6.300000000e+01;
	v4 =	vimm.s32 $0x0;
	v0 =	vsel vm3, $0x41300000, v0  }
0xe: {  	v5 =	vimm.s32 $0xF;
	v6 =	vimm.s32 $0x1;
	v0 =	vsel vm2, $0x41400000, v0  }
0xf: {  	v7 =	vimm.s32 $0x2;
	v8 =	vimm.s32 $0x3;
	v0 =	vsel vm1, $0x41500000, v0  }
0x10: {  	v9 =	vimm.s32 $0x4;
	v10 =	vimm.s32 $0x5;
	v0 =	vsel vm0, $0x41600000, v0  }
0x11: {  	v11 =	vimm.s32 $0x6;
	v12 =	vimm.s32 $0x7;
	[tilespmem:$0x1FFC0] =	vst v0;
	v0 =	vsel vm14, $0x41800000, v60  }
0x12: {  	v13 =	vimm.s32 $0x8;
	v1 =	vsel vm14, $0x42000000, v1;
	v0 =	vsel vm13, $0x41880000, v0  }
0x13: {  	v2 =	vsel vm14, $0x42400000, v2;
	v1 =	vsel vm13, $0x42040000, v1;
	v0 =	vsel vm12, $0x41900000, v0  }
0x14: {  	v2 =	vsel vm13, $0x42440000, v2;
	v1 =	vsel vm12, $0x42080000, v1;
	v0 =	vsel vm11, $0x41980000, v0  }
0x15: {  	v2 =	vsel vm12, $0x42480000, v2;
	v1 =	vsel vm11, $0x420C0000, v1;
	v0 =	vsel vm10, $0x41A00000, v0  }
0x16: {  	s8 =	rddreg [dreg:$0x0];
	v2 =	vsel vm11, $0x424C0000, v2;
	v1 =	vsel vm10, $0x42100000, v1;
	v0 =	vsel vm9, $0x41A80000, v0  }
0x17: {  	s0 =	rddreg [dreg:$0x1];
	v2 =	vsel vm10, $0x42500000, v2;
	v1 =	vsel vm9, $0x42140000, v1;
	v0 =	vsel vm8, $0x41B00000, v0  }
0x18: {  	s1 =	rddreg [dreg:$0x2];
	v2 =	vsel vm9, $0x42540000, v2;
	v1 =	vsel vm8, $0x42180000, v1;
	v0 =	vsel vm7, $0x41B80000, v0  }
0x19: {  	s7 =	rddreg [dreg:$0x3];
	v2 =	vsel vm8, $0x42580000, v2;
	v1 =	vsel vm7, $0x421C0000, v1;
	v0 =	vsel vm6, $0x41C00000, v0  }
0x1a: {  	s2 =	rddreg [dreg:$0x4];
	s3 =	simm.s32 $0x0;
	s5 =	srdreg.scid;
	v2 =	vsel vm7, $0x425C0000, v2;
	v1 =	vsel vm6, $0x42200000, v1;
	v0 =	vsel vm5, $0x41C80000, v0  }
0x1b: {  	s4 =	stileid.u32;
	s11 =	simm.s32 $0x800;
	s12 =	simm.s32 $0x880;
	v2 =	vsel vm6, $0x42600000, v2;
	v1 =	vsel vm5, $0x42240000, v1;
	v0 =	vsel vm4, $0x41D00000, v0  }
0x1c: {  	s13 =	simm.s32 $0x900;
	s14 =	simm.s32 $0x980;
	s15 =	simm.s32 $0x8980;
	v2 =	vsel vm5, $0x42640000, v2;
	v1 =	vsel vm4, $0x42280000, v1;
	v0 =	vsel vm3, $0x41D80000, v0  }
0x1d: {  	s16 =	simm.s32 $0x1;
	s17 =	simm.s32 $0x2;
	s5 =	sand.u32 $0x1, s5;
	v2 =	vsel vm4, $0x42680000, v2;
	v1 =	vsel vm3, $0x422C0000, v1;
	v0 =	vsel vm2, $0x41E00000, v0  }
0x1e: {  	s18 =	simm.s32 $0x0;
	[smem:$0x7FF] =	sst s3;
	s9 =	ssub.s32 $0x2, s5;
	v2 =	vsel vm3, $0x426C0000, v2;
	v1 =	vsel vm2, $0x42300000, v1;
	v0 =	vsel vm1, $0x41E80000, v0  }
0x1f: {  	s6 =	sshll.u32 s4, $0xC;
	s5 =	sshll.u32 s5, $0xB;
	s10 =	sshrl.u32 s9, $0x1;
	v2 =	vsel vm2, $0x42700000, v2;
	v61 =	vsel vm1, $0x42340000, v1;
	v0 =	vsel vm0, $0x41F00000, v0  }
0x20: {  	v14 =	vimm.s32 $0x9;
	s5 =	sor.u32 s5, s6;
	s6 =	sadd.s32 $0x400, s7;
	s7 =	sadd.s32 $0x600, s7;
	v62 =	vsel vm1, $0x42740000, v2;
	[tilespmem:$0x1FFD0] =	vst v0;
	v0 =	vsel vm0, $0x42380000, v61  }
0x21: {  	v15 =	vimm.s32 $0xA;
	v16 =	vimm.s32 $0xB;
	s9 =	ssub.s32 s9, s10;
	s31 =	sshrl.u32 s5, $0x3;
	v63 =	vsel vm0, $0x42780000, v62;
	_ =	strace $0x80000047;
	[tilespmem:$0x1FFE0] =	vst v0  }
0x22: {  	v17 =	vimm.s32 $0xC;
	v18 =	vimm.s32 $0xD;
	v19 =	vimm.s32 $0xE;
	s10 =	simm.s32 $0x3;
	s8 =	sadd.s32 s8, s31;
	s9 =	smax.u32 s9, $0x1;
	[tilespmem:$0x1FFF0] =	vst v63  }
.LBB2_1:
0x23: {  	[tilespmem:s3], [sflag:$0x3] =	stream.linear.gather [hbm4b:s8+s3], $0x800, $0x38;
	[tilespmem:$0x10980] =	vst v63  }
0x24: {  	_ =	swait.ge [sflag:s10], $0x800  }
0x25: {  	[sflag:s10] =	ssyncset.done $0x0  }
0x26: {  	[sflag:s10] =	ssyncadd.s32 $0xFFFFF800  }
0x27: {  	[tilespmem:s11], [sflag:$0x3] =	stream.linear.gather [hbm4b:s0+s3], $0x80, $0x38;
	[tilespmem:$0x10980] =	vst v63  }
0x28: {  	_ =	swait.ge [sflag:s10], $0x80  }
0x29: {  	[sflag:s10] =	ssyncset.done $0x0  }
0x2a: {  	[sflag:s10] =	ssyncadd.s32 $0xFFFFFF80  }
0x2b: {  	[tilespmem:s12], [sflag:$0x3] =	stream.linear.gather [hbm4b:s1+s3], $0x80, $0x38;
	[tilespmem:$0x10980] =	vst v63  }
0x2c: {  	_ =	swait.ge [sflag:s10], $0x80  }
0x2d: {  	[sflag:s10] =	ssyncset.done $0x0  }
0x2e: {  	[sflag:s10] =	ssyncadd.s32 $0xFFFFFF80  }
0x2f: {  	[tilespmem:s13], [sflag:$0x3] =	stream.linear.gather [hbm4b:s6+s3], $0x80, $0x38;
	[tilespmem:$0x10980] =	vst v63  }
0x30: {  	_ =	swait.ge [sflag:s10], $0x80  }
0x31: {  	[sflag:s10] =	ssyncset.done $0x0  }
0x32: {  	[sflag:s10] =	ssyncadd.s32 $0xFFFFFF80  }
0x33: {  	v0 =	vld [tilespmem:$0x880]  }
0x34: {  	v2 =	vld [tilespmem:$0x890];
	_ =	sdelay $0x1  }
0x35: {  	v60 =	vld [tilespmem:$0x8B0];
	_ =	sdelay $0x1  }
0x36: {  	v1 =	vmul.f32 $-2.000000000e+00, v0  }
0x37: {  	v20 =	vmul.f32 $-2.000000000e+00, v2  }
0x38: {  	v3 =	vld [tilespmem:$0x8A0];
	v1 =	vmul.f32 $1.442695020e+00, v1  }
0x39: {  	v23 =	vmul.f32 $-2.000000000e+00, v60;
	v20 =	vmul.f32 $1.442695020e+00, v20  }
0x3a: {  	v21 =	vld.msk [tilespmem:$0x900 ss:$0x0], $0xffff;
	(erf) = vpow2.f32 v1  }
0x3b: {  	(erf) = vpow2.f32 v20;
	v20 =	vmul.f32 $1.442695020e+00, v23;
	v23 =	vld [tilespmem:$0x1FFC0];
	_ =	sdelay $0x1  }
0x3c: {  	v22 =	vmul.f32 $-2.000000000e+00, v3;
	_ =	sdelay $0x1  }
0x3d: {  	v27 =	vld [tilespmem:$0x1FFD0];
	v22 =	vmul.f32 $1.442695020e+00, v22  }
0x3e: {  	v30 =	vld [tilespmem:$0x1FFF0];
	v23 =	vmul.f32 v23, v21  }
0x3f: {  	v24 =	vld [tilespmem:$0x800]  }
0x40: {  	v29 =	vld [tilespmem:$0x820];
	(erf) = vpow2.f32 v22;
	v25 =	vmul.f32 $5.000000000e-01, v23  }
0x41: {  	v31 =	vld [tilespmem:$0x830];
	v22 =	vpop (erf);
	(erf) = vpow2.f32 v20  }
0x42: {  	v20 =	vmul.f32 v22, v23;
	v23 =	vmul.f32 v25, v23;
	v25 =	vld [tilespmem:$0x1FFE0];
	_ =	sdelay $0x2  }
0x43: {  	v26 =	vld [tilespmem:$0x810];
	v24 =	vmul.f32 $5.000000000e-01, v24;
	v27 =	vmul.f32 v27, v21  }
0x44: {  	v30 =	vmul.f32 v30, v21;
	v61 =	vmul.f32 $5.000000000e-01, v29  }
0x45: {  	v29 =	vmul.f32 $5.000000000e-01, v31;
	v28 =	vmul.f32 v25, v21  }
0x46: {  	v25 =	vmul.f32 $5.000000000e-01, v27;
	v21 =	vmul.f32 v22, v23  }
0x47: {  	v32 =	vmul.f32 $5.000000000e-01, v30;
	v23 =	vmul.f32 $5.000000000e-01, v28  }
0x48: {  	v33 =	vpop (erf);
	v25 =	vmul.f32 v25, v27;
	v21 =	vsub.f32 v24, v21;
	v24 =	vmul.f32 $5.000000000e-01, v26  }
0x49: {  	v34 =	vpop (erf);
	v26 =	vmul.f32 v32, v30;
	v23 =	vmul.f32 v23, v28  }
0x4a: {  	v22 =	vmul.f32 $-5.000000000e-01, v22;
	v62 =	vpop (erf);
	v25 =	vmul.f32 v33, v25  }
0x4b: {  	v21 =	vsub.f32 v21, v0;
	v26 =	vmul.f32 v62, v26;
	v23 =	vmul.f32 v34, v23  }
0x4c: {  	v30 =	vmul.f32 v62, v30;
	v25 =	vsub.f32 v24, v25;
	v24 =	vmul.f32 $-5.000000000e-01, v33  }
0x4d: {  	v63 =	vsub.f32 v29, v26;
	v26 =	vmul.f32 $-5.000000000e-01, v34;
	v0 =	vsub.f32 v61, v23  }
0x4e: {  	v29 =	vmul.f32 $-5.000000000e-01, v62;
	v23 =	vmul.f32 v33, v27;
	v25 =	vsub.f32 v25, v2  }
0x4f: {  	s19 =	simm.s32 $0x0;
	v27 =	vmul.f32 v34, v28;
	v31 =	vsub.f32 v63, v60;
	v28 =	vsub.f32 v0, v3  }
.LBB2_2:
0x50: {  	p0 =	seq.s32 s19, $0x0  }
0x51: {  	s22 =	simm.s32 $0x0;
	s21 =	simm.s32 @!p0 $0x1  }
0x52: {  	s20 =	sshll.u32 s19, $0x9;
	s23 =	sand.u32 $0x80, s22;
	_ =	swait.ge @!p0 [sflag:s21], $0x8000  }
0x53: {  	s22 =	sand.u32 $0x70, s22;
	s23 =	sadd.s32 s23, s20;
	[sflag:s21] =	ssyncset.done @!p0 $0x0  }
0x54: {  	s29 =	sadd.s32 s22, s23;
	[sflag:s21] =	ssyncadd.s32 @!p0 $0xFFFF8000  }
0x55: {  	v45 =	vld [tilespmem:s29+$0x0];
	_ =	sdelay $0x4  }
0x56: {  	v0 =	vperm.xlane v45, v4;
	v1 =	vperm.xlane v45, v6  }
0x57: {  	v3 =	vperm.xlane v45, v7;
	v37 =	vperm.xlane v45, v8  }
0x58: {  	v2 =	vmul.f32 v0, v22;
	v33 =	vmul.f32 v1, v22  }
0x59: {  	v34 =	vmul.f32 v0, v24;
	v35 =	vmul.f32 v1, v24  }
0x5a: {  	v36 =	vmul.f32 v0, v26;
	v38 =	vmul.f32 v1, v26  }
0x5b: {  	v39 =	vmul.f32 v0, v29;
	v40 =	vmul.f32 v1, v29  }
0x5c: {  	v41 =	vmul.f32 v3, v22;
	v42 =	vmul.f32 v3, v24  }
0x5d: {  	v47 =	vmul.f32 v3, v26;
	v2 =	vadd.f32 v2, v20;
	v34 =	vadd.f32 v34, v23  }
0x5e: {  	v48 =	vmul.f32 v3, v29;
	v36 =	vadd.f32 v36, v27;
	v33 =	vadd.f32 v33, v20  }
0x5f: {  	v39 =	vadd.f32 v39, v30;
	v35 =	vadd.f32 v35, v23;
	v2 =	vmul.f32 v2, v0  }
0x60: {  	v38 =	vadd.f32 v38, v27;
	v60 =	vadd.f32 v40, v30;
	v34 =	vmul.f32 v34, v0  }
0x61: {  	v36 =	vmul.f32 v36, v0;
	v0 =	vmul.f32 v39, v0;
	v2 =	vadd.f32 v2, v21  }
0x62: {  	v33 =	vmul.f32 v33, v1;
	v35 =	vmul.f32 v35, v1;
	v34 =	vadd.f32 v34, v25  }
0x63: {  	v63 =	vmul.f32 v38, v1;
	v36 =	vadd.f32 v36, v28;
	v2 =	vmul.f32 $1.442695020e+00, v2  }
0x64: {  	v1 =	vmul.f32 v60, v1;
	v0 =	vadd.f32 v0, v31;
	v34 =	vmul.f32 $1.442695020e+00, v34  }
0x65: {  	v61 =	vadd.f32 v33, v21;
	v36 =	vmul.f32 $1.442695020e+00, v36;
	(erf) = vpow2.f32 v2  }
0x66: {  	v62 =	vadd.f32 v35, v25;
	v0 =	vmul.f32 $1.442695020e+00, v0;
	(erf) = vpow2.f32 v34  }
0x67: {  	v40 =	vadd.f32 v63, v28;
	v38 =	vmul.f32 $1.442695020e+00, v61;
	(erf) = vpow2.f32 v36  }
0x68: {  	v1 =	vadd.f32 v1, v31;
	v39 =	vmul.f32 $1.442695020e+00, v62;
	(erf) = vpow2.f32 v0  }
0x69: {  	v33 =	vmul.f32 $1.442695020e+00, v40;
	(erf) = vpow2.f32 v38  }
0x6a: {  	v46 =	vadd.f32 v42, v23;
	v43 =	vmul.f32 $1.442695020e+00, v1;
	(erf) = vpow2.f32 v39  }
0x6b: {  	v53 =	vmul.f32 v37, v24;
	v44 =	vadd.f32 v41, v20;
	(erf) = vpow2.f32 v33  }
0x6c: {  	v51 =	vadd.f32 v47, v27;
	v50 =	vmul.f32 v46, v3;
	(erf) = vpow2.f32 v43  }
0x6d: {  	v52 =	vmul.f32 v37, v22;
	v49 =	vmul.f32 v44, v3;
	v36 =	vadd.f32 v48, v30  }
0x6e: {  	v1 =	vadd.f32 v50, v25;
	v40 =	vadd.f32 v53, v23;
	v38 =	vmul.f32 v51, v3;
	v62 =	vpop (erf)  }
0x6f: {  	v46 =	vmul.f32 v37, v29;
	v0 =	vadd.f32 v49, v21;
	v3 =	vmul.f32 v36, v3;
	v33 =	vpop (erf)  }
0x70: {  	v1 =	vmul.f32 $1.442695020e+00, v1;
	v49 =	vmul.f32 v40, v37;
	v38 =	vadd.f32 v38, v28;
	v34 =	vpop (erf)  }
0x71: {  	v40 =	vperm.xlane v45, v9;
	v0 =	vmul.f32 $1.442695020e+00, v0;
	v54 =	vadd.f32 v3, v31;
	v35 =	vpop (erf)  }
0x72: {  	v60 =	vadd.f32 v52, v20;
	v43 =	vmul.f32 v37, v26;
	v55 =	vmul.f32 $1.442695020e+00, v38;
	v36 =	vpop (erf)  }
0x73: {  	v50 =	vadd.f32 v46, v30;
	v63 =	vmul.f32 $1.442695020e+00, v54;
	(erf) = vpow2.f32 v0;
	v3 =	vpop (erf)  }
0x74: {  	v39 =	vadd.f32 v49, v25;
	v38 =	vmul.f32 v60, v37;
	(erf) = vpow2.f32 v1;
	v48 =	vpop (erf)  }
0x75: {  	v41 =	vadd.f32 v33, v62;
	v42 =	vadd.f32 v35, v34;
	(erf) = vpow2.f32 v55;
	v57 =	vpop (erf)  }
0x76: {  	v61 =	vadd.f32 v3, v36;
	(erf) = vpow2.f32 v63;
	v47 =	vadd.f32 v57, v48  }
0x77: {  	v32 =	vadd.f32 v43, v27;
	v41 =	vadd.f32 v42, v41  }
0x78: {  	v49 =	vmul.f32 v40, v24;
	v51 =	vadd.f32 v38, v21;
	v0 =	vadd.f32 v47, v61  }
0x79: {  	v54 =	vmul.f32 v40, v22;
	v52 =	vmul.f32 v32, v37;
	(xrf2) =	vadd.scan.msk.f32 $0xffff, v41  }
0x7a: {  	v37 =	vmul.f32 v50, v37;
	v1 =	vmul.f32 $1.442695020e+00, v51;
	(xrf2) =	vadd.scan.msk.f32 $0xffff, v0  }
0x7b: {  	v44 =	vmul.f32 v40, v29;
	v53 =	vmul.f32 $1.442695020e+00, v39;
	v32 =	vadd.f32 v54, v20  }
0x7c: {  	v38 =	vadd.f32 v52, v28;
	v37 =	vadd.f32 v37, v31;
	(erf) = vpow2.f32 v1;
	v58 =	vpop (erf)  }
0x7d: {  	v52 =	vadd.f32 v49, v23;
	(erf) = vpow2.f32 v53;
	v53 =	vmul.f32 v40, v26;
	v59 =	vpop (erf)  }
0x7e: {  	v38 =	vmul.f32 $1.442695020e+00, v38;
	v55 =	vmul.f32 $1.442695020e+00, v37;
	v60 =	vpop (erf)  }
0x7f: {  	v37 =	vmul.f32 v32, v40;
	v1 =	vmul.f32 v52, v40;
	v39 =	vadd.f32 v53, v27;
	v0 =	vpop (erf)  }
0x80: {  	(erf) = vpow2.f32 v38;
	v50 =	vadd.f32 v59, v58;
	v54 =	vadd.f32 v0, v60  }
0x81: {  	v41 =	vperm.xlane v45, v10;
	v37 =	vadd.f32 v37, v21;
	(erf) = vpow2.f32 v55  }
0x82: {  	v1 =	vadd.f32 v1, v25;
	v39 =	vmul.f32 v39, v40;
	v38 =	vadd.f32 v54, v50  }
0x83: {  	v55 =	vadd.f32 v44, v30;
	v37 =	vmul.f32 $1.442695020e+00, v37;
	v46 =	vmul.f32 v41, v24;
	v56, _, _ =	vpop (xrf2)  }
0x84: {  	v1 =	vmul.f32 $1.442695020e+00, v1;
	v39 =	vadd.f32 v39, v28;
	v51 =	vperm.xlane v56, v5;
	v61, _, _ =	vpop (xrf2);
	(xrf2) =	vadd.scan.msk.f32 $0xffff, v38  }
0x85: {  	v63 =	vmul.f32 v55, v40;
	v32 =	vperm.xlane v61, v5  }
0x86: {  	v39 =	vmul.f32 $1.442695020e+00, v39;
	(erf) = vrcp.f32 v51  }
0x87: {  	v50 =	vpop (erf);
	v54 =	vmul.f32 v41, v26;
	v38 =	vadd.f32 v63, v31;
	(erf) = vrcp.f32 v32  }
0x88: {  	v56 =	vmul.f32 v41, v22;
	v47 =	vpop (erf);
	(erf) = vpow2.f32 v37  }
0x89: {  	v55 =	vadd.f32 v46, v23;
	v51 =	vpop (erf);
	v38 =	vmul.f32 $1.442695020e+00, v38;
	(erf) = vpow2.f32 v1  }
0x8a: {  	v52 =	vadd.f32 v47, v50;
	v49 =	vadd.f32 v56, v20;
	v32 =	vpop (erf);
	(erf) = vpow2.f32 v39  }
0x8b: {  	v56 =	vmul.f32 v41, v29;
	v53 =	vadd.f32 v32, v51;
	(erf) = vpow2.f32 v38  }
0x8c: {  	v61 =	vadd.f32 v54, v27;
	v40 =	vmul.f32 v49, v41;
	v39 =	vmul.f32 v55, v41  }
0x8d: {  	v63 =	vadd.f32 v56, v30;
	v1 =	vadd.f32 v53, v52  }
0x8e: {  	v40 =	vadd.f32 v40, v21;
	v38 =	vmul.f32 v61, v41;
	v39 =	vadd.f32 v39, v25;
	v2, _, _ =	vpop (xrf2)  }
0x8f: {  	[tilespmem:$0x1FDC0] =	vst v32;
	v41 =	vmul.f32 v63, v41;
	v43 =	vpop (erf);
	(xrf2) =	vadd.scan.msk.f32 $0xffff, v1;
	v32 =	vperm.xlane v2, v5  }
0x90: {  	v40 =	vmul.f32 $1.442695020e+00, v40;
	v38 =	vadd.f32 v38, v28;
	v46 =	vmul.f32 $1.442695020e+00, v39;
	v37 =	vpop (erf)  }
0x91: {  	v41 =	vadd.f32 v41, v31;
	v39 =	vperm.xlane v45, v11;
	v44 =	vpop (erf);
	(erf) = vrcp.f32 v32  }
0x92: {  	[tilespmem:$0x1FDB0] =	vst v51;
	v38 =	vmul.f32 $1.442695020e+00, v38;
	v51 =	vpop (erf);
	(erf) = vpow2.f32 v40  }
0x93: {  	v53 =	vmul.f32 $1.442695020e+00, v41;
	v56 =	vpop (erf);
	(erf) = vpow2.f32 v46  }
0x94: {  	v32 =	vmul.f32 v39, v24;
	(erf) = vpow2.f32 v38;
	v63 =	vpop (erf)  }
0x95: {  	v54 =	vadd.f32 v51, v44;
	(erf) = vpow2.f32 v53;
	v55 =	vadd.f32 v63, v56  }
0x96: {  	v61 =	vmul.f32 v39, v22;
	[tilespmem:$0x1FDD0] =	vst v44;
	v44 =	vperm.xlane v45, v12;
	v41 =	vadd.f32 v32, v23  }
0x97: {  	v1 =	vadd.f32 v55, v54  }
0x98: {  	v42 =	vmul.f32 v44, v22;
	v41 =	vmul.f32 v41, v39;
	v54 =	vadd.f32 v61, v20  }
0x99: {  	v49 =	vmul.f32 v39, v29;
	v53 =	vmul.f32 v39, v26;
	v2, _, _ =	vpop (xrf2);
	(xrf2) =	vadd.scan.msk.f32 $0xffff, v1  }
0x9a: {  	v41 =	vadd.f32 v41, v25;
	v42 =	vadd.f32 v42, v20;
	v61 =	vmul.f32 v54, v39;
	v38 =	vpop (erf)  }
0x9b: {  	v32 =	vmul.f32 v44, v29;
	v52 =	vperm.xlane v2, v5;
	v1 =	vadd.f32 v53, v27;
	v55 =	vpop (erf)  }
0x9c: {  	v49 =	vadd.f32 v49, v30;
	v41 =	vmul.f32 $1.442695020e+00, v41;
	v42 =	vmul.f32 v42, v44;
	v46 =	vpop (erf)  }
0x9d: {  	(erf) = vrcp.f32 v52;
	v1 =	vmul.f32 v1, v39;
	v40 =	vadd.f32 v61, v21;
	v2 =	vpop (erf)  }
0x9e: {  	v39 =	vmul.f32 v49, v39;
	v54 =	vadd.f32 v42, v21;
	v42 =	vmul.f32 v35, v43;
	v61 =	vpop (erf)  }
0x9f: {  	v0 =	vmul.f32 v0, v38;
	[tilespmem:$0x1FEB0] =	vst v46;
	v52 =	vadd.f32 v46, v55;
	v46 =	vadd.f32 v61, v2  }
0xa0: {  	[tilespmem:$0x1FEA0] =	vst v55;
	v55 =	vmul.f32 v44, v24;
	v40 =	vmul.f32 $1.442695020e+00, v40  }
0xa1: {  	v1 =	vadd.f32 v1, v28;
	v39 =	vadd.f32 v39, v31;
	[tilespmem:$0x1FED0] =	vst v61;
	v61 =	vmul.f32 v44, v26  }
0xa2: {  	[tilespmem:$0x1FEC0] =	vst v2;
	v2 =	vadd.f32 v55, v23;
	(erf) = vpow2.f32 v40;
	v49 =	vadd.f32 v46, v52  }
0xa3: {  	v1 =	vmul.f32 $1.442695020e+00, v1;
	(erf) = vpow2.f32 v41;
	v61 =	vadd.f32 v61, v27;
	v46, _, _ =	vpop (xrf2)  }
0xa4: {  	v53 =	vmul.f32 v2, v44;
	(xrf2) =	vadd.scan.msk.f32 $0xffff, v49;
	v49 =	vadd.f32 v32, v30;
	v55 =	vperm.xlane v46, v5  }
0xa5: {  	v39 =	vmul.f32 $1.442695020e+00, v39;
	v61 =	vmul.f32 v61, v44  }
0xa6: {  	v40 =	vadd.f32 v53, v25;
	v44 =	vmul.f32 v49, v44;
	(erf) = vrcp.f32 v55  }
0xa7: {  	v32 =	vmul.f32 $1.442695020e+00, v54;
	v46 =	vadd.f32 v61, v28;
	(erf) = vpow2.f32 v1  }
0xa8: {  	v49 =	vmul.f32 $1.442695020e+00, v40;
	v52 =	vadd.f32 v44, v31;
	(erf) = vpow2.f32 v39  }
0xa9: {  	v41 =	vmul.f32 $1.442695020e+00, v46;
	(erf) = vpow2.f32 v32  }
0xaa: {  	v40 =	vmul.f32 $1.442695020e+00, v52;
	(erf) = vpow2.f32 v49  }
0xab: {  	[tilespmem:$0x1FE10] =	vst v42;
	v42 =	vmul.f32 v3, v37;
	v44 =	vpop (erf);
	(erf) = vpow2.f32 v41  }
0xac: {  	v2 =	vpop (erf);
	(erf) = vpow2.f32 v40;
	v40 =	vperm.xlane v45, v13  }
0xad: {  	v54 =	vmul.f32 v62, v43;
	v61 =	vmul.f32 v34, v43;
	v1 =	vpop (erf)  }
0xae: {  	v55 =	vmul.f32 v33, v43;
	v53, _, _ =	vpop (xrf2);
	v62 =	vmul.f32 v40, v22  }
0xaf: {  	[tilespmem:$0x1FE00] =	vst v61;
	v52 =	vperm.xlane v53, v5;
	v53 =	vmul.f32 v40, v24;
	v46 =	vpop (erf)  }
0xb0: {  	[tilespmem:$0x1FDF0] =	vst v55;
	v61 =	vadd.f32 v1, v2;
	v55 =	vmul.f32 v40, v26;
	v49 =	vpop (erf);
	v33 =	vadd.f32 v62, v20  }
0xb1: {  	[tilespmem:$0x1FDE0] =	vst v54;
	v62 =	vmul.f32 v40, v29;
	v35 =	vadd.f32 v53, v23;
	v54 =	vpop (erf);
	(erf) = vrcp.f32 v52  }
0xb2: {  	[tilespmem:$0x1FEE0] =	vst v2;
	v52 =	vadd.f32 v55, v27;
	v41 =	vadd.f32 v54, v49;
	v33 =	vmul.f32 v33, v40  }
0xb3: {  	v43 =	vmul.f32 v36, v37;
	[tilespmem:$0x1FEF0] =	vst v1;
	v1 =	vpop (erf);
	v55 =	vadd.f32 v62, v30;
	v35 =	vmul.f32 v35, v40  }
0xb4: {  	[tilespmem:$0x1FF00] =	vst v49;
	v49 =	vpop (erf);
	v34 =	vmul.f32 v52, v40;
	v53 =	vadd.f32 v41, v61;
	v33 =	vadd.f32 v33, v21  }
0xb5: {  	[tilespmem:$0x1FF10] =	vst v54;
	v54 =	vpop (erf);
	v39 =	vmul.f32 v55, v40;
	v35 =	vadd.f32 v35, v25;
	v40 =	vperm.xlane v45, v14  }
0xb6: {  	[tilespmem:$0x1FF20] =	vst v1;
	v62 =	vadd.f32 v49, v1;
	v61 =	vpop (erf);
	v34 =	vadd.f32 v34, v28;
	v33 =	vmul.f32 $1.442695020e+00, v33  }
0xb7: {  	(xrf2) =	vadd.scan.msk.f32 $0xffff, v53;
	v1 =	vadd.f32 v61, v54;
	v35 =	vmul.f32 $1.442695020e+00, v35;
	v2 =	vmul.f32 v40, v22  }
0xb8: {  	[tilespmem:$0x1FF40] =	vst v54;
	v39 =	vadd.f32 v39, v31;
	v52 =	vmul.f32 v40, v24;
	v54 =	vmul.f32 v40, v26  }
0xb9: {  	v55 =	vmul.f32 v40, v29;
	v34 =	vmul.f32 $1.442695020e+00, v34;
	v36 =	vadd.f32 v1, v62  }
0xba: {  	[tilespmem:$0x1FF30] =	vst v49;
	(erf) = vpow2.f32 v33;
	v49 =	vmul.f32 $1.442695020e+00, v39  }
0xbb: {  	v53 =	vadd.f32 v2, v20;
	v62 =	vadd.f32 v54, v27;
	(erf) = vpow2.f32 v35;
	(xrf2) =	vadd.scan.msk.f32 $0xffff, v36  }
0xbc: {  	v3 =	vadd.f32 v55, v30;
	v39 =	vperm.xlane v45, v15;
	(erf) = vpow2.f32 v34  }
0xbd: {  	[tilespmem:$0x1FF50] =	vst v61;
	v36 =	vadd.f32 v52, v23;
	v61 =	vmul.f32 v53, v40;
	v52 =	vmul.f32 v62, v40  }
0xbe: {  	v3 =	vmul.f32 v3, v40;
	v41 =	vmul.f32 v39, v22  }
0xbf: {  	(erf) = vpow2.f32 v49;
	v49 =	vmul.f32 v48, v37  }
0xc0: {  	[tilespmem:$0x1FE20] =	vst v43;
	v48 =	vmul.f32 v57, v37;
	v43 =	vmul.f32 v36, v40  }
0xc1: {  	v34 =	vadd.f32 v61, v21;
	v35 =	vadd.f32 v52, v28;
	v52 =	vmul.f32 v58, v38;
	v53, _, _ =	vpop (xrf2)  }
0xc2: {  	[tilespmem:$0x1FE40] =	vst v49;
	v49 =	vmul.f32 v39, v26;
	v33 =	vadd.f32 v43, v25;
	v36 =	vperm.xlane v53, v5  }
0xc3: {  	v3 =	vadd.f32 v3, v31;
	v34 =	vmul.f32 $1.442695020e+00, v34;
	v35 =	vmul.f32 $1.442695020e+00, v35  }
0xc4: {  	v61 =	vpop (erf);
	v33 =	vmul.f32 $1.442695020e+00, v33;
	(erf) = vrcp.f32 v36  }
0xc5: {  	v3 =	vmul.f32 $1.442695020e+00, v3;
	v55, _, _ =	vpop (xrf2);
	(erf) = vpow2.f32 v34  }
0xc6: {  	[tilespmem:$0x1FE90] =	vst v0;
	v54 =	vpop (erf);
	v62 =	vperm.xlane v55, v5;
	(erf) = vpow2.f32 v33  }
0xc7: {  	[tilespmem:$0x1FE30] =	vst v42;
	v53 =	vmul.f32 v39, v29;
	v36 =	vpop (erf);
	(erf) = vpow2.f32 v35  }
0xc8: {  	[tilespmem:$0x1FE60] =	vst v52;
	v33 =	vadd.f32 v41, v20;
	v40 =	vpop (erf);
	v43 =	vadd.f32 v36, v54;
	(erf) = vrcp.f32 v62  }
0xc9: {  	[tilespmem:$0x1FF70] =	vst v36;
	v36 =	vadd.f32 v49, v27;
	v42 =	vpop (erf);
	(erf) = vpow2.f32 v3;
	v3 =	vmul.f32 v39, v24  }
0xca: {  	[tilespmem:$0x1FF60] =	vst v54;
	v54 =	vmul.f32 v59, v38;
	v55 =	vmul.f32 v33, v39;
	v35 =	vadd.f32 v42, v40  }
0xcb: {  	[tilespmem:$0x1FF90] =	vst v42;
	v42 =	vmul.f32 v36, v39;
	v36 =	vperm.xlane v45, v16;
	v3 =	vadd.f32 v3, v23  }
0xcc: {  	v57 =	vmul.f32 v60, v38;
	v58 =	vadd.f32 v53, v30;
	[tilespmem:$0x1FF80] =	vst v40;
	v34 =	vadd.f32 v35, v43  }
0xcd: {  	[tilespmem:$0x1FE70] =	vst v54;
	v40 =	vadd.f32 v55, v21;
	v52 =	vmul.f32 v36, v22;
	v3 =	vmul.f32 v3, v39  }
0xce: {  	v35 =	vadd.f32 v42, v28;
	v54 =	vmul.f32 v36, v24;
	v55 =	vmul.f32 v36, v26;
	v41 =	vpop (erf);
	(xrf2) =	vadd.scan.msk.f32 $0xffff, v34  }
0xcf: {  	[tilespmem:$0x1FE50] =	vst v48;
	v0 =	vmul.f32 $1.442695020e+00, v40;
	v34 =	vmul.f32 v58, v39;
	v59 =	vpop (erf);
	v48 =	vadd.f32 v3, v25  }
0xd0: {  	v35 =	vmul.f32 $1.442695020e+00, v35;
	v39 =	vadd.f32 v52, v20;
	v1 =	vadd.f32 v54, v23;
	v43 =	vpop (erf)  }
0xd1: {  	(erf) = vpow2.f32 v0;
	v34 =	vadd.f32 v34, v31;
	v62 =	vpop (erf);
	v37 =	vmul.f32 $1.442695020e+00, v48  }
0xd2: {  	[tilespmem:$0x1FFA0] =	vst v59;
	v1 =	vmul.f32 v1, v36;
	v49 =	vadd.f32 v43, v59;
	v59 =	vmul.f32 v39, v36;
	v40 =	vpop (erf)  }
0xd3: {  	v34 =	vmul.f32 $1.442695020e+00, v34;
	v60 =	vpop (erf);
	(erf) = vpow2.f32 v37  }
0xd4: {  	v53 =	vadd.f32 v60, v62;
	v37 =	vadd.f32 v55, v27;
	(erf) = vpow2.f32 v35  }
0xd5: {  	[tilespmem:$0x1FE80] =	vst v57;
	v57 =	vmul.f32 v36, v29;
	v1 =	vadd.f32 v1, v25;
	(erf) = vpow2.f32 v34  }
0xd6: {  	v38 =	vadd.f32 v59, v21;
	v0 =	vadd.f32 v53, v49;
	v37 =	vmul.f32 v37, v36  }
0xd7: {  	v56 =	vmul.f32 v56, v46;
	v1 =	vmul.f32 $1.442695020e+00, v1;
	v35 =	vadd.f32 v57, v30  }
0xd8: {  	v48 =	vmul.f32 $1.442695020e+00, v38;
	v58, _, _ =	vpop (xrf2);
	(xrf2) =	vadd.scan.msk.f32 $0xffff, v0;
	v0 =	vperm.xlane v45, v17;
	v37 =	vadd.f32 v37, v28  }
0xd9: {  	v42 =	vmul.f32 v35, v36;
	v34 =	vperm.xlane v58, v5  }
0xda: {  	[tilespmem:$0x1FFB0] =	vst v43;
	v43 =	vmul.f32 v0, v22;
	v55 =	vmul.f32 $1.442695020e+00, v37  }
0xdb: {  	v59 =	vpop (erf);
	v49 =	vmul.f32 v0, v24;
	(erf) = vrcp.f32 v34;
	v34 =	vadd.f32 v42, v31  }
0xdc: {  	v3 =	vmul.f32 v0, v26;
	(erf) = vpow2.f32 v48;
	v58 =	vpop (erf)  }
0xdd: {  	v34 =	vmul.f32 $1.442695020e+00, v34;
	(erf) = vpow2.f32 v1;
	v57 =	vpop (erf)  }
0xde: {  	v38 =	vmul.f32 v0, v29;
	v35 =	vadd.f32 v43, v20;
	(erf) = vpow2.f32 v55;
	v55 =	vpop (erf)  }
0xdf: {  	v36 =	vadd.f32 v58, v59;
	(erf) = vpow2.f32 v34;
	v37 =	vadd.f32 v55, v57  }
0xe0: {  	v32 =	vadd.f32 v49, v23;
	v3 =	vadd.f32 v3, v27;
	v35 =	vmul.f32 v35, v0  }
0xe1: {  	v48 =	vmul.f32 v50, v44;
	v1 =	vadd.f32 v38, v30;
	v2 =	vadd.f32 v37, v36  }
0xe2: {  	v50 =	vmul.f32 v47, v44;
	v32 =	vmul.f32 v32, v0;
	v35 =	vadd.f32 v35, v21  }
0xe3: {  	v3 =	vmul.f32 v3, v0;
	v1 =	vmul.f32 v1, v0;
	v39, _, _ =	vpop (xrf2);
	(xrf2) =	vadd.scan.msk.f32 $0xffff, v2  }
0xe4: {  	v43 =	vadd.f32 v32, v25;
	v49 =	vmul.f32 $1.442695020e+00, v35;
	v42 =	vperm.xlane v39, v5;
	v47 =	vpop (erf)  }
0xe5: {  	v63 =	vmul.f32 v63, v46;
	v0 =	vperm.xlane v45, v18;
	v3 =	vadd.f32 v3, v28;
	v54 =	vpop (erf)  }
0xe6: {  	v1 =	vadd.f32 v1, v31;
	v37 =	vld [tilespmem:$0x1FDB0];
	v2 =	vmul.f32 $1.442695020e+00, v43;
	(erf) = vrcp.f32 v42;
	v53 =	vpop (erf)  }
0xe7: {  	v38 =	vld [tilespmem:$0x1FDC0];
	v3 =	vmul.f32 $1.442695020e+00, v3;
	(erf) = vpow2.f32 v49;
	v52 =	vpop (erf)  }
0xe8: {  	v1 =	vmul.f32 $1.442695020e+00, v1;
	v39 =	vld [tilespmem:$0x1FDD0];
	(erf) = vpow2.f32 v2;
	v49 =	vpop (erf)  }
0xe9: {  	v43 =	vmul.f32 v0, v26;
	(erf) = vpow2.f32 v3;
	v35 =	vadd.f32 v49, v52  }
0xea: {  	v3 =	vmul.f32 v0, v22;
	(erf) = vpow2.f32 v1  }
0xeb: {  	v42 =	vmul.f32 v0, v24;
	v32 =	vadd.f32 v53, v54;
	v36 =	vmul.f32 v37, v44  }
0xec: {  	v44 =	vmul.f32 v38, v44;
	v37 =	vmul.f32 v51, v46;
	v3 =	vadd.f32 v3, v20  }
0xed: {  	v38 =	vmul.f32 v39, v46;
	v46 =	vmul.f32 v0, v29;
	v2 =	vadd.f32 v35, v32;
	v35, _, _ =	vpop (xrf2)  }
0xee: {  	v3 =	vmul.f32 v3, v0;
	v39 =	vperm.xlane v35, v5  }
0xef: {  	v46 =	vadd.f32 v46, v30;
	v32 =	vadd.f32 v42, v23;
	v51 =	vpop (erf)  }
0xf0: {  	(xrf2) =	vadd.scan.msk.f32 $0xffff, v2;
	v2 =	vadd.f32 v43, v27;
	v3 =	vadd.f32 v3, v21;
	v43 =	vpop (erf)  }
0xf1: {  	v32 =	vmul.f32 v32, v0;
	v35 =	vld [tilespmem:$0x1FDE0];
	v42 =	vpop (erf)  }
0xf2: {  	v3 =	vmul.f32 $1.442695020e+00, v3;
	(erf) = vrcp.f32 v39;
	v39 =	vpop (erf)  }
0xf3: {  	v2 =	vmul.f32 v2, v0;
	v0 =	vmul.f32 v46, v0;
	v46 =	vpop (erf)  }
0xf4: {  	v34 =	vadd.f32 v42, v43;
	(erf) = vpow2.f32 v3;
	v3 =	vadd.f32 v46, v39  }
0xf5: {  	s21 =	simm.s32 $0xD80  }
0xf6: {  	v2 =	vadd.f32 v2, v28;
	[tilespmem:s21+$0xFFFFFC00] =	vst v35;
	v35 =	vadd.f32 v3, v34;
	v3 =	vld [tilespmem:$0x1FDF0]  }
0xf7: {  	v1 =	vperm.xlane v45, v19;
	v33 =	vadd.f32 v32, v25  }
0xf8: {  	v2 =	vmul.f32 $1.442695020e+00, v2  }
0xf9: {  	v33 =	vmul.f32 $1.442695020e+00, v33;
	v32 =	vadd.f32 v0, v31;
	v0 =	vmul.f32 v1, v22;
	_ =	sdelay $0x1  }
0xfa: {  	(erf) = vpow2.f32 v33;
	v34 =	vld [tilespmem:$0x1FE00];
	[tilespmem:s21+$0xFFFFFC10] =	vst v3;
	v3 =	vadd.f32 v0, v20  }
0xfb: {  	v32 =	vmul.f32 $1.442695020e+00, v32;
	(erf) = vpow2.f32 v2;
	v2, _, _ =	vpop (xrf2)  }
0xfc: {  	v2 =	vperm.xlane v2, v5;
	v3 =	vmul.f32 v3, v1  }
0xfd: {  	(erf) = vpow2.f32 v32  }
0xfe: {  	(erf) = vrcp.f32 v2;
	v2 =	vadd.f32 v3, v21;
	v3 =	vld [tilespmem:$0x1FE30]  }
0xff: {  	[tilespmem:s21+$0xFFFFFC20] =	vst v34;
	v34 =	vmul.f32 v1, v26;
	_ =	sdelay $0x1  }
0x100: {  	v32 =	vadd.f32 v34, v27;
	_ =	sdelay $0x1  }
0x101: {  	[tilespmem:s21+$0xFFFFFC90] =	vst v3;
	v3 =	vmul.f32 v32, v1;
	v32 =	vperm.xlane v45, v5;
	v45 =	vld [tilespmem:$0x1FE40]  }
0x102: {  	v0 =	vld [tilespmem:$0x1FE10];
	_ =	sdelay $0x3  }
0x103: {  	v33 =	vmul.f32 v1, v24;
	[tilespmem:s21+$0xFFFFFCA0] =	vst v45;
	v45 =	vld [tilespmem:$0x1FE60]  }
0x104: {  	[tilespmem:s21+$0xFFFFFC30] =	vst v0;
	v0 =	vmul.f32 v1, v29  }
0x105: {  	v33 =	vadd.f32 v33, v23  }
0x106: {  	v0 =	vadd.f32 v0, v30  }
0x107: {  	v33 =	vmul.f32 v33, v1  }
0x108: {  	v0 =	vmul.f32 v0, v1;
	v1 =	vmul.f32 $1.442695020e+00, v2;
	[tilespmem:s21+$0xFFFFFD00] =	vst v45;
	v45 =	vld [tilespmem:$0x1FE80];
	_ =	sdelay $0x1  }
0x109: {  	(erf) = vpow2.f32 v1;
	v1 =	vadd.f32 v3, v28;
	v3 =	vld [tilespmem:$0x1FE70]  }
0x10a: {  	(xrf2) =	vadd.scan.msk.f32 $0xffff, v35  }
0x10b: {  	[tilespmem:s21+$0xFFFFFD80] =	vst v48  }
0x10c: {  	v33 =	vadd.f32 v33, v25;
	v2 =	vmul.f32 v32, v22;
	[tilespmem:s21+$0xFFFFFD20] =	vst v45;
	v45 =	vld [tilespmem:$0x1FE90]  }
0x10d: {  	[tilespmem:s21+$0xFFFFFE10] =	vst v37;
	v37 =	vld [tilespmem:$0x1FEB0]  }
0x10e: {  	v33 =	vmul.f32 $1.442695020e+00, v33;
	v34 =	vld [tilespmem:$0x1FE20];
	v2 =	vadd.f32 v2, v20;
	[tilespmem:s21+$0xFFFFFD10] =	vst v3;
	v3 =	vmul.f32 v32, v24  }
0x10f: {  	[tilespmem:s21+$0xFFFFFD90] =	vst v50;
	v48 =	vmul.f32 v32, v29;
	v1 =	vmul.f32 $1.442695020e+00, v1  }
0x110: {  	[tilespmem:s21+$0xFFFFFDA0] =	vst v36;
	(erf) = vpow2.f32 v33;
	v2 =	vmul.f32 v2, v32;
	v3 =	vadd.f32 v3, v23  }
0x111: {  	v36 =	vld [tilespmem:$0x1FEA0];
	v0 =	vadd.f32 v0, v31;
	(erf) = vpow2.f32 v1;
	[tilespmem:s21+$0xFFFFFD30] =	vst v45;
	v45 =	vmul.f32 v32, v26  }
0x112: {  	[tilespmem:s21+$0xFFFFFDB0] =	vst v44;
	v44 =	vld [tilespmem:$0x1FED0];
	v1 =	vadd.f32 v48, v30;
	v2 =	vadd.f32 v2, v21;
	v3 =	vmul.f32 v3, v32  }
0x113: {  	v35 =	vld [tilespmem:$0x1FE50];
	[tilespmem:s21+$0xFFFFFC80] =	vst v34;
	v34 =	vmul.f32 v37, v61;
	v0 =	vmul.f32 $1.442695020e+00, v0;
	v33 =	vadd.f32 v45, v27  }
0x114: {  	[tilespmem:s21+$0xFFFFFE00] =	vst v38;
	v38 =	vld [tilespmem:$0x1FEC0];
	v50, _, _ =	vpop (xrf2);
	v48 =	vmul.f32 v1, v32;
	v2 =	vmul.f32 $1.442695020e+00, v2;
	v3 =	vadd.f32 v3, v25  }
0x115: {  	v45 =	vperm.xlane v50, v5;
	v33 =	vmul.f32 v33, v32  }
0x116: {  	(erf) = vpow2.f32 v0;
	v0 =	vadd.f32 v48, v31;
	v48 =	vld [tilespmem:$0x1FEF0];
	v3 =	vmul.f32 $1.442695020e+00, v3  }
0x117: {  	[tilespmem:s21+$0xFFFFFE20] =	vst v56;
	v1 =	vpop (erf);
	(erf) = vrcp.f32 v45;
	v45 =	vld [tilespmem:$0x1FEE0];
	v50 =	vadd.f32 v33, v28;
	v33 =	vmul.f32 v36, v61  }
0x118: {  	[tilespmem:s21+$0xFFFFFCB0] =	vst v35;
	v0 =	vmul.f32 $1.442695020e+00, v0;
	(erf) = vpow2.f32 v2;
	v2 =	vpop (erf)  }
0x119: {  	v35 =	vpop (erf);
	v36 =	vmul.f32 v44, v61;
	[tilespmem:s21+$0xFFFFFE80] =	vst v33;
	v33 =	vmul.f32 v38, v61  }
0x11a: {  	[tilespmem:s21+$0xFFFFFE90] =	vst v34;
	(erf) = vpow2.f32 v3;
	v3 =	vpop (erf);
	v32 =	vmul.f32 $1.442695020e+00, v50;
	v50 =	vld [tilespmem:$0x1FF00]  }
0x11b: {  	v56 =	vadd.f32 v35, v2;
	v34 =	vpop (erf);
	[tilespmem:s21+$0xFFFFFEB0] =	vst v36;
	v36 =	vmul.f32 v48, v41  }
0x11c: {  	[tilespmem:s21+$0xFFFFFE30] =	vst v63;
	v61 =	vadd.f32 v34, v3;
	(erf) = vpow2.f32 v32;
	v32 =	vmul.f32 v45, v41  }
0x11d: {  	v63 =	vld [tilespmem:$0x1FF10];
	[tilespmem:s21+$0xFFFFFEA0] =	vst v33;
	v33 =	vpop (erf)  }
0x11e: {  	(erf) = vpow2.f32 v0;
	[tilespmem:s21+$0xFFFFFF00] =	vst v32;
	v32 =	vadd.f32 v61, v56;
	v56 =	vld [tilespmem:$0x1FF40];
	v0 =	vpop (erf)  }
0x11f: {  	v37 =	vmul.f32 v50, v41;
	v50 =	vld [tilespmem:$0x1FF30];
	v44 =	vpop (erf)  }
0x120: {  	v48 =	vld [tilespmem:$0x1FF20];
	[tilespmem:s21+$0xFFFFFF10] =	vst v36;
	v36 =	vpop (erf)  }
0x121: {  	v38 =	vpop (erf)  }
0x122: {  	v41 =	vmul.f32 v63, v41;
	v63 =	vld [tilespmem:$0x1FF50];
	(xrf2) =	vadd.scan.msk.f32 $0xffff, v32;
	v32 =	vadd.f32 v44, v0;
	v61 =	vadd.f32 v38, v36  }
0x123: {  	v45 =	vmul.f32 v56, v40;
	v56 =	vld [tilespmem:$0x1FF60]  }
0x124: {  	[tilespmem:s21+$0xFFFFFF30] =	vst v41;
	v41 =	vmul.f32 v50, v40;
	v32 =	vadd.f32 v61, v32;
	v61 =	vld [tilespmem:$0x1FF70]  }
0x125: {  	[tilespmem:s21+$0xFFFFFF20] =	vst v37;
	v37 =	vmul.f32 v48, v40  }
0x126: {  	v48 =	vpop (erf)  }
0x127: {  	[tilespmem:s21+$0xFFFFFF80] =	vst v37;
	v50 =	vpop (erf);
	v40 =	vmul.f32 v63, v40;
	v63 =	vld [tilespmem:$0x1FF80]  }
0x128: {  	[tilespmem:s21+$0xFFFFFF90] =	vst v41;
	v41 =	vpop (erf)  }
0x129: {  	[tilespmem:s21+$0xFFFFFFB0] =	vst v40;
	v40 =	vmul.f32 v56, v47;
	v37 =	vpop (erf);
	v56 =	vmul.f32 v61, v47  }
0x12a: {  	[tilespmem:s21+$0xFFFFFFA0] =	vst v45;
	v45 =	vpop (erf)  }
0x12b: {  	(xrf2) =	vadd.scan.msk.f32 $0xffff, v32;
	v32 =	vadd.f32 v41, v50;
	v61 =	vadd.f32 v45, v37;
	[tilespmem:s21+$0x10] =	vst v56;
	v56 =	vld [tilespmem:$0x1FFA0]  }
0x12c: {  	v62 =	vmul.f32 v62, v51;
	[tilespmem:s21+$0x0] =	vst v40;
	v40 =	vmul.f32 v63, v47;
	v63 =	vld [tilespmem:$0x1FF90]  }
0x12d: {  	v58 =	vmul.f32 v58, v1;
	v32 =	vadd.f32 v61, v32  }
0x12e: {  	[tilespmem:s21+$0xA0] =	vst v62  }
0x12f: {  	[tilespmem:s21+$0x110] =	vst v58;
	v62 =	vmul.f32 v53, v33;
	v61 =	vld [tilespmem:$0x1FFB0];
	(xrf2) =	vadd.scan.msk.f32 $0xffff, v32  }
0x130: {  	[tilespmem:s21+$0x20] =	vst v40;
	v40 =	vmul.f32 v56, v51  }
0x131: {  	v49 =	vmul.f32 v49, v33;
	[tilespmem:s21+$0x190] =	vst v62;
	v47 =	vmul.f32 v63, v47;
	v63, _, _ =	vpop (xrf2)  }
0x132: {  	v53 =	vmul.f32 v42, v48;
	[tilespmem:s21+$0x80] =	vst v40;
	v40 =	vperm.xlane v63, v5  }
0x133: {  	[tilespmem:s21+$0x1B0] =	vst v49;
	v39 =	vmul.f32 v39, v48  }
0x134: {  	[tilespmem:s21+$0x210] =	vst v53;
	v32 =	vmul.f32 v61, v51;
	(erf) = vrcp.f32 v40  }
0x135: {  	[tilespmem:s21+$0x220] =	vst v39;
	v51 =	vmul.f32 v60, v51;
	v60, _, _ =	vpop (xrf2)  }
0x136: {  	v56 =	vmul.f32 v59, v1;
	[tilespmem:s21+$0x90] =	vst v32;
	v32 =	vperm.xlane v60, v5  }
0x137: {  	[tilespmem:s21+$0x30] =	vst v47;
	v59 =	vmul.f32 v57, v1  }
0x138: {  	v1 =	vmul.f32 v55, v1;
	[tilespmem:s21+$0x100] =	vst v56;
	(erf) = vrcp.f32 v32  }
0x139: {  	[tilespmem:s21+$0xB0] =	vst v51;
	v51, _, _ =	vpop (xrf2)  }
0x13a: {  	v61 =	vmul.f32 v54, v33;
	[tilespmem:s21+$0x130] =	vst v1;
	v1 =	vperm.xlane v51, v5  }
0x13b: {  	v54 =	vmul.f32 v46, v48;
	[tilespmem:s21+$0x120] =	vst v59  }
0x13c: {  	v63 =	vmul.f32 v52, v33;
	[tilespmem:s21+$0x180] =	vst v61;
	(erf) = vrcp.f32 v1  }
0x13d: {  	v52 =	vmul.f32 v43, v48;
	[tilespmem:s21+$0x230] =	vst v54;
	v55 =	vpop (erf)  }
0x13e: {  	[tilespmem:s21+$0x1A0] =	vst v63;
	v2 =	vmul.f32 v2, v55  }
0x13f: {  	[tilespmem:s21+$0x200] =	vst v52;
	v56 =	vmul.f32 v35, v55  }
0x140: {  	v3 =	vmul.f32 v3, v55;
	[tilespmem:s21+$0x280] =	vst v2  }
0x141: {  	v57 =	vmul.f32 v34, v55;
	v58 =	vpop (erf);
	[tilespmem:s21+$0x290] =	vst v56  }
0x142: {  	v0 =	vmul.f32 v0, v58;
	[tilespmem:s21+$0x2A0] =	vst v3  }
0x143: {  	v59 =	vmul.f32 v44, v58;
	[tilespmem:s21+$0x2B0] =	vst v57  }
0x144: {  	v60 =	vmul.f32 v38, v58;
	[tilespmem:s21+$0x300] =	vst v0  }
0x145: {  	v3 =	vmul.f32 v36, v58;
	[tilespmem:s21+$0x310] =	vst v59;
	v61 =	vpop (erf)  }
0x146: {  	[tilespmem:s21+$0x330] =	vst v60;
	v62 =	vmul.f32 v50, v61  }
0x147: {  	[tilespmem:s21+$0x320] =	vst v3;
	v63 =	vmul.f32 v41, v61  }
0x148: {  	s30 =	simm.s32 $0x10;
	v3 =	vmul.f32 v37, v61;
	[tilespmem:s21+$0x380] =	vst v62  }
0x149: {  	s31 =	sand.u32 $0x80, s30;
	v1 =	vmul.f32 v45, v61;
	[tilespmem:s21+$0x390] =	vst v63  }
0x14a: {  	s22 =	sand.u32 $0x70, s30;
	s23 =	sadd.s32 s31, s20;
	[tilespmem:s21+$0x3A0] =	vst v3  }
0x14b: {  	s22 =	sadd.s32 s22, s23;
	[tilespmem:s21+$0x3B0] =	vst v1  }
0x14c: {  	v32 =	vld [tilespmem:s22+$0x0];
	s22 =	simm.s32 $0x20  }
.LBB2_3:
0x14d: {  	p1 =	sne.s32 s22, $0xF0;
	_ =	sdelay $0x3  }
0x14e: {  	v0 =	vperm.xlane v32, v4;
	v2 =	vperm.xlane v32, v6  }
0x14f: {  	v3 =	vperm.xlane v32, v7;
	v1 =	vperm.xlane v32, v8  }
0x150: {  	v33 =	vmul.f32 v0, v22;
	v34 =	vmul.f32 v2, v22  }
0x151: {  	v35 =	vmul.f32 v0, v24;
	v36 =	vmul.f32 v2, v24  }
0x152: {  	v37 =	vmul.f32 v0, v26;
	v38 =	vmul.f32 v2, v26;
	v33 =	vadd.f32 v33, v20  }
0x153: {  	v39 =	vmul.f32 v0, v29;
	v40 =	vmul.f32 v2, v29;
	v35 =	vadd.f32 v35, v23  }
0x154: {  	v37 =	vadd.f32 v37, v27;
	v34 =	vadd.f32 v34, v20;
	v33 =	vmul.f32 v33, v0  }
0x155: {  	v39 =	vadd.f32 v39, v30;
	v36 =	vadd.f32 v36, v23;
	v35 =	vmul.f32 v35, v0  }
0x156: {  	v38 =	vadd.f32 v38, v27;
	v37 =	vmul.f32 v37, v0;
	v33 =	vadd.f32 v33, v21  }
0x157: {  	v0 =	vmul.f32 v39, v0;
	v39 =	vadd.f32 v40, v30;
	v35 =	vadd.f32 v35, v25  }
0x158: {  	v34 =	vmul.f32 v34, v2;
	v37 =	vadd.f32 v37, v28;
	v33 =	vmul.f32 $1.442695020e+00, v33  }
0x159: {  	v36 =	vmul.f32 v36, v2;
	v0 =	vadd.f32 v0, v31;
	v35 =	vmul.f32 $1.442695020e+00, v35  }
0x15a: {  	v34 =	vadd.f32 v34, v21;
	v37 =	vmul.f32 $1.442695020e+00, v37;
	(erf) = vpow2.f32 v33  }
0x15b: {  	v0 =	vmul.f32 $1.442695020e+00, v0;
	v33 =	vadd.f32 v36, v25;
	(erf) = vpow2.f32 v35  }
0x15c: {  	v35 =	vmul.f32 v38, v2;
	(erf) = vpow2.f32 v37  }
0x15d: {  	v2 =	vmul.f32 v39, v2;
	(erf) = vpow2.f32 v0  }
0x15e: {  	v33 =	vmul.f32 $1.442695020e+00, v33;
	v0 =	vmul.f32 $1.442695020e+00, v34;
	v34 =	vadd.f32 v35, v28  }
0x15f: {  	v36 =	vmul.f32 v3, v24;
	v2 =	vadd.f32 v2, v31;
	v35 =	vmul.f32 v3, v22  }
0x160: {  	v34 =	vmul.f32 $1.442695020e+00, v34;
	(erf) = vpow2.f32 v0  }
0x161: {  	v2 =	vmul.f32 $1.442695020e+00, v2;
	v35 =	vadd.f32 v35, v20;
	(erf) = vpow2.f32 v33  }
0x162: {  	v33 =	vadd.f32 v36, v23;
	v36 =	vmul.f32 v3, v26;
	(erf) = vpow2.f32 v34  }
0x163: {  	v34 =	vmul.f32 v3, v29;
	v0 =	vpop (erf);
	(erf) = vpow2.f32 v2  }
0x164: {  	v2 =	vmul.f32 v35, v3;
	v33 =	vmul.f32 v33, v3;
	v35 =	vadd.f32 v36, v27;
	v38 =	vpop (erf)  }
0x165: {  	v37 =	vmul.f32 v1, v24;
	v36 =	vmul.f32 v1, v22;
	v34 =	vadd.f32 v34, v30;
	v42 =	vpop (erf)  }
0x166: {  	v2 =	vadd.f32 v2, v21;
	v33 =	vadd.f32 v33, v25;
	v35 =	vmul.f32 v35, v3;
	v43 =	vpop (erf)  }
0x167: {  	v39 =	vadd.f32 v38, v0;
	v44 =	vmul.f32 v34, v3;
	v40 =	vadd.f32 v43, v42  }
0x168: {  	v2 =	vmul.f32 $1.442695020e+00, v2;
	v33 =	vmul.f32 $1.442695020e+00, v33;
	v34 =	vadd.f32 v35, v28  }
0x169: {  	v41 =	vmul.f32 v1, v26;
	v35 =	vadd.f32 v40, v39;
	v39 =	vadd.f32 v44, v31;
	v3 =	vpop (erf)  }
0x16a: {  	v45 =	vadd.f32 v36, v20;
	v34 =	vmul.f32 $1.442695020e+00, v34;
	v36 =	vpop (erf);
	(erf) = vpow2.f32 v2  }
0x16b: {  	v2 =	vadd.f32 v36, v3;
	v39 =	vmul.f32 $1.442695020e+00, v39;
	(xrf2) =	vadd.scan.msk.f32 $0xffff, v35;
	v40 =	vpop (erf);
	(erf) = vpow2.f32 v33  }
0x16c: {  	v33 =	vadd.f32 v37, v23;
	v35 =	vadd.f32 v41, v27;
	v37 =	vmul.f32 v1, v29;
	v44 =	vpop (erf)  }
0x16d: {  	v45 =	vmul.f32 v45, v1;
	v41 =	vadd.f32 v44, v40;
	(erf) = vpow2.f32 v34  }
0x16e: {  	v33 =	vmul.f32 v33, v1;
	v34 =	vadd.f32 v37, v30;
	(erf) = vpow2.f32 v39  }
0x16f: {  	v37 =	vadd.f32 v45, v21;
	v35 =	vmul.f32 v35, v1;
	v2 =	vadd.f32 v41, v2  }
0x170: {  	v33 =	vadd.f32 v33, v25;
	v39 =	vmul.f32 v34, v1;
	v41 =	vperm.xlane v32, v9  }
0x171: {  	v45 =	vperm.xlane v32, v10;
	v34 =	vmul.f32 $1.442695020e+00, v37;
	v35 =	vadd.f32 v35, v28;
	(xrf2) =	vadd.scan.msk.f32 $0xffff, v2  }
0x172: {  	v33 =	vmul.f32 $1.442695020e+00, v33;
	v46 =	vadd.f32 v39, v31;
	v37 =	vmul.f32 v41, v22  }
0x173: {  	v35 =	vmul.f32 $1.442695020e+00, v35;
	v1 =	vpop (erf);
	(erf) = vpow2.f32 v34  }
0x174: {  	v49 =	vmul.f32 $1.442695020e+00, v46;
	v37 =	vadd.f32 v37, v20;
	v2 =	vpop (erf);
	(erf) = vpow2.f32 v33  }
0x175: {  	v46 =	vmul.f32 v41, v24;
	v33 =	vadd.f32 v2, v1;
	v34, _, _ =	vpop (xrf2);
	(erf) = vpow2.f32 v35  }
0x176: {  	v35 =	vperm.xlane v34, v5;
	v34 =	vpop (erf);
	(erf) = vpow2.f32 v49  }
0x177: {  	v47 =	vmul.f32 v41, v26;
	v48 =	vmul.f32 v41, v29;
	v46 =	vadd.f32 v46, v23;
	v39 =	vpop (erf)  }
0x178: {  	v37 =	vmul.f32 v37, v41;
	v49 =	vadd.f32 v39, v34;
	(erf) = vrcp.f32 v35  }
0x179: {  	v50 =	vadd.f32 v48, v30;
	v35 =	vmul.f32 v46, v41;
	v46 =	vadd.f32 v47, v27  }
0x17a: {  	v48 =	vmul.f32 v45, v22;
	v37 =	vadd.f32 v37, v21;
	v51 =	vadd.f32 v49, v33  }
0x17b: {  	v52 =	vadd.f32 v35, v25;
	v46 =	vmul.f32 v46, v41;
	v41 =	vmul.f32 v50, v41;
	v47, _, _ =	vpop (xrf2)  }
0x17c: {  	v48 =	vadd.f32 v48, v20;
	v49 =	vmul.f32 $1.442695020e+00, v37;
	v47 =	vperm.xlane v47, v5;
	(xrf2) =	vadd.scan.msk.f32 $0xffff, v51;
	v33 =	vpop (erf)  }
0x17d: {  	v50 =	vmul.f32 $1.442695020e+00, v52;
	v46 =	vadd.f32 v46, v28;
	v53 =	vadd.f32 v41, v31;
	v35 =	vpop (erf)  }
0x17e: {  	v52 =	vmul.f32 v45, v24;
	v51 =	vadd.f32 v35, v33;
	(erf) = vrcp.f32 v47;
	v37 =	vpop (erf)  }
0x17f: {  	v46 =	vmul.f32 $1.442695020e+00, v46;
	v47 =	vmul.f32 $1.442695020e+00, v53;
	v41 =	vpop (erf)  }
0x180: {  	v54 =	vmul.f32 v45, v26;
	v53 =	vadd.f32 v41, v37;
	(erf) = vpow2.f32 v49  }
0x181: {  	v49 =	vadd.f32 v52, v23;
	v52 =	vmul.f32 v45, v29;
	v55 =	vpop (erf);
	(erf) = vpow2.f32 v50  }
0x182: {  	v0 =	vmul.f32 v0, v55;
	v38 =	vmul.f32 v38, v55;
	v50 =	vadd.f32 v53, v51  }
0x183: {  	s21 =	sadd.s32 $0x800, s21;
	v42 =	vmul.f32 v42, v55;
	v43 =	vmul.f32 v43, v55;
	v51 =	vadd.f32 v54, v27  }
0x184: {  	v52 =	vadd.f32 v52, v30;
	[tilespmem:s21+$0xFFFFFC00] =	vst v0;
	(xrf2) =	vadd.scan.msk.f32 $0xffff, v50;
	(erf) = vpow2.f32 v46  }
0x185: {  	v46 =	vmul.f32 v49, v45;
	[tilespmem:s21+$0xFFFFFC10] =	vst v38;
	v38 =	vmul.f32 v48, v45  }
0x186: {  	[tilespmem:s21+$0xFFFFFC20] =	vst v42;
	v42 =	vmul.f32 v51, v45;
	v48, _, _ =	vpop (xrf2);
	(erf) = vpow2.f32 v47  }
0x187: {  	v45 =	vmul.f32 v52, v45;
	[tilespmem:s21+$0xFFFFFC30] =	vst v43;
	v43 =	vperm.xlane v48, v5;
	v38 =	vadd.f32 v38, v21;
	v0 =	vpop (erf)  }
0x188: {  	v46 =	vadd.f32 v46, v25;
	v47 =	vmul.f32 v3, v0;
	v36 =	vmul.f32 v36, v0  }
0x189: {  	v40 =	vmul.f32 v40, v0;
	v44 =	vmul.f32 v44, v0;
	v42 =	vadd.f32 v42, v28;
	v0 =	vpop (erf)  }
0x18a: {  	v45 =	vadd.f32 v45, v31;
	[tilespmem:s21+$0xFFFFFC80] =	vst v47;
	v47 =	vmul.f32 $1.442695020e+00, v38;
	(erf) = vrcp.f32 v43;
	v3 =	vpop (erf)  }
0x18b: {  	v43 =	vmul.f32 $1.442695020e+00, v46;
	v42 =	vmul.f32 $1.442695020e+00, v42;
	[tilespmem:s21+$0xFFFFFC90] =	vst v36;
	v36 =	vadd.f32 v3, v0  }
0x18c: {  	v45 =	vmul.f32 $1.442695020e+00, v45;
	[tilespmem:s21+$0xFFFFFCA0] =	vst v40;
	(erf) = vpow2.f32 v47  }
0x18d: {  	[tilespmem:s21+$0xFFFFFCB0] =	vst v44;
	v44 =	vperm.xlane v32, v11;
	v38 =	vpop (erf);
	(erf) = vpow2.f32 v43  }
0x18e: {  	v43 =	vperm.xlane v32, v12;
	v40, _, _ =	vpop (xrf2);
	(erf) = vpow2.f32 v42  }
0x18f: {  	v42 =	vperm.xlane v40, v5;
	v40 =	vpop (erf);
	(erf) = vpow2.f32 v45  }
0x190: {  	v46 =	vmul.f32 v44, v22;
	v47 =	vmul.f32 v44, v24;
	v45 =	vadd.f32 v40, v38  }
0x191: {  	v48 =	vmul.f32 v44, v26;
	(erf) = vrcp.f32 v42  }
0x192: {  	v42 =	vadd.f32 v46, v20;
	v36 =	vadd.f32 v45, v36;
	v45 =	vmul.f32 v44, v29  }
0x193: {  	v46 =	vadd.f32 v47, v23;
	v47 =	vadd.f32 v48, v27;
	v48 =	vmul.f32 v43, v22;
	v49 =	vpop (erf)  }
0x194: {  	v1 =	vmul.f32 v1, v49;
	v50 =	vmul.f32 v2, v49;
	v45 =	vadd.f32 v45, v30;
	(xrf2) =	vadd.scan.msk.f32 $0xffff, v36  }
0x195: {  	v48 =	vadd.f32 v48, v20;
	v34 =	vmul.f32 v34, v49;
	v49 =	vmul.f32 v39, v49;
	v2 =	vpop (erf)  }
0x196: {  	v51 =	vmul.f32 v46, v44;
	[tilespmem:s21+$0xFFFFFD00] =	vst v1;
	v1 =	vmul.f32 v42, v44;
	v36 =	vpop (erf)  }
0x197: {  	v47 =	vmul.f32 v47, v44;
	v44 =	vmul.f32 v45, v44;
	[tilespmem:s21+$0xFFFFFD10] =	vst v50;
	v46 =	vadd.f32 v36, v2;
	v39 =	vpop (erf)  }
0x198: {  	v45 =	vmul.f32 v43, v24;
	[tilespmem:s21+$0xFFFFFD20] =	vst v34;
	v1 =	vadd.f32 v1, v21;
	v34 =	vadd.f32 v51, v25;
	v42 =	vpop (erf)  }
0x199: {  	v47 =	vadd.f32 v47, v28;
	v50 =	vmul.f32 v43, v26;
	[tilespmem:s21+$0xFFFFFD30] =	vst v49;
	v49 =	vadd.f32 v42, v39  }
0x19a: {  	v44 =	vadd.f32 v44, v31;
	v1 =	vmul.f32 $1.442695020e+00, v1;
	v34 =	vmul.f32 $1.442695020e+00, v34;
	v51 =	vpop (erf)  }
0x19b: {  	v33 =	vmul.f32 v33, v51;
	v35 =	vmul.f32 v35, v51;
	v46 =	vadd.f32 v49, v46  }
0x19c: {  	v45 =	vadd.f32 v45, v23;
	v37 =	vmul.f32 v37, v51;
	v41 =	vmul.f32 v41, v51  }
0x19d: {  	v44 =	vmul.f32 $1.442695020e+00, v44;
	[tilespmem:s21+$0xFFFFFD80] =	vst v33;
	v33 =	vmul.f32 $1.442695020e+00, v47;
	(xrf2) =	vadd.scan.msk.f32 $0xffff, v46  }
0x19e: {  	v46 =	vadd.f32 v50, v27;
	v47 =	vmul.f32 v43, v29;
	[tilespmem:s21+$0xFFFFFD90] =	vst v35;
	v35 =	vmul.f32 v48, v43;
	v48, _, _ =	vpop (xrf2)  }
0x19f: {  	[tilespmem:s21+$0xFFFFFDA0] =	vst v37;
	v37 =	vperm.xlane v48, v5;
	(erf) = vpow2.f32 v1  }
0x1a0: {  	v1 =	vmul.f32 v45, v43;
	[tilespmem:s21+$0xFFFFFDB0] =	vst v41;
	v41 =	vadd.f32 v47, v30;
	(erf) = vpow2.f32 v34  }
0x1a1: {  	v34 =	vadd.f32 v35, v21;
	v35 =	vmul.f32 v46, v43;
	(erf) = vrcp.f32 v37  }
0x1a2: {  	v1 =	vadd.f32 v1, v25;
	v37 =	vmul.f32 v41, v43;
	(erf) = vpow2.f32 v33  }
0x1a3: {  	v33 =	vmul.f32 $1.442695020e+00, v34;
	v34 =	vadd.f32 v35, v28;
	(erf) = vpow2.f32 v44  }
0x1a4: {  	v41 =	vmul.f32 $1.442695020e+00, v1;
	v35 =	vadd.f32 v37, v31;
	v37 =	vperm.xlane v32, v13  }
0x1a5: {  	v34 =	vmul.f32 $1.442695020e+00, v34;
	(erf) = vpow2.f32 v33  }
0x1a6: {  	v33 =	vmul.f32 $1.442695020e+00, v35;
	(erf) = vpow2.f32 v41  }
0x1a7: {  	v44 =	vmul.f32 v37, v22;
	v1, _, _ =	vpop (xrf2);
	(erf) = vpow2.f32 v34  }
0x1a8: {  	v34 =	vperm.xlane v1, v5;
	v1 =	vpop (erf);
	(erf) = vpow2.f32 v33  }
0x1a9: {  	v41 =	vmul.f32 v37, v24;
	v43 =	vmul.f32 v37, v26;
	v33 =	vadd.f32 v44, v20;
	v35 =	vpop (erf)  }
0x1aa: {  	v45 =	vmul.f32 v37, v29;
	v44 =	vadd.f32 v35, v1;
	v46 =	vpop (erf);
	(erf) = vrcp.f32 v34  }
0x1ab: {  	v41 =	vadd.f32 v41, v23;
	v48 =	vmul.f32 v0, v46;
	v3 =	vmul.f32 v3, v46;
	v0 =	vpop (erf)  }
0x1ac: {  	v43 =	vadd.f32 v43, v27;
	v38 =	vmul.f32 v38, v46;
	v40 =	vmul.f32 v40, v46;
	v46 =	vpop (erf)  }
0x1ad: {  	v45 =	vadd.f32 v45, v30;
	v33 =	vmul.f32 v33, v37;
	[tilespmem:s21+$0xFFFFFE00] =	vst v48;
	v47 =	vadd.f32 v46, v0  }
0x1ae: {  	[tilespmem:s21+$0xFFFFFE10] =	vst v3;
	v3 =	vmul.f32 v41, v37;
	v41 =	vmul.f32 v43, v37;
	v34 =	vpop (erf)  }
0x1af: {  	v33 =	vadd.f32 v33, v21;
	v48 =	vmul.f32 v45, v37;
	[tilespmem:s21+$0xFFFFFE20] =	vst v38;
	v38 =	vadd.f32 v47, v44;
	v37 =	vpop (erf)  }
0x1b0: {  	v45 =	vperm.xlane v32, v14;
	[tilespmem:s21+$0xFFFFFE30] =	vst v40;
	v44 =	vadd.f32 v37, v34;
	v3 =	vadd.f32 v3, v25;
	v40 =	vpop (erf)  }
0x1b1: {  	v33 =	vmul.f32 $1.442695020e+00, v33;
	v47 =	vadd.f32 v48, v31;
	v41 =	vadd.f32 v41, v28;
	(xrf2) =	vadd.scan.msk.f32 $0xffff, v38;
	v43 =	vpop (erf)  }
0x1b2: {  	v48 =	vmul.f32 v45, v22;
	v38 =	vadd.f32 v43, v40;
	v3 =	vmul.f32 $1.442695020e+00, v3  }
0x1b3: {  	v47 =	vmul.f32 $1.442695020e+00, v47;
	v41 =	vmul.f32 $1.442695020e+00, v41;
	v49 =	vpop (erf)  }
0x1b4: {  	v2 =	vmul.f32 v2, v49;
	v36 =	vmul.f32 v36, v49;
	v38 =	vadd.f32 v38, v44  }
0x1b5: {  	v39 =	vmul.f32 v39, v49;
	v42 =	vmul.f32 v42, v49;
	v44 =	vadd.f32 v48, v20  }
0x1b6: {  	[tilespmem:s21+$0xFFFFFE80] =	vst v2;
	v2 =	vmul.f32 v45, v24;
	(xrf2) =	vadd.scan.msk.f32 $0xffff, v38;
	(erf) = vpow2.f32 v33  }
0x1b7: {  	v33 =	vmul.f32 v45, v26;
	[tilespmem:s21+$0xFFFFFE90] =	vst v36;
	v36 =	vmul.f32 v45, v29  }
0x1b8: {  	[tilespmem:s21+$0xFFFFFEA0] =	vst v39;
	v39 =	vmul.f32 v44, v45;
	v2 =	vadd.f32 v2, v23;
	(erf) = vpow2.f32 v3  }
0x1b9: {  	v3 =	vadd.f32 v33, v27;
	[tilespmem:s21+$0xFFFFFEB0] =	vst v42;
	v33 =	vadd.f32 v36, v30;
	(erf) = vpow2.f32 v41  }
0x1ba: {  	v36 =	vadd.f32 v39, v21;
	v2 =	vmul.f32 v2, v45;
	(erf) = vpow2.f32 v47  }
0x1bb: {  	v3 =	vmul.f32 v3, v45;
	v33 =	vmul.f32 v33, v45;
	v38, _, _ =	vpop (xrf2)  }
0x1bc: {  	v38 =	vperm.xlane v38, v5;
	v36 =	vmul.f32 $1.442695020e+00, v36;
	v2 =	vadd.f32 v2, v25  }
0x1bd: {  	v42 =	vperm.xlane v32, v15;
	v3 =	vadd.f32 v3, v28;
	v41 =	vadd.f32 v33, v31  }
0x1be: {  	v2 =	vmul.f32 $1.442695020e+00, v2;
	(erf) = vrcp.f32 v38  }
0x1bf: {  	v3 =	vmul.f32 $1.442695020e+00, v3;
	v38 =	vmul.f32 $1.442695020e+00, v41;
	v33 =	vpop (erf)  }
0x1c0: {  	v48 =	vmul.f32 v42, v22;
	v39, _, _ =	vpop (xrf2);
	(erf) = vpow2.f32 v36  }
0x1c1: {  	v44 =	vperm.xlane v39, v5;
	v36 =	vpop (erf);
	(erf) = vpow2.f32 v2  }
0x1c2: {  	v45 =	vmul.f32 v42, v24;
	v2 =	vadd.f32 v36, v33;
	v39 =	vpop (erf);
	(erf) = vpow2.f32 v3  }
0x1c3: {  	v47 =	vmul.f32 v42, v26;
	v3 =	vadd.f32 v48, v20;
	(erf) = vrcp.f32 v44;
	v41 =	vpop (erf)  }
0x1c4: {  	v49 =	vmul.f32 v42, v29;
	v44 =	vadd.f32 v41, v39;
	(erf) = vpow2.f32 v38  }
0x1c5: {  	v3 =	vmul.f32 v3, v42;
	v38 =	vadd.f32 v45, v23;
	v45 =	vadd.f32 v47, v27  }
0x1c6: {  	v47 =	vperm.xlane v32, v16;
	v2 =	vadd.f32 v44, v2;
	v44 =	vadd.f32 v49, v30  }
0x1c7: {  	v3 =	vadd.f32 v3, v21;
	v38 =	vmul.f32 v38, v42;
	v45 =	vmul.f32 v45, v42;
	v48 =	vpop (erf)  }
0x1c8: {  	v1 =	vmul.f32 v1, v48;
	v35 =	vmul.f32 v35, v48;
	(xrf2) =	vadd.scan.msk.f32 $0xffff, v2  }
0x1c9: {  	v49 =	vmul.f32 v0, v48;
	v46 =	vmul.f32 v46, v48;
	v38 =	vadd.f32 v38, v25;
	v0 =	vpop (erf)  }
0x1ca: {  	v45 =	vadd.f32 v45, v28;
	v42 =	vmul.f32 v44, v42;
	[tilespmem:s21+$0xFFFFFF00] =	vst v1;
	v1 =	vmul.f32 $1.442695020e+00, v3;
	v2 =	vpop (erf)  }
0x1cb: {  	v50 =	vmul.f32 v47, v22;
	v44 =	vmul.f32 $1.442695020e+00, v38;
	[tilespmem:s21+$0xFFFFFF10] =	vst v35;
	v35 =	vadd.f32 v2, v0;
	v3 =	vpop (erf)  }
0x1cc: {  	v45 =	vmul.f32 $1.442695020e+00, v45;
	v42 =	vadd.f32 v42, v31;
	[tilespmem:s21+$0xFFFFFF20] =	vst v49;
	v48 =	vpop (erf);
	(erf) = vpow2.f32 v1  }
0x1cd: {  	[tilespmem:s21+$0xFFFFFF30] =	vst v46;
	v1 =	vmul.f32 v34, v48;
	v34 =	vmul.f32 v37, v48;
	v37 =	vadd.f32 v50, v20;
	v38 =	vpop (erf)  }
0x1ce: {  	v40 =	vmul.f32 v40, v48;
	v43 =	vmul.f32 v43, v48;
	v46 =	vadd.f32 v38, v3  }
0x1cf: {  	[tilespmem:s21+$0xFFFFFF80] =	vst v1;
	v1 =	vmul.f32 $1.442695020e+00, v42;
	(erf) = vpow2.f32 v44  }
0x1d0: {  	[tilespmem:s21+$0xFFFFFF90] =	vst v34;
	v34 =	vadd.f32 v46, v35;
	v35 =	vmul.f32 v47, v24;
	(erf) = vpow2.f32 v45  }
0x1d1: {  	[tilespmem:s21+$0xFFFFFFA0] =	vst v40;
	v40 =	vmul.f32 v47, v26;
	(erf) = vpow2.f32 v1  }
0x1d2: {  	[tilespmem:s21+$0xFFFFFFB0] =	vst v43;
	v44 =	vadd.f32 v35, v23;
	v35 =	vmul.f32 v47, v29;
	v42, _, _ =	vpop (xrf2);
	(xrf2) =	vadd.scan.msk.f32 $0xffff, v34  }
0x1d3: {  	v37 =	vmul.f32 v37, v47;
	v34 =	vperm.xlane v42, v5;
	v40 =	vadd.f32 v40, v27  }
0x1d4: {  	v43 =	vperm.xlane v32, v17;
	v42 =	vmul.f32 v44, v47;
	v35 =	vadd.f32 v35, v30  }
0x1d5: {  	v37 =	vadd.f32 v37, v21;
	v40 =	vmul.f32 v40, v47;
	(erf) = vrcp.f32 v34;
	v1 =	vpop (erf)  }
0x1d6: {  	v34 =	vadd.f32 v42, v25;
	v47 =	vmul.f32 v35, v47;
	v42 =	vmul.f32 v43, v22  }
0x1d7: {  	v44 =	vmul.f32 $1.442695020e+00, v37;
	v45 =	vmul.f32 v43, v24;
	v49 =	vadd.f32 v40, v28  }
0x1d8: {  	v46 =	vmul.f32 v43, v26;
	v34 =	vmul.f32 $1.442695020e+00, v34;
	v50 =	vadd.f32 v47, v31;
	v35 =	vpop (erf)  }
0x1d9: {  	v47 =	vadd.f32 v35, v1;
	v51 =	vmul.f32 $1.442695020e+00, v49;
	v37 =	vpop (erf);
	(erf) = vpow2.f32 v44  }
0x1da: {  	v42 =	vadd.f32 v42, v20;
	v44 =	vmul.f32 $1.442695020e+00, v50;
	v40 =	vpop (erf);
	(erf) = vpow2.f32 v34  }
0x1db: {  	v49 =	vmul.f32 v43, v29;
	v34 =	vadd.f32 v40, v37;
	(erf) = vpow2.f32 v51  }
0x1dc: {  	v45 =	vadd.f32 v45, v23;
	v46 =	vadd.f32 v46, v27;
	v48, _, _ =	vpop (xrf2);
	(erf) = vpow2.f32 v44  }
0x1dd: {  	v44 =	vperm.xlane v48, v5;
	v34 =	vadd.f32 v34, v47;
	v47 =	vadd.f32 v49, v30  }
0x1de: {  	v45 =	vmul.f32 v45, v43;
	v42 =	vmul.f32 v42, v43;
	v48 =	vpop (erf)  }
0x1df: {  	v49 =	vmul.f32 v33, v48;
	v36 =	vmul.f32 v36, v48;
	(xrf2) =	vadd.scan.msk.f32 $0xffff, v34  }
0x1e0: {  	v50 =	vmul.f32 v39, v48;
	v39 =	vmul.f32 v41, v48;
	v41 =	vadd.f32 v42, v21  }
0x1e1: {  	v42 =	vadd.f32 v45, v25;
	v45 =	vmul.f32 v46, v43;
	[tilespmem:s21+$0x0] =	vst v49;
	(erf) = vrcp.f32 v44  }
0x1e2: {  	v47 =	vmul.f32 v47, v43;
	v41 =	vmul.f32 $1.442695020e+00, v41;
	[tilespmem:s21+$0x10] =	vst v36;
	v33 =	vpop (erf)  }
0x1e3: {  	v42 =	vmul.f32 $1.442695020e+00, v42;
	v43 =	vadd.f32 v45, v28;
	v44 =	vperm.xlane v32, v18;
	[tilespmem:s21+$0x20] =	vst v50;
	v34 =	vpop (erf)  }
0x1e4: {  	v46 =	vadd.f32 v47, v31;
	[tilespmem:s21+$0x30] =	vst v39;
	v45 =	vadd.f32 v34, v33;
	v36 =	vpop (erf);
	(erf) = vpow2.f32 v41  }
0x1e5: {  	v41 =	vmul.f32 $1.442695020e+00, v43;
	v39 =	vpop (erf);
	(erf) = vpow2.f32 v42  }
0x1e6: {  	v43 =	vmul.f32 $1.442695020e+00, v46;
	v46 =	vmul.f32 v44, v22;
	v42 =	vadd.f32 v39, v36  }
0x1e7: {  	v48 =	vmul.f32 v44, v24;
	(erf) = vpow2.f32 v41  }
0x1e8: {  	v41 =	vadd.f32 v42, v45;
	v42 =	vmul.f32 v44, v26;
	(erf) = vpow2.f32 v43  }
0x1e9: {  	v43 =	vadd.f32 v46, v20;
	v45 =	vadd.f32 v48, v23;
	v46 =	vmul.f32 v44, v29;
	v47, _, _ =	vpop (xrf2)  }
0x1ea: {  	v48 =	vperm.xlane v32, v19;
	v47 =	vperm.xlane v47, v5;
	v42 =	vadd.f32 v42, v27;
	v49 =	vpop (erf);
	(xrf2) =	vadd.scan.msk.f32 $0xffff, v41  }
0x1eb: {  	v41 =	vadd.f32 v46, v30;
	v50 =	vmul.f32 v0, v49;
	v51 =	vmul.f32 v2, v49  }
0x1ec: {  	v3 =	vmul.f32 v3, v49;
	v38 =	vmul.f32 v38, v49  }
0x1ed: {  	v43 =	vmul.f32 v43, v44;
	[tilespmem:s21+$0x80] =	vst v50;
	(erf) = vrcp.f32 v47;
	v0 =	vpop (erf)  }
0x1ee: {  	v45 =	vmul.f32 v45, v44;
	v42 =	vmul.f32 v42, v44;
	[tilespmem:s21+$0x90] =	vst v51;
	v2 =	vpop (erf)  }
0x1ef: {  	v43 =	vadd.f32 v43, v21;
	v41 =	vmul.f32 v41, v44;
	[tilespmem:s21+$0xA0] =	vst v3;
	v46 =	vadd.f32 v2, v0  }
0x1f0: {  	v44 =	vadd.f32 v45, v25;
	v45 =	vmul.f32 v48, v22;
	v42 =	vadd.f32 v42, v28;
	[tilespmem:s21+$0xB0] =	vst v38;
	v3 =	vpop (erf)  }
0x1f1: {  	v47 =	vmul.f32 v48, v24;
	v43 =	vmul.f32 $1.442695020e+00, v43;
	v41 =	vadd.f32 v41, v31;
	v38 =	vpop (erf)  }
0x1f2: {  	v44 =	vmul.f32 $1.442695020e+00, v44;
	v42 =	vmul.f32 $1.442695020e+00, v42;
	v50 =	vadd.f32 v38, v3  }
0x1f3: {  	v45 =	vadd.f32 v45, v20;
	v41 =	vmul.f32 $1.442695020e+00, v41;
	(erf) = vpow2.f32 v43  }
0x1f4: {  	v43 =	vadd.f32 v50, v46;
	v46 =	vmul.f32 v48, v26;
	v49, _, _ =	vpop (xrf2);
	(erf) = vpow2.f32 v44  }
0x1f5: {  	v47 =	vadd.f32 v47, v23;
	v44 =	vperm.xlane v49, v5;
	(erf) = vpow2.f32 v42  }
0x1f6: {  	v42 =	vadd.f32 v46, v27;
	v46 =	vmul.f32 v48, v29;
	v49 =	vpop (erf);
	(xrf2) =	vadd.scan.msk.f32 $0xffff, v43;
	(erf) = vpow2.f32 v41  }
0x1f7: {  	v1 =	vmul.f32 v1, v49;
	v35 =	vmul.f32 v35, v49  }
0x1f8: {  	v37 =	vmul.f32 v37, v49;
	v40 =	vmul.f32 v40, v49;
	v41 =	vadd.f32 v46, v30  }
0x1f9: {  	[tilespmem:s21+$0x100] =	vst v1;
	v1 =	vmul.f32 v45, v48;
	(erf) = vrcp.f32 v44  }
0x1fa: {  	v42 =	vmul.f32 v42, v48;
	[tilespmem:s21+$0x110] =	vst v35;
	v35 =	vmul.f32 v47, v48  }
0x1fb: {  	v32 =	vperm.xlane v32, v5;
	[tilespmem:s21+$0x120] =	vst v37;
	v1 =	vadd.f32 v1, v21;
	v37 =	vmul.f32 v41, v48  }
0x1fc: {  	[tilespmem:s21+$0x130] =	vst v40;
	v35 =	vadd.f32 v35, v25;
	v40 =	vadd.f32 v42, v28;
	v41 =	vpop (erf)  }
0x1fd: {  	v42 =	vmul.f32 v32, v22;
	v1 =	vmul.f32 $1.442695020e+00, v1;
	v37 =	vadd.f32 v37, v31;
	v43 =	vpop (erf)  }
0x1fe: {  	v44 =	vadd.f32 v43, v41;
	v35 =	vmul.f32 $1.442695020e+00, v35;
	v40 =	vmul.f32 $1.442695020e+00, v40;
	v45 =	vpop (erf)  }
0x1ff: {  	v42 =	vadd.f32 v42, v20;
	v37 =	vmul.f32 $1.442695020e+00, v37;
	v46 =	vpop (erf);
	(erf) = vpow2.f32 v1  }
0x200: {  	v47 =	vmul.f32 v32, v24;
	v1 =	vadd.f32 v46, v45;
	v48, _, _ =	vpop (xrf2);
	(erf) = vpow2.f32 v35  }
0x201: {  	v35 =	vperm.xlane v48, v5;
	(erf) = vpow2.f32 v40  }
0x202: {  	v40 =	vmul.f32 v32, v26;
	v1 =	vadd.f32 v1, v44;
	v44 =	vpop (erf);
	(erf) = vpow2.f32 v37  }
0x203: {  	v37 =	vadd.f32 v47, v23;
	v33 =	vmul.f32 v33, v44;
	v34 =	vmul.f32 v34, v44  }
0x204: {  	v36 =	vmul.f32 v36, v44;
	v39 =	vmul.f32 v39, v44;
	v40 =	vadd.f32 v40, v27  }
0x205: {  	[tilespmem:s21+$0x180] =	vst v33;
	v33 =	vmul.f32 v32, v29;
	(erf) = vrcp.f32 v35;
	(xrf2) =	vadd.scan.msk.f32 $0xffff, v1  }
0x206: {  	v1 =	vmul.f32 v42, v32;
	[tilespmem:s21+$0x190] =	vst v34;
	v34 =	vmul.f32 v37, v32  }
0x207: {  	v35 =	vmul.f32 v40, v32;
	[tilespmem:s21+$0x1A0] =	vst v36;
	v37 =	vadd.f32 v33, v30  }
0x208: {  	v1 =	vadd.f32 v1, v21;
	[tilespmem:s21+$0x1B0] =	vst v39;
	v34 =	vadd.f32 v34, v25;
	v36 =	vpop (erf)  }
0x209: {  	v35 =	vadd.f32 v35, v28;
	v32 =	vmul.f32 v37, v32;
	v33 =	vpop (erf)  }
0x20a: {  	v1 =	vmul.f32 $1.442695020e+00, v1;
	v37 =	vadd.f32 v33, v36;
	v34 =	vmul.f32 $1.442695020e+00, v34;
	v39 =	vpop (erf)  }
0x20b: {  	v35 =	vmul.f32 $1.442695020e+00, v35;
	v32 =	vadd.f32 v32, v31;
	v40 =	vpop (erf)  }
0x20c: {  	v42 =	vadd.f32 v40, v39;
	(erf) = vpow2.f32 v1  }
0x20d: {  	v1 =	vmul.f32 $1.442695020e+00, v32;
	(erf) = vpow2.f32 v34  }
0x20e: {  	v32 =	vadd.f32 v42, v37;
	v34 =	vpop (erf);
	(erf) = vpow2.f32 v35  }
0x20f: {  	v0 =	vmul.f32 v0, v34;
	v2 =	vmul.f32 v2, v34;
	v35, _, _ =	vpop (xrf2)  }
0x210: {  	v3 =	vmul.f32 v3, v34;
	v34 =	vmul.f32 v38, v34;
	(xrf2) =	vadd.scan.msk.f32 $0xffff, v32  }
0x211: {  	[tilespmem:s21+$0x200] =	vst v0;
	v0 =	vperm.xlane v35, v5  }
0x212: {  	[tilespmem:s21+$0x210] =	vst v2;
	(erf) = vpow2.f32 v1  }
0x213: {  	[tilespmem:s21+$0x220] =	vst v3;
	(erf) = vrcp.f32 v0  }
0x214: {  	[tilespmem:s21+$0x230] =	vst v34  }
0x215: {  	v0 =	vpop (erf)  }
0x216: {  	v1 =	vpop (erf)  }
0x217: {  	v2 =	vadd.f32 v1, v0;
	v3 =	vpop (erf);
	_ =	sdelay $0x2  }
0x218: {  	v32, _, _ =	vpop (xrf2)  }
0x219: {  	v32 =	vperm.xlane v32, v5;
	v34 =	vpop (erf)  }
0x21a: {  	v35 =	vadd.f32 v34, v3;
	v37 =	vpop (erf)  }
0x21b: {  	v38 =	vmul.f32 v41, v37;
	v41 =	vmul.f32 v43, v37  }
0x21c: {  	v42 =	vmul.f32 v45, v37;
	v37 =	vmul.f32 v46, v37;
	v2 =	vadd.f32 v35, v2  }
0x21d: {  	[tilespmem:s21+$0x280] =	vst v38;
	(erf) = vrcp.f32 v32  }
0x21e: {  	[tilespmem:s21+$0x290] =	vst v41;
	(xrf2) =	vadd.scan.msk.f32 $0xffff, v2  }
0x21f: {  	[tilespmem:s21+$0x2A0] =	vst v42  }
0x220: {  	[tilespmem:s21+$0x2B0] =	vst v37;
	_ =	sdelay $0x5  }
0x221: {  	v2 =	vpop (erf)  }
0x222: {  	v32 =	vmul.f32 v36, v2;
	v33 =	vmul.f32 v33, v2  }
0x223: {  	v35 =	vmul.f32 v39, v2;
	v2 =	vmul.f32 v40, v2;
	v36, _, _ =	vpop (xrf2)  }
0x224: {  	[tilespmem:s21+$0x300] =	vst v32;
	v32 =	vperm.xlane v36, v5  }
0x225: {  	[tilespmem:s21+$0x310] =	vst v33  }
0x226: {  	[tilespmem:s21+$0x320] =	vst v35;
	(erf) = vrcp.f32 v32  }
0x227: {  	[tilespmem:s21+$0x330] =	vst v2;
	_ =	sdelay $0x7  }
0x228: {  	v2 =	vpop (erf)  }
0x229: {  	v0 =	vmul.f32 v0, v2;
	v1 =	vmul.f32 v1, v2  }
0x22a: {  	v3 =	vmul.f32 v3, v2;
	v2 =	vmul.f32 v34, v2  }
.Ltmp0:
0x22b: {  	[tilespmem:s21+$0x380] =	vst v0;
	(pc) =	sbr.rel @p1 .LBB2_3-.Ltmp0, $4  }
0x22c: {  	s23 =	sand.u32 $0x80, s22;
	[tilespmem:s21+$0x390] =	vst v1  }
0x22d: {  	s24 =	sand.u32 $0x70, s22;
	s23 =	sadd.s32 s23, s20;
	[tilespmem:s21+$0x3A0] =	vst v3  }
0x22e: {  	s23 =	sadd.s32 s24, s23;
	[tilespmem:s21+$0x3B0] =	vst v2  }
0x22f: {  	s22 =	sadd.s32 $0x10, s22;
	v32 =	vld [tilespmem:s23+$0x0]  }
0x230: {  	_ =	sdelay $0x3  }
0x231: {  	v0 =	vperm.xlane v32, v4  }
0x232: {  	v1 =	vperm.xlane v32, v6;
	v58 =	vperm.xlane v32, v7  }
0x233: {  	v40 =	vperm.xlane v32, v8;
	v2 =	vmul.f32 v0, v22  }
0x234: {  	v3 =	vmul.f32 v0, v24;
	v33 =	vmul.f32 v1, v22  }
0x235: {  	v34 =	vmul.f32 v0, v26;
	v35 =	vmul.f32 v1, v24  }
0x236: {  	v36 =	vmul.f32 v0, v29;
	v37 =	vmul.f32 v1, v26;
	v2 =	vadd.f32 v2, v20  }
0x237: {  	v38 =	vmul.f32 v1, v29;
	v62 =	vmul.f32 v58, v22;
	v3 =	vadd.f32 v3, v23  }
0x238: {  	v63 =	vmul.f32 v58, v26;
	v2 =	vmul.f32 v2, v0  }
0x239: {  	v34 =	vadd.f32 v34, v27;
	v36 =	vadd.f32 v36, v30;
	v3 =	vmul.f32 v3, v0  }
0x23a: {  	v44 =	vmul.f32 v58, v29;
	v33 =	vadd.f32 v33, v20;
	v2 =	vadd.f32 v2, v21  }
0x23b: {  	v35 =	vadd.f32 v35, v23;
	v34 =	vmul.f32 v34, v0;
	v3 =	vadd.f32 v3, v25  }
0x23c: {  	v55 =	vadd.f32 v37, v27;
	v0 =	vmul.f32 v36, v0;
	v2 =	vmul.f32 $1.442695020e+00, v2  }
0x23d: {  	v33 =	vmul.f32 v33, v1;
	v34 =	vadd.f32 v34, v28;
	v3 =	vmul.f32 $1.442695020e+00, v3  }
0x23e: {  	v35 =	vmul.f32 v35, v1;
	v0 =	vadd.f32 v0, v31;
	(erf) = vpow2.f32 v2  }
0x23f: {  	v56 =	vadd.f32 v38, v30;
	v34 =	vmul.f32 $1.442695020e+00, v34;
	(erf) = vpow2.f32 v3  }
0x240: {  	v57 =	vmul.f32 v55, v1;
	v0 =	vmul.f32 $1.442695020e+00, v0  }
0x241: {  	v59 =	vmul.f32 v56, v1;
	v3 =	vadd.f32 v33, v21;
	(erf) = vpow2.f32 v34  }
0x242: {  	v35 =	vadd.f32 v35, v25;
	v61 =	vadd.f32 v57, v28;
	(erf) = vpow2.f32 v0  }
0x243: {  	v41 =	vmul.f32 v40, v22;
	v60 =	vmul.f32 $1.442695020e+00, v3;
	v0 =	vadd.f32 v59, v31  }
0x244: {  	v2 =	vmul.f32 $1.442695020e+00, v61;
	v3 =	vmul.f32 $1.442695020e+00, v35  }
0x245: {  	(erf) = vpow2.f32 v60;
	v0 =	vmul.f32 $1.442695020e+00, v0  }
0x246: {  	(erf) = vpow2.f32 v3;
	v3 =	vmul.f32 v58, v24  }
0x247: {  	v42 =	vmul.f32 v40, v24;
	v33 =	vadd.f32 v62, v20;
	(erf) = vpow2.f32 v2;
	v1 =	vpop (erf)  }
0x248: {  	v53 =	vmul.f32 v40, v29;
	v3 =	vadd.f32 v3, v23;
	v35 =	vpop (erf);
	(erf) = vpow2.f32 v0  }
0x249: {  	v45 =	vadd.f32 v63, v27;
	v50 =	vadd.f32 v41, v20;
	v33 =	vmul.f32 v33, v58  }
0x24a: {  	v42 =	vadd.f32 v42, v23;
	v46 =	vmul.f32 v3, v58;
	v3 =	vadd.f32 v44, v30;
	v36 =	vpop (erf)  }
0x24b: {  	v34 =	vmul.f32 v50, v40;
	v33 =	vadd.f32 v33, v21;
	v0 =	vmul.f32 v45, v58;
	v37 =	vpop (erf)  }
0x24c: {  	v2 =	vadd.f32 v46, v25;
	v3 =	vmul.f32 v3, v58;
	v39 =	vadd.f32 v37, v36  }
0x24d: {  	v33 =	vmul.f32 $1.442695020e+00, v33;
	v44 =	vmul.f32 v40, v26;
	v43 =	vadd.f32 v0, v28  }
0x24e: {  	v47 =	vadd.f32 v35, v1;
	v38 =	vpop (erf);
	v2 =	vmul.f32 $1.442695020e+00, v2;
	v3 =	vadd.f32 v3, v31  }
0x24f: {  	v56 =	vadd.f32 v34, v21;
	(erf) = vpow2.f32 v33;
	v49 =	vmul.f32 $1.442695020e+00, v43;
	v0 =	vpop (erf)  }
0x250: {  	v48 =	vadd.f32 v39, v47;
	(erf) = vpow2.f32 v2;
	v3 =	vmul.f32 $1.442695020e+00, v3;
	v39 =	vpop (erf)  }
0x251: {  	v45 =	vperm.xlane v32, v10;
	v52 =	vadd.f32 v44, v27;
	(erf) = vpow2.f32 v49;
	v41 =	vpop (erf)  }
0x252: {  	v51 =	vadd.f32 v0, v38;
	(xrf2) =	vadd.scan.msk.f32 $0xffff, v48;
	(erf) = vpow2.f32 v3;
	v54 =	vadd.f32 v41, v39  }
0x253: {  	v55 =	vadd.f32 v53, v30;
	v58 =	vperm.xlane v32, v9;
	v57 =	vmul.f32 v52, v40  }
0x254: {  	v33 =	vmul.f32 $1.442695020e+00, v56;
	v3 =	vmul.f32 v42, v40;
	v2 =	vadd.f32 v54, v51  }
0x255: {  	v60 =	vmul.f32 v58, v22;
	v50 =	vmul.f32 v58, v24;
	v34 =	vadd.f32 v57, v28  }
0x256: {  	v52 =	vmul.f32 v58, v26;
	v40 =	vmul.f32 v55, v40;
	v3 =	vadd.f32 v3, v25;
	(xrf2) =	vadd.scan.msk.f32 $0xffff, v2  }
0x257: {  	v63 =	vadd.f32 v60, v20;
	v48 =	vmul.f32 v58, v29;
	v61 =	vmul.f32 $1.442695020e+00, v34  }
0x258: {  	v55 =	vmul.f32 v45, v22;
	v42 =	vpop (erf);
	v59 =	vmul.f32 $1.442695020e+00, v3;
	v3 =	vadd.f32 v40, v31  }
0x259: {  	(erf) = vpow2.f32 v33;
	v33 =	vmul.f32 v63, v58;
	v34 =	vpop (erf)  }
0x25a: {  	v3 =	vmul.f32 $1.442695020e+00, v3;
	(erf) = vpow2.f32 v59;
	v43 =	vpop (erf)  }
0x25b: {  	v60 =	vadd.f32 v55, v20;
	(erf) = vpow2.f32 v61;
	v46 =	vadd.f32 v34, v42;
	v53 =	vpop (erf)  }
0x25c: {  	(erf) = vpow2.f32 v3;
	v3 =	vadd.f32 v50, v23;
	v62, _, _ =	vpop (xrf2);
	v47 =	vadd.f32 v53, v43  }
0x25d: {  	v55 =	vmul.f32 v45, v29;
	v54 =	vadd.f32 v48, v30;
	v2 =	vperm.xlane v62, v5  }
0x25e: {  	v40 =	vadd.f32 v52, v27;
	v3 =	vmul.f32 v3, v58;
	v46 =	vadd.f32 v47, v46  }
0x25f: {  	v33 =	vadd.f32 v33, v21;
	(erf) = vrcp.f32 v2;
	v2 =	vmul.f32 v54, v58  }
0x260: {  	v51 =	vmul.f32 v45, v24;
	v56 =	vmul.f32 v40, v58;
	v57, _, _ =	vpop (xrf2);
	(xrf2) =	vadd.scan.msk.f32 $0xffff, v46  }
0x261: {  	v33 =	vmul.f32 $1.442695020e+00, v33;
	v3 =	vadd.f32 v3, v25;
	v58 =	vperm.xlane v57, v5  }
0x262: {  	v52 =	vmul.f32 v45, v26;
	v44 =	vmul.f32 v60, v45;
	v48 =	vadd.f32 v56, v28;
	v40 =	vpop (erf)  }
0x263: {  	v59 =	vmul.f32 $1.442695020e+00, v3;
	v50 =	vadd.f32 v2, v31;
	v2 =	vpop (erf);
	(erf) = vrcp.f32 v58  }
0x264: {  	v56 =	vadd.f32 v52, v27;
	v61 =	vmul.f32 $1.442695020e+00, v48;
	v49 =	vpop (erf);
	(erf) = vpow2.f32 v33  }
0x265: {  	v54 =	vadd.f32 v51, v23;
	v50 =	vmul.f32 $1.442695020e+00, v50;
	v33 =	vpop (erf);
	(erf) = vpow2.f32 v59  }
0x266: {  	v62 =	vadd.f32 v2, v40;
	v63 =	vadd.f32 v33, v49;
	(erf) = vpow2.f32 v61  }
0x267: {  	v47 =	vmul.f32 v54, v45;
	(erf) = vpow2.f32 v50  }
0x268: {  	v57 =	vadd.f32 v55, v30;
	v46 =	vadd.f32 v63, v62;
	v50 =	vmul.f32 v56, v45  }
0x269: {  	v44 =	vadd.f32 v44, v21  }
0x26a: {  	v47 =	vadd.f32 v47, v25;
	v45 =	vmul.f32 v57, v45;
	(xrf2) =	vadd.scan.msk.f32 $0xffff, v46;
	v59 =	vadd.f32 v50, v28;
	v58, _, _ =	vpop (xrf2)  }
0x26b: {  	v52 =	vpop (erf);
	v46 =	vperm.xlane v58, v5  }
0x26c: {  	v44 =	vmul.f32 $1.442695020e+00, v44;
	v45 =	vadd.f32 v45, v31;
	v48 =	vmul.f32 $1.442695020e+00, v59;
	v56 =	vpop (erf)  }
0x26d: {  	v54 =	vmul.f32 $1.442695020e+00, v47;
	v60 =	vpop (erf);
	(erf) = vrcp.f32 v46  }
0x26e: {  	v55 =	vmul.f32 $1.442695020e+00, v45;
	v47 =	vpop (erf);
	(erf) = vpow2.f32 v44  }
0x26f: {  	v46 =	vperm.xlane v32, v11;
	v3 =	vpop (erf);
	(erf) = vpow2.f32 v54  }
0x270: {  	v1 =	vmul.f32 v1, v52;
	v57 =	vadd.f32 v47, v60;
	(erf) = vpow2.f32 v48;
	v48 =	vpop (erf)  }
0x271: {  	v59 =	vmul.f32 v46, v22;
	(erf) = vpow2.f32 v55;
	v58 =	vadd.f32 v48, v3  }
0x272: {  	v0 =	vmul.f32 v0, v56;
	v62 =	vmul.f32 v46, v24  }
0x273: {  	v63 =	vmul.f32 v46, v26;
	v45 =	vadd.f32 v59, v20;
	v44 =	vadd.f32 v58, v57  }
0x274: {  	v55 =	vmul.f32 v46, v29;
	v61, _, _ =	vpop (xrf2);
	v57 =	vperm.xlane v32, v12;
	v58 =	vadd.f32 v62, v23  }
0x275: {  	[tilespmem:$0x1F9B0] =	vst v1;
	v1 =	vperm.xlane v61, v5;
	(xrf2) =	vadd.scan.msk.f32 $0xffff, v44;
	v44 =	vmul.f32 v45, v46  }
0x276: {  	v59 =	vadd.f32 v55, v30;
	v45 =	vmul.f32 v57, v22;
	v58 =	vmul.f32 v58, v46;
	v50 =	vpop (erf)  }
0x277: {  	v62 =	vmul.f32 v57, v24;
	(erf) = vrcp.f32 v1;
	v1 =	vadd.f32 v63, v27;
	v51 =	vpop (erf)  }
0x278: {  	v63 =	vmul.f32 v57, v26;
	v44 =	vadd.f32 v44, v21;
	v58 =	vadd.f32 v58, v25;
	v54 =	vpop (erf)  }
0x279: {  	v45 =	vadd.f32 v45, v20;
	v1 =	vmul.f32 v1, v46;
	v46 =	vmul.f32 v59, v46;
	v55 =	vpop (erf)  }
0x27a: {  	[tilespmem:$0x1F9A0] =	vst v3;
	v63 =	vadd.f32 v63, v27;
	v61 =	vadd.f32 v54, v51;
	v44 =	vmul.f32 $1.442695020e+00, v44;
	v3 =	vpop (erf)  }
0x27b: {  	v58 =	vmul.f32 $1.442695020e+00, v58;
	v45 =	vmul.f32 v45, v57;
	v59 =	vadd.f32 v3, v55  }
0x27c: {  	v1 =	vadd.f32 v1, v28;
	v46 =	vadd.f32 v46, v31;
	v63 =	vmul.f32 v63, v57  }
0x27d: {  	[tilespmem:$0x1FAA0] =	vst v3;
	(erf) = vpow2.f32 v44;
	v3 =	vmul.f32 v36, v52;
	v59 =	vadd.f32 v59, v61  }
0x27e: {  	v1 =	vmul.f32 $1.442695020e+00, v1;
	v46 =	vmul.f32 $1.442695020e+00, v46;
	v61 =	vadd.f32 v62, v23  }
0x27f: {  	(erf) = vpow2.f32 v58;
	(xrf2) =	vadd.scan.msk.f32 $0xffff, v59;
	v59 =	vmul.f32 v57, v29;
	v62, _, _ =	vpop (xrf2)  }
0x280: {  	v45 =	vadd.f32 v45, v21;
	v61 =	vmul.f32 v61, v57;
	v62 =	vperm.xlane v62, v5  }
0x281: {  	v58 =	vmul.f32 v37, v52;
	v37 =	vperm.xlane v32, v13;
	v59 =	vadd.f32 v59, v30  }
0x282: {  	v44 =	vadd.f32 v61, v25;
	v61 =	vmul.f32 $1.442695020e+00, v45;
	(erf) = vrcp.f32 v62  }
0x283: {  	v62 =	vadd.f32 v63, v28;
	v57 =	vmul.f32 v59, v57;
	(erf) = vpow2.f32 v1  }
0x284: {  	v44 =	vmul.f32 $1.442695020e+00, v44;
	v59 =	vmul.f32 v38, v56  }
0x285: {  	(erf) = vpow2.f32 v46;
	v45 =	vmul.f32 $1.442695020e+00, v62;
	v63 =	vadd.f32 v57, v31  }
0x286: {  	v62 =	vmul.f32 v37, v22;
	(erf) = vpow2.f32 v61  }
0x287: {  	(erf) = vpow2.f32 v44;
	v46 =	vmul.f32 $1.442695020e+00, v63  }
0x288: {  	[tilespmem:$0x1F9F0] =	vst v0;
	v63 =	vmul.f32 v35, v52;
	v35 =	vpop (erf);
	(erf) = vpow2.f32 v45  }
0x289: {  	[tilespmem:$0x1F9C0] =	vst v3;
	v61 =	vmul.f32 v39, v56;
	v0 =	vadd.f32 v62, v20;
	v44 =	vpop (erf);
	(erf) = vpow2.f32 v46  }
0x28a: {  	[tilespmem:$0x1F9E0] =	vst v59;
	v59 =	vmul.f32 v37, v26;
	v62 =	vmul.f32 v37, v29;
	v57, _, _ =	vpop (xrf2)  }
0x28b: {  	[tilespmem:$0x1F9D0] =	vst v58;
	v52 =	vmul.f32 v42, v50;
	v0 =	vmul.f32 v0, v37;
	v1 =	vpop (erf)  }
0x28c: {  	[tilespmem:$0x1FA00] =	vst v61;
	v46 =	vmul.f32 v41, v56;
	v41 =	vperm.xlane v32, v14;
	v3 =	vpop (erf)  }
0x28d: {  	[tilespmem:$0x1FA20] =	vst v52;
	v36 =	vperm.xlane v57, v5;
	v57 =	vmul.f32 v37, v24;
	v56 =	vpop (erf)  }
0x28e: {  	v33 =	vmul.f32 v33, v35;
	[tilespmem:$0x1FAC0] =	vst v1;
	v61 =	vadd.f32 v1, v44;
	v0 =	vadd.f32 v0, v21;
	v58 =	vpop (erf)  }
0x28f: {  	[tilespmem:$0x1FA10] =	vst v46;
	v46 =	vmul.f32 v41, v22;
	v38 =	vadd.f32 v57, v23;
	v42 =	vadd.f32 v58, v56;
	v1 =	vpop (erf)  }
0x290: {  	v0 =	vmul.f32 $1.442695020e+00, v0;
	[tilespmem:$0x1FAD0] =	vst v56;
	(erf) = vrcp.f32 v36;
	v56 =	vadd.f32 v59, v27;
	v52 =	vpop (erf)  }
0x291: {  	[tilespmem:$0x1FAE0] =	vst v58;
	v59 =	vadd.f32 v62, v30;
	v38 =	vmul.f32 v38, v37;
	v57 =	vadd.f32 v42, v61;
	v58 =	vpop (erf)  }
0x292: {  	(erf) = vpow2.f32 v0;
	v36 =	vmul.f32 v56, v37;
	v61 =	vpop (erf)  }
0x293: {  	v62 =	vadd.f32 v52, v1;
	v37 =	vmul.f32 v59, v37;
	(xrf2) =	vadd.scan.msk.f32 $0xffff, v57;
	v45 =	vadd.f32 v61, v58  }
0x294: {  	v38 =	vadd.f32 v38, v25;
	v56 =	vmul.f32 v41, v24;
	v59 =	vmul.f32 v41, v29  }
0x295: {  	v42 =	vmul.f32 v34, v50;
	v36 =	vadd.f32 v36, v28;
	v39 =	vadd.f32 v45, v62  }
0x296: {  	[tilespmem:$0x1FAB0] =	vst v44;
	v37 =	vadd.f32 v37, v31;
	v38 =	vmul.f32 $1.442695020e+00, v38;
	v57 =	vadd.f32 v46, v20  }
0x297: {  	[tilespmem:$0x1FA30] =	vst v42;
	v46 =	vmul.f32 v43, v50;
	v42 =	vmul.f32 v49, v35;
	(xrf2) =	vadd.scan.msk.f32 $0xffff, v39  }
0x298: {  	[tilespmem:$0x1FB10] =	vst v58;
	v44 =	vadd.f32 v59, v30;
	v58 =	vmul.f32 v41, v26;
	v36 =	vmul.f32 $1.442695020e+00, v36  }
0x299: {  	[tilespmem:$0x1FB00] =	vst v52;
	v52 =	vmul.f32 $1.442695020e+00, v37;
	(erf) = vpow2.f32 v38;
	v37 =	vadd.f32 v56, v23  }
0x29a: {  	[tilespmem:$0x1FB20] =	vst v61;
	v61 =	vmul.f32 v57, v41;
	v62 =	vadd.f32 v58, v27;
	(erf) = vpow2.f32 v36  }
0x29b: {  	v0 =	vmul.f32 v44, v41;
	(erf) = vpow2.f32 v52  }
0x29c: {  	v45 =	vmul.f32 v37, v41;
	v36 =	vadd.f32 v61, v21;
	v52 =	vmul.f32 v62, v41  }
0x29d: {  	v0 =	vadd.f32 v0, v31;
	v39 =	vperm.xlane v32, v15;
	v41 =	vmul.f32 v2, v35;
	v56, _, _ =	vpop (xrf2)  }
0x29e: {  	v34 =	vadd.f32 v45, v25;
	v36 =	vmul.f32 $1.442695020e+00, v36;
	v38 =	vperm.xlane v56, v5  }
0x29f: {  	v61 =	vpop (erf);
	v0 =	vmul.f32 $1.442695020e+00, v0;
	v37 =	vadd.f32 v52, v28;
	v45 =	vmul.f32 v39, v22  }
0x2a0: {  	[tilespmem:$0x1FA90] =	vst v33;
	v57 =	vpop (erf);
	v34 =	vmul.f32 $1.442695020e+00, v34;
	(erf) = vrcp.f32 v38  }
0x2a1: {  	[tilespmem:$0x1FAF0] =	vst v1;
	v37 =	vmul.f32 $1.442695020e+00, v37;
	(erf) = vpow2.f32 v36;
	v58, _, _ =	vpop (xrf2)  }
0x2a2: {  	[tilespmem:$0x1FA40] =	vst v46;
	v62 =	vpop (erf);
	(erf) = vpow2.f32 v34;
	v59 =	vperm.xlane v58, v5  }
0x2a3: {  	[tilespmem:$0x1FA80] =	vst v42;
	v56 =	vmul.f32 v53, v50;
	v52 =	vadd.f32 v62, v57;
	v44 =	vpop (erf);
	(erf) = vpow2.f32 v37  }
0x2a4: {  	[tilespmem:$0x1FB30] =	vst v57;
	v57 =	vmul.f32 v39, v24;
	v46 =	vpop (erf);
	v34 =	vadd.f32 v45, v20;
	(erf) = vrcp.f32 v59  }
0x2a5: {  	[tilespmem:$0x1FA70] =	vst v41;
	v37 =	vadd.f32 v46, v44;
	v58 =	vmul.f32 v39, v26;
	(erf) = vpow2.f32 v0  }
0x2a6: {  	[tilespmem:$0x1FB40] =	vst v62;
	v62 =	vmul.f32 v39, v29;
	v0 =	vadd.f32 v57, v23  }
0x2a7: {  	[tilespmem:$0x1FA50] =	vst v56;
	v34 =	vmul.f32 v34, v39;
	v36 =	vadd.f32 v37, v52;
	v38 =	vadd.f32 v58, v27  }
0x2a8: {  	v50 =	vperm.xlane v32, v16;
	v43 =	vadd.f32 v62, v30;
	[tilespmem:$0x1FB60] =	vst v46;
	v0 =	vmul.f32 v0, v39  }
0x2a9: {  	v59 =	vmul.f32 v40, v35;
	v45 =	vadd.f32 v34, v21;
	(xrf2) =	vadd.scan.msk.f32 $0xffff, v36;
	v46 =	vmul.f32 v38, v39;
	v41 =	vpop (erf)  }
0x2aa: {  	v56 =	vmul.f32 v50, v22;
	[tilespmem:$0x1FB50] =	vst v44;
	v52 =	vmul.f32 v43, v39;
	v44 =	vpop (erf);
	v0 =	vadd.f32 v0, v25  }
0x2ab: {  	v1 =	vmul.f32 v50, v26;
	[tilespmem:$0x1FA60] =	vst v59;
	v33 =	vmul.f32 $1.442695020e+00, v45;
	v34 =	vadd.f32 v46, v28;
	v49 =	vpop (erf)  }
0x2ac: {  	v58 =	vmul.f32 v50, v24;
	v36 =	vadd.f32 v52, v31;
	[tilespmem:$0x1FB70] =	vst v44;
	v53 =	vpop (erf);
	v0 =	vmul.f32 $1.442695020e+00, v0  }
0x2ad: {  	(erf) = vpow2.f32 v33;
	v34 =	vmul.f32 $1.442695020e+00, v34;
	[tilespmem:$0x1FB80] =	vst v49;
	v40 =	vpop (erf)  }
0x2ae: {  	v38 =	vadd.f32 v56, v20;
	v36 =	vmul.f32 $1.442695020e+00, v36;
	[tilespmem:$0x1FB90] =	vst v53;
	(erf) = vpow2.f32 v0;
	v62 =	vpop (erf)  }
0x2af: {  	v37 =	vadd.f32 v49, v44;
	v57 =	vadd.f32 v62, v53;
	(erf) = vpow2.f32 v34  }
0x2b0: {  	v42 =	vmul.f32 v50, v29;
	v2 =	vadd.f32 v58, v23;
	(erf) = vpow2.f32 v36  }
0x2b1: {  	v38 =	vmul.f32 v38, v50;
	v33 =	vadd.f32 v1, v27;
	v59 =	vadd.f32 v57, v37  }
0x2b2: {  	v34 =	vmul.f32 v2, v50;
	v37 =	vadd.f32 v42, v30  }
0x2b3: {  	v38 =	vadd.f32 v38, v21;
	v33 =	vmul.f32 v33, v50;
	v0 =	vperm.xlane v32, v17;
	v43, _, _ =	vpop (xrf2);
	(xrf2) =	vadd.scan.msk.f32 $0xffff, v59  }
0x2b4: {  	v36 =	vperm.xlane v43, v5;
	v34 =	vadd.f32 v34, v25;
	v35 =	vmul.f32 v37, v50  }
0x2b5: {  	v45 =	vmul.f32 $1.442695020e+00, v38;
	v33 =	vadd.f32 v33, v28;
	v44 =	vmul.f32 v0, v22  }
0x2b6: {  	(erf) = vrcp.f32 v36;
	v34 =	vmul.f32 $1.442695020e+00, v34;
	v35 =	vadd.f32 v35, v31;
	v59 =	vpop (erf)  }
0x2b7: {  	v33 =	vmul.f32 $1.442695020e+00, v33;
	v37 =	vadd.f32 v44, v20;
	(erf) = vpow2.f32 v45;
	v58 =	vpop (erf)  }
0x2b8: {  	(erf) = vpow2.f32 v34;
	v35 =	vmul.f32 $1.442695020e+00, v35;
	v57 =	vpop (erf)  }
0x2b9: {  	v53 =	vmul.f32 v37, v0;
	(erf) = vpow2.f32 v33;
	v56 =	vpop (erf)  }
0x2ba: {  	v50 =	vadd.f32 v58, v59;
	(erf) = vpow2.f32 v35;
	v38 =	vadd.f32 v56, v57  }
0x2bb: {  	v46 =	vmul.f32 v0, v24  }
0x2bc: {  	v49 =	vmul.f32 v0, v26;
	v1 =	vadd.f32 v38, v50;
	v50 =	vadd.f32 v53, v21  }
0x2bd: {  	v39 =	vmul.f32 v0, v29;
	v42, _, _ =	vpop (xrf2)  }
0x2be: {  	v2 =	vadd.f32 v46, v23;
	v34 =	vadd.f32 v49, v27;
	v49 =	vperm.xlane v42, v5  }
0x2bf: {  	v43 =	vadd.f32 v39, v30;
	v53 =	vpop (erf)  }
0x2c0: {  	v2 =	vmul.f32 v2, v0;
	v38 =	vmul.f32 $1.442695020e+00, v50;
	v50 =	vpop (erf)  }
0x2c1: {  	v52 =	vmul.f32 v60, v3;
	v37 =	vmul.f32 v43, v0;
	v60 =	vpop (erf)  }
0x2c2: {  	s21 =	sadd.s32 $0x800, s21;
	v36 =	vadd.f32 v2, v25;
	(erf) = vrcp.f32 v49;
	v49 =	vpop (erf)  }
0x2c3: {  	[tilespmem:s21+$0xFFFFFC10] =	vst v63;
	v63 =	vld [tilespmem:$0x1F9C0];
	v34 =	vmul.f32 v34, v0;
	v2 =	vadd.f32 v37, v31;
	v46 =	vpop (erf)  }
0x2c4: {  	(xrf2) =	vadd.scan.msk.f32 $0xffff, v1;
	v1 =	vmul.f32 $1.442695020e+00, v36;
	v42 =	vadd.f32 v60, v50;
	v43 =	vadd.f32 v46, v49  }
0x2c5: {  	v0 =	vperm.xlane v32, v18;
	v34 =	vadd.f32 v34, v28;
	(erf) = vpow2.f32 v38  }
0x2c6: {  	(erf) = vpow2.f32 v1;
	v1 =	vmul.f32 $1.442695020e+00, v2;
	v2 =	vadd.f32 v43, v42  }
0x2c7: {  	v44 =	vld [tilespmem:$0x1F9A0];
	v39 =	vmul.f32 $1.442695020e+00, v34  }
0x2c8: {  	[tilespmem:s21+$0xFFFFFC20] =	vst v63;
	v63 =	vld [tilespmem:$0x1F9D0];
	v34 =	vmul.f32 v0, v22;
	(xrf2) =	vadd.scan.msk.f32 $0xffff, v2  }
0x2c9: {  	v35 =	vmul.f32 v0, v24;
	(erf) = vpow2.f32 v39  }
0x2ca: {  	v36 =	vmul.f32 v0, v26;
	(erf) = vpow2.f32 v1;
	v1 =	vadd.f32 v34, v20  }
0x2cb: {  	v45 =	vmul.f32 v47, v3;
	v33 =	vmul.f32 v0, v29;
	v47 =	vadd.f32 v35, v23  }
0x2cc: {  	v38 =	vmul.f32 v48, v3;
	v48 =	vadd.f32 v36, v27;
	v36 =	vmul.f32 v1, v0  }
0x2cd: {  	v37 =	vmul.f32 v44, v3;
	[tilespmem:s21+$0xFFFFFC30] =	vst v63;
	v63 =	vld [tilespmem:$0x1F9E0];
	v47 =	vmul.f32 v47, v0  }
0x2ce: {  	v39 =	vmul.f32 v51, v61;
	v51 =	vadd.f32 v33, v30;
	v34, _, _ =	vpop (xrf2);
	v2 =	vadd.f32 v36, v21  }
0x2cf: {  	v47 =	vadd.f32 v47, v25;
	v3 =	vmul.f32 v48, v0;
	v35 =	vperm.xlane v34, v5  }
0x2d0: {  	v0 =	vmul.f32 v51, v0;
	v51 =	vld [tilespmem:$0x1F9B0];
	v33 =	vmul.f32 $1.442695020e+00, v2  }
0x2d1: {  	v47 =	vmul.f32 $1.442695020e+00, v47;
	(erf) = vrcp.f32 v35  }
0x2d2: {  	[tilespmem:s21+$0xFFFFFC80] =	vst v63;
	v1 =	vperm.xlane v32, v19;
	(erf) = vpow2.f32 v33;
	v63, _, _ =	vpop (xrf2)  }
0x2d3: {  	(erf) = vpow2.f32 v47;
	v47 =	vperm.xlane v63, v5;
	v63 =	vld [tilespmem:$0x1F9F0]  }
0x2d4: {  	v3 =	vadd.f32 v3, v28  }
0x2d5: {  	v0 =	vadd.f32 v0, v31;
	[tilespmem:s21+$0xFFFFFC00] =	vst v51;
	v51 =	vmul.f32 v1, v22  }
0x2d6: {  	v44 =	vmul.f32 v54, v61;
	v3 =	vmul.f32 $1.442695020e+00, v3;
	v54 =	vpop (erf)  }
0x2d7: {  	v42 =	vpop (erf);
	v0 =	vmul.f32 $1.442695020e+00, v0;
	v33 =	vadd.f32 v51, v20;
	v51 =	vmul.f32 v1, v29  }
0x2d8: {  	v43 =	vmul.f32 v55, v61;
	v55 =	vpop (erf);
	(erf) = vpow2.f32 v3;
	[tilespmem:s21+$0xFFFFFC90] =	vst v63;
	v63 =	vld [tilespmem:$0x1FA00]  }
0x2d9: {  	v48 =	vpop (erf);
	(erf) = vpow2.f32 v0;
	v0 =	vadd.f32 v51, v30;
	v51 =	vld [tilespmem:$0x1FA20];
	_ =	sdelay $0x2  }
0x2da: {  	v34 =	vmul.f32 v1, v24;
	v36 =	vpop (erf)  }
0x2db: {  	v35 =	vadd.f32 v55, v42;
	v2 =	vadd.f32 v36, v48;
	[tilespmem:s21+$0xFFFFFCA0] =	vst v63;
	v63 =	vld [tilespmem:$0x1FA10]  }
0x2dc: {  	v34 =	vadd.f32 v34, v23;
	[tilespmem:s21+$0xFFFFFD00] =	vst v51;
	v51 =	vld [tilespmem:$0x1FA40]  }
0x2dd: {  	v2 =	vadd.f32 v2, v35;
	v35 =	vmul.f32 v1, v26;
	(erf) = vrcp.f32 v47;
	v47 =	vld [tilespmem:$0x1FA30]  }
0x2de: {  	v3 =	vmul.f32 v33, v1;
	v33 =	vmul.f32 v34, v1  }
0x2df: {  	(xrf2) =	vadd.scan.msk.f32 $0xffff, v2;
	v2 =	vadd.f32 v35, v27  }
0x2e0: {  	v32 =	vperm.xlane v32, v5;
	[tilespmem:s21+$0xFFFFFCB0] =	vst v63;
	v63 =	vadd.f32 v33, v25  }
0x2e1: {  	v0 =	vmul.f32 v0, v1;
	v2 =	vmul.f32 v2, v1;
	[tilespmem:s21+$0xFFFFFD20] =	vst v51;
	v51 =	vld [tilespmem:$0x1FA60]  }
0x2e2: {  	[tilespmem:s21+$0xFFFFFD10] =	vst v47;
	v47 =	vld [tilespmem:$0x1FA50];
	v1 =	vmul.f32 $1.442695020e+00, v63;
	v63 =	vmul.f32 v32, v24  }
0x2e3: {  	v3 =	vadd.f32 v3, v21  }
0x2e4: {  	v0 =	vadd.f32 v0, v31;
	v33 =	vmul.f32 v32, v22;
	v34 =	vadd.f32 v63, v23;
	v63 =	vld [tilespmem:$0x1FA70]  }
0x2e5: {  	v35 =	vmul.f32 v32, v26;
	v3 =	vmul.f32 $1.442695020e+00, v3  }
0x2e6: {  	v0 =	vmul.f32 $1.442695020e+00, v0;
	v2 =	vadd.f32 v2, v28;
	[tilespmem:s21+$0xFFFFFD80] =	vst v51;
	v33 =	vadd.f32 v33, v20  }
0x2e7: {  	(erf) = vpow2.f32 v3;
	v51 =	vld [tilespmem:$0x1FA80];
	[tilespmem:s21+$0xFFFFFD30] =	vst v47;
	v47 =	vmul.f32 v32, v29  }
0x2e8: {  	v3 =	vadd.f32 v35, v27;
	v2 =	vmul.f32 $1.442695020e+00, v2;
	v33 =	vmul.f32 v33, v32  }
0x2e9: {  	v35, _, _ =	vpop (xrf2);
	(erf) = vpow2.f32 v1;
	v1 =	vmul.f32 v34, v32;
	[tilespmem:s21+$0xFFFFFD90] =	vst v63;
	v63 =	vadd.f32 v47, v30  }
0x2ea: {  	[tilespmem:s21+$0xFFFFFE00] =	vst v52;
	v3 =	vmul.f32 v3, v32;
	v35 =	vperm.xlane v35, v5;
	v33 =	vadd.f32 v33, v21  }
0x2eb: {  	[tilespmem:s21+$0xFFFFFE80] =	vst v39;
	v39 =	vld [tilespmem:$0x1FAA0];
	(erf) = vpow2.f32 v2;
	v1 =	vadd.f32 v1, v25;
	v52 =	vmul.f32 v63, v32  }
0x2ec: {  	[tilespmem:s21+$0xFFFFFDA0] =	vst v51;
	v51 =	vld [tilespmem:$0x1FA90];
	v32 =	vpop (erf);
	(erf) = vpow2.f32 v0;
	v63 =	vadd.f32 v3, v28;
	v3 =	vmul.f32 $1.442695020e+00, v33  }
0x2ed: {  	v47 =	vld [tilespmem:$0x1FAC0];
	v1 =	vmul.f32 $1.442695020e+00, v1;
	(erf) = vrcp.f32 v35  }
0x2ee: {  	[tilespmem:s21+$0xFFFFFE10] =	vst v45;
	v45 =	vld [tilespmem:$0x1FAB0];
	v33 =	vpop (erf);
	v2 =	vadd.f32 v52, v31;
	(erf) = vpow2.f32 v3  }
0x2ef: {  	v34 =	vpop (erf);
	(erf) = vpow2.f32 v1  }
0x2f0: {  	[tilespmem:s21+$0xFFFFFE20] =	vst v37;
	v1 =	vmul.f32 v39, v61;
	v2 =	vmul.f32 $1.442695020e+00, v2  }
0x2f1: {  	[tilespmem:s21+$0xFFFFFDB0] =	vst v51;
	v51 =	vld [tilespmem:$0x1FAD0];
	v0 =	vmul.f32 $1.442695020e+00, v63;
	v3 =	vpop (erf)  }
0x2f2: {  	v35 =	vpop (erf);
	[tilespmem:s21+$0xFFFFFEB0] =	vst v1;
	v1 =	vmul.f32 v47, v41  }
0x2f3: {  	[tilespmem:s21+$0xFFFFFE30] =	vst v38;
	(erf) = vpow2.f32 v0;
	v0 =	vmul.f32 v45, v41;
	v37 =	vpop (erf)  }
0x2f4: {  	[tilespmem:s21+$0xFFFFFEA0] =	vst v43;
	v63 =	vld [tilespmem:$0x1FAE0];
	v52 =	vadd.f32 v34, v33;
	(erf) = vpow2.f32 v2;
	v61 =	vadd.f32 v35, v3;
	v2 =	vpop (erf)  }
0x2f5: {  	[tilespmem:s21+$0xFFFFFF00] =	vst v0;
	v43 =	vpop (erf)  }
0x2f6: {  	v38 =	vmul.f32 v51, v41;
	v51 =	vld [tilespmem:$0x1FB00];
	[tilespmem:s21+$0xFFFFFF10] =	vst v1;
	v0 =	vadd.f32 v61, v52;
	v1 =	vpop (erf)  }
0x2f7: {  	v47 =	vld [tilespmem:$0x1FAF0];
	v39 =	vpop (erf)  }
0x2f8: {  	v52 =	vld [tilespmem:$0x1FB10];
	(xrf2) =	vadd.scan.msk.f32 $0xffff, v0;
	v0 =	vadd.f32 v43, v2;
	v61 =	vadd.f32 v39, v1  }
0x2f9: {  	v41 =	vmul.f32 v63, v41;
	v63 =	vld [tilespmem:$0x1FB20]  }
0x2fa: {  	v0 =	vadd.f32 v61, v0;
	v61 =	vld [tilespmem:$0x1FB40];
	_ =	sdelay $0x1  }
0x2fb: {  	[tilespmem:s21+$0xFFFFFE90] =	vst v44  }
0x2fc: {  	[tilespmem:s21+$0xFFFFFF30] =	vst v41;
	v41 =	vmul.f32 v51, v40;
	v44 =	vmul.f32 v52, v40;
	v52 =	vld [tilespmem:$0x1FB30]  }
0x2fd: {  	[tilespmem:s21+$0xFFFFFF20] =	vst v38;
	v38 =	vmul.f32 v47, v40;
	v40 =	vmul.f32 v63, v40;
	v63 =	vld [tilespmem:$0x1FB60]  }
0x2fe: {  	v51 =	vmul.f32 v61, v53;
	v61 =	vld [tilespmem:$0x1FB50]  }
0x2ff: {  	[tilespmem:s21+$0xFFFFFF90] =	vst v41;
	v45 =	vpop (erf)  }
0x300: {  	[tilespmem:s21+$0xFFFFFF80] =	vst v38;
	v47 =	vpop (erf)  }
0x301: {  	v41 =	vpop (erf);
	[tilespmem:s21+$0xFFFFFFB0] =	vst v40;
	v40 =	vmul.f32 v52, v53  }
0x302: {  	[tilespmem:s21+$0xFFFFFFA0] =	vst v44;
	v38 =	vpop (erf)  }
0x303: {  	v44 =	vpop (erf);
	[tilespmem:s21+$0x0] =	vst v40;
	v40 =	vmul.f32 v63, v53;
	v63 =	vld [tilespmem:$0x1FB70];
	v61 =	vmul.f32 v61, v53  }
0x304: {  	(xrf2) =	vadd.scan.msk.f32 $0xffff, v0;
	v0 =	vadd.f32 v41, v47;
	v52 =	vadd.f32 v44, v38;
	v53 =	vld [tilespmem:$0x1FB80]  }
0x305: {  	v49 =	vmul.f32 v49, v37;
	[tilespmem:s21+$0x20] =	vst v61;
	v61 =	vld [tilespmem:$0x1FB90]  }
0x306: {  	v0 =	vadd.f32 v52, v0  }
0x307: {  	[tilespmem:s21+$0x1A0] =	vst v49  }
0x308: {  	[tilespmem:s21+$0x10] =	vst v51;
	(xrf2) =	vadd.scan.msk.f32 $0xffff, v0;
	v51 =	vmul.f32 v63, v54  }
0x309: {  	[tilespmem:s21+$0x30] =	vst v40;
	v40 =	vmul.f32 v53, v54  }
0x30a: {  	v63 =	vmul.f32 v62, v54;
	[tilespmem:s21+$0x80] =	vst v51;
	v0 =	vmul.f32 v61, v54;
	v54, _, _ =	vpop (xrf2)  }
0x30b: {  	v62 =	vmul.f32 v58, v32;
	[tilespmem:s21+$0x90] =	vst v40;
	v40 =	vperm.xlane v54, v5  }
0x30c: {  	v58 =	vmul.f32 v60, v37;
	[tilespmem:s21+$0xB0] =	vst v63;
	v63 =	vmul.f32 v57, v32  }
0x30d: {  	[tilespmem:s21+$0x110] =	vst v62;
	v57 =	vmul.f32 v50, v37;
	(erf) = vrcp.f32 v40  }
0x30e: {  	[tilespmem:s21+$0x190] =	vst v58;
	v62 =	vmul.f32 v55, v45;
	v54 =	vmul.f32 v56, v32;
	v56, _, _ =	vpop (xrf2)  }
0x30f: {  	[tilespmem:s21+$0x120] =	vst v63;
	v61 =	vmul.f32 v59, v32;
	v32 =	vperm.xlane v56, v5  }
0x310: {  	[tilespmem:s21+$0x180] =	vst v57;
	v63 =	vmul.f32 v48, v45  }
0x311: {  	[tilespmem:s21+$0x210] =	vst v62;
	(erf) = vrcp.f32 v32  }
0x312: {  	[tilespmem:s21+$0x220] =	vst v63;
	v60, _, _ =	vpop (xrf2)  }
0x313: {  	v59 =	vmul.f32 v46, v37;
	[tilespmem:s21+$0xA0] =	vst v0;
	v0 =	vperm.xlane v60, v5  }
0x314: {  	[tilespmem:s21+$0x100] =	vst v61  }
0x315: {  	v61 =	vmul.f32 v42, v45;
	[tilespmem:s21+$0x1B0] =	vst v59;
	(erf) = vrcp.f32 v0  }
0x316: {  	v42 =	vmul.f32 v36, v45;
	[tilespmem:s21+$0x130] =	vst v54;
	v45 =	vpop (erf)  }
0x317: {  	[tilespmem:s21+$0x200] =	vst v61;
	v33 =	vmul.f32 v33, v45  }
0x318: {  	[tilespmem:s21+$0x230] =	vst v42;
	v46 =	vmul.f32 v34, v45  }
0x319: {  	v3 =	vmul.f32 v3, v45;
	[tilespmem:s21+$0x280] =	vst v33  }
0x31a: {  	v32 =	vmul.f32 v35, v45;
	v48 =	vpop (erf);
	[tilespmem:s21+$0x290] =	vst v46  }
0x31b: {  	v2 =	vmul.f32 v2, v48;
	[tilespmem:s21+$0x2A0] =	vst v3  }
0x31c: {  	v1 =	vmul.f32 v1, v48;
	[tilespmem:s21+$0x2B0] =	vst v32  }
0x31d: {  	v0 =	vmul.f32 v39, v48;
	[tilespmem:s21+$0x300] =	vst v2  }
0x31e: {  	v49 =	vpop (erf);
	v3 =	vmul.f32 v43, v48;
	[tilespmem:s21+$0x320] =	vst v1  }
0x31f: {  	v50 =	vmul.f32 v47, v49;
	[tilespmem:s21+$0x330] =	vst v0  }
0x320: {  	v51 =	vmul.f32 v41, v49;
	[tilespmem:s21+$0x310] =	vst v3  }
0x321: {  	v52 =	vmul.f32 v44, v49;
	[tilespmem:s21+$0x380] =	vst v50  }
0x322: {  	s22 =	sadd.s32 s5, s20;
	v3 =	vmul.f32 v38, v49;
	[tilespmem:s21+$0x390] =	vst v51  }
0x323: {  	s22 =	sshll.u32 s22, $0x4;
	[tilespmem:s21+$0x3B0] =	vst v52  }
0x324: {  	s28 =	simm.s32 $0x0;
	s26 =	sadd.s32 s7, s22;
	[tilespmem:s21+$0x3A0] =	vst v3;
	s21 =	simm.s32 @!p0 $0x2  }
0x325: {  	[hbm4b:s26+s3] =	stream.linear.scatter [tilespmem:s14], [sflag:$0x1], $0x8000, $0x38;
	[tilespmem:$0x10980] =	vst v63  }
0x326: {  	s20 =	sor.u32 $0x100, s20;
	s23 =	sand.u32 $0x80, s28;
	_ =	swait.ge @!p0 [sflag:s21], $0x8000  }
0x327: {  	s22 =	sand.u32 $0x70, s28;
	s23 =	sadd.s32 s23, s20;
	[sflag:s21] =	ssyncset.done @!p0 $0x0  }
0x328: {  	s29 =	sadd.s32 s22, s23;
	[sflag:s21] =	ssyncadd.s32 @!p0 $0xFFFF8000  }
0x329: {  	v45 =	vld [tilespmem:s29+$0x0];
	_ =	sdelay $0x4  }
0x32a: {  	v53 =	vperm.xlane v45, v4;
	v54 =	vperm.xlane v45, v6  }
0x32b: {  	v3 =	vperm.xlane v45, v7;
	v37 =	vperm.xlane v45, v8  }
0x32c: {  	v55 =	vmul.f32 v53, v22;
	v56 =	vmul.f32 v54, v22  }
0x32d: {  	v57 =	vmul.f32 v53, v24;
	v58 =	vmul.f32 v54, v24  }
0x32e: {  	v59 =	vmul.f32 v53, v26;
	v60 =	vmul.f32 v54, v26  }
0x32f: {  	v61 =	vmul.f32 v53, v29;
	v62 =	vmul.f32 v54, v29  }
0x330: {  	v49 =	vmul.f32 v3, v22;
	v2 =	vadd.f32 v55, v20;
	v34 =	vadd.f32 v57, v23  }
0x331: {  	v50 =	vmul.f32 v3, v24;
	v36 =	vadd.f32 v59, v27;
	v33 =	vadd.f32 v56, v20  }
0x332: {  	v39 =	vadd.f32 v61, v30;
	v35 =	vadd.f32 v58, v23;
	v55 =	vmul.f32 v3, v29  }
0x333: {  	v38 =	vadd.f32 v60, v27;
	v59 =	vmul.f32 v37, v22;
	v2 =	vmul.f32 v2, v53  }
0x334: {  	v63 =	vadd.f32 v62, v30;
	v34 =	vmul.f32 v34, v53;
	v36 =	vmul.f32 v36, v53  }
0x335: {  	v0 =	vmul.f32 v39, v53;
	v33 =	vmul.f32 v33, v54;
	v2 =	vadd.f32 v2, v21  }
0x336: {  	v35 =	vmul.f32 v35, v54;
	v44 =	vmul.f32 v38, v54;
	v34 =	vadd.f32 v34, v25  }
0x337: {  	v1 =	vmul.f32 v63, v54;
	v36 =	vadd.f32 v36, v28;
	v2 =	vmul.f32 $1.442695020e+00, v2  }
0x338: {  	v54 =	vmul.f32 v3, v26;
	v0 =	vadd.f32 v0, v31;
	v34 =	vmul.f32 $1.442695020e+00, v34  }
0x339: {  	v42 =	vadd.f32 v33, v21;
	v36 =	vmul.f32 $1.442695020e+00, v36;
	(erf) = vpow2.f32 v2  }
0x33a: {  	v43 =	vadd.f32 v35, v25;
	v0 =	vmul.f32 $1.442695020e+00, v0;
	(erf) = vpow2.f32 v34  }
0x33b: {  	v48 =	vadd.f32 v44, v28;
	v46 =	vmul.f32 $1.442695020e+00, v42;
	(erf) = vpow2.f32 v36  }
0x33c: {  	v1 =	vadd.f32 v1, v31;
	v47 =	vmul.f32 $1.442695020e+00, v43;
	(erf) = vpow2.f32 v0  }
0x33d: {  	v52 =	vadd.f32 v49, v20;
	v33 =	vmul.f32 $1.442695020e+00, v48;
	(erf) = vpow2.f32 v46  }
0x33e: {  	v53 =	vadd.f32 v50, v23;
	v51 =	vmul.f32 $1.442695020e+00, v1;
	(erf) = vpow2.f32 v47  }
0x33f: {  	v60 =	vmul.f32 v37, v24;
	v58 =	vadd.f32 v54, v27;
	(erf) = vpow2.f32 v33  }
0x340: {  	v57 =	vmul.f32 v53, v3;
	(erf) = vpow2.f32 v51  }
0x341: {  	v56 =	vmul.f32 v52, v3;
	v38 =	vmul.f32 v58, v3;
	v36 =	vadd.f32 v55, v30  }
0x342: {  	v40 =	vadd.f32 v60, v23;
	v60 =	vmul.f32 v37, v29;
	v1 =	vadd.f32 v57, v25;
	v62 =	vpop (erf)  }
0x343: {  	v38 =	vadd.f32 v38, v28;
	v0 =	vadd.f32 v56, v21;
	v3 =	vmul.f32 v36, v3;
	v33 =	vpop (erf)  }
0x344: {  	v52 =	vadd.f32 v59, v20;
	v1 =	vmul.f32 $1.442695020e+00, v1;
	v46 =	vmul.f32 v37, v26;
	v34 =	vpop (erf)  }
0x345: {  	v0 =	vmul.f32 $1.442695020e+00, v0;
	v47 =	vmul.f32 $1.442695020e+00, v38;
	v35 =	vpop (erf)  }
0x346: {  	v38 =	vmul.f32 v52, v37;
	v32 =	vadd.f32 v3, v31;
	v55 =	vadd.f32 v46, v27;
	v36 =	vpop (erf)  }
0x347: {  	(erf) = vpow2.f32 v0;
	v61 =	vadd.f32 v33, v62;
	v63 =	vadd.f32 v35, v34;
	v3 =	vpop (erf)  }
0x348: {  	v44 =	vadd.f32 v38, v21;
	v54 =	vmul.f32 $1.442695020e+00, v32;
	(erf) = vpow2.f32 v1;
	v48 =	vpop (erf)  }
0x349: {  	v46 =	vmul.f32 v55, v37;
	(erf) = vpow2.f32 v47;
	v41 =	vadd.f32 v63, v61;
	v57 =	vpop (erf)  }
0x34a: {  	(erf) = vpow2.f32 v54;
	v53 =	vadd.f32 v3, v36;
	v61 =	vadd.f32 v57, v48  }
0x34b: {  	v32 =	vadd.f32 v60, v30;
	v1 =	vmul.f32 $1.442695020e+00, v44;
	(xrf2) =	vadd.scan.msk.f32 $0xffff, v41  }
0x34c: {  	v38 =	vadd.f32 v46, v28;
	v63 =	vmul.f32 v40, v37;
	v0 =	vadd.f32 v61, v53  }
0x34d: {  	v37 =	vmul.f32 v32, v37;
	v40 =	vperm.xlane v45, v9  }
0x34e: {  	v38 =	vmul.f32 $1.442695020e+00, v38;
	(erf) = vpow2.f32 v1;
	v39 =	vadd.f32 v63, v25;
	(xrf2) =	vadd.scan.msk.f32 $0xffff, v0  }
0x34f: {  	v41 =	vperm.xlane v45, v10;
	v37 =	vadd.f32 v37, v31;
	v49 =	vmul.f32 v40, v22  }
0x350: {  	v52 =	vmul.f32 v40, v24;
	v58 =	vpop (erf);
	v47 =	vmul.f32 $1.442695020e+00, v39  }
0x351: {  	v55 =	vmul.f32 v40, v26;
	v59 =	vpop (erf);
	v50 =	vmul.f32 $1.442695020e+00, v37  }
0x352: {  	v39 =	vadd.f32 v49, v20;
	v61 =	vmul.f32 v40, v29;
	(erf) = vpow2.f32 v47;
	v0 =	vpop (erf)  }
0x353: {  	v54 =	vadd.f32 v52, v23;
	v32 =	vmul.f32 v41, v22;
	(erf) = vpow2.f32 v38;
	v60 =	vpop (erf)  }
0x354: {  	v53 =	vadd.f32 v59, v58;
	(erf) = vpow2.f32 v50;
	v56 =	vadd.f32 v60, v0  }
0x355: {  	v42 =	vadd.f32 v55, v27;
	v55 =	vmul.f32 v41, v24;
	v39 =	vmul.f32 v39, v40;
	v51, _, _ =	vpop (xrf2)  }
0x356: {  	v1 =	vmul.f32 v54, v40;
	v38 =	vadd.f32 v56, v53;
	v37 =	vperm.xlane v51, v5  }
0x357: {  	v49 =	vmul.f32 v41, v26;
	v63 =	vadd.f32 v61, v30;
	v42 =	vmul.f32 v42, v40  }
0x358: {  	v39 =	vadd.f32 v39, v21;
	v1 =	vadd.f32 v1, v25;
	(xrf2) =	vadd.scan.msk.f32 $0xffff, v38;
	(erf) = vrcp.f32 v37;
	v52, _, _ =	vpop (xrf2)  }
0x359: {  	v54 =	vadd.f32 v42, v28;
	v37 =	vmul.f32 v63, v40;
	v53 =	vperm.xlane v52, v5  }
0x35a: {  	v39 =	vmul.f32 $1.442695020e+00, v39;
	v50 =	vpop (erf);
	v1 =	vmul.f32 $1.442695020e+00, v1  }
0x35b: {  	v47 =	vpop (erf);
	v40 =	vmul.f32 $1.442695020e+00, v54;
	v37 =	vadd.f32 v37, v31;
	(erf) = vrcp.f32 v53  }
0x35c: {  	v56 =	vadd.f32 v32, v20;
	v61 =	vpop (erf);
	v52 =	vmul.f32 v41, v29;
	(erf) = vpow2.f32 v39  }
0x35d: {  	v51 =	vadd.f32 v55, v23;
	v44 =	vpop (erf);
	v37 =	vmul.f32 $1.442695020e+00, v37;
	(erf) = vpow2.f32 v1  }
0x35e: {  	v63 =	vadd.f32 v47, v50;
	v46 =	vadd.f32 v44, v61;
	(erf) = vpow2.f32 v40  }
0x35f: {  	v38 =	vmul.f32 v56, v41;
	v54 =	vadd.f32 v52, v30;
	(erf) = vpow2.f32 v37  }
0x360: {  	v53 =	vadd.f32 v49, v27;
	v1 =	vadd.f32 v46, v63  }
0x361: {  	v38 =	vadd.f32 v38, v21;
	v39 =	vmul.f32 v54, v41  }
0x362: {  	v55 =	vmul.f32 v53, v41;
	v40 =	vmul.f32 v51, v41;
	(xrf2) =	vadd.scan.msk.f32 $0xffff, v1;
	v56, _, _ =	vpop (xrf2)  }
0x363: {  	v38 =	vmul.f32 $1.442695020e+00, v38;
	v39 =	vadd.f32 v39, v31;
	v43 =	vpop (erf)  }
0x364: {  	[tilespmem:$0x1FBA0] =	vst v61;
	v63 =	vadd.f32 v55, v28;
	v40 =	vadd.f32 v40, v25;
	v61 =	vperm.xlane v56, v5;
	v37 =	vpop (erf)  }
0x365: {  	v46 =	vmul.f32 $1.442695020e+00, v39;
	v39 =	vperm.xlane v45, v11;
	v2 =	vpop (erf)  }
0x366: {  	v32 =	vmul.f32 $1.442695020e+00, v40;
	(erf) = vrcp.f32 v61;
	v51 =	vpop (erf)  }
0x367: {  	[tilespmem:$0x1FBB0] =	vst v44;
	v44 =	vmul.f32 $1.442695020e+00, v63;
	(erf) = vpow2.f32 v38;
	v56 =	vpop (erf)  }
0x368: {  	v55 =	vmul.f32 v39, v24;
	(erf) = vpow2.f32 v32;
	v63 =	vpop (erf)  }
0x369: {  	(erf) = vpow2.f32 v44;
	v49 =	vadd.f32 v51, v2;
	v52 =	vadd.f32 v63, v56  }
0x36a: {  	v41 =	vadd.f32 v55, v23;
	v44 =	vperm.xlane v45, v12;
	(erf) = vpow2.f32 v46  }
0x36b: {  	v53 =	vmul.f32 v39, v22;
	v1 =	vadd.f32 v52, v49  }
0x36c: {  	[tilespmem:$0x1FBC0] =	vst v2;
	v41 =	vmul.f32 v41, v39;
	v54, _, _ =	vpop (xrf2);
	v42 =	vmul.f32 v44, v22  }
0x36d: {  	v2 =	vmul.f32 v39, v26;
	v61 =	vperm.xlane v54, v5;
	v52 =	vadd.f32 v53, v20;
	(xrf2) =	vadd.scan.msk.f32 $0xffff, v1  }
0x36e: {  	v41 =	vadd.f32 v41, v25;
	v53 =	vmul.f32 v39, v29;
	v42 =	vadd.f32 v42, v20  }
0x36f: {  	(erf) = vrcp.f32 v61;
	v38 =	vpop (erf);
	v1 =	vadd.f32 v2, v27;
	v61 =	vmul.f32 v52, v39  }
0x370: {  	v46 =	vmul.f32 v44, v24;
	v41 =	vmul.f32 $1.442695020e+00, v41;
	v49 =	vadd.f32 v53, v30;
	v54 =	vpop (erf)  }
0x371: {  	v42 =	vmul.f32 v42, v44;
	v55 =	vpop (erf);
	v1 =	vmul.f32 v1, v39  }
0x372: {  	v58 =	vmul.f32 v58, v38;
	v40 =	vadd.f32 v61, v21;
	v39 =	vmul.f32 v49, v39;
	v2 =	vpop (erf)  }
0x373: {  	v0 =	vmul.f32 v0, v38;
	v52 =	vadd.f32 v55, v54;
	v61 =	vpop (erf);
	v1 =	vadd.f32 v1, v28  }
0x374: {  	[tilespmem:$0x1FCB0] =	vst v2;
	v40 =	vmul.f32 $1.442695020e+00, v40;
	v39 =	vadd.f32 v39, v31;
	v32 =	vadd.f32 v61, v2  }
0x375: {  	[tilespmem:$0x1FCC0] =	vst v61;
	v61 =	vmul.f32 v44, v26;
	v2 =	vadd.f32 v46, v23;
	v1 =	vmul.f32 $1.442695020e+00, v1  }
0x376: {  	[tilespmem:$0x1FC90] =	vst v54;
	v39 =	vmul.f32 $1.442695020e+00, v39;
	v49 =	vadd.f32 v32, v52;
	v32 =	vmul.f32 v44, v29  }
0x377: {  	[tilespmem:$0x1FCA0] =	vst v55;
	(erf) = vpow2.f32 v40;
	v61 =	vadd.f32 v61, v27;
	v54 =	vmul.f32 v2, v44;
	v46, _, _ =	vpop (xrf2)  }
0x378: {  	(erf) = vpow2.f32 v41;
	(xrf2) =	vadd.scan.msk.f32 $0xffff, v49;
	v49 =	vadd.f32 v32, v30;
	v55 =	vperm.xlane v46, v5  }
0x379: {  	v2 =	vadd.f32 v42, v21;
	v42 =	vmul.f32 v62, v43;
	v32 =	vmul.f32 v61, v44  }
0x37a: {  	v40 =	vadd.f32 v54, v25;
	v44 =	vmul.f32 v49, v44;
	(erf) = vrcp.f32 v55  }
0x37b: {  	v52 =	vmul.f32 $1.442695020e+00, v2;
	v53 =	vadd.f32 v32, v28;
	(erf) = vpow2.f32 v1  }
0x37c: {  	v54 =	vmul.f32 $1.442695020e+00, v40;
	v55 =	vadd.f32 v44, v31;
	(erf) = vpow2.f32 v39  }
0x37d: {  	v41 =	vmul.f32 $1.442695020e+00, v53;
	(erf) = vpow2.f32 v52  }
0x37e: {  	v40 =	vmul.f32 $1.442695020e+00, v55;
	(erf) = vpow2.f32 v54  }
0x37f: {  	v46 =	vmul.f32 v33, v43;
	v44 =	vpop (erf);
	(erf) = vpow2.f32 v41  }
0x380: {  	v2 =	vpop (erf);
	(erf) = vpow2.f32 v40;
	v40 =	vperm.xlane v45, v13  }
0x381: {  	v49 =	vmul.f32 v34, v43;
	v53 =	vmul.f32 v35, v43;
	v1 =	vpop (erf)  }
0x382: {  	[tilespmem:$0x1FBE0] =	vst v46;
	v47 =	vmul.f32 v47, v44;
	v61, _, _ =	vpop (xrf2);
	v52 =	vmul.f32 v40, v22  }
0x383: {  	[tilespmem:$0x1FBF0] =	vst v49;
	v54 =	vmul.f32 v36, v37;
	v62 =	vmul.f32 v40, v24;
	v46 =	vpop (erf)  }
0x384: {  	[tilespmem:$0x1FC00] =	vst v53;
	v61 =	vperm.xlane v61, v5;
	v49 =	vmul.f32 v40, v26;
	v55 =	vpop (erf);
	v33 =	vadd.f32 v52, v20  }
0x385: {  	[tilespmem:$0x1FCE0] =	vst v1;
	v53 =	vmul.f32 v40, v29;
	v52 =	vadd.f32 v1, v2;
	v35 =	vadd.f32 v62, v23;
	v43 =	vpop (erf)  }
0x386: {  	[tilespmem:$0x1FCF0] =	vst v55;
	v41 =	vadd.f32 v43, v55;
	v1 =	vpop (erf);
	v33 =	vmul.f32 v33, v40;
	v55 =	vadd.f32 v49, v27  }
0x387: {  	[tilespmem:$0x1FC10] =	vst v54;
	(erf) = vrcp.f32 v61;
	v49 =	vadd.f32 v53, v30;
	v35 =	vmul.f32 v35, v40;
	v54 =	vpop (erf)  }
0x388: {  	[tilespmem:$0x1FBD0] =	vst v42;
	v61 =	vadd.f32 v41, v52;
	v62 =	vpop (erf);
	v33 =	vadd.f32 v33, v21;
	v34 =	vmul.f32 v55, v40  }
0x389: {  	[tilespmem:$0x1FCD0] =	vst v2;
	v39 =	vmul.f32 v49, v40;
	v35 =	vadd.f32 v35, v25;
	v40 =	vperm.xlane v45, v14;
	v52 =	vpop (erf)  }
0x38a: {  	[tilespmem:$0x1FD20] =	vst v54;
	v53 =	vadd.f32 v54, v1;
	v54 =	vadd.f32 v52, v62;
	v33 =	vmul.f32 $1.442695020e+00, v33  }
0x38b: {  	(xrf2) =	vadd.scan.msk.f32 $0xffff, v61;
	v34 =	vadd.f32 v34, v28;
	v35 =	vmul.f32 $1.442695020e+00, v35;
	v55 =	vmul.f32 v40, v22  }
0x38c: {  	[tilespmem:$0x1FD30] =	vst v62;
	v39 =	vadd.f32 v39, v31;
	v62 =	vmul.f32 v40, v24;
	v2 =	vmul.f32 v40, v26  }
0x38d: {  	[tilespmem:$0x1FD40] =	vst v52;
	v42 =	vmul.f32 v40, v29;
	v52 =	vmul.f32 v3, v37;
	v36 =	vadd.f32 v54, v53  }
0x38e: {  	v34 =	vmul.f32 $1.442695020e+00, v34;
	(erf) = vpow2.f32 v33  }
0x38f: {  	v61 =	vmul.f32 $1.442695020e+00, v39;
	(erf) = vpow2.f32 v35;
	(xrf2) =	vadd.scan.msk.f32 $0xffff, v36  }
0x390: {  	[tilespmem:$0x1FD10] =	vst v1;
	v1 =	vadd.f32 v55, v20;
	v49 =	vadd.f32 v2, v27;
	v54 =	vmul.f32 v48, v37  }
0x391: {  	v3 =	vadd.f32 v42, v30;
	v39 =	vperm.xlane v45, v15;
	(erf) = vpow2.f32 v34  }
0x392: {  	[tilespmem:$0x1FD00] =	vst v43;
	v36 =	vadd.f32 v62, v23;
	v43 =	vmul.f32 v1, v40;
	(erf) = vpow2.f32 v61  }
0x393: {  	v55 =	vmul.f32 v49, v40;
	v3 =	vmul.f32 v3, v40  }
0x394: {  	[tilespmem:$0x1FC20] =	vst v52;
	v52 =	vmul.f32 v39, v22;
	v53 =	vmul.f32 v36, v40  }
0x395: {  	v62 =	vmul.f32 v39, v29;
	v34 =	vadd.f32 v43, v21;
	v35 =	vadd.f32 v55, v28;
	v32, _, _ =	vpop (xrf2)  }
0x396: {  	v61 =	vpop (erf);
	v55 =	vmul.f32 v57, v37;
	v33 =	vadd.f32 v53, v25;
	v36 =	vperm.xlane v32, v5  }
0x397: {  	v57 =	vmul.f32 v39, v26;
	v34 =	vmul.f32 $1.442695020e+00, v34;
	v41 =	vpop (erf)  }
0x398: {  	v33 =	vmul.f32 $1.442695020e+00, v33;
	v48 =	vpop (erf);
	(erf) = vrcp.f32 v36  }
0x399: {  	v3 =	vadd.f32 v3, v31;
	v35 =	vmul.f32 $1.442695020e+00, v35;
	v42, _, _ =	vpop (xrf2);
	(erf) = vpow2.f32 v34  }
0x39a: {  	v49 =	vpop (erf);
	v43 =	vperm.xlane v42, v5;
	(erf) = vpow2.f32 v33  }
0x39b: {  	v40 =	vadd.f32 v62, v30;
	v3 =	vmul.f32 $1.442695020e+00, v3;
	v53 =	vpop (erf);
	(erf) = vpow2.f32 v35  }
0x39c: {  	[tilespmem:$0x1FC30] =	vst v54;
	v54 =	vadd.f32 v48, v41;
	v35 =	vadd.f32 v53, v49;
	(erf) = vrcp.f32 v43  }
0x39d: {  	v36 =	vadd.f32 v57, v27;
	(erf) = vpow2.f32 v3;
	v3 =	vmul.f32 v39, v24  }
0x39e: {  	[tilespmem:$0x1FC70] =	vst v0;
	v0 =	vmul.f32 v40, v39;
	v33 =	vadd.f32 v52, v20;
	v34 =	vadd.f32 v35, v54  }
0x39f: {  	v32 =	vmul.f32 v59, v38;
	[tilespmem:$0x1FD70] =	vst v49;
	v49 =	vmul.f32 v36, v39;
	v3 =	vadd.f32 v3, v23  }
0x3a0: {  	[tilespmem:$0x1FD80] =	vst v53;
	v53 =	vperm.xlane v45, v16;
	v33 =	vmul.f32 v33, v39;
	(xrf2) =	vadd.scan.msk.f32 $0xffff, v34  }
0x3a1: {  	v0 =	vadd.f32 v0, v31;
	[tilespmem:$0x1FD50] =	vst v41;
	v43 =	vmul.f32 v60, v38;
	v3 =	vmul.f32 v3, v39  }
0x3a2: {  	[tilespmem:$0x1FD60] =	vst v48;
	v35 =	vadd.f32 v49, v28;
	v57 =	vmul.f32 v53, v22;
	v48 =	vadd.f32 v33, v21;
	v41 =	vpop (erf)  }
0x3a3: {  	v59 =	vmul.f32 $1.442695020e+00, v0;
	[tilespmem:$0x1FC80] =	vst v43;
	v43 =	vmul.f32 v53, v26;
	v42 =	vpop (erf);
	v54 =	vadd.f32 v3, v25  }
0x3a4: {  	[tilespmem:$0x1FC40] =	vst v55;
	v35 =	vmul.f32 $1.442695020e+00, v35;
	v34 =	vmul.f32 $1.442695020e+00, v48;
	v39 =	vadd.f32 v57, v20;
	v52 =	vpop (erf)  }
0x3a5: {  	[tilespmem:$0x1FD90] =	vst v42;
	v62 =	vpop (erf);
	v55 =	vadd.f32 v52, v42;
	v42 =	vmul.f32 v53, v24;
	v37 =	vmul.f32 $1.442695020e+00, v54  }
0x3a6: {  	v48 =	vmul.f32 v53, v29;
	(erf) = vpow2.f32 v34;
	v40 =	vpop (erf)  }
0x3a7: {  	[tilespmem:$0x1FDA0] =	vst v52;
	v52 =	vmul.f32 v39, v53;
	v60 =	vpop (erf);
	v0 =	vadd.f32 v42, v23;
	(erf) = vpow2.f32 v37  }
0x3a8: {  	[tilespmem:$0x1FC50] =	vst v58;
	v58 =	vadd.f32 v60, v62;
	v37 =	vadd.f32 v43, v27;
	(erf) = vpow2.f32 v35  }
0x3a9: {  	v38 =	vadd.f32 v52, v21;
	v0 =	vmul.f32 v0, v53;
	(erf) = vpow2.f32 v59  }
0x3aa: {  	v35 =	vadd.f32 v48, v30;
	v34 =	vadd.f32 v58, v55;
	v49, _, _ =	vpop (xrf2);
	v37 =	vmul.f32 v37, v53  }
0x3ab: {  	v55 =	vmul.f32 $1.442695020e+00, v38;
	v1 =	vperm.xlane v49, v5;
	v0 =	vadd.f32 v0, v25  }
0x3ac: {  	v53 =	vmul.f32 v35, v53;
	(xrf2) =	vadd.scan.msk.f32 $0xffff, v34;
	v34 =	vperm.xlane v45, v17  }
0x3ad: {  	v37 =	vadd.f32 v37, v28;
	(erf) = vrcp.f32 v1;
	v0 =	vmul.f32 $1.442695020e+00, v0  }
0x3ae: {  	v54 =	vmul.f32 v34, v22;
	v38 =	vmul.f32 v34, v24  }
0x3af: {  	v58 =	vpop (erf);
	v1 =	vadd.f32 v53, v31;
	v39 =	vmul.f32 $1.442695020e+00, v37;
	(erf) = vpow2.f32 v55  }
0x3b0: {  	v3 =	vmul.f32 v34, v26;
	v52 =	vmul.f32 v34, v29;
	v59 =	vpop (erf)  }
0x3b1: {  	v1 =	vmul.f32 $1.442695020e+00, v1;
	(erf) = vpow2.f32 v0;
	v57 =	vpop (erf)  }
0x3b2: {  	[tilespmem:$0x1FC60] =	vst v32;
	(erf) = vpow2.f32 v39;
	v35 =	vadd.f32 v54, v20;
	v32 =	vadd.f32 v38, v23;
	v55 =	vpop (erf)  }
0x3b3: {  	v42 =	vadd.f32 v59, v58;
	(erf) = vpow2.f32 v1;
	v43 =	vadd.f32 v55, v57  }
0x3b4: {  	v56 =	vmul.f32 v56, v46;
	v3 =	vadd.f32 v3, v27;
	v35 =	vmul.f32 v35, v34  }
0x3b5: {  	v54 =	vadd.f32 v52, v30;
	v32 =	vmul.f32 v32, v34;
	v1 =	vadd.f32 v43, v42  }
0x3b6: {  	v49 =	vmul.f32 v50, v44;
	v3 =	vmul.f32 v3, v34;
	v35 =	vadd.f32 v35, v21;
	v53, _, _ =	vpop (xrf2)  }
0x3b7: {  	v2 =	vmul.f32 v54, v34;
	v39 =	vadd.f32 v32, v25;
	v50 =	vperm.xlane v53, v5;
	(xrf2) =	vadd.scan.msk.f32 $0xffff, v1  }
0x3b8: {  	v0 =	vperm.xlane v45, v18;
	v3 =	vadd.f32 v3, v28;
	v36 =	vpop (erf);
	v42 =	vmul.f32 $1.442695020e+00, v35  }
0x3b9: {  	v2 =	vadd.f32 v2, v31;
	v54 =	vpop (erf);
	v1 =	vmul.f32 $1.442695020e+00, v39;
	(erf) = vrcp.f32 v50  }
0x3ba: {  	v37 =	vld [tilespmem:$0x1FBA0];
	v3 =	vmul.f32 $1.442695020e+00, v3;
	v53 =	vpop (erf);
	(erf) = vpow2.f32 v42  }
0x3bb: {  	v43 =	vmul.f32 $1.442695020e+00, v2;
	v50 =	vpop (erf);
	(erf) = vpow2.f32 v1  }
0x3bc: {  	v63 =	vmul.f32 v63, v46;
	v38 =	vld [tilespmem:$0x1FBB0];
	v52 =	vpop (erf);
	(erf) = vpow2.f32 v3  }
0x3bd: {  	v39 =	vld [tilespmem:$0x1FBC0];
	v3 =	vmul.f32 v0, v22;
	v35 =	vadd.f32 v52, v50;
	(erf) = vpow2.f32 v43  }
0x3be: {  	v42 =	vmul.f32 v0, v24;
	v43 =	vmul.f32 v0, v26  }
0x3bf: {  	v37 =	vmul.f32 v37, v44;
	v48 =	vadd.f32 v53, v54;
	v3 =	vadd.f32 v3, v20  }
0x3c0: {  	v32 =	vadd.f32 v42, v23;
	v42 =	vmul.f32 v0, v29;
	v43 =	vadd.f32 v43, v27  }
0x3c1: {  	v44 =	vmul.f32 v38, v44;
	v2 =	vadd.f32 v35, v48;
	v3 =	vmul.f32 v3, v0;
	v35, _, _ =	vpop (xrf2)  }
0x3c2: {  	v38 =	vmul.f32 v51, v46;
	v39 =	vmul.f32 v39, v46;
	v46 =	vadd.f32 v42, v30;
	v51 =	vpop (erf)  }
0x3c3: {  	v3 =	vadd.f32 v3, v21;
	v48 =	vpop (erf)  }
0x3c4: {  	(xrf2) =	vadd.scan.msk.f32 $0xffff, v2;
	v2 =	vmul.f32 v43, v0;
	v33 =	vperm.xlane v35, v5;
	v35 =	vld [tilespmem:$0x1FBD0];
	v43 =	vpop (erf)  }
0x3c5: {  	v32 =	vmul.f32 v32, v0;
	v3 =	vmul.f32 $1.442695020e+00, v3;
	v42 =	vpop (erf)  }
0x3c6: {  	v0 =	vmul.f32 v46, v0;
	(erf) = vrcp.f32 v33;
	v46 =	vpop (erf)  }
0x3c7: {  	v34 =	vadd.f32 v43, v48;
	(erf) = vpow2.f32 v3;
	v3 =	vadd.f32 v46, v42  }
0x3c8: {  	s21 =	simm.s32 $0x8D80  }
0x3c9: {  	v2 =	vadd.f32 v2, v28;
	[tilespmem:s21+$0xFFFFFC00] =	vst v35;
	v35 =	vadd.f32 v3, v34;
	v3 =	vld [tilespmem:$0x1FBE0]  }
0x3ca: {  	v1 =	vperm.xlane v45, v19;
	v33 =	vadd.f32 v32, v25  }
0x3cb: {  	v2 =	vmul.f32 $1.442695020e+00, v2  }
0x3cc: {  	v32 =	vadd.f32 v0, v31;
	v0 =	vmul.f32 v1, v22;
	v33 =	vmul.f32 $1.442695020e+00, v33;
	_ =	sdelay $0x1  }
0x3cd: {  	(erf) = vpow2.f32 v33;
	v34 =	vld [tilespmem:$0x1FBF0];
	[tilespmem:s21+$0xFFFFFC10] =	vst v3;
	v3 =	vadd.f32 v0, v20  }
0x3ce: {  	v32 =	vmul.f32 $1.442695020e+00, v32;
	(erf) = vpow2.f32 v2;
	v2, _, _ =	vpop (xrf2)  }
0x3cf: {  	v2 =	vperm.xlane v2, v5;
	v3 =	vmul.f32 v3, v1  }
0x3d0: {  	(erf) = vpow2.f32 v32  }
0x3d1: {  	(erf) = vrcp.f32 v2;
	v2 =	vadd.f32 v3, v21;
	v3 =	vld [tilespmem:$0x1FC20]  }
0x3d2: {  	[tilespmem:s21+$0xFFFFFC20] =	vst v34;
	v34 =	vmul.f32 v1, v26;
	_ =	sdelay $0x1  }
0x3d3: {  	v32 =	vadd.f32 v34, v27  }
0x3d4: {  	v0 =	vld [tilespmem:$0x1FC00]  }
0x3d5: {  	[tilespmem:s21+$0xFFFFFC90] =	vst v3;
	v3 =	vmul.f32 v32, v1;
	v32 =	vperm.xlane v45, v5;
	v45 =	vld [tilespmem:$0x1FC30];
	_ =	sdelay $0x3  }
0x3d6: {  	v33 =	vmul.f32 v1, v24;
	[tilespmem:s21+$0xFFFFFC30] =	vst v0  }
0x3d7: {  	v0 =	vmul.f32 v1, v29;
	[tilespmem:s21+$0xFFFFFCA0] =	vst v45;
	v45 =	vld [tilespmem:$0x1FC50]  }
0x3d8: {  	v33 =	vadd.f32 v33, v23  }
0x3d9: {  	v0 =	vadd.f32 v0, v30  }
0x3da: {  	v33 =	vmul.f32 v33, v1  }
0x3db: {  	v0 =	vmul.f32 v0, v1;
	v1 =	vmul.f32 $1.442695020e+00, v2  }
0x3dc: {  	[tilespmem:s21+$0xFFFFFD00] =	vst v45;
	v45 =	vld [tilespmem:$0x1FC70]  }
0x3dd: {  	(erf) = vpow2.f32 v1;
	v1 =	vadd.f32 v3, v28;
	v3 =	vld [tilespmem:$0x1FC60]  }
0x3de: {  	(xrf2) =	vadd.scan.msk.f32 $0xffff, v35  }
0x3df: {  	v33 =	vadd.f32 v33, v25  }
0x3e0: {  	v2 =	vmul.f32 v32, v22  }
0x3e1: {  	v33 =	vmul.f32 $1.442695020e+00, v33;
	[tilespmem:s21+$0xFFFFFD20] =	vst v45;
	v45 =	vld [tilespmem:$0x1FC80]  }
0x3e2: {  	v0 =	vadd.f32 v0, v31;
	v2 =	vadd.f32 v2, v20;
	[tilespmem:s21+$0xFFFFFD10] =	vst v3;
	v3 =	vmul.f32 v32, v24  }
0x3e3: {  	[tilespmem:s21+$0xFFFFFD90] =	vst v47;
	(erf) = vpow2.f32 v33;
	v1 =	vmul.f32 $1.442695020e+00, v1  }
0x3e4: {  	[tilespmem:s21+$0xFFFFFE20] =	vst v56;
	v0 =	vmul.f32 $1.442695020e+00, v0;
	v2 =	vmul.f32 v2, v32;
	v3 =	vadd.f32 v3, v23  }
0x3e5: {  	[tilespmem:s21+$0xFFFFFE10] =	vst v38;
	v38 =	vld [tilespmem:$0x1FCA0];
	(erf) = vpow2.f32 v1;
	v1 =	vmul.f32 v32, v29  }
0x3e6: {  	v34 =	vld [tilespmem:$0x1FC10];
	v2 =	vadd.f32 v2, v21;
	v3 =	vmul.f32 v3, v32;
	[tilespmem:s21+$0xFFFFFD30] =	vst v45;
	v45 =	vmul.f32 v32, v26  }
0x3e7: {  	[tilespmem:s21+$0xFFFFFDA0] =	vst v37;
	v37 =	vld [tilespmem:$0x1FC90];
	(erf) = vpow2.f32 v0;
	v1 =	vadd.f32 v1, v30  }
0x3e8: {  	[tilespmem:s21+$0xFFFFFD80] =	vst v49;
	v35 =	vld [tilespmem:$0x1FC40];
	v49, _, _ =	vpop (xrf2);
	v2 =	vmul.f32 $1.442695020e+00, v2;
	v3 =	vadd.f32 v3, v25;
	v33 =	vadd.f32 v45, v27  }
0x3e9: {  	[tilespmem:s21+$0xFFFFFDB0] =	vst v44;
	v44 =	vld [tilespmem:$0x1FCC0];
	v47 =	vmul.f32 v1, v32;
	v45 =	vperm.xlane v49, v5  }
0x3ea: {  	[tilespmem:s21+$0xFFFFFE00] =	vst v39;
	v39 =	vld [tilespmem:$0x1FCB0];
	v3 =	vmul.f32 $1.442695020e+00, v3;
	v33 =	vmul.f32 v33, v32  }
0x3eb: {  	[tilespmem:s21+$0xFFFFFC80] =	vst v34;
	v34 =	vmul.f32 v38, v61;
	v1 =	vpop (erf);
	v0 =	vadd.f32 v47, v31;
	(erf) = vrcp.f32 v45;
	v45 =	vld [tilespmem:$0x1FCD0]  }
0x3ec: {  	[tilespmem:s21+$0xFFFFFE30] =	vst v63;
	v47 =	vld [tilespmem:$0x1FCE0];
	(erf) = vpow2.f32 v2;
	v2 =	vpop (erf);
	v49 =	vadd.f32 v33, v28  }
0x3ed: {  	[tilespmem:s21+$0xFFFFFCB0] =	vst v35;
	v0 =	vmul.f32 $1.442695020e+00, v0;
	v33 =	vmul.f32 v37, v61;
	v35 =	vpop (erf)  }
0x3ee: {  	[tilespmem:s21+$0xFFFFFE90] =	vst v34;
	(erf) = vpow2.f32 v3;
	v3 =	vpop (erf);
	v32 =	vmul.f32 $1.442695020e+00, v49;
	v49 =	vld [tilespmem:$0x1FCF0]  }
0x3ef: {  	v63 =	vld [tilespmem:$0x1FD00];
	v37 =	vmul.f32 v44, v61;
	v56 =	vadd.f32 v35, v2;
	[tilespmem:s21+$0xFFFFFE80] =	vst v33;
	v33 =	vmul.f32 v39, v61;
	v34 =	vpop (erf)  }
0x3f0: {  	v61 =	vadd.f32 v34, v3;
	(erf) = vpow2.f32 v32;
	v32 =	vmul.f32 v45, v41  }
0x3f1: {  	[tilespmem:s21+$0xFFFFFEB0] =	vst v37;
	v37 =	vmul.f32 v47, v41;
	v47 =	vld [tilespmem:$0x1FD10]  }
0x3f2: {  	[tilespmem:s21+$0xFFFFFF00] =	vst v32;
	v32 =	vadd.f32 v61, v56;
	v56 =	vld [tilespmem:$0x1FD30]  }
0x3f3: {  	[tilespmem:s21+$0xFFFFFEA0] =	vst v33;
	v33 =	vpop (erf);
	v38 =	vmul.f32 v49, v41;
	v49 =	vld [tilespmem:$0x1FD20]  }
0x3f4: {  	(erf) = vpow2.f32 v0;
	v0 =	vpop (erf);
	v41 =	vmul.f32 v63, v41;
	v63 =	vld [tilespmem:$0x1FD40]  }
0x3f5: {  	v44 =	vpop (erf)  }
0x3f6: {  	[tilespmem:s21+$0xFFFFFF10] =	vst v37;
	v37 =	vpop (erf)  }
0x3f7: {  	(xrf2) =	vadd.scan.msk.f32 $0xffff, v32;
	v39 =	vpop (erf);
	v45 =	vmul.f32 v56, v40;
	v56 =	vld [tilespmem:$0x1FD50]  }
0x3f8: {  	[tilespmem:s21+$0xFFFFFF20] =	vst v38;
	v38 =	vmul.f32 v47, v40;
	v32 =	vadd.f32 v44, v0;
	v61 =	vadd.f32 v39, v37  }
0x3f9: {  	[tilespmem:s21+$0xFFFFFF30] =	vst v41;
	v41 =	vmul.f32 v49, v40;
	v40 =	vmul.f32 v63, v40;
	v63 =	vld [tilespmem:$0x1FD70]  }
0x3fa: {  	v32 =	vadd.f32 v61, v32;
	v61 =	vld [tilespmem:$0x1FD60]  }
0x3fb: {  	v47 =	vpop (erf);
	[tilespmem:s21+$0xFFFFFF80] =	vst v38  }
0x3fc: {  	v49 =	vpop (erf);
	[tilespmem:s21+$0xFFFFFFB0] =	vst v40;
	v40 =	vmul.f32 v56, v36  }
0x3fd: {  	[tilespmem:s21+$0xFFFFFF90] =	vst v41;
	v41 =	vpop (erf)  }
0x3fe: {  	v38 =	vpop (erf);
	[tilespmem:s21+$0x0] =	vst v40;
	v40 =	vmul.f32 v63, v36;
	v63 =	vld [tilespmem:$0x1FD80]  }
0x3ff: {  	[tilespmem:s21+$0xFFFFFFA0] =	vst v45;
	v45 =	vpop (erf);
	v56 =	vmul.f32 v61, v36  }
0x400: {  	(xrf2) =	vadd.scan.msk.f32 $0xffff, v32;
	v32 =	vadd.f32 v41, v49;
	v61 =	vadd.f32 v45, v38  }
0x401: {  	[tilespmem:s21+$0x10] =	vst v56;
	v56 =	vld [tilespmem:$0x1FDA0]  }
0x402: {  	v32 =	vadd.f32 v61, v32;
	v61 =	vmul.f32 v62, v51  }
0x403: {  	[tilespmem:s21+$0x20] =	vst v40;
	v36 =	vmul.f32 v63, v36  }
0x404: {  	(xrf2) =	vadd.scan.msk.f32 $0xffff, v32;
	[tilespmem:s21+$0xA0] =	vst v61;
	v61 =	vmul.f32 v54, v33  }
0x405: {  	v63 =	vld [tilespmem:$0x1FD90];
	v54 =	vmul.f32 v46, v47;
	[tilespmem:s21+$0x30] =	vst v36  }
0x406: {  	v62, _, _ =	vpop (xrf2);
	v32 =	vmul.f32 v56, v51;
	[tilespmem:s21+$0x180] =	vst v61  }
0x407: {  	v56 =	vperm.xlane v62, v5;
	v62 =	vmul.f32 v53, v33;
	[tilespmem:s21+$0x230] =	vst v54  }
0x408: {  	v36 =	vmul.f32 v52, v33;
	v52 =	vmul.f32 v43, v47;
	[tilespmem:s21+$0x90] =	vst v32  }
0x409: {  	v53 =	vmul.f32 v42, v47;
	(erf) = vrcp.f32 v56;
	[tilespmem:s21+$0x190] =	vst v62  }
0x40a: {  	[tilespmem:s21+$0x1B0] =	vst v36;
	v40 =	vmul.f32 v63, v51;
	v51 =	vmul.f32 v60, v51;
	v60, _, _ =	vpop (xrf2)  }
0x40b: {  	[tilespmem:s21+$0x210] =	vst v52;
	v63 =	vmul.f32 v58, v1;
	v32 =	vperm.xlane v60, v5  }
0x40c: {  	[tilespmem:s21+$0x220] =	vst v53;
	v58 =	vmul.f32 v59, v1;
	v59 =	vmul.f32 v57, v1  }
0x40d: {  	v1 =	vmul.f32 v55, v1;
	[tilespmem:s21+$0x80] =	vst v40;
	(erf) = vrcp.f32 v32  }
0x40e: {  	[tilespmem:s21+$0x100] =	vst v63;
	v63 =	vmul.f32 v50, v33;
	v50, _, _ =	vpop (xrf2)  }
0x40f: {  	[tilespmem:s21+$0x130] =	vst v1;
	v1 =	vperm.xlane v50, v5  }
0x410: {  	[tilespmem:s21+$0xB0] =	vst v51  }
0x411: {  	[tilespmem:s21+$0x110] =	vst v58;
	(erf) = vrcp.f32 v1  }
0x412: {  	[tilespmem:s21+$0x120] =	vst v59;
	v51 =	vmul.f32 v48, v47;
	v55 =	vpop (erf)  }
0x413: {  	[tilespmem:s21+$0x1A0] =	vst v63;
	v2 =	vmul.f32 v2, v55  }
0x414: {  	[tilespmem:s21+$0x200] =	vst v51;
	v56 =	vmul.f32 v35, v55  }
0x415: {  	v3 =	vmul.f32 v3, v55;
	[tilespmem:s21+$0x280] =	vst v2  }
0x416: {  	v57 =	vmul.f32 v34, v55;
	[tilespmem:s21+$0x290] =	vst v56;
	v58 =	vpop (erf)  }
0x417: {  	[tilespmem:s21+$0x2A0] =	vst v3;
	v0 =	vmul.f32 v0, v58  }
0x418: {  	[tilespmem:s21+$0x2B0] =	vst v57;
	v59 =	vmul.f32 v44, v58  }
0x419: {  	v3 =	vmul.f32 v37, v58;
	[tilespmem:s21+$0x300] =	vst v0  }
0x41a: {  	v60 =	vmul.f32 v39, v58;
	[tilespmem:s21+$0x310] =	vst v59;
	v61 =	vpop (erf)  }
0x41b: {  	[tilespmem:s21+$0x320] =	vst v3;
	v62 =	vmul.f32 v49, v61  }
0x41c: {  	[tilespmem:s21+$0x330] =	vst v60;
	v63 =	vmul.f32 v41, v61  }
0x41d: {  	s30 =	simm.s32 $0x10;
	v3 =	vmul.f32 v38, v61;
	[tilespmem:s21+$0x380] =	vst v62  }
0x41e: {  	s31 =	sand.u32 $0x80, s30;
	v1 =	vmul.f32 v45, v61;
	[tilespmem:s21+$0x390] =	vst v63  }
0x41f: {  	s22 =	sand.u32 $0x70, s30;
	s23 =	sadd.s32 s31, s20;
	[tilespmem:s21+$0x3A0] =	vst v3  }
0x420: {  	s22 =	sadd.s32 s22, s23;
	[tilespmem:s21+$0x3B0] =	vst v1  }
0x421: {  	v32 =	vld [tilespmem:s22+$0x0];
	s22 =	simm.s32 $0x20  }
.LBB2_5:
0x422: {  	p0 =	sne.s32 s22, $0xF0;
	_ =	sdelay $0x3  }
0x423: {  	v0 =	vperm.xlane v32, v4;
	v2 =	vperm.xlane v32, v6  }
0x424: {  	v3 =	vperm.xlane v32, v7;
	v1 =	vperm.xlane v32, v8  }
0x425: {  	v33 =	vmul.f32 v0, v22;
	v34 =	vmul.f32 v2, v22  }
0x426: {  	v35 =	vmul.f32 v0, v24;
	v36 =	vmul.f32 v2, v24  }
0x427: {  	v37 =	vmul.f32 v0, v26;
	v38 =	vmul.f32 v2, v26;
	v33 =	vadd.f32 v33, v20  }
0x428: {  	v39 =	vmul.f32 v0, v29;
	v40 =	vmul.f32 v2, v29;
	v35 =	vadd.f32 v35, v23  }
0x429: {  	v37 =	vadd.f32 v37, v27;
	v34 =	vadd.f32 v34, v20;
	v33 =	vmul.f32 v33, v0  }
0x42a: {  	v39 =	vadd.f32 v39, v30;
	v36 =	vadd.f32 v36, v23;
	v35 =	vmul.f32 v35, v0  }
0x42b: {  	v38 =	vadd.f32 v38, v27;
	v37 =	vmul.f32 v37, v0;
	v33 =	vadd.f32 v33, v21  }
0x42c: {  	v0 =	vmul.f32 v39, v0;
	v39 =	vadd.f32 v40, v30;
	v35 =	vadd.f32 v35, v25  }
0x42d: {  	v34 =	vmul.f32 v34, v2;
	v37 =	vadd.f32 v37, v28;
	v33 =	vmul.f32 $1.442695020e+00, v33  }
0x42e: {  	v36 =	vmul.f32 v36, v2;
	v0 =	vadd.f32 v0, v31;
	v35 =	vmul.f32 $1.442695020e+00, v35  }
0x42f: {  	v34 =	vadd.f32 v34, v21;
	v37 =	vmul.f32 $1.442695020e+00, v37;
	(erf) = vpow2.f32 v33  }
0x430: {  	v0 =	vmul.f32 $1.442695020e+00, v0;
	v33 =	vadd.f32 v36, v25;
	(erf) = vpow2.f32 v35  }
0x431: {  	v35 =	vmul.f32 v38, v2;
	(erf) = vpow2.f32 v37  }
0x432: {  	v2 =	vmul.f32 v39, v2;
	(erf) = vpow2.f32 v0  }
0x433: {  	v33 =	vmul.f32 $1.442695020e+00, v33;
	v0 =	vmul.f32 $1.442695020e+00, v34;
	v34 =	vadd.f32 v35, v28  }
0x434: {  	v36 =	vmul.f32 v3, v24;
	v2 =	vadd.f32 v2, v31;
	v35 =	vmul.f32 v3, v22  }
0x435: {  	v34 =	vmul.f32 $1.442695020e+00, v34;
	(erf) = vpow2.f32 v0  }
0x436: {  	v2 =	vmul.f32 $1.442695020e+00, v2;
	v35 =	vadd.f32 v35, v20;
	(erf) = vpow2.f32 v33  }
0x437: {  	v33 =	vadd.f32 v36, v23;
	v36 =	vmul.f32 v3, v26;
	(erf) = vpow2.f32 v34  }
0x438: {  	v34 =	vmul.f32 v3, v29;
	v0 =	vpop (erf);
	(erf) = vpow2.f32 v2  }
0x439: {  	v2 =	vmul.f32 v35, v3;
	v33 =	vmul.f32 v33, v3;
	v35 =	vadd.f32 v36, v27;
	v38 =	vpop (erf)  }
0x43a: {  	v37 =	vmul.f32 v1, v24;
	v36 =	vmul.f32 v1, v22;
	v34 =	vadd.f32 v34, v30;
	v42 =	vpop (erf)  }
0x43b: {  	v2 =	vadd.f32 v2, v21;
	v33 =	vadd.f32 v33, v25;
	v35 =	vmul.f32 v35, v3;
	v43 =	vpop (erf)  }
0x43c: {  	v39 =	vadd.f32 v38, v0;
	v44 =	vmul.f32 v34, v3;
	v40 =	vadd.f32 v43, v42  }
0x43d: {  	v2 =	vmul.f32 $1.442695020e+00, v2;
	v33 =	vmul.f32 $1.442695020e+00, v33;
	v34 =	vadd.f32 v35, v28  }
0x43e: {  	v41 =	vmul.f32 v1, v26;
	v35 =	vadd.f32 v40, v39;
	v39 =	vadd.f32 v44, v31;
	v3 =	vpop (erf)  }
0x43f: {  	v45 =	vadd.f32 v36, v20;
	v34 =	vmul.f32 $1.442695020e+00, v34;
	v36 =	vpop (erf);
	(erf) = vpow2.f32 v2  }
0x440: {  	v2 =	vadd.f32 v36, v3;
	v39 =	vmul.f32 $1.442695020e+00, v39;
	(xrf2) =	vadd.scan.msk.f32 $0xffff, v35;
	v40 =	vpop (erf);
	(erf) = vpow2.f32 v33  }
0x441: {  	v33 =	vadd.f32 v37, v23;
	v35 =	vadd.f32 v41, v27;
	v37 =	vmul.f32 v1, v29;
	v44 =	vpop (erf)  }
0x442: {  	v45 =	vmul.f32 v45, v1;
	v41 =	vadd.f32 v44, v40;
	(erf) = vpow2.f32 v34  }
0x443: {  	v33 =	vmul.f32 v33, v1;
	v34 =	vadd.f32 v37, v30;
	(erf) = vpow2.f32 v39  }
0x444: {  	v37 =	vadd.f32 v45, v21;
	v35 =	vmul.f32 v35, v1;
	v2 =	vadd.f32 v41, v2  }
0x445: {  	v33 =	vadd.f32 v33, v25;
	v39 =	vmul.f32 v34, v1;
	v41 =	vperm.xlane v32, v9  }
0x446: {  	v45 =	vperm.xlane v32, v10;
	v34 =	vmul.f32 $1.442695020e+00, v37;
	v35 =	vadd.f32 v35, v28;
	(xrf2) =	vadd.scan.msk.f32 $0xffff, v2  }
0x447: {  	v33 =	vmul.f32 $1.442695020e+00, v33;
	v46 =	vadd.f32 v39, v31;
	v37 =	vmul.f32 v41, v22  }
0x448: {  	v35 =	vmul.f32 $1.442695020e+00, v35;
	v1 =	vpop (erf);
	(erf) = vpow2.f32 v34  }
0x449: {  	v49 =	vmul.f32 $1.442695020e+00, v46;
	v37 =	vadd.f32 v37, v20;
	v2 =	vpop (erf);
	(erf) = vpow2.f32 v33  }
0x44a: {  	v46 =	vmul.f32 v41, v24;
	v33 =	vadd.f32 v2, v1;
	v34, _, _ =	vpop (xrf2);
	(erf) = vpow2.f32 v35  }
0x44b: {  	v35 =	vperm.xlane v34, v5;
	v34 =	vpop (erf);
	(erf) = vpow2.f32 v49  }
0x44c: {  	v47 =	vmul.f32 v41, v26;
	v48 =	vmul.f32 v41, v29;
	v46 =	vadd.f32 v46, v23;
	v39 =	vpop (erf)  }
0x44d: {  	v37 =	vmul.f32 v37, v41;
	v49 =	vadd.f32 v39, v34;
	(erf) = vrcp.f32 v35  }
0x44e: {  	v50 =	vadd.f32 v48, v30;
	v35 =	vmul.f32 v46, v41;
	v46 =	vadd.f32 v47, v27  }
0x44f: {  	v48 =	vmul.f32 v45, v22;
	v37 =	vadd.f32 v37, v21;
	v51 =	vadd.f32 v49, v33  }
0x450: {  	v52 =	vadd.f32 v35, v25;
	v46 =	vmul.f32 v46, v41;
	v41 =	vmul.f32 v50, v41;
	v47, _, _ =	vpop (xrf2)  }
0x451: {  	v48 =	vadd.f32 v48, v20;
	v49 =	vmul.f32 $1.442695020e+00, v37;
	v47 =	vperm.xlane v47, v5;
	(xrf2) =	vadd.scan.msk.f32 $0xffff, v51;
	v33 =	vpop (erf)  }
0x452: {  	v50 =	vmul.f32 $1.442695020e+00, v52;
	v46 =	vadd.f32 v46, v28;
	v53 =	vadd.f32 v41, v31;
	v35 =	vpop (erf)  }
0x453: {  	v52 =	vmul.f32 v45, v24;
	v51 =	vadd.f32 v35, v33;
	(erf) = vrcp.f32 v47;
	v37 =	vpop (erf)  }
0x454: {  	v46 =	vmul.f32 $1.442695020e+00, v46;
	v47 =	vmul.f32 $1.442695020e+00, v53;
	v41 =	vpop (erf)  }
0x455: {  	v54 =	vmul.f32 v45, v26;
	v53 =	vadd.f32 v41, v37;
	(erf) = vpow2.f32 v49  }
0x456: {  	v49 =	vadd.f32 v52, v23;
	v52 =	vmul.f32 v45, v29;
	v55 =	vpop (erf);
	(erf) = vpow2.f32 v50  }
0x457: {  	v0 =	vmul.f32 v0, v55;
	v38 =	vmul.f32 v38, v55;
	v50 =	vadd.f32 v53, v51  }
0x458: {  	s21 =	sadd.s32 $0x800, s21;
	v42 =	vmul.f32 v42, v55;
	v43 =	vmul.f32 v43, v55;
	v51 =	vadd.f32 v54, v27  }
0x459: {  	v52 =	vadd.f32 v52, v30;
	[tilespmem:s21+$0xFFFFFC00] =	vst v0;
	(xrf2) =	vadd.scan.msk.f32 $0xffff, v50;
	(erf) = vpow2.f32 v46  }
0x45a: {  	v46 =	vmul.f32 v49, v45;
	[tilespmem:s21+$0xFFFFFC10] =	vst v38;
	v38 =	vmul.f32 v48, v45  }
0x45b: {  	[tilespmem:s21+$0xFFFFFC20] =	vst v42;
	v42 =	vmul.f32 v51, v45;
	v48, _, _ =	vpop (xrf2);
	(erf) = vpow2.f32 v47  }
0x45c: {  	v45 =	vmul.f32 v52, v45;
	[tilespmem:s21+$0xFFFFFC30] =	vst v43;
	v43 =	vperm.xlane v48, v5;
	v38 =	vadd.f32 v38, v21;
	v0 =	vpop (erf)  }
0x45d: {  	v46 =	vadd.f32 v46, v25;
	v47 =	vmul.f32 v3, v0;
	v36 =	vmul.f32 v36, v0  }
0x45e: {  	v40 =	vmul.f32 v40, v0;
	v44 =	vmul.f32 v44, v0;
	v42 =	vadd.f32 v42, v28;
	v0 =	vpop (erf)  }
0x45f: {  	v45 =	vadd.f32 v45, v31;
	[tilespmem:s21+$0xFFFFFC80] =	vst v47;
	v47 =	vmul.f32 $1.442695020e+00, v38;
	(erf) = vrcp.f32 v43;
	v3 =	vpop (erf)  }
0x460: {  	v43 =	vmul.f32 $1.442695020e+00, v46;
	v42 =	vmul.f32 $1.442695020e+00, v42;
	[tilespmem:s21+$0xFFFFFC90] =	vst v36;
	v36 =	vadd.f32 v3, v0  }
0x461: {  	v45 =	vmul.f32 $1.442695020e+00, v45;
	[tilespmem:s21+$0xFFFFFCA0] =	vst v40;
	(erf) = vpow2.f32 v47  }
0x462: {  	[tilespmem:s21+$0xFFFFFCB0] =	vst v44;
	v44 =	vperm.xlane v32, v11;
	v38 =	vpop (erf);
	(erf) = vpow2.f32 v43  }
0x463: {  	v43 =	vperm.xlane v32, v12;
	v40, _, _ =	vpop (xrf2);
	(erf) = vpow2.f32 v42  }
0x464: {  	v42 =	vperm.xlane v40, v5;
	v40 =	vpop (erf);
	(erf) = vpow2.f32 v45  }
0x465: {  	v46 =	vmul.f32 v44, v22;
	v47 =	vmul.f32 v44, v24;
	v45 =	vadd.f32 v40, v38  }
0x466: {  	v48 =	vmul.f32 v44, v26;
	(erf) = vrcp.f32 v42  }
0x467: {  	v42 =	vadd.f32 v46, v20;
	v36 =	vadd.f32 v45, v36;
	v45 =	vmul.f32 v44, v29  }
0x468: {  	v46 =	vadd.f32 v47, v23;
	v47 =	vadd.f32 v48, v27;
	v48 =	vmul.f32 v43, v22;
	v49 =	vpop (erf)  }
0x469: {  	v1 =	vmul.f32 v1, v49;
	v50 =	vmul.f32 v2, v49;
	v45 =	vadd.f32 v45, v30;
	(xrf2) =	vadd.scan.msk.f32 $0xffff, v36  }
0x46a: {  	v48 =	vadd.f32 v48, v20;
	v34 =	vmul.f32 v34, v49;
	v49 =	vmul.f32 v39, v49;
	v2 =	vpop (erf)  }
0x46b: {  	v51 =	vmul.f32 v46, v44;
	[tilespmem:s21+$0xFFFFFD00] =	vst v1;
	v1 =	vmul.f32 v42, v44;
	v36 =	vpop (erf)  }
0x46c: {  	v47 =	vmul.f32 v47, v44;
	v44 =	vmul.f32 v45, v44;
	[tilespmem:s21+$0xFFFFFD10] =	vst v50;
	v46 =	vadd.f32 v36, v2;
	v39 =	vpop (erf)  }
0x46d: {  	v45 =	vmul.f32 v43, v24;
	[tilespmem:s21+$0xFFFFFD20] =	vst v34;
	v1 =	vadd.f32 v1, v21;
	v34 =	vadd.f32 v51, v25;
	v42 =	vpop (erf)  }
0x46e: {  	v47 =	vadd.f32 v47, v28;
	v50 =	vmul.f32 v43, v26;
	[tilespmem:s21+$0xFFFFFD30] =	vst v49;
	v49 =	vadd.f32 v42, v39  }
0x46f: {  	v44 =	vadd.f32 v44, v31;
	v1 =	vmul.f32 $1.442695020e+00, v1;
	v34 =	vmul.f32 $1.442695020e+00, v34;
	v51 =	vpop (erf)  }
0x470: {  	v33 =	vmul.f32 v33, v51;
	v35 =	vmul.f32 v35, v51;
	v46 =	vadd.f32 v49, v46  }
0x471: {  	v45 =	vadd.f32 v45, v23;
	v37 =	vmul.f32 v37, v51;
	v41 =	vmul.f32 v41, v51  }
0x472: {  	v44 =	vmul.f32 $1.442695020e+00, v44;
	[tilespmem:s21+$0xFFFFFD80] =	vst v33;
	v33 =	vmul.f32 $1.442695020e+00, v47;
	(xrf2) =	vadd.scan.msk.f32 $0xffff, v46  }
0x473: {  	v46 =	vadd.f32 v50, v27;
	v47 =	vmul.f32 v43, v29;
	[tilespmem:s21+$0xFFFFFD90] =	vst v35;
	v35 =	vmul.f32 v48, v43;
	v48, _, _ =	vpop (xrf2)  }
0x474: {  	[tilespmem:s21+$0xFFFFFDA0] =	vst v37;
	v37 =	vperm.xlane v48, v5;
	(erf) = vpow2.f32 v1  }
0x475: {  	v1 =	vmul.f32 v45, v43;
	[tilespmem:s21+$0xFFFFFDB0] =	vst v41;
	v41 =	vadd.f32 v47, v30;
	(erf) = vpow2.f32 v34  }
0x476: {  	v34 =	vadd.f32 v35, v21;
	v35 =	vmul.f32 v46, v43;
	(erf) = vrcp.f32 v37  }
0x477: {  	v1 =	vadd.f32 v1, v25;
	v37 =	vmul.f32 v41, v43;
	(erf) = vpow2.f32 v33  }
0x478: {  	v33 =	vmul.f32 $1.442695020e+00, v34;
	v34 =	vadd.f32 v35, v28;
	(erf) = vpow2.f32 v44  }
0x479: {  	v41 =	vmul.f32 $1.442695020e+00, v1;
	v35 =	vadd.f32 v37, v31;
	v37 =	vperm.xlane v32, v13  }
0x47a: {  	v34 =	vmul.f32 $1.442695020e+00, v34;
	(erf) = vpow2.f32 v33  }
0x47b: {  	v33 =	vmul.f32 $1.442695020e+00, v35;
	(erf) = vpow2.f32 v41  }
0x47c: {  	v44 =	vmul.f32 v37, v22;
	v1, _, _ =	vpop (xrf2);
	(erf) = vpow2.f32 v34  }
0x47d: {  	v34 =	vperm.xlane v1, v5;
	v1 =	vpop (erf);
	(erf) = vpow2.f32 v33  }
0x47e: {  	v41 =	vmul.f32 v37, v24;
	v43 =	vmul.f32 v37, v26;
	v33 =	vadd.f32 v44, v20;
	v35 =	vpop (erf)  }
0x47f: {  	v45 =	vmul.f32 v37, v29;
	v44 =	vadd.f32 v35, v1;
	v46 =	vpop (erf);
	(erf) = vrcp.f32 v34  }
0x480: {  	v41 =	vadd.f32 v41, v23;
	v48 =	vmul.f32 v0, v46;
	v3 =	vmul.f32 v3, v46;
	v0 =	vpop (erf)  }
0x481: {  	v43 =	vadd.f32 v43, v27;
	v38 =	vmul.f32 v38, v46;
	v40 =	vmul.f32 v40, v46;
	v46 =	vpop (erf)  }
0x482: {  	v45 =	vadd.f32 v45, v30;
	v33 =	vmul.f32 v33, v37;
	[tilespmem:s21+$0xFFFFFE00] =	vst v48;
	v47 =	vadd.f32 v46, v0  }
0x483: {  	[tilespmem:s21+$0xFFFFFE10] =	vst v3;
	v3 =	vmul.f32 v41, v37;
	v41 =	vmul.f32 v43, v37;
	v34 =	vpop (erf)  }
0x484: {  	v33 =	vadd.f32 v33, v21;
	v48 =	vmul.f32 v45, v37;
	[tilespmem:s21+$0xFFFFFE20] =	vst v38;
	v38 =	vadd.f32 v47, v44;
	v37 =	vpop (erf)  }
0x485: {  	v45 =	vperm.xlane v32, v14;
	[tilespmem:s21+$0xFFFFFE30] =	vst v40;
	v44 =	vadd.f32 v37, v34;
	v3 =	vadd.f32 v3, v25;
	v40 =	vpop (erf)  }
0x486: {  	v33 =	vmul.f32 $1.442695020e+00, v33;
	v47 =	vadd.f32 v48, v31;
	v41 =	vadd.f32 v41, v28;
	(xrf2) =	vadd.scan.msk.f32 $0xffff, v38;
	v43 =	vpop (erf)  }
0x487: {  	v48 =	vmul.f32 v45, v22;
	v38 =	vadd.f32 v43, v40;
	v3 =	vmul.f32 $1.442695020e+00, v3  }
0x488: {  	v47 =	vmul.f32 $1.442695020e+00, v47;
	v41 =	vmul.f32 $1.442695020e+00, v41;
	v49 =	vpop (erf)  }
0x489: {  	v2 =	vmul.f32 v2, v49;
	v36 =	vmul.f32 v36, v49;
	v38 =	vadd.f32 v38, v44  }
0x48a: {  	v39 =	vmul.f32 v39, v49;
	v42 =	vmul.f32 v42, v49;
	v44 =	vadd.f32 v48, v20  }
0x48b: {  	[tilespmem:s21+$0xFFFFFE80] =	vst v2;
	v2 =	vmul.f32 v45, v24;
	(xrf2) =	vadd.scan.msk.f32 $0xffff, v38;
	(erf) = vpow2.f32 v33  }
0x48c: {  	v33 =	vmul.f32 v45, v26;
	[tilespmem:s21+$0xFFFFFE90] =	vst v36;
	v36 =	vmul.f32 v45, v29  }
0x48d: {  	[tilespmem:s21+$0xFFFFFEA0] =	vst v39;
	v39 =	vmul.f32 v44, v45;
	v2 =	vadd.f32 v2, v23;
	(erf) = vpow2.f32 v3  }
0x48e: {  	v3 =	vadd.f32 v33, v27;
	[tilespmem:s21+$0xFFFFFEB0] =	vst v42;
	v33 =	vadd.f32 v36, v30;
	(erf) = vpow2.f32 v41  }
0x48f: {  	v36 =	vadd.f32 v39, v21;
	v2 =	vmul.f32 v2, v45;
	(erf) = vpow2.f32 v47  }
0x490: {  	v3 =	vmul.f32 v3, v45;
	v33 =	vmul.f32 v33, v45;
	v38, _, _ =	vpop (xrf2)  }
0x491: {  	v38 =	vperm.xlane v38, v5;
	v36 =	vmul.f32 $1.442695020e+00, v36;
	v2 =	vadd.f32 v2, v25  }
0x492: {  	v42 =	vperm.xlane v32, v15;
	v3 =	vadd.f32 v3, v28;
	v41 =	vadd.f32 v33, v31  }
0x493: {  	v2 =	vmul.f32 $1.442695020e+00, v2;
	(erf) = vrcp.f32 v38  }
0x494: {  	v3 =	vmul.f32 $1.442695020e+00, v3;
	v38 =	vmul.f32 $1.442695020e+00, v41;
	v33 =	vpop (erf)  }
0x495: {  	v48 =	vmul.f32 v42, v22;
	v39, _, _ =	vpop (xrf2);
	(erf) = vpow2.f32 v36  }
0x496: {  	v44 =	vperm.xlane v39, v5;
	v36 =	vpop (erf);
	(erf) = vpow2.f32 v2  }
0x497: {  	v45 =	vmul.f32 v42, v24;
	v2 =	vadd.f32 v36, v33;
	v39 =	vpop (erf);
	(erf) = vpow2.f32 v3  }
0x498: {  	v47 =	vmul.f32 v42, v26;
	v3 =	vadd.f32 v48, v20;
	(erf) = vrcp.f32 v44;
	v41 =	vpop (erf)  }
0x499: {  	v49 =	vmul.f32 v42, v29;
	v44 =	vadd.f32 v41, v39;
	(erf) = vpow2.f32 v38  }
0x49a: {  	v3 =	vmul.f32 v3, v42;
	v38 =	vadd.f32 v45, v23;
	v45 =	vadd.f32 v47, v27  }
0x49b: {  	v47 =	vperm.xlane v32, v16;
	v2 =	vadd.f32 v44, v2;
	v44 =	vadd.f32 v49, v30  }
0x49c: {  	v3 =	vadd.f32 v3, v21;
	v38 =	vmul.f32 v38, v42;
	v45 =	vmul.f32 v45, v42;
	v48 =	vpop (erf)  }
0x49d: {  	v1 =	vmul.f32 v1, v48;
	v35 =	vmul.f32 v35, v48;
	(xrf2) =	vadd.scan.msk.f32 $0xffff, v2  }
0x49e: {  	v49 =	vmul.f32 v0, v48;
	v46 =	vmul.f32 v46, v48;
	v38 =	vadd.f32 v38, v25;
	v0 =	vpop (erf)  }
0x49f: {  	v45 =	vadd.f32 v45, v28;
	v42 =	vmul.f32 v44, v42;
	[tilespmem:s21+$0xFFFFFF00] =	vst v1;
	v1 =	vmul.f32 $1.442695020e+00, v3;
	v2 =	vpop (erf)  }
0x4a0: {  	v50 =	vmul.f32 v47, v22;
	v44 =	vmul.f32 $1.442695020e+00, v38;
	[tilespmem:s21+$0xFFFFFF10] =	vst v35;
	v35 =	vadd.f32 v2, v0;
	v3 =	vpop (erf)  }
0x4a1: {  	v45 =	vmul.f32 $1.442695020e+00, v45;
	v42 =	vadd.f32 v42, v31;
	[tilespmem:s21+$0xFFFFFF20] =	vst v49;
	v48 =	vpop (erf);
	(erf) = vpow2.f32 v1  }
0x4a2: {  	[tilespmem:s21+$0xFFFFFF30] =	vst v46;
	v1 =	vmul.f32 v34, v48;
	v34 =	vmul.f32 v37, v48;
	v37 =	vadd.f32 v50, v20;
	v38 =	vpop (erf)  }
0x4a3: {  	v40 =	vmul.f32 v40, v48;
	v43 =	vmul.f32 v43, v48;
	v46 =	vadd.f32 v38, v3  }
0x4a4: {  	[tilespmem:s21+$0xFFFFFF80] =	vst v1;
	v1 =	vmul.f32 $1.442695020e+00, v42;
	(erf) = vpow2.f32 v44  }
0x4a5: {  	[tilespmem:s21+$0xFFFFFF90] =	vst v34;
	v34 =	vadd.f32 v46, v35;
	v35 =	vmul.f32 v47, v24;
	(erf) = vpow2.f32 v45  }
0x4a6: {  	[tilespmem:s21+$0xFFFFFFA0] =	vst v40;
	v40 =	vmul.f32 v47, v26;
	(erf) = vpow2.f32 v1  }
0x4a7: {  	[tilespmem:s21+$0xFFFFFFB0] =	vst v43;
	v44 =	vadd.f32 v35, v23;
	v35 =	vmul.f32 v47, v29;
	v42, _, _ =	vpop (xrf2);
	(xrf2) =	vadd.scan.msk.f32 $0xffff, v34  }
0x4a8: {  	v37 =	vmul.f32 v37, v47;
	v34 =	vperm.xlane v42, v5;
	v40 =	vadd.f32 v40, v27  }
0x4a9: {  	v43 =	vperm.xlane v32, v17;
	v42 =	vmul.f32 v44, v47;
	v35 =	vadd.f32 v35, v30  }
0x4aa: {  	v37 =	vadd.f32 v37, v21;
	v40 =	vmul.f32 v40, v47;
	(erf) = vrcp.f32 v34;
	v1 =	vpop (erf)  }
0x4ab: {  	v34 =	vadd.f32 v42, v25;
	v47 =	vmul.f32 v35, v47;
	v42 =	vmul.f32 v43, v22  }
0x4ac: {  	v44 =	vmul.f32 $1.442695020e+00, v37;
	v45 =	vmul.f32 v43, v24;
	v49 =	vadd.f32 v40, v28  }
0x4ad: {  	v46 =	vmul.f32 v43, v26;
	v34 =	vmul.f32 $1.442695020e+00, v34;
	v50 =	vadd.f32 v47, v31;
	v35 =	vpop (erf)  }
0x4ae: {  	v47 =	vadd.f32 v35, v1;
	v51 =	vmul.f32 $1.442695020e+00, v49;
	v37 =	vpop (erf);
	(erf) = vpow2.f32 v44  }
0x4af: {  	v42 =	vadd.f32 v42, v20;
	v44 =	vmul.f32 $1.442695020e+00, v50;
	v40 =	vpop (erf);
	(erf) = vpow2.f32 v34  }
0x4b0: {  	v49 =	vmul.f32 v43, v29;
	v34 =	vadd.f32 v40, v37;
	(erf) = vpow2.f32 v51  }
0x4b1: {  	v45 =	vadd.f32 v45, v23;
	v46 =	vadd.f32 v46, v27;
	v48, _, _ =	vpop (xrf2);
	(erf) = vpow2.f32 v44  }
0x4b2: {  	v44 =	vperm.xlane v48, v5;
	v34 =	vadd.f32 v34, v47;
	v47 =	vadd.f32 v49, v30  }
0x4b3: {  	v45 =	vmul.f32 v45, v43;
	v42 =	vmul.f32 v42, v43;
	v48 =	vpop (erf)  }
0x4b4: {  	v49 =	vmul.f32 v33, v48;
	v36 =	vmul.f32 v36, v48;
	(xrf2) =	vadd.scan.msk.f32 $0xffff, v34  }
0x4b5: {  	v50 =	vmul.f32 v39, v48;
	v39 =	vmul.f32 v41, v48;
	v41 =	vadd.f32 v42, v21  }
0x4b6: {  	v42 =	vadd.f32 v45, v25;
	v45 =	vmul.f32 v46, v43;
	[tilespmem:s21+$0x0] =	vst v49;
	(erf) = vrcp.f32 v44  }
0x4b7: {  	v47 =	vmul.f32 v47, v43;
	v41 =	vmul.f32 $1.442695020e+00, v41;
	[tilespmem:s21+$0x10] =	vst v36;
	v33 =	vpop (erf)  }
0x4b8: {  	v42 =	vmul.f32 $1.442695020e+00, v42;
	v43 =	vadd.f32 v45, v28;
	v44 =	vperm.xlane v32, v18;
	[tilespmem:s21+$0x20] =	vst v50;
	v34 =	vpop (erf)  }
0x4b9: {  	v46 =	vadd.f32 v47, v31;
	[tilespmem:s21+$0x30] =	vst v39;
	v45 =	vadd.f32 v34, v33;
	v36 =	vpop (erf);
	(erf) = vpow2.f32 v41  }
0x4ba: {  	v41 =	vmul.f32 $1.442695020e+00, v43;
	v39 =	vpop (erf);
	(erf) = vpow2.f32 v42  }
0x4bb: {  	v43 =	vmul.f32 $1.442695020e+00, v46;
	v46 =	vmul.f32 v44, v22;
	v42 =	vadd.f32 v39, v36  }
0x4bc: {  	v48 =	vmul.f32 v44, v24;
	(erf) = vpow2.f32 v41  }
0x4bd: {  	v41 =	vadd.f32 v42, v45;
	v42 =	vmul.f32 v44, v26;
	(erf) = vpow2.f32 v43  }
0x4be: {  	v43 =	vadd.f32 v46, v20;
	v45 =	vadd.f32 v48, v23;
	v46 =	vmul.f32 v44, v29;
	v47, _, _ =	vpop (xrf2)  }
0x4bf: {  	v48 =	vperm.xlane v32, v19;
	v47 =	vperm.xlane v47, v5;
	v42 =	vadd.f32 v42, v27;
	v49 =	vpop (erf);
	(xrf2) =	vadd.scan.msk.f32 $0xffff, v41  }
0x4c0: {  	v41 =	vadd.f32 v46, v30;
	v50 =	vmul.f32 v0, v49;
	v51 =	vmul.f32 v2, v49  }
0x4c1: {  	v3 =	vmul.f32 v3, v49;
	v38 =	vmul.f32 v38, v49  }
0x4c2: {  	v43 =	vmul.f32 v43, v44;
	[tilespmem:s21+$0x80] =	vst v50;
	(erf) = vrcp.f32 v47;
	v0 =	vpop (erf)  }
0x4c3: {  	v45 =	vmul.f32 v45, v44;
	v42 =	vmul.f32 v42, v44;
	[tilespmem:s21+$0x90] =	vst v51;
	v2 =	vpop (erf)  }
0x4c4: {  	v43 =	vadd.f32 v43, v21;
	v41 =	vmul.f32 v41, v44;
	[tilespmem:s21+$0xA0] =	vst v3;
	v46 =	vadd.f32 v2, v0  }
0x4c5: {  	v44 =	vadd.f32 v45, v25;
	v45 =	vmul.f32 v48, v22;
	v42 =	vadd.f32 v42, v28;
	[tilespmem:s21+$0xB0] =	vst v38;
	v3 =	vpop (erf)  }
0x4c6: {  	v47 =	vmul.f32 v48, v24;
	v43 =	vmul.f32 $1.442695020e+00, v43;
	v41 =	vadd.f32 v41, v31;
	v38 =	vpop (erf)  }
0x4c7: {  	v44 =	vmul.f32 $1.442695020e+00, v44;
	v42 =	vmul.f32 $1.442695020e+00, v42;
	v50 =	vadd.f32 v38, v3  }
0x4c8: {  	v45 =	vadd.f32 v45, v20;
	v41 =	vmul.f32 $1.442695020e+00, v41;
	(erf) = vpow2.f32 v43  }
0x4c9: {  	v43 =	vadd.f32 v50, v46;
	v46 =	vmul.f32 v48, v26;
	v49, _, _ =	vpop (xrf2);
	(erf) = vpow2.f32 v44  }
0x4ca: {  	v47 =	vadd.f32 v47, v23;
	v44 =	vperm.xlane v49, v5;
	(erf) = vpow2.f32 v42  }
0x4cb: {  	v42 =	vadd.f32 v46, v27;
	v46 =	vmul.f32 v48, v29;
	v49 =	vpop (erf);
	(xrf2) =	vadd.scan.msk.f32 $0xffff, v43;
	(erf) = vpow2.f32 v41  }
0x4cc: {  	v1 =	vmul.f32 v1, v49;
	v35 =	vmul.f32 v35, v49  }
0x4cd: {  	v37 =	vmul.f32 v37, v49;
	v40 =	vmul.f32 v40, v49;
	v41 =	vadd.f32 v46, v30  }
0x4ce: {  	[tilespmem:s21+$0x100] =	vst v1;
	v1 =	vmul.f32 v45, v48;
	(erf) = vrcp.f32 v44  }
0x4cf: {  	v42 =	vmul.f32 v42, v48;
	[tilespmem:s21+$0x110] =	vst v35;
	v35 =	vmul.f32 v47, v48  }
0x4d0: {  	v32 =	vperm.xlane v32, v5;
	[tilespmem:s21+$0x120] =	vst v37;
	v1 =	vadd.f32 v1, v21;
	v37 =	vmul.f32 v41, v48  }
0x4d1: {  	[tilespmem:s21+$0x130] =	vst v40;
	v35 =	vadd.f32 v35, v25;
	v40 =	vadd.f32 v42, v28;
	v41 =	vpop (erf)  }
0x4d2: {  	v42 =	vmul.f32 v32, v22;
	v1 =	vmul.f32 $1.442695020e+00, v1;
	v37 =	vadd.f32 v37, v31;
	v43 =	vpop (erf)  }
0x4d3: {  	v44 =	vadd.f32 v43, v41;
	v35 =	vmul.f32 $1.442695020e+00, v35;
	v40 =	vmul.f32 $1.442695020e+00, v40;
	v45 =	vpop (erf)  }
0x4d4: {  	v42 =	vadd.f32 v42, v20;
	v37 =	vmul.f32 $1.442695020e+00, v37;
	v46 =	vpop (erf);
	(erf) = vpow2.f32 v1  }
0x4d5: {  	v47 =	vmul.f32 v32, v24;
	v1 =	vadd.f32 v46, v45;
	v48, _, _ =	vpop (xrf2);
	(erf) = vpow2.f32 v35  }
0x4d6: {  	v35 =	vperm.xlane v48, v5;
	(erf) = vpow2.f32 v40  }
0x4d7: {  	v40 =	vmul.f32 v32, v26;
	v1 =	vadd.f32 v1, v44;
	v44 =	vpop (erf);
	(erf) = vpow2.f32 v37  }
0x4d8: {  	v37 =	vadd.f32 v47, v23;
	v33 =	vmul.f32 v33, v44;
	v34 =	vmul.f32 v34, v44  }
0x4d9: {  	v36 =	vmul.f32 v36, v44;
	v39 =	vmul.f32 v39, v44;
	v40 =	vadd.f32 v40, v27  }
0x4da: {  	[tilespmem:s21+$0x180] =	vst v33;
	v33 =	vmul.f32 v32, v29;
	(erf) = vrcp.f32 v35;
	(xrf2) =	vadd.scan.msk.f32 $0xffff, v1  }
0x4db: {  	v1 =	vmul.f32 v42, v32;
	[tilespmem:s21+$0x190] =	vst v34;
	v34 =	vmul.f32 v37, v32  }
0x4dc: {  	v35 =	vmul.f32 v40, v32;
	[tilespmem:s21+$0x1A0] =	vst v36;
	v37 =	vadd.f32 v33, v30  }
0x4dd: {  	v1 =	vadd.f32 v1, v21;
	[tilespmem:s21+$0x1B0] =	vst v39;
	v34 =	vadd.f32 v34, v25;
	v36 =	vpop (erf)  }
0x4de: {  	v35 =	vadd.f32 v35, v28;
	v32 =	vmul.f32 v37, v32;
	v33 =	vpop (erf)  }
0x4df: {  	v1 =	vmul.f32 $1.442695020e+00, v1;
	v37 =	vadd.f32 v33, v36;
	v34 =	vmul.f32 $1.442695020e+00, v34;
	v39 =	vpop (erf)  }
0x4e0: {  	v35 =	vmul.f32 $1.442695020e+00, v35;
	v32 =	vadd.f32 v32, v31;
	v40 =	vpop (erf)  }
0x4e1: {  	v42 =	vadd.f32 v40, v39;
	(erf) = vpow2.f32 v1  }
0x4e2: {  	v1 =	vmul.f32 $1.442695020e+00, v32;
	(erf) = vpow2.f32 v34  }
0x4e3: {  	v32 =	vadd.f32 v42, v37;
	v34 =	vpop (erf);
	(erf) = vpow2.f32 v35  }
0x4e4: {  	v0 =	vmul.f32 v0, v34;
	v2 =	vmul.f32 v2, v34;
	v35, _, _ =	vpop (xrf2)  }
0x4e5: {  	v3 =	vmul.f32 v3, v34;
	v34 =	vmul.f32 v38, v34;
	(xrf2) =	vadd.scan.msk.f32 $0xffff, v32  }
0x4e6: {  	[tilespmem:s21+$0x200] =	vst v0;
	v0 =	vperm.xlane v35, v5  }
0x4e7: {  	[tilespmem:s21+$0x210] =	vst v2;
	(erf) = vpow2.f32 v1  }
0x4e8: {  	[tilespmem:s21+$0x220] =	vst v3;
	(erf) = vrcp.f32 v0  }
0x4e9: {  	[tilespmem:s21+$0x230] =	vst v34  }
0x4ea: {  	v0 =	vpop (erf)  }
0x4eb: {  	v1 =	vpop (erf)  }
0x4ec: {  	v2 =	vadd.f32 v1, v0;
	v3 =	vpop (erf);
	_ =	sdelay $0x2  }
0x4ed: {  	v32, _, _ =	vpop (xrf2)  }
0x4ee: {  	v32 =	vperm.xlane v32, v5;
	v34 =	vpop (erf)  }
0x4ef: {  	v35 =	vadd.f32 v34, v3;
	v37 =	vpop (erf)  }
0x4f0: {  	v38 =	vmul.f32 v41, v37;
	v41 =	vmul.f32 v43, v37  }
0x4f1: {  	v42 =	vmul.f32 v45, v37;
	v37 =	vmul.f32 v46, v37;
	v2 =	vadd.f32 v35, v2  }
0x4f2: {  	[tilespmem:s21+$0x280] =	vst v38;
	(erf) = vrcp.f32 v32  }
0x4f3: {  	[tilespmem:s21+$0x290] =	vst v41;
	(xrf2) =	vadd.scan.msk.f32 $0xffff, v2  }
0x4f4: {  	[tilespmem:s21+$0x2A0] =	vst v42  }
0x4f5: {  	[tilespmem:s21+$0x2B0] =	vst v37;
	_ =	sdelay $0x5  }
0x4f6: {  	v2 =	vpop (erf)  }
0x4f7: {  	v32 =	vmul.f32 v36, v2;
	v33 =	vmul.f32 v33, v2  }
0x4f8: {  	v35 =	vmul.f32 v39, v2;
	v2 =	vmul.f32 v40, v2;
	v36, _, _ =	vpop (xrf2)  }
0x4f9: {  	[tilespmem:s21+$0x300] =	vst v32;
	v32 =	vperm.xlane v36, v5  }
0x4fa: {  	[tilespmem:s21+$0x310] =	vst v33  }
0x4fb: {  	[tilespmem:s21+$0x320] =	vst v35;
	(erf) = vrcp.f32 v32  }
0x4fc: {  	[tilespmem:s21+$0x330] =	vst v2;
	_ =	sdelay $0x7  }
0x4fd: {  	v2 =	vpop (erf)  }
0x4fe: {  	v0 =	vmul.f32 v0, v2;
	v1 =	vmul.f32 v1, v2  }
0x4ff: {  	v3 =	vmul.f32 v3, v2;
	v2 =	vmul.f32 v34, v2  }
.Ltmp1:
0x500: {  	[tilespmem:s21+$0x380] =	vst v0;
	(pc) =	sbr.rel @p0 .LBB2_5-.Ltmp1, $4  }
0x501: {  	s23 =	sand.u32 $0x80, s22;
	[tilespmem:s21+$0x390] =	vst v1  }
0x502: {  	s24 =	sand.u32 $0x70, s22;
	s23 =	sadd.s32 s23, s20;
	[tilespmem:s21+$0x3A0] =	vst v3  }
0x503: {  	s23 =	sadd.s32 s24, s23;
	[tilespmem:s21+$0x3B0] =	vst v2  }
0x504: {  	s22 =	sadd.s32 $0x10, s22;
	v32 =	vld [tilespmem:s23+$0x0]  }
0x505: {  	_ =	sdelay $0x3  }
0x506: {  	v0 =	vperm.xlane v32, v4;
	v1 =	vperm.xlane v32, v6  }
0x507: {  	v3 =	vperm.xlane v32, v7;
	v37 =	vperm.xlane v32, v8  }
0x508: {  	v2 =	vmul.f32 v0, v22;
	v33 =	vmul.f32 v1, v22  }
0x509: {  	v34 =	vmul.f32 v0, v24;
	v35 =	vmul.f32 v1, v24  }
0x50a: {  	v36 =	vmul.f32 v0, v26;
	v38 =	vmul.f32 v1, v26  }
0x50b: {  	v39 =	vmul.f32 v0, v29;
	v40 =	vmul.f32 v1, v29  }
0x50c: {  	v51 =	vmul.f32 v3, v22;
	v52 =	vmul.f32 v3, v24  }
0x50d: {  	v56 =	vmul.f32 v3, v26;
	v57 =	vmul.f32 v3, v29  }
0x50e: {  	v61 =	vmul.f32 v37, v22;
	v2 =	vadd.f32 v2, v20;
	v34 =	vadd.f32 v34, v23  }
0x50f: {  	v63 =	vmul.f32 v37, v24;
	v36 =	vadd.f32 v36, v27;
	v33 =	vadd.f32 v33, v20  }
0x510: {  	v39 =	vadd.f32 v39, v30;
	v35 =	vadd.f32 v35, v23;
	v2 =	vmul.f32 v2, v0  }
0x511: {  	v38 =	vadd.f32 v38, v27;
	v44 =	vadd.f32 v40, v30;
	v34 =	vmul.f32 v34, v0  }
0x512: {  	v36 =	vmul.f32 v36, v0;
	v0 =	vmul.f32 v39, v0;
	v2 =	vadd.f32 v2, v21  }
0x513: {  	v33 =	vmul.f32 v33, v1;
	v35 =	vmul.f32 v35, v1;
	v34 =	vadd.f32 v34, v25  }
0x514: {  	v47 =	vmul.f32 v38, v1;
	v36 =	vadd.f32 v36, v28;
	v2 =	vmul.f32 $1.442695020e+00, v2  }
0x515: {  	v1 =	vmul.f32 v44, v1;
	v0 =	vadd.f32 v0, v31;
	v34 =	vmul.f32 $1.442695020e+00, v34  }
0x516: {  	v45 =	vadd.f32 v33, v21;
	v36 =	vmul.f32 $1.442695020e+00, v36;
	(erf) = vpow2.f32 v2  }
0x517: {  	v46 =	vadd.f32 v35, v25;
	v0 =	vmul.f32 $1.442695020e+00, v0;
	(erf) = vpow2.f32 v34  }
0x518: {  	v50 =	vadd.f32 v47, v28;
	v48 =	vmul.f32 $1.442695020e+00, v45;
	(erf) = vpow2.f32 v36  }
0x519: {  	v1 =	vadd.f32 v1, v31;
	v49 =	vmul.f32 $1.442695020e+00, v46;
	(erf) = vpow2.f32 v0  }
0x51a: {  	v33 =	vmul.f32 $1.442695020e+00, v50;
	(erf) = vpow2.f32 v48  }
0x51b: {  	v53 =	vmul.f32 $1.442695020e+00, v1;
	(erf) = vpow2.f32 v49  }
0x51c: {  	v54 =	vadd.f32 v51, v20;
	v60 =	vadd.f32 v56, v27;
	(erf) = vpow2.f32 v33  }
0x51d: {  	v43 =	vmul.f32 v37, v26;
	v55 =	vadd.f32 v52, v23;
	(erf) = vpow2.f32 v53  }
0x51e: {  	v58 =	vmul.f32 v54, v3;
	v38 =	vmul.f32 v60, v3;
	v36 =	vadd.f32 v57, v30  }
0x51f: {  	v40 =	vadd.f32 v63, v23;
	v59 =	vmul.f32 v55, v3;
	v55 =	vmul.f32 v37, v29;
	v62 =	vpop (erf)  }
0x520: {  	v38 =	vadd.f32 v38, v28;
	v0 =	vadd.f32 v58, v21;
	v3 =	vmul.f32 v36, v3;
	v33 =	vpop (erf)  }
0x521: {  	v60 =	vmul.f32 v40, v37;
	v47 =	vadd.f32 v61, v20;
	v1 =	vadd.f32 v59, v25;
	v34 =	vpop (erf)  }
0x522: {  	v46 =	vmul.f32 $1.442695020e+00, v38;
	v0 =	vmul.f32 $1.442695020e+00, v0;
	v35 =	vpop (erf)  }
0x523: {  	v38 =	vmul.f32 v47, v37;
	v1 =	vmul.f32 $1.442695020e+00, v1;
	v45 =	vadd.f32 v3, v31;
	v36 =	vpop (erf)  }
0x524: {  	v41 =	vadd.f32 v33, v62;
	(erf) = vpow2.f32 v0;
	v42 =	vadd.f32 v35, v34;
	v3 =	vpop (erf)  }
0x525: {  	v53 =	vmul.f32 $1.442695020e+00, v45;
	(erf) = vpow2.f32 v1;
	v48 =	vpop (erf)  }
0x526: {  	v63 =	vadd.f32 v38, v21;
	(erf) = vpow2.f32 v46;
	v41 =	vadd.f32 v42, v41;
	v57 =	vpop (erf)  }
0x527: {  	v52 =	vadd.f32 v3, v36;
	(erf) = vpow2.f32 v53;
	v59 =	vadd.f32 v57, v48  }
0x528: {  	v54 =	vadd.f32 v43, v27;
	v40 =	vperm.xlane v32, v9;
	v61 =	vadd.f32 v55, v30;
	(xrf2) =	vadd.scan.msk.f32 $0xffff, v41  }
0x529: {  	v39 =	vadd.f32 v60, v25;
	v1 =	vmul.f32 $1.442695020e+00, v63;
	v0 =	vadd.f32 v59, v52  }
0x52a: {  	v44 =	vmul.f32 v54, v37;
	v37 =	vmul.f32 v61, v37  }
0x52b: {  	v45 =	vmul.f32 $1.442695020e+00, v39;
	(erf) = vpow2.f32 v1;
	(xrf2) =	vadd.scan.msk.f32 $0xffff, v0  }
0x52c: {  	v50 =	vmul.f32 v40, v24;
	v38 =	vadd.f32 v44, v28;
	v46 =	vmul.f32 v40, v22  }
0x52d: {  	v37 =	vadd.f32 v37, v31;
	v53 =	vmul.f32 v40, v26;
	(erf) = vpow2.f32 v45;
	v58 =	vpop (erf)  }
0x52e: {  	v44 =	vmul.f32 v40, v29;
	v38 =	vmul.f32 $1.442695020e+00, v38;
	v39 =	vadd.f32 v46, v20;
	v59 =	vpop (erf)  }
0x52f: {  	v47 =	vmul.f32 $1.442695020e+00, v37;
	v41 =	vperm.xlane v32, v10;
	v42 =	vadd.f32 v53, v27;
	v0 =	vpop (erf)  }
0x530: {  	(erf) = vpow2.f32 v38;
	v39 =	vmul.f32 v39, v40;
	v52 =	vadd.f32 v50, v23;
	v60 =	vpop (erf)  }
0x531: {  	(erf) = vpow2.f32 v47;
	v51 =	vadd.f32 v59, v58;
	v54 =	vadd.f32 v60, v0  }
0x532: {  	v56 =	vmul.f32 v41, v22;
	v42 =	vmul.f32 v42, v40;
	v39 =	vadd.f32 v39, v21;
	v49, _, _ =	vpop (xrf2)  }
0x533: {  	v1 =	vmul.f32 v52, v40;
	v38 =	vadd.f32 v54, v51;
	v37 =	vperm.xlane v49, v5  }
0x534: {  	v55 =	vadd.f32 v44, v30;
	v53 =	vmul.f32 v41, v24;
	v45 =	vmul.f32 v41, v26;
	v50 =	vpop (erf)  }
0x535: {  	v39 =	vmul.f32 $1.442695020e+00, v39;
	v1 =	vadd.f32 v1, v25;
	(erf) = vrcp.f32 v37;
	v61, _, _ =	vpop (xrf2);
	(xrf2) =	vadd.scan.msk.f32 $0xffff, v38  }
0x536: {  	v52 =	vadd.f32 v42, v28;
	v47 =	vpop (erf);
	v37 =	vmul.f32 v55, v40;
	v63 =	vperm.xlane v61, v5  }
0x537: {  	v1 =	vmul.f32 $1.442695020e+00, v1;
	v54 =	vadd.f32 v56, v20;
	v56 =	vadd.f32 v47, v50  }
0x538: {  	v49 =	vmul.f32 v41, v29;
	v37 =	vadd.f32 v37, v31;
	(erf) = vrcp.f32 v63  }
0x539: {  	v51 =	vadd.f32 v45, v27;
	v55 =	vpop (erf);
	v40 =	vmul.f32 $1.442695020e+00, v52;
	(erf) = vpow2.f32 v39  }
0x53a: {  	v52 =	vadd.f32 v49, v30;
	v61 =	vpop (erf);
	v37 =	vmul.f32 $1.442695020e+00, v37;
	(erf) = vpow2.f32 v1  }
0x53b: {  	v38 =	vmul.f32 v54, v41;
	v63 =	vadd.f32 v61, v55;
	(erf) = vpow2.f32 v40  }
0x53c: {  	v46 =	vadd.f32 v53, v23;
	v53 =	vmul.f32 v51, v41;
	(erf) = vpow2.f32 v37  }
0x53d: {  	v38 =	vadd.f32 v38, v21;
	v39 =	vmul.f32 v52, v41;
	v1 =	vadd.f32 v63, v56  }
0x53e: {  	v56 =	vadd.f32 v53, v28;
	v40 =	vmul.f32 v46, v41  }
0x53f: {  	v38 =	vmul.f32 $1.442695020e+00, v38;
	v39 =	vadd.f32 v39, v31;
	(xrf2) =	vadd.scan.msk.f32 $0xffff, v1;
	v54, _, _ =	vpop (xrf2)  }
0x540: {  	[tilespmem:$0x1F7A0] =	vst v55;
	v2 =	vmul.f32 $1.442695020e+00, v56;
	v43 =	vpop (erf);
	v40 =	vadd.f32 v40, v25;
	v55 =	vperm.xlane v54, v5  }
0x541: {  	v41 =	vmul.f32 $1.442695020e+00, v39;
	v39 =	vperm.xlane v32, v11;
	v37 =	vpop (erf)  }
0x542: {  	[tilespmem:$0x1F7B0] =	vst v61;
	v61 =	vmul.f32 $1.442695020e+00, v40;
	v63 =	vpop (erf);
	(erf) = vrcp.f32 v55  }
0x543: {  	v45 =	vmul.f32 v39, v22;
	v46 =	vpop (erf);
	(erf) = vpow2.f32 v38  }
0x544: {  	v56 =	vpop (erf);
	(erf) = vpow2.f32 v61  }
0x545: {  	v55 =	vadd.f32 v45, v20;
	(erf) = vpow2.f32 v2;
	v51 =	vpop (erf)  }
0x546: {  	v42 =	vadd.f32 v46, v63;
	(erf) = vpow2.f32 v41;
	v44 =	vadd.f32 v51, v56;
	_ =	sdelay $0x1  }
0x547: {  	v52 =	vmul.f32 v39, v24;
	v61 =	vmul.f32 v55, v39;
	v1 =	vadd.f32 v44, v42  }
0x548: {  	v54 =	vmul.f32 v39, v26;
	v49, _, _ =	vpop (xrf2)  }
0x549: {  	v41 =	vadd.f32 v52, v23;
	v40 =	vadd.f32 v61, v21;
	v53 =	vperm.xlane v49, v5;
	(xrf2) =	vadd.scan.msk.f32 $0xffff, v1  }
0x54a: {  	v49 =	vmul.f32 v39, v29;
	v44 =	vperm.xlane v32, v12;
	v38 =	vpop (erf)  }
0x54b: {  	v41 =	vmul.f32 v41, v39;
	v40 =	vmul.f32 $1.442695020e+00, v40;
	v45 =	vpop (erf)  }
0x54c: {  	v49 =	vadd.f32 v49, v30;
	v1 =	vadd.f32 v54, v27;
	v42 =	vmul.f32 v44, v22;
	v52 =	vpop (erf)  }
0x54d: {  	(erf) = vrcp.f32 v53;
	v41 =	vadd.f32 v41, v25;
	v55 =	vmul.f32 v44, v24;
	v2 =	vpop (erf)  }
0x54e: {  	v1 =	vmul.f32 v1, v39;
	v39 =	vmul.f32 v49, v39;
	v42 =	vadd.f32 v42, v20;
	[tilespmem:$0x1F880] =	vst v45;
	v61 =	vpop (erf)  }
0x54f: {  	v41 =	vmul.f32 $1.442695020e+00, v41;
	[tilespmem:$0x1F890] =	vst v52;
	v52 =	vadd.f32 v52, v45;
	v45 =	vadd.f32 v61, v2  }
0x550: {  	(erf) = vpow2.f32 v40;
	v1 =	vadd.f32 v1, v28;
	v42 =	vmul.f32 v42, v44  }
0x551: {  	v39 =	vadd.f32 v39, v31;
	(erf) = vpow2.f32 v41;
	[tilespmem:$0x1F8B0] =	vst v61;
	v61 =	vmul.f32 v44, v26  }
0x552: {  	[tilespmem:$0x1F8A0] =	vst v2;
	v2 =	vmul.f32 v44, v29;
	v49 =	vadd.f32 v45, v52;
	v52 =	vadd.f32 v55, v23  }
0x553: {  	v1 =	vmul.f32 $1.442695020e+00, v1;
	v39 =	vmul.f32 $1.442695020e+00, v39;
	v61 =	vadd.f32 v61, v27;
	v45, _, _ =	vpop (xrf2)  }
0x554: {  	(xrf2) =	vadd.scan.msk.f32 $0xffff, v49;
	v53 =	vmul.f32 v52, v44;
	v49 =	vadd.f32 v2, v30;
	v55 =	vperm.xlane v45, v5  }
0x555: {  	v54 =	vadd.f32 v42, v21;
	v42 =	vmul.f32 v33, v43;
	v61 =	vmul.f32 v61, v44  }
0x556: {  	v40 =	vadd.f32 v53, v25;
	v44 =	vmul.f32 v49, v44;
	(erf) = vrcp.f32 v55  }
0x557: {  	v52 =	vmul.f32 $1.442695020e+00, v54;
	v53 =	vadd.f32 v61, v28;
	(erf) = vpow2.f32 v1  }
0x558: {  	v54 =	vmul.f32 $1.442695020e+00, v40;
	v55 =	vadd.f32 v44, v31;
	(erf) = vpow2.f32 v39  }
0x559: {  	v41 =	vmul.f32 $1.442695020e+00, v53;
	(erf) = vpow2.f32 v52  }
0x55a: {  	v40 =	vmul.f32 $1.442695020e+00, v55;
	(erf) = vpow2.f32 v54  }
0x55b: {  	v45 =	vmul.f32 v34, v43;
	(erf) = vpow2.f32 v41  }
0x55c: {  	v44 =	vpop (erf);
	(erf) = vpow2.f32 v40;
	v40 =	vperm.xlane v32, v13  }
0x55d: {  	[tilespmem:$0x1F7D0] =	vst v42;
	v53 =	vmul.f32 v36, v37;
	v2 =	vpop (erf)  }
0x55e: {  	[tilespmem:$0x1F7E0] =	vst v45;
	v52 =	vmul.f32 v35, v43;
	v61, _, _ =	vpop (xrf2);
	v49 =	vmul.f32 v40, v22  }
0x55f: {  	[tilespmem:$0x1F800] =	vst v53;
	v1 =	vpop (erf);
	v55 =	vperm.xlane v61, v5;
	v61 =	vmul.f32 v40, v24  }
0x560: {  	[tilespmem:$0x1F8C0] =	vst v2;
	v41 =	vmul.f32 v62, v43;
	v45 =	vpop (erf);
	v33 =	vadd.f32 v49, v20;
	v49 =	vmul.f32 v40, v26  }
0x561: {  	[tilespmem:$0x1F7F0] =	vst v52;
	v52 =	vadd.f32 v1, v2;
	v53 =	vmul.f32 v40, v29;
	v54 =	vpop (erf);
	v35 =	vadd.f32 v61, v23  }
0x562: {  	[tilespmem:$0x1F8D0] =	vst v1;
	v62 =	vpop (erf);
	(erf) = vrcp.f32 v55;
	v33 =	vmul.f32 v33, v40;
	v55 =	vadd.f32 v49, v27  }
0x563: {  	v0 =	vmul.f32 v0, v38;
	[tilespmem:$0x1F7C0] =	vst v41;
	v1 =	vpop (erf);
	v49 =	vadd.f32 v53, v30;
	v35 =	vmul.f32 v35, v40  }
0x564: {  	[tilespmem:$0x1F8E0] =	vst v54;
	v41 =	vadd.f32 v62, v54;
	v54 =	vpop (erf);
	v33 =	vadd.f32 v33, v21;
	v34 =	vmul.f32 v55, v40  }
0x565: {  	[tilespmem:$0x1F8F0] =	vst v62;
	v62 =	vpop (erf);
	v39 =	vmul.f32 v49, v40;
	v35 =	vadd.f32 v35, v25;
	v40 =	vperm.xlane v32, v14  }
0x566: {  	[tilespmem:$0x1F910] =	vst v54;
	v61 =	vadd.f32 v41, v52;
	v53 =	vadd.f32 v54, v1;
	v52 =	vpop (erf);
	v33 =	vmul.f32 $1.442695020e+00, v33  }
0x567: {  	[tilespmem:$0x1F920] =	vst v62;
	v54 =	vadd.f32 v52, v62;
	v35 =	vmul.f32 $1.442695020e+00, v35;
	v55 =	vmul.f32 v40, v22  }
0x568: {  	(xrf2) =	vadd.scan.msk.f32 $0xffff, v61;
	v34 =	vadd.f32 v34, v28;
	v62 =	vmul.f32 v40, v24;
	v2 =	vmul.f32 v40, v26  }
0x569: {  	[tilespmem:$0x1F930] =	vst v52;
	v39 =	vadd.f32 v39, v31;
	v42 =	vmul.f32 v40, v29;
	v52 =	vmul.f32 v3, v37  }
0x56a: {  	v36 =	vadd.f32 v54, v53;
	v34 =	vmul.f32 $1.442695020e+00, v34;
	(erf) = vpow2.f32 v33  }
0x56b: {  	[tilespmem:$0x1F900] =	vst v1;
	v61 =	vmul.f32 $1.442695020e+00, v39;
	(erf) = vpow2.f32 v35  }
0x56c: {  	v1 =	vadd.f32 v55, v20;
	v49 =	vadd.f32 v2, v27;
	(xrf2) =	vadd.scan.msk.f32 $0xffff, v36;
	(erf) = vpow2.f32 v34  }
0x56d: {  	v3 =	vadd.f32 v42, v30;
	v54 =	vmul.f32 v48, v37;
	v39 =	vperm.xlane v32, v15  }
0x56e: {  	v43 =	vmul.f32 v1, v40;
	(erf) = vpow2.f32 v61  }
0x56f: {  	v36 =	vadd.f32 v62, v23;
	v55 =	vmul.f32 v49, v40;
	v3 =	vmul.f32 v3, v40  }
0x570: {  	[tilespmem:$0x1F820] =	vst v54;
	v49 =	vmul.f32 v39, v22;
	v54 =	vmul.f32 v57, v37  }
0x571: {  	v57 =	vmul.f32 v58, v38;
	v53 =	vmul.f32 v36, v40;
	v61 =	vpop (erf)  }
0x572: {  	v58 =	vmul.f32 v39, v29;
	v34 =	vadd.f32 v43, v21;
	v35 =	vadd.f32 v55, v28;
	v62, _, _ =	vpop (xrf2)  }
0x573: {  	v55 =	vmul.f32 v39, v26;
	v33 =	vadd.f32 v53, v25;
	v36 =	vperm.xlane v62, v5;
	v40 =	vpop (erf)  }
0x574: {  	v3 =	vadd.f32 v3, v31;
	v34 =	vmul.f32 $1.442695020e+00, v34;
	v35 =	vmul.f32 $1.442695020e+00, v35;
	v43 =	vpop (erf)  }
0x575: {  	v33 =	vmul.f32 $1.442695020e+00, v33;
	(erf) = vrcp.f32 v36;
	v48 =	vpop (erf)  }
0x576: {  	v3 =	vmul.f32 $1.442695020e+00, v3;
	v41, _, _ =	vpop (xrf2);
	(erf) = vpow2.f32 v34  }
0x577: {  	[tilespmem:$0x1F810] =	vst v52;
	v52 =	vpop (erf);
	v42 =	vperm.xlane v41, v5;
	(erf) = vpow2.f32 v33  }
0x578: {  	[tilespmem:$0x1F860] =	vst v0;
	v53 =	vadd.f32 v43, v40;
	(erf) = vpow2.f32 v35;
	v35 =	vadd.f32 v52, v48  }
0x579: {  	[tilespmem:$0x1F940] =	vst v40;
	v36 =	vadd.f32 v55, v27;
	v40 =	vadd.f32 v58, v30;
	(erf) = vrcp.f32 v42  }
0x57a: {  	[tilespmem:$0x1F830] =	vst v54;
	(erf) = vpow2.f32 v3;
	v3 =	vmul.f32 v39, v24;
	v34 =	vadd.f32 v35, v53  }
0x57b: {  	[tilespmem:$0x1F840] =	vst v57;
	v33 =	vadd.f32 v49, v20;
	v0 =	vmul.f32 v40, v39  }
0x57c: {  	v62 =	vmul.f32 v59, v38;
	v49 =	vmul.f32 v36, v39;
	v3 =	vadd.f32 v3, v23;
	(xrf2) =	vadd.scan.msk.f32 $0xffff, v34  }
0x57d: {  	[tilespmem:$0x1F950] =	vst v43;
	v33 =	vmul.f32 v33, v39;
	v0 =	vadd.f32 v0, v31;
	v53 =	vperm.xlane v32, v16  }
0x57e: {  	v43 =	vmul.f32 v60, v38;
	[tilespmem:$0x1F960] =	vst v48;
	v35 =	vadd.f32 v49, v28;
	v41 =	vpop (erf);
	v3 =	vmul.f32 v3, v39  }
0x57f: {  	[tilespmem:$0x1F970] =	vst v52;
	v48 =	vadd.f32 v33, v21;
	v59 =	vmul.f32 $1.442695020e+00, v0;
	v57 =	vmul.f32 v53, v22;
	v42 =	vpop (erf)  }
0x580: {  	[tilespmem:$0x1F870] =	vst v43;
	v35 =	vmul.f32 $1.442695020e+00, v35;
	v43 =	vmul.f32 v53, v26;
	v52 =	vpop (erf);
	v54 =	vadd.f32 v3, v25  }
0x581: {  	[tilespmem:$0x1F850] =	vst v62;
	v34 =	vmul.f32 $1.442695020e+00, v48;
	v48 =	vmul.f32 v53, v29;
	v39 =	vadd.f32 v57, v20;
	v62 =	vpop (erf)  }
0x582: {  	[tilespmem:$0x1F980] =	vst v42;
	v55 =	vadd.f32 v52, v42;
	v42 =	vmul.f32 v53, v24;
	v40 =	vpop (erf);
	v37 =	vmul.f32 $1.442695020e+00, v54  }
0x583: {  	(erf) = vpow2.f32 v34;
	[tilespmem:$0x1F990] =	vst v52;
	v52 =	vmul.f32 v39, v53;
	v60 =	vpop (erf)  }
0x584: {  	v0 =	vadd.f32 v42, v23;
	v58 =	vadd.f32 v60, v62;
	(erf) = vpow2.f32 v37  }
0x585: {  	v38 =	vadd.f32 v52, v21;
	v37 =	vadd.f32 v43, v27;
	(erf) = vpow2.f32 v35  }
0x586: {  	v0 =	vmul.f32 v0, v53;
	v34 =	vadd.f32 v58, v55;
	(erf) = vpow2.f32 v59;
	v49, _, _ =	vpop (xrf2)  }
0x587: {  	v35 =	vadd.f32 v48, v30;
	v37 =	vmul.f32 v37, v53;
	v1 =	vperm.xlane v49, v5  }
0x588: {  	v55 =	vmul.f32 $1.442695020e+00, v38;
	v0 =	vadd.f32 v0, v25;
	(xrf2) =	vadd.scan.msk.f32 $0xffff, v34;
	v34 =	vperm.xlane v32, v17  }
0x589: {  	v53 =	vmul.f32 v35, v53;
	v37 =	vadd.f32 v37, v28;
	(erf) = vrcp.f32 v1  }
0x58a: {  	v0 =	vmul.f32 $1.442695020e+00, v0;
	v54 =	vmul.f32 v34, v22  }
0x58b: {  	v1 =	vadd.f32 v53, v31;
	v38 =	vmul.f32 v34, v24;
	v39 =	vmul.f32 $1.442695020e+00, v37  }
0x58c: {  	v58 =	vpop (erf);
	(erf) = vpow2.f32 v55;
	v3 =	vmul.f32 v34, v26  }
0x58d: {  	v1 =	vmul.f32 $1.442695020e+00, v1;
	(erf) = vpow2.f32 v0;
	v59 =	vpop (erf)  }
0x58e: {  	v52 =	vmul.f32 v34, v29;
	(erf) = vpow2.f32 v39;
	v57 =	vpop (erf)  }
0x58f: {  	v35 =	vadd.f32 v54, v20;
	v3 =	vadd.f32 v3, v27;
	(erf) = vpow2.f32 v1;
	v55 =	vpop (erf)  }
0x590: {  	v56 =	vmul.f32 v56, v45;
	v42 =	vadd.f32 v59, v58;
	v43 =	vadd.f32 v55, v57  }
0x591: {  	v49 =	vmul.f32 v50, v44;
	v33 =	vadd.f32 v38, v23;
	v54 =	vadd.f32 v52, v30  }
0x592: {  	v35 =	vmul.f32 v35, v34;
	v3 =	vmul.f32 v3, v34;
	v1 =	vadd.f32 v43, v42  }
0x593: {  	v33 =	vmul.f32 v33, v34;
	v2 =	vmul.f32 v54, v34;
	v53, _, _ =	vpop (xrf2)  }
0x594: {  	v35 =	vadd.f32 v35, v21;
	v3 =	vadd.f32 v3, v28;
	v36 =	vpop (erf);
	v50 =	vperm.xlane v53, v5;
	(xrf2) =	vadd.scan.msk.f32 $0xffff, v1  }
0x595: {  	v0 =	vperm.xlane v32, v18;
	v39 =	vmul.f32 v63, v45;
	v42 =	vadd.f32 v33, v25;
	v54 =	vpop (erf)  }
0x596: {  	v2 =	vadd.f32 v2, v31;
	v43 =	vmul.f32 $1.442695020e+00, v35;
	v3 =	vmul.f32 $1.442695020e+00, v3;
	v53 =	vpop (erf)  }
0x597: {  	v1 =	vmul.f32 $1.442695020e+00, v42;
	(erf) = vrcp.f32 v50;
	v52 =	vpop (erf)  }
0x598: {  	v48 =	vmul.f32 $1.442695020e+00, v2;
	(erf) = vpow2.f32 v43;
	v50 =	vpop (erf)  }
0x599: {  	v33 =	vadd.f32 v53, v54;
	v43 =	vld [tilespmem:$0x1F7A0];
	(erf) = vpow2.f32 v1;
	v35 =	vadd.f32 v50, v52  }
0x59a: {  	(erf) = vpow2.f32 v3;
	v3 =	vmul.f32 v0, v22  }
0x59b: {  	(erf) = vpow2.f32 v48;
	v2 =	vadd.f32 v35, v33;
	v33 =	vmul.f32 v0, v24  }
0x59c: {  	v38 =	vmul.f32 v46, v45;
	v34 =	vmul.f32 v0, v26;
	v48 =	vld [tilespmem:$0x1F7B0];
	v3 =	vadd.f32 v3, v20  }
0x59d: {  	v42 =	vmul.f32 v51, v45;
	v45 =	vmul.f32 v0, v29;
	(xrf2) =	vadd.scan.msk.f32 $0xffff, v2;
	v2 =	vadd.f32 v33, v23  }
0x59e: {  	v46 =	vadd.f32 v34, v27;
	v37 =	vmul.f32 v43, v44;
	v3 =	vmul.f32 v3, v0;
	v35, _, _ =	vpop (xrf2)  }
0x59f: {  	v2 =	vmul.f32 v2, v0;
	v43 =	vperm.xlane v35, v5  }
0x5a0: {  	v46 =	vmul.f32 v46, v0;
	v45 =	vadd.f32 v45, v30;
	v51 =	vpop (erf);
	v3 =	vadd.f32 v3, v21  }
0x5a1: {  	v47 =	vmul.f32 v47, v44;
	v44 =	vmul.f32 v48, v44;
	v63 =	vpop (erf);
	v33 =	vadd.f32 v2, v25  }
0x5a2: {  	v0 =	vmul.f32 v45, v0;
	v45 =	vadd.f32 v46, v28;
	v35 =	vld [tilespmem:$0x1F7C0];
	v48 =	vpop (erf);
	v3 =	vmul.f32 $1.442695020e+00, v3  }
0x5a3: {  	(erf) = vrcp.f32 v43;
	v33 =	vmul.f32 $1.442695020e+00, v33;
	v43 =	vpop (erf)  }
0x5a4: {  	v45 =	vmul.f32 $1.442695020e+00, v45;
	(erf) = vpow2.f32 v3;
	v46 =	vpop (erf)  }
0x5a5: {  	v34 =	vadd.f32 v48, v63;
	(erf) = vpow2.f32 v33;
	v3 =	vadd.f32 v46, v43  }
0x5a6: {  	s21 =	sadd.s32 $0x800, s21;
	(erf) = vpow2.f32 v45;
	v45 =	vld [tilespmem:$0x1F7E0]  }
0x5a7: {  	[tilespmem:s21+$0xFFFFFC00] =	vst v35;
	v35 =	vadd.f32 v3, v34;
	v3 =	vld [tilespmem:$0x1F7D0];
	_ =	sdelay $0x2  }
0x5a8: {  	v1 =	vperm.xlane v32, v19;
	v2 =	vadd.f32 v0, v31  }
0x5a9: {  	[tilespmem:s21+$0xFFFFFC20] =	vst v45  }
0x5aa: {  	v45 =	vmul.f32 v1, v26;
	[tilespmem:s21+$0xFFFFFC10] =	vst v3;
	v3 =	vmul.f32 $1.442695020e+00, v2;
	_ =	sdelay $0x1  }
0x5ab: {  	(erf) = vpow2.f32 v3;
	v3 =	vadd.f32 v45, v27;
	v45 =	vld [tilespmem:$0x1F800];
	_ =	sdelay $0x4  }
0x5ac: {  	[tilespmem:s21+$0xFFFFFC80] =	vst v45;
	v45 =	vld [tilespmem:$0x1F810];
	_ =	sdelay $0x1  }
0x5ad: {  	v0 =	vmul.f32 v1, v22;
	_ =	sdelay $0x1  }
0x5ae: {  	v2 =	vadd.f32 v0, v20;
	v0 =	vld [tilespmem:$0x1F7F0]  }
0x5af: {  	[tilespmem:s21+$0xFFFFFC90] =	vst v45;
	v45 =	vld [tilespmem:$0x1F820];
	_ =	sdelay $0x3  }
0x5b0: {  	v33 =	vmul.f32 v1, v24;
	[tilespmem:s21+$0xFFFFFC30] =	vst v0  }
0x5b1: {  	v2 =	vmul.f32 v2, v1;
	v0 =	vmul.f32 v1, v29;
	[tilespmem:s21+$0xFFFFFCA0] =	vst v45;
	v45 =	vld [tilespmem:$0x1F840]  }
0x5b2: {  	v33 =	vadd.f32 v33, v23;
	v34, _, _ =	vpop (xrf2)  }
0x5b3: {  	v34 =	vperm.xlane v34, v5;
	v2 =	vadd.f32 v2, v21;
	v0 =	vadd.f32 v0, v30  }
0x5b4: {  	v33 =	vmul.f32 v33, v1;
	v3 =	vmul.f32 v3, v1  }
0x5b5: {  	v0 =	vmul.f32 v0, v1;
	v1 =	vmul.f32 $1.442695020e+00, v2  }
0x5b6: {  	(erf) = vrcp.f32 v34;
	[tilespmem:s21+$0xFFFFFD00] =	vst v45;
	v45 =	vld [tilespmem:$0x1F860]  }
0x5b7: {  	v32 =	vperm.xlane v32, v5;
	(erf) = vpow2.f32 v1;
	v1 =	vadd.f32 v3, v28;
	v3 =	vld [tilespmem:$0x1F850]  }
0x5b8: {  	(xrf2) =	vadd.scan.msk.f32 $0xffff, v35  }
0x5b9: {  	v33 =	vadd.f32 v33, v25;
	v2 =	vmul.f32 v32, v22;
	_ =	sdelay $0x1  }
0x5ba: {  	v33 =	vmul.f32 $1.442695020e+00, v33;
	v2 =	vadd.f32 v2, v20;
	[tilespmem:s21+$0xFFFFFD20] =	vst v45;
	v45 =	vld [tilespmem:$0x1F870]  }
0x5bb: {  	v1 =	vmul.f32 $1.442695020e+00, v1;
	[tilespmem:s21+$0xFFFFFD10] =	vst v3;
	v3 =	vmul.f32 v32, v24  }
0x5bc: {  	[tilespmem:s21+$0xFFFFFD90] =	vst v47;
	(erf) = vpow2.f32 v33;
	v2 =	vmul.f32 v2, v32  }
0x5bd: {  	[tilespmem:s21+$0xFFFFFE10] =	vst v38;
	(erf) = vpow2.f32 v1;
	v1 =	vmul.f32 v32, v29;
	v3 =	vadd.f32 v3, v23  }
0x5be: {  	v38 =	vld [tilespmem:$0x1F890];
	[tilespmem:s21+$0xFFFFFE30] =	vst v42;
	v0 =	vadd.f32 v0, v31;
	v2 =	vadd.f32 v2, v21  }
0x5bf: {  	v42 =	vld [tilespmem:$0x1F8B0];
	v1 =	vadd.f32 v1, v30;
	v3 =	vmul.f32 v3, v32;
	[tilespmem:s21+$0xFFFFFD30] =	vst v45;
	v45 =	vmul.f32 v32, v26  }
0x5c0: {  	[tilespmem:s21+$0xFFFFFDA0] =	vst v37;
	v37 =	vld [tilespmem:$0x1F880];
	v0 =	vmul.f32 $1.442695020e+00, v0;
	v2 =	vmul.f32 $1.442695020e+00, v2  }
0x5c1: {  	[tilespmem:s21+$0xFFFFFD80] =	vst v49;
	v35 =	vld [tilespmem:$0x1F830];
	v49, _, _ =	vpop (xrf2);
	v47 =	vmul.f32 v1, v32;
	v3 =	vadd.f32 v3, v25;
	v33 =	vadd.f32 v45, v27  }
0x5c2: {  	[tilespmem:s21+$0xFFFFFE00] =	vst v39;
	v39 =	vld [tilespmem:$0x1F8A0];
	(erf) = vpow2.f32 v0;
	v45 =	vperm.xlane v49, v5  }
0x5c3: {  	v0 =	vadd.f32 v47, v31;
	v47 =	vld [tilespmem:$0x1F8E0];
	v3 =	vmul.f32 $1.442695020e+00, v3;
	v33 =	vmul.f32 v33, v32  }
0x5c4: {  	[tilespmem:s21+$0xFFFFFDB0] =	vst v44;
	v44 =	vld [tilespmem:$0x1F8C0];
	v34 =	vmul.f32 v38, v61;
	v1 =	vpop (erf);
	(erf) = vrcp.f32 v45  }
0x5c5: {  	[tilespmem:s21+$0xFFFFFE20] =	vst v56;
	v45 =	vld [tilespmem:$0x1F8D0];
	(erf) = vpow2.f32 v2;
	v2 =	vpop (erf);
	v49 =	vadd.f32 v33, v28;
	v33 =	vmul.f32 v37, v61  }
0x5c6: {  	[tilespmem:s21+$0xFFFFFCB0] =	vst v35;
	v35 =	vpop (erf);
	(erf) = vpow2.f32 v3;
	v37 =	vmul.f32 v42, v61  }
0x5c7: {  	v3 =	vpop (erf);
	v32 =	vmul.f32 $1.442695020e+00, v49;
	[tilespmem:s21+$0xFFFFFE80] =	vst v33;
	v33 =	vmul.f32 v39, v61;
	v61 =	vld [tilespmem:$0x1F8F0]  }
0x5c8: {  	[tilespmem:s21+$0xFFFFFE90] =	vst v34;
	v0 =	vmul.f32 $1.442695020e+00, v0;
	v38 =	vmul.f32 v47, v41;
	v34 =	vpop (erf);
	v49 =	vadd.f32 v35, v2  }
0x5c9: {  	v47 =	vld [tilespmem:$0x1F910];
	[tilespmem:s21+$0xFFFFFEB0] =	vst v37;
	v56 =	vadd.f32 v34, v3;
	(erf) = vpow2.f32 v32;
	v32 =	vmul.f32 v44, v41  }
0x5ca: {  	v37 =	vmul.f32 v45, v41;
	v45 =	vld [tilespmem:$0x1F900];
	[tilespmem:s21+$0xFFFFFEA0] =	vst v33  }
0x5cb: {  	v33 =	vpop (erf);
	[tilespmem:s21+$0xFFFFFF00] =	vst v32;
	v32 =	vadd.f32 v56, v49;
	v49 =	vld [tilespmem:$0x1F920]  }
0x5cc: {  	(erf) = vpow2.f32 v0;
	v0 =	vpop (erf);
	v41 =	vmul.f32 v61, v41;
	v61 =	vld [tilespmem:$0x1F930]  }
0x5cd: {  	v42 =	vpop (erf)  }
0x5ce: {  	[tilespmem:s21+$0xFFFFFF10] =	vst v37;
	v37 =	vpop (erf)  }
0x5cf: {  	[tilespmem:s21+$0xFFFFFF30] =	vst v41;
	v41 =	vmul.f32 v47, v40;
	v39 =	vpop (erf)  }
0x5d0: {  	(xrf2) =	vadd.scan.msk.f32 $0xffff, v32;
	v32 =	vadd.f32 v42, v0;
	v44 =	vmul.f32 v49, v40;
	v56 =	vadd.f32 v39, v37;
	v49 =	vld [tilespmem:$0x1F940]  }
0x5d1: {  	[tilespmem:s21+$0xFFFFFF20] =	vst v38;
	v38 =	vmul.f32 v45, v40;
	v40 =	vmul.f32 v61, v40;
	v61 =	vld [tilespmem:$0x1F960]  }
0x5d2: {  	v45 =	vpop (erf);
	v32 =	vadd.f32 v56, v32;
	v56 =	vld [tilespmem:$0x1F950]  }
0x5d3: {  	[tilespmem:s21+$0xFFFFFF80] =	vst v38;
	v47 =	vpop (erf)  }
0x5d4: {  	[tilespmem:s21+$0xFFFFFF90] =	vst v41;
	v41 =	vpop (erf)  }
0x5d5: {  	v38 =	vpop (erf);
	[tilespmem:s21+$0xFFFFFFB0] =	vst v40;
	v40 =	vmul.f32 v49, v36  }
0x5d6: {  	[tilespmem:s21+$0xFFFFFFA0] =	vst v44;
	v44 =	vpop (erf);
	(xrf2) =	vadd.scan.msk.f32 $0xffff, v32;
	v32 =	vadd.f32 v41, v47  }
0x5d7: {  	v49 =	vmul.f32 v56, v36;
	v56 =	vadd.f32 v44, v38;
	[tilespmem:s21+$0x0] =	vst v40;
	v40 =	vmul.f32 v61, v36;
	v61 =	vld [tilespmem:$0x1F970]  }
0x5d8: {  	v60 =	vmul.f32 v60, v51  }
0x5d9: {  	v62 =	vmul.f32 v62, v51;
	v32 =	vadd.f32 v56, v32;
	v56 =	vld [tilespmem:$0x1F980]  }
0x5da: {  	[tilespmem:s21+$0xB0] =	vst v60;
	v60 =	vmul.f32 v54, v33  }
0x5db: {  	[tilespmem:s21+$0xA0] =	vst v62  }
0x5dc: {  	[tilespmem:s21+$0x180] =	vst v60;
	(xrf2) =	vadd.scan.msk.f32 $0xffff, v32;
	v36 =	vmul.f32 v61, v36;
	v61 =	vld [tilespmem:$0x1F990]  }
0x5dd: {  	v54 =	vmul.f32 v46, v45;
	[tilespmem:s21+$0x10] =	vst v49  }
0x5de: {  	[tilespmem:s21+$0x20] =	vst v40;
	v49 =	vmul.f32 v50, v33;
	v40 =	vmul.f32 v56, v51;
	v56, _, _ =	vpop (xrf2)  }
0x5df: {  	[tilespmem:s21+$0x230] =	vst v54;
	v62 =	vperm.xlane v56, v5  }
0x5e0: {  	[tilespmem:s21+$0x1B0] =	vst v49  }
0x5e1: {  	[tilespmem:s21+$0x30] =	vst v36;
	v32 =	vmul.f32 v61, v51;
	(erf) = vrcp.f32 v62  }
0x5e2: {  	v56 =	vmul.f32 v59, v1;
	v59, _, _ =	vpop (xrf2);
	[tilespmem:s21+$0x80] =	vst v40  }
0x5e3: {  	v61 =	vmul.f32 v58, v1;
	[tilespmem:s21+$0x90] =	vst v32;
	v32 =	vperm.xlane v59, v5  }
0x5e4: {  	v58 =	vmul.f32 v57, v1;
	[tilespmem:s21+$0x110] =	vst v56  }
0x5e5: {  	v1 =	vmul.f32 v55, v1;
	[tilespmem:s21+$0x100] =	vst v61;
	(erf) = vrcp.f32 v32  }
0x5e6: {  	v62 =	vmul.f32 v52, v33;
	[tilespmem:s21+$0x120] =	vst v58;
	v50, _, _ =	vpop (xrf2)  }
0x5e7: {  	v51 =	vmul.f32 v63, v45;
	[tilespmem:s21+$0x130] =	vst v1;
	v1 =	vperm.xlane v50, v5  }
0x5e8: {  	v52 =	vmul.f32 v48, v45;
	[tilespmem:s21+$0x1A0] =	vst v62  }
0x5e9: {  	v61 =	vmul.f32 v53, v33;
	[tilespmem:s21+$0x200] =	vst v51;
	(erf) = vrcp.f32 v1  }
0x5ea: {  	v53 =	vmul.f32 v43, v45;
	[tilespmem:s21+$0x210] =	vst v52;
	v55 =	vpop (erf)  }
0x5eb: {  	[tilespmem:s21+$0x190] =	vst v61;
	v2 =	vmul.f32 v2, v55  }
0x5ec: {  	[tilespmem:s21+$0x220] =	vst v53;
	v56 =	vmul.f32 v35, v55  }
0x5ed: {  	v3 =	vmul.f32 v3, v55;
	[tilespmem:s21+$0x280] =	vst v2  }
0x5ee: {  	v57 =	vmul.f32 v34, v55;
	[tilespmem:s21+$0x290] =	vst v56;
	v58 =	vpop (erf)  }
0x5ef: {  	[tilespmem:s21+$0x2A0] =	vst v3;
	v0 =	vmul.f32 v0, v58  }
0x5f0: {  	[tilespmem:s21+$0x2B0] =	vst v57;
	v59 =	vmul.f32 v42, v58  }
0x5f1: {  	v3 =	vmul.f32 v37, v58;
	[tilespmem:s21+$0x300] =	vst v0  }
0x5f2: {  	v60 =	vmul.f32 v39, v58;
	[tilespmem:s21+$0x310] =	vst v59;
	v61 =	vpop (erf)  }
0x5f3: {  	s19 =	sadd.s32 $0x1, s19;
	[tilespmem:s21+$0x320] =	vst v3;
	v62 =	vmul.f32 v47, v61  }
0x5f4: {  	p0 =	sne.s32 s19, $0x4;
	[tilespmem:s21+$0x330] =	vst v60;
	v63 =	vmul.f32 v41, v61  }
.Ltmp2:
0x5f5: {  	v3 =	vmul.f32 v38, v61;
	[tilespmem:s21+$0x380] =	vst v62;
	(pc) =	sbr.rel @p0 .LBB2_2-.Ltmp2, $4  }
0x5f6: {  	s20 =	sadd.s32 s5, s20;
	v1 =	vmul.f32 v44, v61;
	[tilespmem:s21+$0x390] =	vst v63  }
0x5f7: {  	s20 =	sshll.u32 s20, $0x4;
	[tilespmem:s21+$0x3A0] =	vst v3  }
0x5f8: {  	s20 =	sadd.s32 s7, s20;
	[tilespmem:s21+$0x3B0] =	vst v1  }
0x5f9: {  	[hbm4b:s20+s3] =	stream.linear.scatter [tilespmem:s15], [sflag:$0x2], $0x8000, $0x38;
	[tilespmem:$0x10980] =	vst v63  }
0x5fa: {  	s18 =	sadd.s32 $0x1, s18  }
0x5fb: {  	_ =	swait.ge [sflag:s16], $0x8000;
	p0 =	sne.s32 s18, s9  }
.Ltmp3:
0x5fc: {  	[sflag:s16] =	ssyncset.done $0x0;
	(pc) =	sbr.rel @p0 .LBB2_1-.Ltmp3, $4  }
0x5fd: {  	[sflag:s16] =	ssyncadd.s32 $0xFFFF8000  }
0x5fe: {  	_ =	swait.ge [sflag:s17], $0x8000  }
0x5ff: {  	[sflag:s17] =	ssyncset.done $0x0  }
0x600: {  	[sflag:s17] =	ssyncadd.s32 $0xFFFF8000  }
0x601: {  	_ =	sfence.sel $0x180000  }
0x602: {  	[bflag:$0x0] =	sbarrier.arrive $0xFFFF  }
0x603: {  	p0 =	sne.s32 s4, $0x0;
	_ =	strace $0x90000047  }
0x604: {  	s0 =	sadd.s32 @!p0 $0x100000, s2;
	[bflag:$0x2] =	sbarrier.arrive $0xFFFF  }
0x605: {  	[sflag:s0] =	ssyncadd.tile.s32 @!p0 $0x1;
	_ =	shalt  }
.Lfunc_end2:
_tile_overlayer_lowered:
.L_overlay_start_2:
0x606: {  	(tag) =	ssettag $0x2  }
0x607: {  	s0 =	rddreg [dreg:$0x0];
	s2 =	stileid.u32  }
0x608: {  	s1 =	rddreg [dreg:$0x1];
	p0 =	sne.s32 s2, $0x0  }
0x609: {  	s3 =	rddreg [dreg:$0x2];
	[bflag:$0x3] =	sbarrier.arrive $0xFFFF;
	s2 =	simm.s32 @!p0 $0x1C03  }
0x60a: {  	[timem:s3], [sflag:s2] =	dma.local @!p0 [hbm:s0], s1  }
0x60b: {  	s0 =	simm.s32 @!p0 $0x3  }
0x60c: {  	_ =	swait.ge @!p0 [sflag:s0], s1  }
0x60d: {  	s1 =	ssub.s32 @!p0 $0x0, s1;
	[sflag:s0] =	ssyncset.done @!p0 $0x0  }
0x60e: {  	[sflag:s0] =	ssyncadd.s32 @!p0 s1  }
0x60f: {  	[bflag:$0x3] =	sbarrier.arrive $0xFFFF  }
0x610: {  	_ =	shalt  }

</sc_bundles>
